<compile_context>
chip_gen: v7x
topology: tpu7x:2x2x1
jax: 0.10.2.dev20260603
libtpu: 0.0.44.dev20260713+nightly
codegen_flags: <defaults>
</compile_context>

<pallas_src>
import functools

import numpy as np

import jax
import jax.numpy as jnp
from jax import lax
from jax.experimental import pallas as pl
from jax.experimental.pallas import tpu as pltpu
from jax.experimental.pallas import tpu_sc as plsc

EPS = 1e-15
BOHR2 = 0.529177 * 0.529177
KE_KCAL = 332.0637
R_ON = 1.25
R_OFF = 3.75
INV_W = 1.0 / (R_OFF - R_ON)

FEAT = 128
NMOL = 448
NMOLP = 512

NC, NS, L = 2, 16, 16
NW = NC * NS

R = 1024
CHUNK = 1024
SUB = 128
GSUB = CHUNK // SUB
GROUPS = CHUNK // L

_MOL_IDX = np.repeat(np.arange(NMOL, dtype=np.int32),
                     np.arange(NMOL, dtype=np.int32))


def _rsqrt(s):
    i = lax.bitcast_convert_type(s, jnp.int32)
    i = 0x5F3759DF - lax.shift_right_arithmetic(i, 1)
    y = lax.bitcast_convert_type(i, jnp.float32)
    for _ in range(3):
        y = y * (1.5 - 0.5 * s * y * y)
    return y


def _charge_body(nblk, n_rows, f_ref, z_ref, mol_ref, xyz_ref, tc_ref, na_ref,
                 w_ref, zt_ref, charge_ref, rec_ref, molsum_ref, corr_ref,
                 corr_hi_ref, corr_lo_ref):
    pid = pl.program_id(0)
    f = f_ref[...]
    zcol = z_ref[...].reshape(R, 1)
    onehot_z = (zcol == lax.broadcasted_iota(jnp.int32, (R, FEAT), 1)
                ).astype(jnp.bfloat16)
    charge = (jnp.sum(f * w_ref[...], axis=1, keepdims=True)
              + jax.lax.dot(onehot_z, zt_ref[...].astype(jnp.bfloat16),
                            preferred_element_type=jnp.float32))
    rowid = pid * R + lax.broadcasted_iota(jnp.int32, (R, 1), 0)
    charge = jnp.where(rowid < n_rows, charge, 0.0)
    charge_ref[...] = charge

    molcol = mol_ref[...].reshape(R, 1)
    rec_ref[...] = jnp.concatenate(
        [xyz_ref[...], charge, molcol.astype(jnp.float32),
         jnp.zeros((R, 11), jnp.float32)], axis=1)

    onehot_m = (molcol == lax.broadcasted_iota(jnp.int32, (R, NMOLP), 1)
                ).astype(jnp.bfloat16)
    part = jax.lax.dot(charge.reshape(1, R).astype(jnp.bfloat16), onehot_m,
                       preferred_element_type=jnp.float32)

    @pl.when(pid == 0)
    def _():
        molsum_ref[...] = jnp.zeros_like(molsum_ref)

    molsum_ref[...] += part

    @pl.when(pid == nblk - 1)
    def _():
        denom = jnp.maximum(na_ref[...], 1).astype(jnp.float32)
        c = (tc_ref[...] - molsum_ref[...]) / denom
        corr_ref[...] = c
        ch = c.astype(jnp.bfloat16)
        corr_hi_ref[...] = ch
        corr_lo_ref[...] = (c - ch.astype(jnp.float32)).astype(jnp.bfloat16)


def _q_body(charge_ref, mol_ref, ch_ref, cl_ref, q_ref):
    molcol = mol_ref[...].reshape(R, 1)
    onehot_m = (molcol == lax.broadcasted_iota(jnp.int32, (R, NMOLP), 1)
                ).astype(jnp.bfloat16)
    q_ref[...] = (charge_ref[...]
                  + jax.lax.dot(onehot_m, ch_ref[...].reshape(NMOLP, 1),
                                preferred_element_type=jnp.float32)
                  + jax.lax.dot(onehot_m, cl_ref[...].reshape(NMOLP, 1),
                                preferred_element_type=jnp.float32))


def _edge_body(nchunk, ii_hbm, jj_hbm, recs_hbm, corr_hbm, out_hbm,
               ixi0, ixj0, ixi1, ixj1, ixi2, ixj2, ixi3, ixj3,
               ri_a, rj_a, ri_b, rj_b, acc, corr_v,
               sem_ga, sem_gb, sx0, sx1, sx2, sx3):
    wid = lax.axis_index("s") * NC + lax.axis_index("c")
    base_e = wid * (nchunk * CHUNK)
    lane = lax.iota(jnp.int32, L)

    idx_i = [ixi0, ixi1, ixi2, ixi3]
    idx_j = [ixj0, ixj1, ixj2, ixj3]
    sem_x = [sx0, sx1, sx2, sx3]
    ri = [ri_a, ri_b]
    rj = [rj_a, rj_b]
    sem_g = [sem_ga, sem_gb]

    pltpu.sync_copy(corr_hbm.at[0], corr_v)

    zeros16 = jnp.zeros((L,), jnp.float32)

    def zero_body(m, carry):
        acc[m] = zeros16
        return carry

    lax.fori_loop(0, NMOLP, zero_body, 0)

    def fire_idx(c, s):
        e0 = base_e + c * CHUNK
        pltpu.async_copy(ii_hbm.at[pl.ds(e0, CHUNK)], idx_i[s], sem_x[s])
        pltpu.async_copy(jj_hbm.at[pl.ds(e0, CHUNK)], idx_j[s], sem_x[s])

    def wait_idx(c, s):
        e0 = base_e + c * CHUNK
        pltpu.make_async_copy(
            ii_hbm.at[pl.ds(e0, CHUNK)], idx_i[s], sem_x[s]).wait()
        pltpu.make_async_copy(
            jj_hbm.at[pl.ds(e0, CHUNK)], idx_j[s], sem_x[s]).wait()

    def fire_g(s, p):
        for k in range(GSUB):
            pltpu.async_copy(
                recs_hbm.at[idx_i[s].at[pl.ds(k * SUB, SUB)]],
                ri[p].at[pl.ds(k * SUB, SUB)], sem_g[p])
            pltpu.async_copy(
                recs_hbm.at[idx_j[s].at[pl.ds(k * SUB, SUB)]],
                rj[p].at[pl.ds(k * SUB, SUB)], sem_g[p])

    def drain_g(s, p):
        for k in range(GSUB):
            pltpu.make_async_copy(
                recs_hbm.at[idx_i[s].at[pl.ds(k * SUB, SUB)]],
                ri[p].at[pl.ds(k * SUB, SUB)], sem_g[p]).wait()
            pltpu.make_async_copy(
                recs_hbm.at[idx_j[s].at[pl.ds(k * SUB, SUB)]],
                rj[p].at[pl.ds(k * SUB, SUB)], sem_g[p]).wait()

    def compute(ri, rj):
        def group_body(g, gcarry):
            row = g * L + lane

            def col(ref, cix):
                return plsc.load_gather(ref, [row, lane * 0 + cix])

            xi = col(ri, 0); yi = col(ri, 1); zi = col(ri, 2)
            ci = col(ri, 3); mi = col(ri, 4)
            xj = col(rj, 0); yj = col(rj, 1); zj = col(rj, 2)
            cj = col(rj, 3); mj = col(rj, 4)

            seg_i = mi.astype(jnp.int32)
            seg_j = mj.astype(jnp.int32)
            qi = ci + plsc.load_gather(corr_v, [seg_i])
            qj = cj + plsc.load_gather(corr_v, [seg_j])

            dx = xi - xj
            dy = yi - yj
            dz = zi - zj
            s = dx * dx + dy * dy + dz * dz + EPS
            t = _rsqrt(s)
            r = s * t
            u = _rsqrt(s + BOHR2)

            x = (r - R_ON) * INV_W
            y = 1.0 - x
            mask = (x > 0.0) & (y > 0.0)
            denom = jnp.where(mask, x * y, 1.0)
            earg = (x - y) / denom
            small = mask & (earg < 34.0)
            safe = jnp.where(small, earg, 0.0)
            mid = jnp.where(earg >= 34.0, 0.0, 1.0 / (1.0 + jnp.exp(safe)))
            fs = jnp.where(mask, mid,
                           jnp.where((x <= 0.0) & (y > 0.0), 1.0, 0.0))

            pw = KE_KCAL * (qi * qj) * (fs * u + (1.0 - fs) * t)
            plsc.addupdate_scatter(acc, [seg_i, lane], pw)
            return gcarry

        lax.fori_loop(0, GROUPS, group_body, 0)

    fire_idx(0, 0)
    wait_idx(0, 0)
    fire_g(0, 0)
    fire_idx(1, 1)
    fire_idx(2, 2)

    def quad_body(c4, carry):
        c0 = 4 * c4
        for u in range(4):
            c = c0 + u
            s1 = (u + 1) % 4
            s3 = (u + 3) % 4

            @pl.when(c + 1 < nchunk)
            def _():
                wait_idx(c + 1, s1)
                fire_g(s1, (u + 1) % 2)

            @pl.when(c + 3 < nchunk)
            def _():
                fire_idx(c + 3, s3)

            drain_g(u % 4, u % 2)
            compute(ri[u % 2], rj[u % 2])
        return carry

    lax.fori_loop(0, nchunk // 4, quad_body, 0)
    pltpu.sync_copy(acc, out_hbm.at[wid])


def _combine_body(p_ref, out_ref):
    out_ref[...] = jnp.sum(p_ref[...], axis=(0, 2)).reshape(1, NMOLP)


def kernel(f, z, xyz, total_charge, num_atoms, mol_nbrs, W, z_table):
    n = f.shape[0]
    e = mol_nbrs.shape[0]
    npad = ((n + 1 + R - 1) // R) * R
    nblk = npad // R
    per_tile = (e + NW * 4 * CHUNK - 1) // (NW * 4 * CHUNK) * 4 * CHUNK
    epad = per_tile * NW
    nchunk = per_tile // CHUNK

    mol_p = jnp.asarray(np.concatenate(
        [_MOL_IDX[:n], np.full(npad - n, NMOL, np.int32)]).reshape(nblk, 1, R))
    z_p = jnp.pad(z, (0, npad - n)).reshape(nblk, 1, R)
    xyz_p = jnp.pad(xyz, ((0, npad - n), (0, 0)))
    zt_p = jnp.zeros((FEAT, 1), jnp.float32).at[:z_table.shape[0]].set(z_table)
    tc2 = jnp.pad(total_charge, (0, NMOLP - NMOL)).reshape(1, NMOLP)
    na2 = jnp.pad(num_atoms, (0, NMOLP - NMOL),
                  constant_values=1).reshape(1, NMOLP)

    grid_a = pl.pallas_call(
        functools.partial(_charge_body, nblk, n),
        grid=(nblk,),
        in_specs=[
            pl.BlockSpec((R, FEAT), lambda i: (i, 0)),
            pl.BlockSpec((1, 1, R), lambda i: (i, 0, 0)),
            pl.BlockSpec((1, 1, R), lambda i: (i, 0, 0)),
            pl.BlockSpec((R, 3), lambda i: (i, 0)),
            pl.BlockSpec((1, NMOLP), lambda i: (0, 0)),
            pl.BlockSpec((1, NMOLP), lambda i: (0, 0)),
            pl.BlockSpec((1, FEAT), lambda i: (0, 0)),
            pl.BlockSpec((FEAT, 1), lambda i: (0, 0)),
        ],
        out_specs=[
            pl.BlockSpec((R, 1), lambda i: (i, 0)),
            pl.BlockSpec((R, 16), lambda i: (i, 0)),
            pl.BlockSpec((1, NMOLP), lambda i: (0, 0)),
            pl.BlockSpec((1, NMOLP), lambda i: (0, 0)),
            pl.BlockSpec((1, NMOLP), lambda i: (0, 0)),
            pl.BlockSpec((1, NMOLP), lambda i: (0, 0)),
        ],
        out_shape=[
            jax.ShapeDtypeStruct((npad, 1), jnp.float32),
            jax.ShapeDtypeStruct((npad, 16), jnp.float32),
            jax.ShapeDtypeStruct((1, NMOLP), jnp.float32),
            jax.ShapeDtypeStruct((1, NMOLP), jnp.float32),
            jax.ShapeDtypeStruct((1, NMOLP), jnp.bfloat16),
            jax.ShapeDtypeStruct((1, NMOLP), jnp.bfloat16),
        ],
    )
    charge, recs, _, corr, corr_hi, corr_lo = grid_a(
        f, z_p, mol_p, xyz_p, tc2, na2, W, zt_p)

    grid_b = pl.pallas_call(
        _q_body,
        grid=(nblk,),
        in_specs=[
            pl.BlockSpec((R, 1), lambda i: (i, 0)),
            pl.BlockSpec((1, 1, R), lambda i: (i, 0, 0)),
            pl.BlockSpec((1, NMOLP), lambda i: (0, 0)),
            pl.BlockSpec((1, NMOLP), lambda i: (0, 0)),
        ],
        out_specs=pl.BlockSpec((R, 1), lambda i: (i, 0)),
        out_shape=jax.ShapeDtypeStruct((npad, 1), jnp.float32),
    )
    q_pad = grid_b(charge, mol_p, corr_hi, corr_lo)

    pad_idx = n + (jnp.arange(epad - e, dtype=jnp.int32) % (npad - n))
    ii = jnp.concatenate([mol_nbrs[:, 0], pad_idx])
    jj = jnp.concatenate([mol_nbrs[:, 1], pad_idx])

    mesh = plsc.VectorSubcoreMesh(core_axis_name="c", subcore_axis_name="s")
    edge_call = functools.partial(
        pl.kernel,
        out_type=jax.ShapeDtypeStruct((NW, NMOLP, L), jnp.float32),
        mesh=mesh,
        scratch_types=(
            [pltpu.VMEM((CHUNK,), jnp.int32)] * 8
            + [pltpu.VMEM((CHUNK, 16), jnp.float32)] * 4
            + [pltpu.VMEM((NMOLP, L), jnp.float32),
               pltpu.VMEM((NMOLP,), jnp.float32)]
            + [pltpu.SemaphoreType.DMA] * 6
        ),
        compiler_params=pltpu.CompilerParams(needs_layout_passes=False,
                                             use_tc_tiling_on_sc=False),
    )(functools.partial(_edge_body, nchunk))
    partials = edge_call(ii, jj, recs, corr)

    combine = pl.pallas_call(
        _combine_body,
        in_specs=[pl.BlockSpec((NW, NMOLP, L), lambda: (0, 0, 0))],
        out_specs=pl.BlockSpec((1, NMOLP), lambda: (0, 0)),
        out_shape=jax.ShapeDtypeStruct((1, NMOLP), jnp.float32),
    )
    energy = combine(partials).reshape(NMOLP, 1)[:NMOL]
    return (energy, q_pad[:n])

# --- scband reference (transcript-rebuilt; emitter-appended) ---
"""Pipeline reference for scband-electrostatics-13005160972686 (READ-ONLY COPY).

The authoritative reference and input builder live on the scoring server;
editing this copy changes nothing except your own understanding.
"""

import jax, jax.numpy as jnp
import numpy as np

EPS = 1e-15
BOHR_RADIUS = 0.529177
KE_KCAL = 332.0637
R_CUT = 5.0
R_ON = R_CUT / 4
R_OFF = 3 * R_CUT / 4
B = 448
MAX_Z = 86
FEAT = 128
DEG = 32


def f_switch(r):
    arg = (r - R_ON) / (R_OFF - R_ON)
    x = arg
    y = 1.0 - arg
    mask = (x > 0) & (y > 0)
    denom = jnp.where(mask, x * y, 1.0)
    exp_arg = (x - y) / denom
    small = mask & (exp_arg < 34.0)
    safe = jnp.where(small, exp_arg, 0.0)
    mid = jnp.where(exp_arg >= 34.0, 0.0, 1.0 / (1.0 + jnp.exp(safe)))
    out = jnp.where(mask, mid, jnp.where((x <= 0) & (y > 0), 1.0, 0.0))
    return out


def setup_inputs(seed: int = 0):
    key = jax.random.key(seed)
    ks = jax.random.split(key, 8)
    num_atoms = jnp.arange(B, dtype=jnp.int32)
    N = int(B * (B - 1) // 2)  # 100128
    E = N * DEG  # 3204096
    f = jax.random.normal(ks[0], (N, FEAT), dtype=jnp.float32)
    z = jax.random.randint(ks[1], (N,), 0, MAX_Z).astype(jnp.int32)
    xyz = jax.random.normal(ks[2], (N, 3), dtype=jnp.float32)
    total_charge = jax.random.normal(ks[3], (B,), dtype=jnp.float32)
    mol_nbrs = jax.random.randint(ks[4], (E, 2), 0, N).astype(jnp.int32)
    W = jax.random.normal(ks[5], (1, FEAT), dtype=jnp.float32) * 0.05
    z_table = (jax.random.normal(ks[6], (MAX_Z, 1), dtype=jnp.float32) * 0.05).at[0].set(0.0)  # padding_idx=0
    return {"f": f, "z": z, "xyz": xyz, "total_charge": total_charge,
            "num_atoms": num_atoms, "mol_nbrs": mol_nbrs, "W": W, "z_table": z_table}


def reference(f, z, xyz, total_charge, num_atoms, mol_nbrs, W, z_table):
    # get_charge
    charge = f @ W.T + z_table[z]  # [N, 1]
    Bm = num_atoms.shape[0]
    mol_idx = jnp.repeat(jnp.arange(Bm), num_atoms, total_repeat_length=charge.shape[0])  # atom -> molecule
    mol_sum = jax.ops.segment_sum(charge[:, 0], mol_idx, num_segments=Bm)
    # molecule 0 has 0 atoms; its correction is never gathered, so safe denom
    denom = jnp.maximum(num_atoms, 1).astype(charge.dtype)
    correction = (total_charge - mol_sum) / denom
    q = charge + correction[mol_idx][:, None]  # [N, 1]
    # get_en
    i = mol_nbrs[:, 0]
    j = mol_nbrs[:, 1]
    diff = xyz[i] - xyz[j]
    r_ij = jnp.sqrt((diff ** 2 + EPS).sum(-1))  # stable norm, matches torch impl
    q_i = q[i, 0]
    q_j = q[j, 0]
    fs = f_switch(r_ij)
    arg_0 = fs / jnp.sqrt(r_ij ** 2 + BOHR_RADIUS ** 2)
    arg_1 = (1.0 - fs) / r_ij
    pairwise = KE_KCAL * q_i * q_j * (arg_0 + arg_1)
    nbr_to_mol = mol_idx[i]
    energy = jax.ops.segment_sum(pairwise, nbr_to_mol, num_segments=Bm).reshape(-1, 1)
    return (energy, q)

if __name__ == "__main__":
    import jax
    _d = setup_inputs()
    print(jax.jit(kernel)(*tuple(_d.values())))

</pallas_src>

<mosaic_0001>
#map = affine_map<(d0, d1) -> (0)>
#map1 = affine_map<(d0, d1) -> (0, 0)>
#map2 = affine_map<(d0, d1) -> (0, 0, 0)>
module attributes {stable_mosaic.version = 14 : i64} {
  func.func @_edge_body(%arg0: i32, %arg1: i32, %arg2: memref<3276800xi32, #tpu.memory_space<hbm>>, %arg3: memref<3276800xi32, #tpu.memory_space<hbm>>, %arg4: memref<100352x16xf32, #tpu.memory_space<hbm>>, %arg5: memref<1x512xf32, #tpu.memory_space<hbm>>, %arg6: memref<32x512x16xf32, #tpu.memory_space<hbm>>, %arg7: memref<1024xi32, #tpu.memory_space<vmem>>, %arg8: memref<1024xi32, #tpu.memory_space<vmem>>, %arg9: memref<1024xi32, #tpu.memory_space<vmem>>, %arg10: memref<1024xi32, #tpu.memory_space<vmem>>, %arg11: memref<1024xi32, #tpu.memory_space<vmem>>, %arg12: memref<1024xi32, #tpu.memory_space<vmem>>, %arg13: memref<1024xi32, #tpu.memory_space<vmem>>, %arg14: memref<1024xi32, #tpu.memory_space<vmem>>, %arg15: memref<1024x16xf32, #tpu.memory_space<vmem>>, %arg16: memref<1024x16xf32, #tpu.memory_space<vmem>>, %arg17: memref<1024x16xf32, #tpu.memory_space<vmem>>, %arg18: memref<1024x16xf32, #tpu.memory_space<vmem>>, %arg19: memref<512x16xf32, #tpu.memory_space<vmem>>, %arg20: memref<512xf32, #tpu.memory_space<vmem>>, %arg21: memref<!tpu.dma_semaphore, #tpu.memory_space<semaphore_mem>>, %arg22: memref<!tpu.dma_semaphore, #tpu.memory_space<semaphore_mem>>, %arg23: memref<!tpu.dma_semaphore, #tpu.memory_space<semaphore_mem>>, %arg24: memref<!tpu.dma_semaphore, #tpu.memory_space<semaphore_mem>>, %arg25: memref<!tpu.dma_semaphore, #tpu.memory_space<semaphore_mem>>, %arg26: memref<!tpu.dma_semaphore, #tpu.memory_space<semaphore_mem>>) attributes {dimension_semantics = [#tpu.dimension_semantics<core_parallel>, #tpu.dimension_semantics<subcore_parallel>], iteration_bounds = array<i64: 2, 16>, scalar_prefetch = 0 : i64, scratch_operands = 20 : i64, tpu.core_type = #tpu.core_type<sc_vector_subcore>, window_params = [{transform_indices = #map}, {transform_indices = #map}, {transform_indices = #map1}, {transform_indices = #map1}, {transform_indices = #map2}]} {
    %mul3A = arith.constant 2 : i32
    %mul3A_0 = arith.muli %arg1, %mul3A : i32
    %add3A = arith.addi %mul3A_0, %arg0 : i32
    %mul3A_1 = arith.constant 102400 : i32
    %mul3A_2 = arith.muli %add3A, %mul3A_1 : i32
    %iota3A = tpu.iota {dimensions = array<i32: 0>} : vector<16xi32>
    %run_scoped3A = arith.constant 0 : i32
    "tpu.region"() ({
      %run_scoped3A_165 = tpu.sem_alloc : memref<!tpu.dma_semaphore, #tpu.memory_space<semaphore_mem>>
      %dma_start3A_166 = arith.constant 0 : i32
      %dma_start3A_167 = tpu.memref_slice %arg5[%run_scoped3A, %dma_start3A_166] : memref<1x512xf32, #tpu.memory_space<hbm>> -> memref<1x512xf32, #tpu.memory_space<hbm>>
      %dma_start3A_168 = tpu.memref_squeeze %dma_start3A_167 : memref<1x512xf32, #tpu.memory_space<hbm>> -> memref<512xf32, #tpu.memory_space<hbm>>
      %dma_start3A_169 = arith.constant 0 : i32
      %dma_start3A_170 = tpu.memref_slice %arg5[%run_scoped3A, %dma_start3A_169] : memref<1x512xf32, #tpu.memory_space<hbm>> -> memref<1x512xf32, #tpu.memory_space<hbm>>
      %dma_start3A_171 = tpu.memref_squeeze %dma_start3A_170 : memref<1x512xf32, #tpu.memory_space<hbm>> -> memref<512xf32, #tpu.memory_space<hbm>>
      tpu.enqueue_dma source(%dma_start3A_171 : memref<512xf32, #tpu.memory_space<hbm>>) target(%arg20 : memref<512xf32, #tpu.memory_space<vmem>>) target_semaphore(%run_scoped3A_165 : memref<!tpu.dma_semaphore, #tpu.memory_space<semaphore_mem>>)
      %dma_wait3A_172 = arith.constant 0 : i32
      %dma_wait3A_173 = tpu.memref_slice %arg5[%run_scoped3A, %dma_wait3A_172] : memref<1x512xf32, #tpu.memory_space<hbm>> -> memref<1x512xf32, #tpu.memory_space<hbm>>
      %dma_wait3A_174 = tpu.memref_squeeze %dma_wait3A_173 : memref<1x512xf32, #tpu.memory_space<hbm>> -> memref<512xf32, #tpu.memory_space<hbm>>
      %dma_wait3A_175 = arith.constant 0 : i32
      %dma_wait3A_176 = tpu.memref_slice %arg5[%run_scoped3A, %dma_wait3A_175] : memref<1x512xf32, #tpu.memory_space<hbm>> -> memref<1x512xf32, #tpu.memory_space<hbm>>
      %dma_wait3A_177 = tpu.memref_squeeze %dma_wait3A_176 : memref<1x512xf32, #tpu.memory_space<hbm>> -> memref<512xf32, #tpu.memory_space<hbm>>
      tpu.wait_dma2 semaphore(%run_scoped3A_165 : memref<!tpu.dma_semaphore, #tpu.memory_space<semaphore_mem>>) src(%dma_wait3A_177 : memref<512xf32, #tpu.memory_space<hbm>>) dst(%arg20 : memref<512xf32, #tpu.memory_space<vmem>>)
      tpu.yield
    }) : () -> ()
    %broadcast_in_dim3A = arith.constant 0.000000e+00 : f32
    %broadcast_in_dim3A_3 = vector.broadcast %broadcast_in_dim3A : f32 to vector<16xf32>
    %scan3A = arith.constant 0 : i32
    %scan3A_4 = arith.constant 0 : i32
    %scan3A_5 = arith.constant 512 : i32
    %scan3A_6 = arith.addi %scan3A_4, %scan3A_5 : i32
    %scan3A_7 = arith.constant 1 : i32
    scf.for %scan3A_165 = %scan3A_4 to %scan3A_6 step %scan3A_7  : i32 {
      %swap3A = arith.index_cast %scan3A_165 : i32 to index
      %swap3A_166 = arith.constant 0 : index
      %swap3A_167 = tpu.vector_load %arg19[%swap3A, %swap3A_166] {strides = array<i32>} : memref<512x16xf32, #tpu.memory_space<vmem>>, vector<16xf32>,
      tpu.vector_store %arg19[%swap3A, %swap3A_166], %broadcast_in_dim3A_3 {strides = array<i32>} : memref<512x16xf32, #tpu.memory_space<vmem>>, vector<16xf32>,
    }
    %scan3A_8 = arith.constant 512 : i32
    %add3A_9 = arith.constant 0 : i32
    %add3A_10 = arith.addi %mul3A_2, %add3A_9 : i32
    %dma_start3A = tpu.memref_slice %arg2[%add3A_10] : memref<3276800xi32, #tpu.memory_space<hbm>> -> memref<1024xi32, #tpu.memory_space<hbm>>
    %dma_start3A_11 = tpu.memref_slice %arg2[%add3A_10] : memref<3276800xi32, #tpu.memory_space<hbm>> -> memref<1024xi32, #tpu.memory_space<hbm>>
    tpu.enqueue_dma source(%dma_start3A_11 : memref<1024xi32, #tpu.memory_space<hbm>>) target(%arg7 : memref<1024xi32, #tpu.memory_space<vmem>>) target_semaphore(%arg23 : memref<!tpu.dma_semaphore, #tpu.memory_space<semaphore_mem>>)
    %dma_start3A_12 = tpu.memref_slice %arg3[%add3A_10] : memref<3276800xi32, #tpu.memory_space<hbm>> -> memref<1024xi32, #tpu.memory_space<hbm>>
    %dma_start3A_13 = tpu.memref_slice %arg3[%add3A_10] : memref<3276800xi32, #tpu.memory_space<hbm>> -> memref<1024xi32, #tpu.memory_space<hbm>>
    tpu.enqueue_dma source(%dma_start3A_13 : memref<1024xi32, #tpu.memory_space<hbm>>) target(%arg8 : memref<1024xi32, #tpu.memory_space<vmem>>) target_semaphore(%arg23 : memref<!tpu.dma_semaphore, #tpu.memory_space<semaphore_mem>>)
    %add3A_14 = arith.constant 0 : i32
    %add3A_15 = arith.addi %mul3A_2, %add3A_14 : i32
    %dma_wait3A = tpu.memref_slice %arg2[%add3A_15] : memref<3276800xi32, #tpu.memory_space<hbm>> -> memref<1024xi32, #tpu.memory_space<hbm>>
    %dma_wait3A_16 = tpu.memref_slice %arg2[%add3A_15] : memref<3276800xi32, #tpu.memory_space<hbm>> -> memref<1024xi32, #tpu.memory_space<hbm>>
    tpu.wait_dma2 semaphore(%arg23 : memref<!tpu.dma_semaphore, #tpu.memory_space<semaphore_mem>>) src(%dma_wait3A_16 : memref<1024xi32, #tpu.memory_space<hbm>>) dst(%arg7 : memref<1024xi32, #tpu.memory_space<vmem>>)
    %dma_wait3A_17 = tpu.memref_slice %arg3[%add3A_15] : memref<3276800xi32, #tpu.memory_space<hbm>> -> memref<1024xi32, #tpu.memory_space<hbm>>
    %dma_wait3A_18 = tpu.memref_slice %arg3[%add3A_15] : memref<3276800xi32, #tpu.memory_space<hbm>> -> memref<1024xi32, #tpu.memory_space<hbm>>
    tpu.wait_dma2 semaphore(%arg23 : memref<!tpu.dma_semaphore, #tpu.memory_space<semaphore_mem>>) src(%dma_wait3A_18 : memref<1024xi32, #tpu.memory_space<hbm>>) dst(%arg8 : memref<1024xi32, #tpu.memory_space<vmem>>)
    %dma_start3A_19 = arith.constant 0 : i32
    %dma_start3A_20 = arith.constant 0 : i32
    %dma_start3A_21 = tpu.memref_slice %arg15[%dma_start3A_19, %dma_start3A_20] : memref<1024x16xf32, #tpu.memory_space<vmem>> -> memref<128x16xf32, #tpu.memory_space<vmem>>
    %dma_start3A_22 = arith.constant 0 : i32
    %dma_start3A_23 = tpu.memref_slice %arg7[%dma_start3A_22] : memref<1024xi32, #tpu.memory_space<vmem>> -> memref<128xi32, #tpu.memory_space<vmem>>
    %dma_start3A_24 = arith.constant 0 : i32
    %dma_start3A_25 = arith.constant 0 : i32
    %dma_start3A_26 = tpu.memref_slice %arg4[%dma_start3A_24, %dma_start3A_25] : memref<100352x16xf32, #tpu.memory_space<hbm>> -> memref<100352x16xf32, #tpu.memory_space<hbm>>
    tpu.enqueue_indirect_dma source(%dma_start3A_26 : memref<100352x16xf32, #tpu.memory_space<hbm>>) target(%dma_start3A_21 : memref<128x16xf32, #tpu.memory_space<vmem>>) offsets(%dma_start3A_23 : memref<128xi32, #tpu.memory_space<vmem>>) semaphore(%arg21 : memref<!tpu.dma_semaphore, #tpu.memory_space<semaphore_mem>>)
    %dma_start3A_27 = arith.constant 0 : i32
    %dma_start3A_28 = arith.constant 0 : i32
    %dma_start3A_29 = tpu.memref_slice %arg16[%dma_start3A_27, %dma_start3A_28] : memref<1024x16xf32, #tpu.memory_space<vmem>> -> memref<128x16xf32, #tpu.memory_space<vmem>>
    %dma_start3A_30 = arith.constant 0 : i32
    %dma_start3A_31 = tpu.memref_slice %arg8[%dma_start3A_30] : memref<1024xi32, #tpu.memory_space<vmem>> -> memref<128xi32, #tpu.memory_space<vmem>>
    %dma_start3A_32 = arith.constant 0 : i32
    %dma_start3A_33 = arith.constant 0 : i32
    %dma_start3A_34 = tpu.memref_slice %arg4[%dma_start3A_32, %dma_start3A_33] : memref<100352x16xf32, #tpu.memory_space<hbm>> -> memref<100352x16xf32, #tpu.memory_space<hbm>>
    tpu.enqueue_indirect_dma source(%dma_start3A_34 : memref<100352x16xf32, #tpu.memory_space<hbm>>) target(%dma_start3A_29 : memref<128x16xf32, #tpu.memory_space<vmem>>) offsets(%dma_start3A_31 : memref<128xi32, #tpu.memory_space<vmem>>) semaphore(%arg21 : memref<!tpu.dma_semaphore, #tpu.memory_space<semaphore_mem>>)
    %dma_start3A_35 = arith.constant 128 : i32
    %dma_start3A_36 = arith.constant 0 : i32
    %dma_start3A_37 = tpu.memref_slice %arg15[%dma_start3A_35, %dma_start3A_36] : memref<1024x16xf32, #tpu.memory_space<vmem>> -> memref<128x16xf32, #tpu.memory_space<vmem>>
    %dma_start3A_38 = arith.constant 128 : i32
    %dma_start3A_39 = tpu.memref_slice %arg7[%dma_start3A_38] : memref<1024xi32, #tpu.memory_space<vmem>> -> memref<128xi32, #tpu.memory_space<vmem>>
    %dma_start3A_40 = arith.constant 0 : i32
    %dma_start3A_41 = arith.constant 0 : i32
    %dma_start3A_42 = tpu.memref_slice %arg4[%dma_start3A_40, %dma_start3A_41] : memref<100352x16xf32, #tpu.memory_space<hbm>> -> memref<100352x16xf32, #tpu.memory_space<hbm>>
    tpu.enqueue_indirect_dma source(%dma_start3A_42 : memref<100352x16xf32, #tpu.memory_space<hbm>>) target(%dma_start3A_37 : memref<128x16xf32, #tpu.memory_space<vmem>>) offsets(%dma_start3A_39 : memref<128xi32, #tpu.memory_space<vmem>>) semaphore(%arg21 : memref<!tpu.dma_semaphore, #tpu.memory_space<semaphore_mem>>)
    %dma_start3A_43 = arith.constant 128 : i32
    %dma_start3A_44 = arith.constant 0 : i32
    %dma_start3A_45 = tpu.memref_slice %arg16[%dma_start3A_43, %dma_start3A_44] : memref<1024x16xf32, #tpu.memory_space<vmem>> -> memref<128x16xf32, #tpu.memory_space<vmem>>
    %dma_start3A_46 = arith.constant 128 : i32
    %dma_start3A_47 = tpu.memref_slice %arg8[%dma_start3A_46] : memref<1024xi32, #tpu.memory_space<vmem>> -> memref<128xi32, #tpu.memory_space<vmem>>
    %dma_start3A_48 = arith.constant 0 : i32
    %dma_start3A_49 = arith.constant 0 : i32
    %dma_start3A_50 = tpu.memref_slice %arg4[%dma_start3A_48, %dma_start3A_49] : memref<100352x16xf32, #tpu.memory_space<hbm>> -> memref<100352x16xf32, #tpu.memory_space<hbm>>
    tpu.enqueue_indirect_dma source(%dma_start3A_50 : memref<100352x16xf32, #tpu.memory_space<hbm>>) target(%dma_start3A_45 : memref<128x16xf32, #tpu.memory_space<vmem>>) offsets(%dma_start3A_47 : memref<128xi32, #tpu.memory_space<vmem>>) semaphore(%arg21 : memref<!tpu.dma_semaphore, #tpu.memory_space<semaphore_mem>>)
    %dma_start3A_51 = arith.constant 256 : i32
    %dma_start3A_52 = arith.constant 0 : i32
    %dma_start3A_53 = tpu.memref_slice %arg15[%dma_start3A_51, %dma_start3A_52] : memref<1024x16xf32, #tpu.memory_space<vmem>> -> memref<128x16xf32, #tpu.memory_space<vmem>>
    %dma_start3A_54 = arith.constant 256 : i32
    %dma_start3A_55 = tpu.memref_slice %arg7[%dma_start3A_54] : memref<1024xi32, #tpu.memory_space<vmem>> -> memref<128xi32, #tpu.memory_space<vmem>>
    %dma_start3A_56 = arith.constant 0 : i32
    %dma_start3A_57 = arith.constant 0 : i32
    %dma_start3A_58 = tpu.memref_slice %arg4[%dma_start3A_56, %dma_start3A_57] : memref<100352x16xf32, #tpu.memory_space<hbm>> -> memref<100352x16xf32, #tpu.memory_space<hbm>>
    tpu.enqueue_indirect_dma source(%dma_start3A_58 : memref<100352x16xf32, #tpu.memory_space<hbm>>) target(%dma_start3A_53 : memref<128x16xf32, #tpu.memory_space<vmem>>) offsets(%dma_start3A_55 : memref<128xi32, #tpu.memory_space<vmem>>) semaphore(%arg21 : memref<!tpu.dma_semaphore, #tpu.memory_space<semaphore_mem>>)
    %dma_start3A_59 = arith.constant 256 : i32
    %dma_start3A_60 = arith.constant 0 : i32
    %dma_start3A_61 = tpu.memref_slice %arg16[%dma_start3A_59, %dma_start3A_60] : memref<1024x16xf32, #tpu.memory_space<vmem>> -> memref<128x16xf32, #tpu.memory_space<vmem>>
    %dma_start3A_62 = arith.constant 256 : i32
    %dma_start3A_63 = tpu.memref_slice %arg8[%dma_start3A_62] : memref<1024xi32, #tpu.memory_space<vmem>> -> memref<128xi32, #tpu.memory_space<vmem>>
    %dma_start3A_64 = arith.constant 0 : i32
    %dma_start3A_65 = arith.constant 0 : i32
    %dma_start3A_66 = tpu.memref_slice %arg4[%dma_start3A_64, %dma_start3A_65] : memref<100352x16xf32, #tpu.memory_space<hbm>> -> memref<100352x16xf32, #tpu.memory_space<hbm>>
    tpu.enqueue_indirect_dma source(%dma_start3A_66 : memref<100352x16xf32, #tpu.memory_space<hbm>>) target(%dma_start3A_61 : memref<128x16xf32, #tpu.memory_space<vmem>>) offsets(%dma_start3A_63 : memref<128xi32, #tpu.memory_space<vmem>>) semaphore(%arg21 : memref<!tpu.dma_semaphore, #tpu.memory_space<semaphore_mem>>)
    %dma_start3A_67 = arith.constant 384 : i32
    %dma_start3A_68 = arith.constant 0 : i32
    %dma_start3A_69 = tpu.memref_slice %arg15[%dma_start3A_67, %dma_start3A_68] : memref<1024x16xf32, #tpu.memory_space<vmem>> -> memref<128x16xf32, #tpu.memory_space<vmem>>
    %dma_start3A_70 = arith.constant 384 : i32
    %dma_start3A_71 = tpu.memref_slice %arg7[%dma_start3A_70] : memref<1024xi32, #tpu.memory_space<vmem>> -> memref<128xi32, #tpu.memory_space<vmem>>
    %dma_start3A_72 = arith.constant 0 : i32
    %dma_start3A_73 = arith.constant 0 : i32
    %dma_start3A_74 = tpu.memref_slice %arg4[%dma_start3A_72, %dma_start3A_73] : memref<100352x16xf32, #tpu.memory_space<hbm>> -> memref<100352x16xf32, #tpu.memory_space<hbm>>
    tpu.enqueue_indirect_dma source(%dma_start3A_74 : memref<100352x16xf32, #tpu.memory_space<hbm>>) target(%dma_start3A_69 : memref<128x16xf32, #tpu.memory_space<vmem>>) offsets(%dma_start3A_71 : memref<128xi32, #tpu.memory_space<vmem>>) semaphore(%arg21 : memref<!tpu.dma_semaphore, #tpu.memory_space<semaphore_mem>>)
    %dma_start3A_75 = arith.constant 384 : i32
    %dma_start3A_76 = arith.constant 0 : i32
    %dma_start3A_77 = tpu.memref_slice %arg16[%dma_start3A_75, %dma_start3A_76] : memref<1024x16xf32, #tpu.memory_space<vmem>> -> memref<128x16xf32, #tpu.memory_space<vmem>>
    %dma_start3A_78 = arith.constant 384 : i32
    %dma_start3A_79 = tpu.memref_slice %arg8[%dma_start3A_78] : memref<1024xi32, #tpu.memory_space<vmem>> -> memref<128xi32, #tpu.memory_space<vmem>>
    %dma_start3A_80 = arith.constant 0 : i32
    %dma_start3A_81 = arith.constant 0 : i32
    %dma_start3A_82 = tpu.memref_slice %arg4[%dma_start3A_80, %dma_start3A_81] : memref<100352x16xf32, #tpu.memory_space<hbm>> -> memref<100352x16xf32, #tpu.memory_space<hbm>>
    tpu.enqueue_indirect_dma source(%dma_start3A_82 : memref<100352x16xf32, #tpu.memory_space<hbm>>) target(%dma_start3A_77 : memref<128x16xf32, #tpu.memory_space<vmem>>) offsets(%dma_start3A_79 : memref<128xi32, #tpu.memory_space<vmem>>) semaphore(%arg21 : memref<!tpu.dma_semaphore, #tpu.memory_space<semaphore_mem>>)
    %dma_start3A_83 = arith.constant 512 : i32
    %dma_start3A_84 = arith.constant 0 : i32
    %dma_start3A_85 = tpu.memref_slice %arg15[%dma_start3A_83, %dma_start3A_84] : memref<1024x16xf32, #tpu.memory_space<vmem>> -> memref<128x16xf32, #tpu.memory_space<vmem>>
    %dma_start3A_86 = arith.constant 512 : i32
    %dma_start3A_87 = tpu.memref_slice %arg7[%dma_start3A_86] : memref<1024xi32, #tpu.memory_space<vmem>> -> memref<128xi32, #tpu.memory_space<vmem>>
    %dma_start3A_88 = arith.constant 0 : i32
    %dma_start3A_89 = arith.constant 0 : i32
    %dma_start3A_90 = tpu.memref_slice %arg4[%dma_start3A_88, %dma_start3A_89] : memref<100352x16xf32, #tpu.memory_space<hbm>> -> memref<100352x16xf32, #tpu.memory_space<hbm>>
    tpu.enqueue_indirect_dma source(%dma_start3A_90 : memref<100352x16xf32, #tpu.memory_space<hbm>>) target(%dma_start3A_85 : memref<128x16xf32, #tpu.memory_space<vmem>>) offsets(%dma_start3A_87 : memref<128xi32, #tpu.memory_space<vmem>>) semaphore(%arg21 : memref<!tpu.dma_semaphore, #tpu.memory_space<semaphore_mem>>)
    %dma_start3A_91 = arith.constant 512 : i32
    %dma_start3A_92 = arith.constant 0 : i32
    %dma_start3A_93 = tpu.memref_slice %arg16[%dma_start3A_91, %dma_start3A_92] : memref<1024x16xf32, #tpu.memory_space<vmem>> -> memref<128x16xf32, #tpu.memory_space<vmem>>
    %dma_start3A_94 = arith.constant 512 : i32
    %dma_start3A_95 = tpu.memref_slice %arg8[%dma_start3A_94] : memref<1024xi32, #tpu.memory_space<vmem>> -> memref<128xi32, #tpu.memory_space<vmem>>
    %dma_start3A_96 = arith.constant 0 : i32
    %dma_start3A_97 = arith.constant 0 : i32
    %dma_start3A_98 = tpu.memref_slice %arg4[%dma_start3A_96, %dma_start3A_97] : memref<100352x16xf32, #tpu.memory_space<hbm>> -> memref<100352x16xf32, #tpu.memory_space<hbm>>
    tpu.enqueue_indirect_dma source(%dma_start3A_98 : memref<100352x16xf32, #tpu.memory_space<hbm>>) target(%dma_start3A_93 : memref<128x16xf32, #tpu.memory_space<vmem>>) offsets(%dma_start3A_95 : memref<128xi32, #tpu.memory_space<vmem>>) semaphore(%arg21 : memref<!tpu.dma_semaphore, #tpu.memory_space<semaphore_mem>>)
    %dma_start3A_99 = arith.constant 640 : i32
    %dma_start3A_100 = arith.constant 0 : i32
    %dma_start3A_101 = tpu.memref_slice %arg15[%dma_start3A_99, %dma_start3A_100] : memref<1024x16xf32, #tpu.memory_space<vmem>> -> memref<128x16xf32, #tpu.memory_space<vmem>>
    %dma_start3A_102 = arith.constant 640 : i32
    %dma_start3A_103 = tpu.memref_slice %arg7[%dma_start3A_102] : memref<1024xi32, #tpu.memory_space<vmem>> -> memref<128xi32, #tpu.memory_space<vmem>>
    %dma_start3A_104 = arith.constant 0 : i32
    %dma_start3A_105 = arith.constant 0 : i32
    %dma_start3A_106 = tpu.memref_slice %arg4[%dma_start3A_104, %dma_start3A_105] : memref<100352x16xf32, #tpu.memory_space<hbm>> -> memref<100352x16xf32, #tpu.memory_space<hbm>>
    tpu.enqueue_indirect_dma source(%dma_start3A_106 : memref<100352x16xf32, #tpu.memory_space<hbm>>) target(%dma_start3A_101 : memref<128x16xf32, #tpu.memory_space<vmem>>) offsets(%dma_start3A_103 : memref<128xi32, #tpu.memory_space<vmem>>) semaphore(%arg21 : memref<!tpu.dma_semaphore, #tpu.memory_space<semaphore_mem>>)
    %dma_start3A_107 = arith.constant 640 : i32
    %dma_start3A_108 = arith.constant 0 : i32
    %dma_start3A_109 = tpu.memref_slice %arg16[%dma_start3A_107, %dma_start3A_108] : memref<1024x16xf32, #tpu.memory_space<vmem>> -> memref<128x16xf32, #tpu.memory_space<vmem>>
    %dma_start3A_110 = arith.constant 640 : i32
    %dma_start3A_111 = tpu.memref_slice %arg8[%dma_start3A_110] : memref<1024xi32, #tpu.memory_space<vmem>> -> memref<128xi32, #tpu.memory_space<vmem>>
    %dma_start3A_112 = arith.constant 0 : i32
    %dma_start3A_113 = arith.constant 0 : i32
    %dma_start3A_114 = tpu.memref_slice %arg4[%dma_start3A_112, %dma_start3A_113] : memref<100352x16xf32, #tpu.memory_space<hbm>> -> memref<100352x16xf32, #tpu.memory_space<hbm>>
    tpu.enqueue_indirect_dma source(%dma_start3A_114 : memref<100352x16xf32, #tpu.memory_space<hbm>>) target(%dma_start3A_109 : memref<128x16xf32, #tpu.memory_space<vmem>>) offsets(%dma_start3A_111 : memref<128xi32, #tpu.memory_space<vmem>>) semaphore(%arg21 : memref<!tpu.dma_semaphore, #tpu.memory_space<semaphore_mem>>)
    %dma_start3A_115 = arith.constant 768 : i32
    %dma_start3A_116 = arith.constant 0 : i32
    %dma_start3A_117 = tpu.memref_slice %arg15[%dma_start3A_115, %dma_start3A_116] : memref<1024x16xf32, #tpu.memory_space<vmem>> -> memref<128x16xf32, #tpu.memory_space<vmem>>
    %dma_start3A_118 = arith.constant 768 : i32
    %dma_start3A_119 = tpu.memref_slice %arg7[%dma_start3A_118] : memref<1024xi32, #tpu.memory_space<vmem>> -> memref<128xi32, #tpu.memory_space<vmem>>
    %dma_start3A_120 = arith.constant 0 : i32
    %dma_start3A_121 = arith.constant 0 : i32
    %dma_start3A_122 = tpu.memref_slice %arg4[%dma_start3A_120, %dma_start3A_121] : memref<100352x16xf32, #tpu.memory_space<hbm>> -> memref<100352x16xf32, #tpu.memory_space<hbm>>
    tpu.enqueue_indirect_dma source(%dma_start3A_122 : memref<100352x16xf32, #tpu.memory_space<hbm>>) target(%dma_start3A_117 : memref<128x16xf32, #tpu.memory_space<vmem>>) offsets(%dma_start3A_119 : memref<128xi32, #tpu.memory_space<vmem>>) semaphore(%arg21 : memref<!tpu.dma_semaphore, #tpu.memory_space<semaphore_mem>>)
    %dma_start3A_123 = arith.constant 768 : i32
    %dma_start3A_124 = arith.constant 0 : i32
    %dma_start3A_125 = tpu.memref_slice %arg16[%dma_start3A_123, %dma_start3A_124] : memref<1024x16xf32, #tpu.memory_space<vmem>> -> memref<128x16xf32, #tpu.memory_space<vmem>>
    %dma_start3A_126 = arith.constant 768 : i32
    %dma_start3A_127 = tpu.memref_slice %arg8[%dma_start3A_126] : memref<1024xi32, #tpu.memory_space<vmem>> -> memref<128xi32, #tpu.memory_space<vmem>>
    %dma_start3A_128 = arith.constant 0 : i32
    %dma_start3A_129 = arith.constant 0 : i32
    %dma_start3A_130 = tpu.memref_slice %arg4[%dma_start3A_128, %dma_start3A_129] : memref<100352x16xf32, #tpu.memory_space<hbm>> -> memref<100352x16xf32, #tpu.memory_space<hbm>>
    tpu.enqueue_indirect_dma source(%dma_start3A_130 : memref<100352x16xf32, #tpu.memory_space<hbm>>) target(%dma_start3A_125 : memref<128x16xf32, #tpu.memory_space<vmem>>) offsets(%dma_start3A_127 : memref<128xi32, #tpu.memory_space<vmem>>) semaphore(%arg21 : memref<!tpu.dma_semaphore, #tpu.memory_space<semaphore_mem>>)
    %dma_start3A_131 = arith.constant 896 : i32
    %dma_start3A_132 = arith.constant 0 : i32
    %dma_start3A_133 = tpu.memref_slice %arg15[%dma_start3A_131, %dma_start3A_132] : memref<1024x16xf32, #tpu.memory_space<vmem>> -> memref<128x16xf32, #tpu.memory_space<vmem>>
    %dma_start3A_134 = arith.constant 896 : i32
    %dma_start3A_135 = tpu.memref_slice %arg7[%dma_start3A_134] : memref<1024xi32, #tpu.memory_space<vmem>> -> memref<128xi32, #tpu.memory_space<vmem>>
    %dma_start3A_136 = arith.constant 0 : i32
    %dma_start3A_137 = arith.constant 0 : i32
    %dma_start3A_138 = tpu.memref_slice %arg4[%dma_start3A_136, %dma_start3A_137] : memref<100352x16xf32, #tpu.memory_space<hbm>> -> memref<100352x16xf32, #tpu.memory_space<hbm>>
    tpu.enqueue_indirect_dma source(%dma_start3A_138 : memref<100352x16xf32, #tpu.memory_space<hbm>>) target(%dma_start3A_133 : memref<128x16xf32, #tpu.memory_space<vmem>>) offsets(%dma_start3A_135 : memref<128xi32, #tpu.memory_space<vmem>>) semaphore(%arg21 : memref<!tpu.dma_semaphore, #tpu.memory_space<semaphore_mem>>)
    %dma_start3A_139 = arith.constant 896 : i32
    %dma_start3A_140 = arith.constant 0 : i32
    %dma_start3A_141 = tpu.memref_slice %arg16[%dma_start3A_139, %dma_start3A_140] : memref<1024x16xf32, #tpu.memory_space<vmem>> -> memref<128x16xf32, #tpu.memory_space<vmem>>
    %dma_start3A_142 = arith.constant 896 : i32
    %dma_start3A_143 = tpu.memref_slice %arg8[%dma_start3A_142] : memref<1024xi32, #tpu.memory_space<vmem>> -> memref<128xi32, #tpu.memory_space<vmem>>
    %dma_start3A_144 = arith.constant 0 : i32
    %dma_start3A_145 = arith.constant 0 : i32
    %dma_start3A_146 = tpu.memref_slice %arg4[%dma_start3A_144, %dma_start3A_145] : memref<100352x16xf32, #tpu.memory_space<hbm>> -> memref<100352x16xf32, #tpu.memory_space<hbm>>
    tpu.enqueue_indirect_dma source(%dma_start3A_146 : memref<100352x16xf32, #tpu.memory_space<hbm>>) target(%dma_start3A_141 : memref<128x16xf32, #tpu.memory_space<vmem>>) offsets(%dma_start3A_143 : memref<128xi32, #tpu.memory_space<vmem>>) semaphore(%arg21 : memref<!tpu.dma_semaphore, #tpu.memory_space<semaphore_mem>>)
    %add3A_147 = arith.constant 1024 : i32
    %add3A_148 = arith.addi %mul3A_2, %add3A_147 : i32
    %dma_start3A_149 = tpu.memref_slice %arg2[%add3A_148] : memref<3276800xi32, #tpu.memory_space<hbm>> -> memref<1024xi32, #tpu.memory_space<hbm>>
    %dma_start3A_150 = tpu.memref_slice %arg2[%add3A_148] : memref<3276800xi32, #tpu.memory_space<hbm>> -> memref<1024xi32, #tpu.memory_space<hbm>>
    tpu.enqueue_dma source(%dma_start3A_150 : memref<1024xi32, #tpu.memory_space<hbm>>) target(%arg9 : memref<1024xi32, #tpu.memory_space<vmem>>) target_semaphore(%arg24 : memref<!tpu.dma_semaphore, #tpu.memory_space<semaphore_mem>>)
    %dma_start3A_151 = tpu.memref_slice %arg3[%add3A_148] : memref<3276800xi32, #tpu.memory_space<hbm>> -> memref<1024xi32, #tpu.memory_space<hbm>>
    %dma_start3A_152 = tpu.memref_slice %arg3[%add3A_148] : memref<3276800xi32, #tpu.memory_space<hbm>> -> memref<1024xi32, #tpu.memory_space<hbm>>
    tpu.enqueue_dma source(%dma_start3A_152 : memref<1024xi32, #tpu.memory_space<hbm>>) target(%arg10 : memref<1024xi32, #tpu.memory_space<vmem>>) target_semaphore(%arg24 : memref<!tpu.dma_semaphore, #tpu.memory_space<semaphore_mem>>)
    %add3A_153 = arith.constant 2048 : i32
    %add3A_154 = arith.addi %mul3A_2, %add3A_153 : i32
    %dma_start3A_155 = tpu.memref_slice %arg2[%add3A_154] : memref<3276800xi32, #tpu.memory_space<hbm>> -> memref<1024xi32, #tpu.memory_space<hbm>>
    %dma_start3A_156 = tpu.memref_slice %arg2[%add3A_154] : memref<3276800xi32, #tpu.memory_space<hbm>> -> memref<1024xi32, #tpu.memory_space<hbm>>
    tpu.enqueue_dma source(%dma_start3A_156 : memref<1024xi32, #tpu.memory_space<hbm>>) target(%arg11 : memref<1024xi32, #tpu.memory_space<vmem>>) target_semaphore(%arg25 : memref<!tpu.dma_semaphore, #tpu.memory_space<semaphore_mem>>)
    %dma_start3A_157 = tpu.memref_slice %arg3[%add3A_154] : memref<3276800xi32, #tpu.memory_space<hbm>> -> memref<1024xi32, #tpu.memory_space<hbm>>
    %dma_start3A_158 = tpu.memref_slice %arg3[%add3A_154] : memref<3276800xi32, #tpu.memory_space<hbm>> -> memref<1024xi32, #tpu.memory_space<hbm>>
    tpu.enqueue_dma source(%dma_start3A_158 : memref<1024xi32, #tpu.memory_space<hbm>>) target(%arg12 : memref<1024xi32, #tpu.memory_space<vmem>>) target_semaphore(%arg25 : memref<!tpu.dma_semaphore, #tpu.memory_space<semaphore_mem>>)
    %scan3A_159 = arith.constant 0 : i32
    %scan3A_160 = arith.constant 0 : i32
    %scan3A_161 = arith.constant 25 : i32
    %scan3A_162 = arith.addi %scan3A_160, %scan3A_161 : i32
    %scan3A_163 = arith.constant 1 : i32
    scf.for %scan3A_165 = %scan3A_160 to %scan3A_162 step %scan3A_163  : i32 {
      %mul3A_166 = arith.constant 4 : i32
      %mul3A_167 = arith.muli %mul3A_166, %scan3A_165 : i32
      %add3A_168 = arith.constant 0 : i32
      %add3A_169 = arith.addi %mul3A_167, %add3A_168 : i32
      %add3A_170 = arith.constant 1 : i32
      %add3A_171 = arith.addi %add3A_169, %add3A_170 : i32
      %lt3A = arith.constant 100 : i32
      %lt3A_172 = arith.cmpi slt, %add3A_171, %lt3A : i32
      %convert_element_type3A = arith.extui %lt3A_172 : i1 to i32
      %cond3A = arith.constant 0 : i32
      %cond3A_173 = arith.cmpi ne, %convert_element_type3A, %cond3A : i32
      scf.if %cond3A_173 {
        %add3A_765 = arith.constant 1 : i32
        %add3A_766 = arith.addi %add3A_169, %add3A_765 : i32
        %mul3A_767 = arith.constant 1024 : i32
        %mul3A_768 = arith.muli %add3A_766, %mul3A_767 : i32
        %add3A_769 = arith.addi %mul3A_2, %mul3A_768 : i32
        %dma_wait3A_770 = tpu.memref_slice %arg2[%add3A_769] : memref<3276800xi32, #tpu.memory_space<hbm>> -> memref<1024xi32, #tpu.memory_space<hbm>>
        %dma_wait3A_771 = tpu.memref_slice %arg2[%add3A_769] : memref<3276800xi32, #tpu.memory_space<hbm>> -> memref<1024xi32, #tpu.memory_space<hbm>>
        tpu.wait_dma2 semaphore(%arg24 : memref<!tpu.dma_semaphore, #tpu.memory_space<semaphore_mem>>) src(%dma_wait3A_771 : memref<1024xi32, #tpu.memory_space<hbm>>) dst(%arg9 : memref<1024xi32, #tpu.memory_space<vmem>>)
        %dma_wait3A_772 = tpu.memref_slice %arg3[%add3A_769] : memref<3276800xi32, #tpu.memory_space<hbm>> -> memref<1024xi32, #tpu.memory_space<hbm>>
        %dma_wait3A_773 = tpu.memref_slice %arg3[%add3A_769] : memref<3276800xi32, #tpu.memory_space<hbm>> -> memref<1024xi32, #tpu.memory_space<hbm>>
        tpu.wait_dma2 semaphore(%arg24 : memref<!tpu.dma_semaphore, #tpu.memory_space<semaphore_mem>>) src(%dma_wait3A_773 : memref<1024xi32, #tpu.memory_space<hbm>>) dst(%arg10 : memref<1024xi32, #tpu.memory_space<vmem>>)
        %dma_start3A_774 = arith.constant 0 : i32
        %dma_start3A_775 = arith.constant 0 : i32
        %dma_start3A_776 = tpu.memref_slice %arg17[%dma_start3A_774, %dma_start3A_775] : memref<1024x16xf32, #tpu.memory_space<vmem>> -> memref<128x16xf32, #tpu.memory_space<vmem>>
        %dma_start3A_777 = arith.constant 0 : i32
        %dma_start3A_778 = tpu.memref_slice %arg9[%dma_start3A_777] : memref<1024xi32, #tpu.memory_space<vmem>> -> memref<128xi32, #tpu.memory_space<vmem>>
        %dma_start3A_779 = arith.constant 0 : i32
        %dma_start3A_780 = arith.constant 0 : i32
        %dma_start3A_781 = tpu.memref_slice %arg4[%dma_start3A_779, %dma_start3A_780] : memref<100352x16xf32, #tpu.memory_space<hbm>> -> memref<100352x16xf32, #tpu.memory_space<hbm>>
        tpu.enqueue_indirect_dma source(%dma_start3A_781 : memref<100352x16xf32, #tpu.memory_space<hbm>>) target(%dma_start3A_776 : memref<128x16xf32, #tpu.memory_space<vmem>>) offsets(%dma_start3A_778 : memref<128xi32, #tpu.memory_space<vmem>>) semaphore(%arg22 : memref<!tpu.dma_semaphore, #tpu.memory_space<semaphore_mem>>)
        %dma_start3A_782 = arith.constant 0 : i32
        %dma_start3A_783 = arith.constant 0 : i32
        %dma_start3A_784 = tpu.memref_slice %arg18[%dma_start3A_782, %dma_start3A_783] : memref<1024x16xf32, #tpu.memory_space<vmem>> -> memref<128x16xf32, #tpu.memory_space<vmem>>
        %dma_start3A_785 = arith.constant 0 : i32
        %dma_start3A_786 = tpu.memref_slice %arg10[%dma_start3A_785] : memref<1024xi32, #tpu.memory_space<vmem>> -> memref<128xi32, #tpu.memory_space<vmem>>
        %dma_start3A_787 = arith.constant 0 : i32
        %dma_start3A_788 = arith.constant 0 : i32
        %dma_start3A_789 = tpu.memref_slice %arg4[%dma_start3A_787, %dma_start3A_788] : memref<100352x16xf32, #tpu.memory_space<hbm>> -> memref<100352x16xf32, #tpu.memory_space<hbm>>
        tpu.enqueue_indirect_dma source(%dma_start3A_789 : memref<100352x16xf32, #tpu.memory_space<hbm>>) target(%dma_start3A_784 : memref<128x16xf32, #tpu.memory_space<vmem>>) offsets(%dma_start3A_786 : memref<128xi32, #tpu.memory_space<vmem>>) semaphore(%arg22 : memref<!tpu.dma_semaphore, #tpu.memory_space<semaphore_mem>>)
        %dma_start3A_790 = arith.constant 128 : i32
        %dma_start3A_791 = arith.constant 0 : i32
        %dma_start3A_792 = tpu.memref_slice %arg17[%dma_start3A_790, %dma_start3A_791] : memref<1024x16xf32, #tpu.memory_space<vmem>> -> memref<128x16xf32, #tpu.memory_space<vmem>>
        %dma_start3A_793 = arith.constant 128 : i32
        %dma_start3A_794 = tpu.memref_slice %arg9[%dma_start3A_793] : memref<1024xi32, #tpu.memory_space<vmem>> -> memref<128xi32, #tpu.memory_space<vmem>>
        %dma_start3A_795 = arith.constant 0 : i32
        %dma_start3A_796 = arith.constant 0 : i32
        %dma_start3A_797 = tpu.memref_slice %arg4[%dma_start3A_795, %dma_start3A_796] : memref<100352x16xf32, #tpu.memory_space<hbm>> -> memref<100352x16xf32, #tpu.memory_space<hbm>>
        tpu.enqueue_indirect_dma source(%dma_start3A_797 : memref<100352x16xf32, #tpu.memory_space<hbm>>) target(%dma_start3A_792 : memref<128x16xf32, #tpu.memory_space<vmem>>) offsets(%dma_start3A_794 : memref<128xi32, #tpu.memory_space<vmem>>) semaphore(%arg22 : memref<!tpu.dma_semaphore, #tpu.memory_space<semaphore_mem>>)
        %dma_start3A_798 = arith.constant 128 : i32
        %dma_start3A_799 = arith.constant 0 : i32
        %dma_start3A_800 = tpu.memref_slice %arg18[%dma_start3A_798, %dma_start3A_799] : memref<1024x16xf32, #tpu.memory_space<vmem>> -> memref<128x16xf32, #tpu.memory_space<vmem>>
        %dma_start3A_801 = arith.constant 128 : i32
        %dma_start3A_802 = tpu.memref_slice %arg10[%dma_start3A_801] : memref<1024xi32, #tpu.memory_space<vmem>> -> memref<128xi32, #tpu.memory_space<vmem>>
        %dma_start3A_803 = arith.constant 0 : i32
        %dma_start3A_804 = arith.constant 0 : i32
        %dma_start3A_805 = tpu.memref_slice %arg4[%dma_start3A_803, %dma_start3A_804] : memref<100352x16xf32, #tpu.memory_space<hbm>> -> memref<100352x16xf32, #tpu.memory_space<hbm>>
        tpu.enqueue_indirect_dma source(%dma_start3A_805 : memref<100352x16xf32, #tpu.memory_space<hbm>>) target(%dma_start3A_800 : memref<128x16xf32, #tpu.memory_space<vmem>>) offsets(%dma_start3A_802 : memref<128xi32, #tpu.memory_space<vmem>>) semaphore(%arg22 : memref<!tpu.dma_semaphore, #tpu.memory_space<semaphore_mem>>)
        %dma_start3A_806 = arith.constant 256 : i32
        %dma_start3A_807 = arith.constant 0 : i32
        %dma_start3A_808 = tpu.memref_slice %arg17[%dma_start3A_806, %dma_start3A_807] : memref<1024x16xf32, #tpu.memory_space<vmem>> -> memref<128x16xf32, #tpu.memory_space<vmem>>
        %dma_start3A_809 = arith.constant 256 : i32
        %dma_start3A_810 = tpu.memref_slice %arg9[%dma_start3A_809] : memref<1024xi32, #tpu.memory_space<vmem>> -> memref<128xi32, #tpu.memory_space<vmem>>
        %dma_start3A_811 = arith.constant 0 : i32
        %dma_start3A_812 = arith.constant 0 : i32
        %dma_start3A_813 = tpu.memref_slice %arg4[%dma_start3A_811, %dma_start3A_812] : memref<100352x16xf32, #tpu.memory_space<hbm>> -> memref<100352x16xf32, #tpu.memory_space<hbm>>
        tpu.enqueue_indirect_dma source(%dma_start3A_813 : memref<100352x16xf32, #tpu.memory_space<hbm>>) target(%dma_start3A_808 : memref<128x16xf32, #tpu.memory_space<vmem>>) offsets(%dma_start3A_810 : memref<128xi32, #tpu.memory_space<vmem>>) semaphore(%arg22 : memref<!tpu.dma_semaphore, #tpu.memory_space<semaphore_mem>>)
        %dma_start3A_814 = arith.constant 256 : i32
        %dma_start3A_815 = arith.constant 0 : i32
        %dma_start3A_816 = tpu.memref_slice %arg18[%dma_start3A_814, %dma_start3A_815] : memref<1024x16xf32, #tpu.memory_space<vmem>> -> memref<128x16xf32, #tpu.memory_space<vmem>>
        %dma_start3A_817 = arith.constant 256 : i32
        %dma_start3A_818 = tpu.memref_slice %arg10[%dma_start3A_817] : memref<1024xi32, #tpu.memory_space<vmem>> -> memref<128xi32, #tpu.memory_space<vmem>>
        %dma_start3A_819 = arith.constant 0 : i32
        %dma_start3A_820 = arith.constant 0 : i32
        %dma_start3A_821 = tpu.memref_slice %arg4[%dma_start3A_819, %dma_start3A_820] : memref<100352x16xf32, #tpu.memory_space<hbm>> -> memref<100352x16xf32, #tpu.memory_space<hbm>>
        tpu.enqueue_indirect_dma source(%dma_start3A_821 : memref<100352x16xf32, #tpu.memory_space<hbm>>) target(%dma_start3A_816 : memref<128x16xf32, #tpu.memory_space<vmem>>) offsets(%dma_start3A_818 : memref<128xi32, #tpu.memory_space<vmem>>) semaphore(%arg22 : memref<!tpu.dma_semaphore, #tpu.memory_space<semaphore_mem>>)
        %dma_start3A_822 = arith.constant 384 : i32
        %dma_start3A_823 = arith.constant 0 : i32
        %dma_start3A_824 = tpu.memref_slice %arg17[%dma_start3A_822, %dma_start3A_823] : memref<1024x16xf32, #tpu.memory_space<vmem>> -> memref<128x16xf32, #tpu.memory_space<vmem>>
        %dma_start3A_825 = arith.constant 384 : i32
        %dma_start3A_826 = tpu.memref_slice %arg9[%dma_start3A_825] : memref<1024xi32, #tpu.memory_space<vmem>> -> memref<128xi32, #tpu.memory_space<vmem>>
        %dma_start3A_827 = arith.constant 0 : i32
        %dma_start3A_828 = arith.constant 0 : i32
        %dma_start3A_829 = tpu.memref_slice %arg4[%dma_start3A_827, %dma_start3A_828] : memref<100352x16xf32, #tpu.memory_space<hbm>> -> memref<100352x16xf32, #tpu.memory_space<hbm>>
        tpu.enqueue_indirect_dma source(%dma_start3A_829 : memref<100352x16xf32, #tpu.memory_space<hbm>>) target(%dma_start3A_824 : memref<128x16xf32, #tpu.memory_space<vmem>>) offsets(%dma_start3A_826 : memref<128xi32, #tpu.memory_space<vmem>>) semaphore(%arg22 : memref<!tpu.dma_semaphore, #tpu.memory_space<semaphore_mem>>)
        %dma_start3A_830 = arith.constant 384 : i32
        %dma_start3A_831 = arith.constant 0 : i32
        %dma_start3A_832 = tpu.memref_slice %arg18[%dma_start3A_830, %dma_start3A_831] : memref<1024x16xf32, #tpu.memory_space<vmem>> -> memref<128x16xf32, #tpu.memory_space<vmem>>
        %dma_start3A_833 = arith.constant 384 : i32
        %dma_start3A_834 = tpu.memref_slice %arg10[%dma_start3A_833] : memref<1024xi32, #tpu.memory_space<vmem>> -> memref<128xi32, #tpu.memory_space<vmem>>
        %dma_start3A_835 = arith.constant 0 : i32
        %dma_start3A_836 = arith.constant 0 : i32
        %dma_start3A_837 = tpu.memref_slice %arg4[%dma_start3A_835, %dma_start3A_836] : memref<100352x16xf32, #tpu.memory_space<hbm>> -> memref<100352x16xf32, #tpu.memory_space<hbm>>
        tpu.enqueue_indirect_dma source(%dma_start3A_837 : memref<100352x16xf32, #tpu.memory_space<hbm>>) target(%dma_start3A_832 : memref<128x16xf32, #tpu.memory_space<vmem>>) offsets(%dma_start3A_834 : memref<128xi32, #tpu.memory_space<vmem>>) semaphore(%arg22 : memref<!tpu.dma_semaphore, #tpu.memory_space<semaphore_mem>>)
        %dma_start3A_838 = arith.constant 512 : i32
        %dma_start3A_839 = arith.constant 0 : i32
        %dma_start3A_840 = tpu.memref_slice %arg17[%dma_start3A_838, %dma_start3A_839] : memref<1024x16xf32, #tpu.memory_space<vmem>> -> memref<128x16xf32, #tpu.memory_space<vmem>>
        %dma_start3A_841 = arith.constant 512 : i32
        %dma_start3A_842 = tpu.memref_slice %arg9[%dma_start3A_841] : memref<1024xi32, #tpu.memory_space<vmem>> -> memref<128xi32, #tpu.memory_space<vmem>>
        %dma_start3A_843 = arith.constant 0 : i32
        %dma_start3A_844 = arith.constant 0 : i32
        %dma_start3A_845 = tpu.memref_slice %arg4[%dma_start3A_843, %dma_start3A_844] : memref<100352x16xf32, #tpu.memory_space<hbm>> -> memref<100352x16xf32, #tpu.memory_space<hbm>>
        tpu.enqueue_indirect_dma source(%dma_start3A_845 : memref<100352x16xf32, #tpu.memory_space<hbm>>) target(%dma_start3A_840 : memref<128x16xf32, #tpu.memory_space<vmem>>) offsets(%dma_start3A_842 : memref<128xi32, #tpu.memory_space<vmem>>) semaphore(%arg22 : memref<!tpu.dma_semaphore, #tpu.memory_space<semaphore_mem>>)
        %dma_start3A_846 = arith.constant 512 : i32
        %dma_start3A_847 = arith.constant 0 : i32
        %dma_start3A_848 = tpu.memref_slice %arg18[%dma_start3A_846, %dma_start3A_847] : memref<1024x16xf32, #tpu.memory_space<vmem>> -> memref<128x16xf32, #tpu.memory_space<vmem>>
        %dma_start3A_849 = arith.constant 512 : i32
        %dma_start3A_850 = tpu.memref_slice %arg10[%dma_start3A_849] : memref<1024xi32, #tpu.memory_space<vmem>> -> memref<128xi32, #tpu.memory_space<vmem>>
        %dma_start3A_851 = arith.constant 0 : i32
        %dma_start3A_852 = arith.constant 0 : i32
        %dma_start3A_853 = tpu.memref_slice %arg4[%dma_start3A_851, %dma_start3A_852] : memref<100352x16xf32, #tpu.memory_space<hbm>> -> memref<100352x16xf32, #tpu.memory_space<hbm>>
        tpu.enqueue_indirect_dma source(%dma_start3A_853 : memref<100352x16xf32, #tpu.memory_space<hbm>>) target(%dma_start3A_848 : memref<128x16xf32, #tpu.memory_space<vmem>>) offsets(%dma_start3A_850 : memref<128xi32, #tpu.memory_space<vmem>>) semaphore(%arg22 : memref<!tpu.dma_semaphore, #tpu.memory_space<semaphore_mem>>)
        %dma_start3A_854 = arith.constant 640 : i32
        %dma_start3A_855 = arith.constant 0 : i32
        %dma_start3A_856 = tpu.memref_slice %arg17[%dma_start3A_854, %dma_start3A_855] : memref<1024x16xf32, #tpu.memory_space<vmem>> -> memref<128x16xf32, #tpu.memory_space<vmem>>
        %dma_start3A_857 = arith.constant 640 : i32
        %dma_start3A_858 = tpu.memref_slice %arg9[%dma_start3A_857] : memref<1024xi32, #tpu.memory_space<vmem>> -> memref<128xi32, #tpu.memory_space<vmem>>
        %dma_start3A_859 = arith.constant 0 : i32
        %dma_start3A_860 = arith.constant 0 : i32
        %dma_start3A_861 = tpu.memref_slice %arg4[%dma_start3A_859, %dma_start3A_860] : memref<100352x16xf32, #tpu.memory_space<hbm>> -> memref<100352x16xf32, #tpu.memory_space<hbm>>
        tpu.enqueue_indirect_dma source(%dma_start3A_861 : memref<100352x16xf32, #tpu.memory_space<hbm>>) target(%dma_start3A_856 : memref<128x16xf32, #tpu.memory_space<vmem>>) offsets(%dma_start3A_858 : memref<128xi32, #tpu.memory_space<vmem>>) semaphore(%arg22 : memref<!tpu.dma_semaphore, #tpu.memory_space<semaphore_mem>>)
        %dma_start3A_862 = arith.constant 640 : i32
        %dma_start3A_863 = arith.constant 0 : i32
        %dma_start3A_864 = tpu.memref_slice %arg18[%dma_start3A_862, %dma_start3A_863] : memref<1024x16xf32, #tpu.memory_space<vmem>> -> memref<128x16xf32, #tpu.memory_space<vmem>>
        %dma_start3A_865 = arith.constant 640 : i32
        %dma_start3A_866 = tpu.memref_slice %arg10[%dma_start3A_865] : memref<1024xi32, #tpu.memory_space<vmem>> -> memref<128xi32, #tpu.memory_space<vmem>>
        %dma_start3A_867 = arith.constant 0 : i32
        %dma_start3A_868 = arith.constant 0 : i32
        %dma_start3A_869 = tpu.memref_slice %arg4[%dma_start3A_867, %dma_start3A_868] : memref<100352x16xf32, #tpu.memory_space<hbm>> -> memref<100352x16xf32, #tpu.memory_space<hbm>>
        tpu.enqueue_indirect_dma source(%dma_start3A_869 : memref<100352x16xf32, #tpu.memory_space<hbm>>) target(%dma_start3A_864 : memref<128x16xf32, #tpu.memory_space<vmem>>) offsets(%dma_start3A_866 : memref<128xi32, #tpu.memory_space<vmem>>) semaphore(%arg22 : memref<!tpu.dma_semaphore, #tpu.memory_space<semaphore_mem>>)
        %dma_start3A_870 = arith.constant 768 : i32
        %dma_start3A_871 = arith.constant 0 : i32
        %dma_start3A_872 = tpu.memref_slice %arg17[%dma_start3A_870, %dma_start3A_871] : memref<1024x16xf32, #tpu.memory_space<vmem>> -> memref<128x16xf32, #tpu.memory_space<vmem>>
        %dma_start3A_873 = arith.constant 768 : i32
        %dma_start3A_874 = tpu.memref_slice %arg9[%dma_start3A_873] : memref<1024xi32, #tpu.memory_space<vmem>> -> memref<128xi32, #tpu.memory_space<vmem>>
        %dma_start3A_875 = arith.constant 0 : i32
        %dma_start3A_876 = arith.constant 0 : i32
        %dma_start3A_877 = tpu.memref_slice %arg4[%dma_start3A_875, %dma_start3A_876] : memref<100352x16xf32, #tpu.memory_space<hbm>> -> memref<100352x16xf32, #tpu.memory_space<hbm>>
        tpu.enqueue_indirect_dma source(%dma_start3A_877 : memref<100352x16xf32, #tpu.memory_space<hbm>>) target(%dma_start3A_872 : memref<128x16xf32, #tpu.memory_space<vmem>>) offsets(%dma_start3A_874 : memref<128xi32, #tpu.memory_space<vmem>>) semaphore(%arg22 : memref<!tpu.dma_semaphore, #tpu.memory_space<semaphore_mem>>)
        %dma_start3A_878 = arith.constant 768 : i32
        %dma_start3A_879 = arith.constant 0 : i32
        %dma_start3A_880 = tpu.memref_slice %arg18[%dma_start3A_878, %dma_start3A_879] : memref<1024x16xf32, #tpu.memory_space<vmem>> -> memref<128x16xf32, #tpu.memory_space<vmem>>
        %dma_start3A_881 = arith.constant 768 : i32
        %dma_start3A_882 = tpu.memref_slice %arg10[%dma_start3A_881] : memref<1024xi32, #tpu.memory_space<vmem>> -> memref<128xi32, #tpu.memory_space<vmem>>
        %dma_start3A_883 = arith.constant 0 : i32
        %dma_start3A_884 = arith.constant 0 : i32
        %dma_start3A_885 = tpu.memref_slice %arg4[%dma_start3A_883, %dma_start3A_884] : memref<100352x16xf32, #tpu.memory_space<hbm>> -> memref<100352x16xf32, #tpu.memory_space<hbm>>
        tpu.enqueue_indirect_dma source(%dma_start3A_885 : memref<100352x16xf32, #tpu.memory_space<hbm>>) target(%dma_start3A_880 : memref<128x16xf32, #tpu.memory_space<vmem>>) offsets(%dma_start3A_882 : memref<128xi32, #tpu.memory_space<vmem>>) semaphore(%arg22 : memref<!tpu.dma_semaphore, #tpu.memory_space<semaphore_mem>>)
        %dma_start3A_886 = arith.constant 896 : i32
        %dma_start3A_887 = arith.constant 0 : i32
        %dma_start3A_888 = tpu.memref_slice %arg17[%dma_start3A_886, %dma_start3A_887] : memref<1024x16xf32, #tpu.memory_space<vmem>> -> memref<128x16xf32, #tpu.memory_space<vmem>>
        %dma_start3A_889 = arith.constant 896 : i32
        %dma_start3A_890 = tpu.memref_slice %arg9[%dma_start3A_889] : memref<1024xi32, #tpu.memory_space<vmem>> -> memref<128xi32, #tpu.memory_space<vmem>>
        %dma_start3A_891 = arith.constant 0 : i32
        %dma_start3A_892 = arith.constant 0 : i32
        %dma_start3A_893 = tpu.memref_slice %arg4[%dma_start3A_891, %dma_start3A_892] : memref<100352x16xf32, #tpu.memory_space<hbm>> -> memref<100352x16xf32, #tpu.memory_space<hbm>>
        tpu.enqueue_indirect_dma source(%dma_start3A_893 : memref<100352x16xf32, #tpu.memory_space<hbm>>) target(%dma_start3A_888 : memref<128x16xf32, #tpu.memory_space<vmem>>) offsets(%dma_start3A_890 : memref<128xi32, #tpu.memory_space<vmem>>) semaphore(%arg22 : memref<!tpu.dma_semaphore, #tpu.memory_space<semaphore_mem>>)
        %dma_start3A_894 = arith.constant 896 : i32
        %dma_start3A_895 = arith.constant 0 : i32
        %dma_start3A_896 = tpu.memref_slice %arg18[%dma_start3A_894, %dma_start3A_895] : memref<1024x16xf32, #tpu.memory_space<vmem>> -> memref<128x16xf32, #tpu.memory_space<vmem>>
        %dma_start3A_897 = arith.constant 896 : i32
        %dma_start3A_898 = tpu.memref_slice %arg10[%dma_start3A_897] : memref<1024xi32, #tpu.memory_space<vmem>> -> memref<128xi32, #tpu.memory_space<vmem>>
        %dma_start3A_899 = arith.constant 0 : i32
        %dma_start3A_900 = arith.constant 0 : i32
        %dma_start3A_901 = tpu.memref_slice %arg4[%dma_start3A_899, %dma_start3A_900] : memref<100352x16xf32, #tpu.memory_space<hbm>> -> memref<100352x16xf32, #tpu.memory_space<hbm>>
        tpu.enqueue_indirect_dma source(%dma_start3A_901 : memref<100352x16xf32, #tpu.memory_space<hbm>>) target(%dma_start3A_896 : memref<128x16xf32, #tpu.memory_space<vmem>>) offsets(%dma_start3A_898 : memref<128xi32, #tpu.memory_space<vmem>>) semaphore(%arg22 : memref<!tpu.dma_semaphore, #tpu.memory_space<semaphore_mem>>)
      } else {
      }
      %add3A_174 = arith.constant 3 : i32
      %add3A_175 = arith.addi %add3A_169, %add3A_174 : i32
      %lt3A_176 = arith.constant 100 : i32
      %lt3A_177 = arith.cmpi slt, %add3A_175, %lt3A_176 : i32
      %convert_element_type3A_178 = arith.extui %lt3A_177 : i1 to i32
      %cond3A_179 = arith.constant 0 : i32
      %cond3A_180 = arith.cmpi ne, %convert_element_type3A_178, %cond3A_179 : i32
      scf.if %cond3A_180 {
        %add3A_765 = arith.constant 3 : i32
        %add3A_766 = arith.addi %add3A_169, %add3A_765 : i32
        %mul3A_767 = arith.constant 1024 : i32
        %mul3A_768 = arith.muli %add3A_766, %mul3A_767 : i32
        %add3A_769 = arith.addi %mul3A_2, %mul3A_768 : i32
        %dma_start3A_770 = tpu.memref_slice %arg2[%add3A_769] : memref<3276800xi32, #tpu.memory_space<hbm>> -> memref<1024xi32, #tpu.memory_space<hbm>>
        %dma_start3A_771 = tpu.memref_slice %arg2[%add3A_769] : memref<3276800xi32, #tpu.memory_space<hbm>> -> memref<1024xi32, #tpu.memory_space<hbm>>
        tpu.enqueue_dma source(%dma_start3A_771 : memref<1024xi32, #tpu.memory_space<hbm>>) target(%arg13 : memref<1024xi32, #tpu.memory_space<vmem>>) target_semaphore(%arg26 : memref<!tpu.dma_semaphore, #tpu.memory_space<semaphore_mem>>)
        %dma_start3A_772 = tpu.memref_slice %arg3[%add3A_769] : memref<3276800xi32, #tpu.memory_space<hbm>> -> memref<1024xi32, #tpu.memory_space<hbm>>
        %dma_start3A_773 = tpu.memref_slice %arg3[%add3A_769] : memref<3276800xi32, #tpu.memory_space<hbm>> -> memref<1024xi32, #tpu.memory_space<hbm>>
        tpu.enqueue_dma source(%dma_start3A_773 : memref<1024xi32, #tpu.memory_space<hbm>>) target(%arg14 : memref<1024xi32, #tpu.memory_space<vmem>>) target_semaphore(%arg26 : memref<!tpu.dma_semaphore, #tpu.memory_space<semaphore_mem>>)
      } else {
      }
      %dma_wait3A_181 = arith.constant 0 : i32
      %dma_wait3A_182 = arith.constant 0 : i32
      %dma_wait3A_183 = tpu.memref_slice %arg15[%dma_wait3A_181, %dma_wait3A_182] : memref<1024x16xf32, #tpu.memory_space<vmem>> -> memref<128x16xf32, #tpu.memory_space<vmem>>
      %dma_wait3A_184 = arith.constant 0 : i32
      %dma_wait3A_185 = tpu.memref_slice %arg7[%dma_wait3A_184] : memref<1024xi32, #tpu.memory_space<vmem>> -> memref<128xi32, #tpu.memory_space<vmem>>
      %dma_wait3A_186 = arith.constant 0 : i32
      %dma_wait3A_187 = arith.constant 0 : i32
      %dma_wait3A_188 = tpu.memref_slice %arg4[%dma_wait3A_186, %dma_wait3A_187] : memref<100352x16xf32, #tpu.memory_space<hbm>> -> memref<100352x16xf32, #tpu.memory_space<hbm>>
      tpu.wait_indirect_dma semaphore(%arg21 : memref<!tpu.dma_semaphore, #tpu.memory_space<semaphore_mem>>) src(%dma_wait3A_188 : memref<100352x16xf32, #tpu.memory_space<hbm>>) dst(%dma_wait3A_183 : memref<128x16xf32, #tpu.memory_space<vmem>>)
      %dma_wait3A_189 = arith.constant 0 : i32
      %dma_wait3A_190 = arith.constant 0 : i32
      %dma_wait3A_191 = tpu.memref_slice %arg16[%dma_wait3A_189, %dma_wait3A_190] : memref<1024x16xf32, #tpu.memory_space<vmem>> -> memref<128x16xf32, #tpu.memory_space<vmem>>
      %dma_wait3A_192 = arith.constant 0 : i32
      %dma_wait3A_193 = tpu.memref_slice %arg8[%dma_wait3A_192] : memref<1024xi32, #tpu.memory_space<vmem>> -> memref<128xi32, #tpu.memory_space<vmem>>
      %dma_wait3A_194 = arith.constant 0 : i32
      %dma_wait3A_195 = arith.constant 0 : i32
      %dma_wait3A_196 = tpu.memref_slice %arg4[%dma_wait3A_194, %dma_wait3A_195] : memref<100352x16xf32, #tpu.memory_space<hbm>> -> memref<100352x16xf32, #tpu.memory_space<hbm>>
      tpu.wait_indirect_dma semaphore(%arg21 : memref<!tpu.dma_semaphore, #tpu.memory_space<semaphore_mem>>) src(%dma_wait3A_196 : memref<100352x16xf32, #tpu.memory_space<hbm>>) dst(%dma_wait3A_191 : memref<128x16xf32, #tpu.memory_space<vmem>>)
      %dma_wait3A_197 = arith.constant 128 : i32
      %dma_wait3A_198 = arith.constant 0 : i32
      %dma_wait3A_199 = tpu.memref_slice %arg15[%dma_wait3A_197, %dma_wait3A_198] : memref<1024x16xf32, #tpu.memory_space<vmem>> -> memref<128x16xf32, #tpu.memory_space<vmem>>
      %dma_wait3A_200 = arith.constant 128 : i32
      %dma_wait3A_201 = tpu.memref_slice %arg7[%dma_wait3A_200] : memref<1024xi32, #tpu.memory_space<vmem>> -> memref<128xi32, #tpu.memory_space<vmem>>
      %dma_wait3A_202 = arith.constant 0 : i32
      %dma_wait3A_203 = arith.constant 0 : i32
      %dma_wait3A_204 = tpu.memref_slice %arg4[%dma_wait3A_202, %dma_wait3A_203] : memref<100352x16xf32, #tpu.memory_space<hbm>> -> memref<100352x16xf32, #tpu.memory_space<hbm>>
      tpu.wait_indirect_dma semaphore(%arg21 : memref<!tpu.dma_semaphore, #tpu.memory_space<semaphore_mem>>) src(%dma_wait3A_204 : memref<100352x16xf32, #tpu.memory_space<hbm>>) dst(%dma_wait3A_199 : memref<128x16xf32, #tpu.memory_space<vmem>>)
      %dma_wait3A_205 = arith.constant 128 : i32
      %dma_wait3A_206 = arith.constant 0 : i32
      %dma_wait3A_207 = tpu.memref_slice %arg16[%dma_wait3A_205, %dma_wait3A_206] : memref<1024x16xf32, #tpu.memory_space<vmem>> -> memref<128x16xf32, #tpu.memory_space<vmem>>
      %dma_wait3A_208 = arith.constant 128 : i32
      %dma_wait3A_209 = tpu.memref_slice %arg8[%dma_wait3A_208] : memref<1024xi32, #tpu.memory_space<vmem>> -> memref<128xi32, #tpu.memory_space<vmem>>
      %dma_wait3A_210 = arith.constant 0 : i32
      %dma_wait3A_211 = arith.constant 0 : i32
      %dma_wait3A_212 = tpu.memref_slice %arg4[%dma_wait3A_210, %dma_wait3A_211] : memref<100352x16xf32, #tpu.memory_space<hbm>> -> memref<100352x16xf32, #tpu.memory_space<hbm>>
      tpu.wait_indirect_dma semaphore(%arg21 : memref<!tpu.dma_semaphore, #tpu.memory_space<semaphore_mem>>) src(%dma_wait3A_212 : memref<100352x16xf32, #tpu.memory_space<hbm>>) dst(%dma_wait3A_207 : memref<128x16xf32, #tpu.memory_space<vmem>>)
      %dma_wait3A_213 = arith.constant 256 : i32
      %dma_wait3A_214 = arith.constant 0 : i32
      %dma_wait3A_215 = tpu.memref_slice %arg15[%dma_wait3A_213, %dma_wait3A_214] : memref<1024x16xf32, #tpu.memory_space<vmem>> -> memref<128x16xf32, #tpu.memory_space<vmem>>
      %dma_wait3A_216 = arith.constant 256 : i32
      %dma_wait3A_217 = tpu.memref_slice %arg7[%dma_wait3A_216] : memref<1024xi32, #tpu.memory_space<vmem>> -> memref<128xi32, #tpu.memory_space<vmem>>
      %dma_wait3A_218 = arith.constant 0 : i32
      %dma_wait3A_219 = arith.constant 0 : i32
      %dma_wait3A_220 = tpu.memref_slice %arg4[%dma_wait3A_218, %dma_wait3A_219] : memref<100352x16xf32, #tpu.memory_space<hbm>> -> memref<100352x16xf32, #tpu.memory_space<hbm>>
      tpu.wait_indirect_dma semaphore(%arg21 : memref<!tpu.dma_semaphore, #tpu.memory_space<semaphore_mem>>) src(%dma_wait3A_220 : memref<100352x16xf32, #tpu.memory_space<hbm>>) dst(%dma_wait3A_215 : memref<128x16xf32, #tpu.memory_space<vmem>>)
      %dma_wait3A_221 = arith.constant 256 : i32
      %dma_wait3A_222 = arith.constant 0 : i32
      %dma_wait3A_223 = tpu.memref_slice %arg16[%dma_wait3A_221, %dma_wait3A_222] : memref<1024x16xf32, #tpu.memory_space<vmem>> -> memref<128x16xf32, #tpu.memory_space<vmem>>
      %dma_wait3A_224 = arith.constant 256 : i32
      %dma_wait3A_225 = tpu.memref_slice %arg8[%dma_wait3A_224] : memref<1024xi32, #tpu.memory_space<vmem>> -> memref<128xi32, #tpu.memory_space<vmem>>
      %dma_wait3A_226 = arith.constant 0 : i32
      %dma_wait3A_227 = arith.constant 0 : i32
      %dma_wait3A_228 = tpu.memref_slice %arg4[%dma_wait3A_226, %dma_wait3A_227] : memref<100352x16xf32, #tpu.memory_space<hbm>> -> memref<100352x16xf32, #tpu.memory_space<hbm>>
      tpu.wait_indirect_dma semaphore(%arg21 : memref<!tpu.dma_semaphore, #tpu.memory_space<semaphore_mem>>) src(%dma_wait3A_228 : memref<100352x16xf32, #tpu.memory_space<hbm>>) dst(%dma_wait3A_223 : memref<128x16xf32, #tpu.memory_space<vmem>>)
      %dma_wait3A_229 = arith.constant 384 : i32
      %dma_wait3A_230 = arith.constant 0 : i32
      %dma_wait3A_231 = tpu.memref_slice %arg15[%dma_wait3A_229, %dma_wait3A_230] : memref<1024x16xf32, #tpu.memory_space<vmem>> -> memref<128x16xf32, #tpu.memory_space<vmem>>
      %dma_wait3A_232 = arith.constant 384 : i32
      %dma_wait3A_233 = tpu.memref_slice %arg7[%dma_wait3A_232] : memref<1024xi32, #tpu.memory_space<vmem>> -> memref<128xi32, #tpu.memory_space<vmem>>
      %dma_wait3A_234 = arith.constant 0 : i32
      %dma_wait3A_235 = arith.constant 0 : i32
      %dma_wait3A_236 = tpu.memref_slice %arg4[%dma_wait3A_234, %dma_wait3A_235] : memref<100352x16xf32, #tpu.memory_space<hbm>> -> memref<100352x16xf32, #tpu.memory_space<hbm>>
      tpu.wait_indirect_dma semaphore(%arg21 : memref<!tpu.dma_semaphore, #tpu.memory_space<semaphore_mem>>) src(%dma_wait3A_236 : memref<100352x16xf32, #tpu.memory_space<hbm>>) dst(%dma_wait3A_231 : memref<128x16xf32, #tpu.memory_space<vmem>>)
      %dma_wait3A_237 = arith.constant 384 : i32
      %dma_wait3A_238 = arith.constant 0 : i32
      %dma_wait3A_239 = tpu.memref_slice %arg16[%dma_wait3A_237, %dma_wait3A_238] : memref<1024x16xf32, #tpu.memory_space<vmem>> -> memref<128x16xf32, #tpu.memory_space<vmem>>
      %dma_wait3A_240 = arith.constant 384 : i32
      %dma_wait3A_241 = tpu.memref_slice %arg8[%dma_wait3A_240] : memref<1024xi32, #tpu.memory_space<vmem>> -> memref<128xi32, #tpu.memory_space<vmem>>
      %dma_wait3A_242 = arith.constant 0 : i32
      %dma_wait3A_243 = arith.constant 0 : i32
      %dma_wait3A_244 = tpu.memref_slice %arg4[%dma_wait3A_242, %dma_wait3A_243] : memref<100352x16xf32, #tpu.memory_space<hbm>> -> memref<100352x16xf32, #tpu.memory_space<hbm>>
      tpu.wait_indirect_dma semaphore(%arg21 : memref<!tpu.dma_semaphore, #tpu.memory_space<semaphore_mem>>) src(%dma_wait3A_244 : memref<100352x16xf32, #tpu.memory_space<hbm>>) dst(%dma_wait3A_239 : memref<128x16xf32, #tpu.memory_space<vmem>>)
      %dma_wait3A_245 = arith.constant 512 : i32
      %dma_wait3A_246 = arith.constant 0 : i32
      %dma_wait3A_247 = tpu.memref_slice %arg15[%dma_wait3A_245, %dma_wait3A_246] : memref<1024x16xf32, #tpu.memory_space<vmem>> -> memref<128x16xf32, #tpu.memory_space<vmem>>
      %dma_wait3A_248 = arith.constant 512 : i32
      %dma_wait3A_249 = tpu.memref_slice %arg7[%dma_wait3A_248] : memref<1024xi32, #tpu.memory_space<vmem>> -> memref<128xi32, #tpu.memory_space<vmem>>
      %dma_wait3A_250 = arith.constant 0 : i32
      %dma_wait3A_251 = arith.constant 0 : i32
      %dma_wait3A_252 = tpu.memref_slice %arg4[%dma_wait3A_250, %dma_wait3A_251] : memref<100352x16xf32, #tpu.memory_space<hbm>> -> memref<100352x16xf32, #tpu.memory_space<hbm>>
      tpu.wait_indirect_dma semaphore(%arg21 : memref<!tpu.dma_semaphore, #tpu.memory_space<semaphore_mem>>) src(%dma_wait3A_252 : memref<100352x16xf32, #tpu.memory_space<hbm>>) dst(%dma_wait3A_247 : memref<128x16xf32, #tpu.memory_space<vmem>>)
      %dma_wait3A_253 = arith.constant 512 : i32
      %dma_wait3A_254 = arith.constant 0 : i32
      %dma_wait3A_255 = tpu.memref_slice %arg16[%dma_wait3A_253, %dma_wait3A_254] : memref<1024x16xf32, #tpu.memory_space<vmem>> -> memref<128x16xf32, #tpu.memory_space<vmem>>
      %dma_wait3A_256 = arith.constant 512 : i32
      %dma_wait3A_257 = tpu.memref_slice %arg8[%dma_wait3A_256] : memref<1024xi32, #tpu.memory_space<vmem>> -> memref<128xi32, #tpu.memory_space<vmem>>
      %dma_wait3A_258 = arith.constant 0 : i32
      %dma_wait3A_259 = arith.constant 0 : i32
      %dma_wait3A_260 = tpu.memref_slice %arg4[%dma_wait3A_258, %dma_wait3A_259] : memref<100352x16xf32, #tpu.memory_space<hbm>> -> memref<100352x16xf32, #tpu.memory_space<hbm>>
      tpu.wait_indirect_dma semaphore(%arg21 : memref<!tpu.dma_semaphore, #tpu.memory_space<semaphore_mem>>) src(%dma_wait3A_260 : memref<100352x16xf32, #tpu.memory_space<hbm>>) dst(%dma_wait3A_255 : memref<128x16xf32, #tpu.memory_space<vmem>>)
      %dma_wait3A_261 = arith.constant 640 : i32
      %dma_wait3A_262 = arith.constant 0 : i32
      %dma_wait3A_263 = tpu.memref_slice %arg15[%dma_wait3A_261, %dma_wait3A_262] : memref<1024x16xf32, #tpu.memory_space<vmem>> -> memref<128x16xf32, #tpu.memory_space<vmem>>
      %dma_wait3A_264 = arith.constant 640 : i32
      %dma_wait3A_265 = tpu.memref_slice %arg7[%dma_wait3A_264] : memref<1024xi32, #tpu.memory_space<vmem>> -> memref<128xi32, #tpu.memory_space<vmem>>
      %dma_wait3A_266 = arith.constant 0 : i32
      %dma_wait3A_267 = arith.constant 0 : i32
      %dma_wait3A_268 = tpu.memref_slice %arg4[%dma_wait3A_266, %dma_wait3A_267] : memref<100352x16xf32, #tpu.memory_space<hbm>> -> memref<100352x16xf32, #tpu.memory_space<hbm>>
      tpu.wait_indirect_dma semaphore(%arg21 : memref<!tpu.dma_semaphore, #tpu.memory_space<semaphore_mem>>) src(%dma_wait3A_268 : memref<100352x16xf32, #tpu.memory_space<hbm>>) dst(%dma_wait3A_263 : memref<128x16xf32, #tpu.memory_space<vmem>>)
      %dma_wait3A_269 = arith.constant 640 : i32
      %dma_wait3A_270 = arith.constant 0 : i32
      %dma_wait3A_271 = tpu.memref_slice %arg16[%dma_wait3A_269, %dma_wait3A_270] : memref<1024x16xf32, #tpu.memory_space<vmem>> -> memref<128x16xf32, #tpu.memory_space<vmem>>
      %dma_wait3A_272 = arith.constant 640 : i32
      %dma_wait3A_273 = tpu.memref_slice %arg8[%dma_wait3A_272] : memref<1024xi32, #tpu.memory_space<vmem>> -> memref<128xi32, #tpu.memory_space<vmem>>
      %dma_wait3A_274 = arith.constant 0 : i32
      %dma_wait3A_275 = arith.constant 0 : i32
      %dma_wait3A_276 = tpu.memref_slice %arg4[%dma_wait3A_274, %dma_wait3A_275] : memref<100352x16xf32, #tpu.memory_space<hbm>> -> memref<100352x16xf32, #tpu.memory_space<hbm>>
      tpu.wait_indirect_dma semaphore(%arg21 : memref<!tpu.dma_semaphore, #tpu.memory_space<semaphore_mem>>) src(%dma_wait3A_276 : memref<100352x16xf32, #tpu.memory_space<hbm>>) dst(%dma_wait3A_271 : memref<128x16xf32, #tpu.memory_space<vmem>>)
      %dma_wait3A_277 = arith.constant 768 : i32
      %dma_wait3A_278 = arith.constant 0 : i32
      %dma_wait3A_279 = tpu.memref_slice %arg15[%dma_wait3A_277, %dma_wait3A_278] : memref<1024x16xf32, #tpu.memory_space<vmem>> -> memref<128x16xf32, #tpu.memory_space<vmem>>
      %dma_wait3A_280 = arith.constant 768 : i32
      %dma_wait3A_281 = tpu.memref_slice %arg7[%dma_wait3A_280] : memref<1024xi32, #tpu.memory_space<vmem>> -> memref<128xi32, #tpu.memory_space<vmem>>
      %dma_wait3A_282 = arith.constant 0 : i32
      %dma_wait3A_283 = arith.constant 0 : i32
      %dma_wait3A_284 = tpu.memref_slice %arg4[%dma_wait3A_282, %dma_wait3A_283] : memref<100352x16xf32, #tpu.memory_space<hbm>> -> memref<100352x16xf32, #tpu.memory_space<hbm>>
      tpu.wait_indirect_dma semaphore(%arg21 : memref<!tpu.dma_semaphore, #tpu.memory_space<semaphore_mem>>) src(%dma_wait3A_284 : memref<100352x16xf32, #tpu.memory_space<hbm>>) dst(%dma_wait3A_279 : memref<128x16xf32, #tpu.memory_space<vmem>>)
      %dma_wait3A_285 = arith.constant 768 : i32
      %dma_wait3A_286 = arith.constant 0 : i32
      %dma_wait3A_287 = tpu.memref_slice %arg16[%dma_wait3A_285, %dma_wait3A_286] : memref<1024x16xf32, #tpu.memory_space<vmem>> -> memref<128x16xf32, #tpu.memory_space<vmem>>
      %dma_wait3A_288 = arith.constant 768 : i32
      %dma_wait3A_289 = tpu.memref_slice %arg8[%dma_wait3A_288] : memref<1024xi32, #tpu.memory_space<vmem>> -> memref<128xi32, #tpu.memory_space<vmem>>
      %dma_wait3A_290 = arith.constant 0 : i32
      %dma_wait3A_291 = arith.constant 0 : i32
      %dma_wait3A_292 = tpu.memref_slice %arg4[%dma_wait3A_290, %dma_wait3A_291] : memref<100352x16xf32, #tpu.memory_space<hbm>> -> memref<100352x16xf32, #tpu.memory_space<hbm>>
      tpu.wait_indirect_dma semaphore(%arg21 : memref<!tpu.dma_semaphore, #tpu.memory_space<semaphore_mem>>) src(%dma_wait3A_292 : memref<100352x16xf32, #tpu.memory_space<hbm>>) dst(%dma_wait3A_287 : memref<128x16xf32, #tpu.memory_space<vmem>>)
      %dma_wait3A_293 = arith.constant 896 : i32
      %dma_wait3A_294 = arith.constant 0 : i32
      %dma_wait3A_295 = tpu.memref_slice %arg15[%dma_wait3A_293, %dma_wait3A_294] : memref<1024x16xf32, #tpu.memory_space<vmem>> -> memref<128x16xf32, #tpu.memory_space<vmem>>
      %dma_wait3A_296 = arith.constant 896 : i32
      %dma_wait3A_297 = tpu.memref_slice %arg7[%dma_wait3A_296] : memref<1024xi32, #tpu.memory_space<vmem>> -> memref<128xi32, #tpu.memory_space<vmem>>
      %dma_wait3A_298 = arith.constant 0 : i32
      %dma_wait3A_299 = arith.constant 0 : i32
      %dma_wait3A_300 = tpu.memref_slice %arg4[%dma_wait3A_298, %dma_wait3A_299] : memref<100352x16xf32, #tpu.memory_space<hbm>> -> memref<100352x16xf32, #tpu.memory_space<hbm>>
      tpu.wait_indirect_dma semaphore(%arg21 : memref<!tpu.dma_semaphore, #tpu.memory_space<semaphore_mem>>) src(%dma_wait3A_300 : memref<100352x16xf32, #tpu.memory_space<hbm>>) dst(%dma_wait3A_295 : memref<128x16xf32, #tpu.memory_space<vmem>>)
      %dma_wait3A_301 = arith.constant 896 : i32
      %dma_wait3A_302 = arith.constant 0 : i32
      %dma_wait3A_303 = tpu.memref_slice %arg16[%dma_wait3A_301, %dma_wait3A_302] : memref<1024x16xf32, #tpu.memory_space<vmem>> -> memref<128x16xf32, #tpu.memory_space<vmem>>
      %dma_wait3A_304 = arith.constant 896 : i32
      %dma_wait3A_305 = tpu.memref_slice %arg8[%dma_wait3A_304] : memref<1024xi32, #tpu.memory_space<vmem>> -> memref<128xi32, #tpu.memory_space<vmem>>
      %dma_wait3A_306 = arith.constant 0 : i32
      %dma_wait3A_307 = arith.constant 0 : i32
      %dma_wait3A_308 = tpu.memref_slice %arg4[%dma_wait3A_306, %dma_wait3A_307] : memref<100352x16xf32, #tpu.memory_space<hbm>> -> memref<100352x16xf32, #tpu.memory_space<hbm>>
      tpu.wait_indirect_dma semaphore(%arg21 : memref<!tpu.dma_semaphore, #tpu.memory_space<semaphore_mem>>) src(%dma_wait3A_308 : memref<100352x16xf32, #tpu.memory_space<hbm>>) dst(%dma_wait3A_303 : memref<128x16xf32, #tpu.memory_space<vmem>>)
      %scan3A_309 = arith.constant 0 : i32
      %scan3A_310 = arith.constant 0 : i32
      %scan3A_311 = arith.constant 64 : i32
      %scan3A_312 = arith.addi %scan3A_310, %scan3A_311 : i32
      %scan3A_313 = arith.constant 1 : i32
      scf.for %scan3A_765 = %scan3A_310 to %scan3A_312 step %scan3A_313  : i32 {
        %mul3A_766 = arith.constant 16 : i32
        %mul3A_767 = arith.muli %scan3A_765, %mul3A_766 : i32
        %add3A_768 = vector.broadcast %mul3A_767 : i32 to vector<16xi32>
        %add3A_769 = arith.addi %add3A_768, %iota3A : vector<16xi32>
        %mul3A_770 = arith.constant 0 : i32
        %mul3A_771 = vector.broadcast %mul3A_770 : i32 to vector<16xi32>
        %mul3A_772 = arith.muli %iota3A, %mul3A_771 : vector<16xi32>
        %add3A_773 = arith.constant 0 : i32
        %add3A_774 = vector.broadcast %add3A_773 : i32 to vector<16xi32>
        %add3A_775 = arith.addi %mul3A_772, %add3A_774 : vector<16xi32>
        %gather3A = tpu.vector_load_idx %arg15[%add3A_769, %add3A_775] : memref<1024x16xf32, #tpu.memory_space<vmem>>[vector<16xi32>, vector<16xi32>], vector<16xf32>,
        %mul3A_776 = arith.constant 0 : i32
        %mul3A_777 = vector.broadcast %mul3A_776 : i32 to vector<16xi32>
        %mul3A_778 = arith.muli %iota3A, %mul3A_777 : vector<16xi32>
        %add3A_779 = arith.constant 1 : i32
        %add3A_780 = vector.broadcast %add3A_779 : i32 to vector<16xi32>
        %add3A_781 = arith.addi %mul3A_778, %add3A_780 : vector<16xi32>
        %gather3A_782 = tpu.vector_load_idx %arg15[%add3A_769, %add3A_781] : memref<1024x16xf32, #tpu.memory_space<vmem>>[vector<16xi32>, vector<16xi32>], vector<16xf32>,
        %mul3A_783 = arith.constant 0 : i32
        %mul3A_784 = vector.broadcast %mul3A_783 : i32 to vector<16xi32>
        %mul3A_785 = arith.muli %iota3A, %mul3A_784 : vector<16xi32>
        %add3A_786 = arith.constant 2 : i32
        %add3A_787 = vector.broadcast %add3A_786 : i32 to vector<16xi32>
        %add3A_788 = arith.addi %mul3A_785, %add3A_787 : vector<16xi32>
        %gather3A_789 = tpu.vector_load_idx %arg15[%add3A_769, %add3A_788] : memref<1024x16xf32, #tpu.memory_space<vmem>>[vector<16xi32>, vector<16xi32>], vector<16xf32>,
        %mul3A_790 = arith.constant 0 : i32
        %mul3A_791 = vector.broadcast %mul3A_790 : i32 to vector<16xi32>
        %mul3A_792 = arith.muli %iota3A, %mul3A_791 : vector<16xi32>
        %add3A_793 = arith.constant 3 : i32
        %add3A_794 = vector.broadcast %add3A_793 : i32 to vector<16xi32>
        %add3A_795 = arith.addi %mul3A_792, %add3A_794 : vector<16xi32>
        %gather3A_796 = tpu.vector_load_idx %arg15[%add3A_769, %add3A_795] : memref<1024x16xf32, #tpu.memory_space<vmem>>[vector<16xi32>, vector<16xi32>], vector<16xf32>,
        %mul3A_797 = arith.constant 0 : i32
        %mul3A_798 = vector.broadcast %mul3A_797 : i32 to vector<16xi32>
        %mul3A_799 = arith.muli %iota3A, %mul3A_798 : vector<16xi32>
        %add3A_800 = arith.constant 4 : i32
        %add3A_801 = vector.broadcast %add3A_800 : i32 to vector<16xi32>
        %add3A_802 = arith.addi %mul3A_799, %add3A_801 : vector<16xi32>
        %gather3A_803 = tpu.vector_load_idx %arg15[%add3A_769, %add3A_802] : memref<1024x16xf32, #tpu.memory_space<vmem>>[vector<16xi32>, vector<16xi32>], vector<16xf32>,
        %mul3A_804 = arith.constant 0 : i32
        %mul3A_805 = vector.broadcast %mul3A_804 : i32 to vector<16xi32>
        %mul3A_806 = arith.muli %iota3A, %mul3A_805 : vector<16xi32>
        %add3A_807 = arith.constant 0 : i32
        %add3A_808 = vector.broadcast %add3A_807 : i32 to vector<16xi32>
        %add3A_809 = arith.addi %mul3A_806, %add3A_808 : vector<16xi32>
        %gather3A_810 = tpu.vector_load_idx %arg16[%add3A_769, %add3A_809] : memref<1024x16xf32, #tpu.memory_space<vmem>>[vector<16xi32>, vector<16xi32>], vector<16xf32>,
        %mul3A_811 = arith.constant 0 : i32
        %mul3A_812 = vector.broadcast %mul3A_811 : i32 to vector<16xi32>
        %mul3A_813 = arith.muli %iota3A, %mul3A_812 : vector<16xi32>
        %add3A_814 = arith.constant 1 : i32
        %add3A_815 = vector.broadcast %add3A_814 : i32 to vector<16xi32>
        %add3A_816 = arith.addi %mul3A_813, %add3A_815 : vector<16xi32>
        %gather3A_817 = tpu.vector_load_idx %arg16[%add3A_769, %add3A_816] : memref<1024x16xf32, #tpu.memory_space<vmem>>[vector<16xi32>, vector<16xi32>], vector<16xf32>,
        %mul3A_818 = arith.constant 0 : i32
        %mul3A_819 = vector.broadcast %mul3A_818 : i32 to vector<16xi32>
        %mul3A_820 = arith.muli %iota3A, %mul3A_819 : vector<16xi32>
        %add3A_821 = arith.constant 2 : i32
        %add3A_822 = vector.broadcast %add3A_821 : i32 to vector<16xi32>
        %add3A_823 = arith.addi %mul3A_820, %add3A_822 : vector<16xi32>
        %gather3A_824 = tpu.vector_load_idx %arg16[%add3A_769, %add3A_823] : memref<1024x16xf32, #tpu.memory_space<vmem>>[vector<16xi32>, vector<16xi32>], vector<16xf32>,
        %mul3A_825 = arith.constant 0 : i32
        %mul3A_826 = vector.broadcast %mul3A_825 : i32 to vector<16xi32>
        %mul3A_827 = arith.muli %iota3A, %mul3A_826 : vector<16xi32>
        %add3A_828 = arith.constant 3 : i32
        %add3A_829 = vector.broadcast %add3A_828 : i32 to vector<16xi32>
        %add3A_830 = arith.addi %mul3A_827, %add3A_829 : vector<16xi32>
        %gather3A_831 = tpu.vector_load_idx %arg16[%add3A_769, %add3A_830] : memref<1024x16xf32, #tpu.memory_space<vmem>>[vector<16xi32>, vector<16xi32>], vector<16xf32>,
        %mul3A_832 = arith.constant 0 : i32
        %mul3A_833 = vector.broadcast %mul3A_832 : i32 to vector<16xi32>
        %mul3A_834 = arith.muli %iota3A, %mul3A_833 : vector<16xi32>
        %add3A_835 = arith.constant 4 : i32
        %add3A_836 = vector.broadcast %add3A_835 : i32 to vector<16xi32>
        %add3A_837 = arith.addi %mul3A_834, %add3A_836 : vector<16xi32>
        %gather3A_838 = tpu.vector_load_idx %arg16[%add3A_769, %add3A_837] : memref<1024x16xf32, #tpu.memory_space<vmem>>[vector<16xi32>, vector<16xi32>], vector<16xf32>,
        %convert_element_type3A_839 = arith.fptosi %gather3A_803 : vector<16xf32> to vector<16xi32>
        %convert_element_type3A_840 = arith.fptosi %gather3A_838 : vector<16xf32> to vector<16xi32>
        %gather3A_841 = tpu.vector_load_idx %arg20[%convert_element_type3A_839] : memref<512xf32, #tpu.memory_space<vmem>>[vector<16xi32>], vector<16xf32>,
        %add3A_842 = arith.addf %gather3A_796, %gather3A_841 : vector<16xf32>
        %gather3A_843 = tpu.vector_load_idx %arg20[%convert_element_type3A_840] : memref<512xf32, #tpu.memory_space<vmem>>[vector<16xi32>], vector<16xf32>,
        %add3A_844 = arith.addf %gather3A_831, %gather3A_843 : vector<16xf32>
        %sub3A = arith.subf %gather3A, %gather3A_810 : vector<16xf32>
        %sub3A_845 = arith.subf %gather3A_782, %gather3A_817 : vector<16xf32>
        %sub3A_846 = arith.subf %gather3A_789, %gather3A_824 : vector<16xf32>
        %mul3A_847 = arith.mulf %sub3A, %sub3A : vector<16xf32>
        %mul3A_848 = arith.mulf %sub3A_845, %sub3A_845 : vector<16xf32>
        %add3A_849 = arith.addf %mul3A_847, %mul3A_848 : vector<16xf32>
        %mul3A_850 = arith.mulf %sub3A_846, %sub3A_846 : vector<16xf32>
        %add3A_851 = arith.addf %add3A_849, %mul3A_850 : vector<16xf32>
        %add3A_852 = arith.constant 1.000000e-15 : f32
        %add3A_853 = vector.broadcast %add3A_852 : f32 to vector<16xf32>
        %add3A_854 = arith.addf %add3A_851, %add3A_853 : vector<16xf32>
        %bitcast_convert_type3A = tpu.bitcast %add3A_854 : vector<16xf32> -> vector<16xi32>
        %shift_right_arithmetic3A = arith.constant 1 : i32
        %shift_right_arithmetic3A_855 = vector.broadcast %shift_right_arithmetic3A : i32 to vector<16xi32>
        %shift_right_arithmetic3A_856 = arith.shrsi %bitcast_convert_type3A, %shift_right_arithmetic3A_855 : vector<16xi32>
        %sub3A_857 = arith.constant 1597463007 : i32
        %sub3A_858 = vector.broadcast %sub3A_857 : i32 to vector<16xi32>
        %sub3A_859 = arith.subi %sub3A_858, %shift_right_arithmetic3A_856 : vector<16xi32>
        %bitcast_convert_type3A_860 = tpu.bitcast %sub3A_859 : vector<16xi32> -> vector<16xf32>
        %mul3A_861 = arith.constant 5.000000e-01 : f32
        %mul3A_862 = vector.broadcast %mul3A_861 : f32 to vector<16xf32>
        %mul3A_863 = arith.mulf %mul3A_862, %add3A_854 : vector<16xf32>
        %mul3A_864 = arith.mulf %mul3A_863, %bitcast_convert_type3A_860 : vector<16xf32>
        %mul3A_865 = arith.mulf %mul3A_864, %bitcast_convert_type3A_860 : vector<16xf32>
        %sub3A_866 = arith.constant 1.500000e+00 : f32
        %sub3A_867 = vector.broadcast %sub3A_866 : f32 to vector<16xf32>
        %sub3A_868 = arith.subf %sub3A_867, %mul3A_865 : vector<16xf32>
        %mul3A_869 = arith.mulf %bitcast_convert_type3A_860, %sub3A_868 : vector<16xf32>
        %mul3A_870 = arith.constant 5.000000e-01 : f32
        %mul3A_871 = vector.broadcast %mul3A_870 : f32 to vector<16xf32>
        %mul3A_872 = arith.mulf %mul3A_871, %add3A_854 : vector<16xf32>
        %mul3A_873 = arith.mulf %mul3A_872, %mul3A_869 : vector<16xf32>
        %mul3A_874 = arith.mulf %mul3A_873, %mul3A_869 : vector<16xf32>
        %sub3A_875 = arith.constant 1.500000e+00 : f32
        %sub3A_876 = vector.broadcast %sub3A_875 : f32 to vector<16xf32>
        %sub3A_877 = arith.subf %sub3A_876, %mul3A_874 : vector<16xf32>
        %mul3A_878 = arith.mulf %mul3A_869, %sub3A_877 : vector<16xf32>
        %mul3A_879 = arith.constant 5.000000e-01 : f32
        %mul3A_880 = vector.broadcast %mul3A_879 : f32 to vector<16xf32>
        %mul3A_881 = arith.mulf %mul3A_880, %add3A_854 : vector<16xf32>
        %mul3A_882 = arith.mulf %mul3A_881, %mul3A_878 : vector<16xf32>
        %mul3A_883 = arith.mulf %mul3A_882, %mul3A_878 : vector<16xf32>
        %sub3A_884 = arith.constant 1.500000e+00 : f32
        %sub3A_885 = vector.broadcast %sub3A_884 : f32 to vector<16xf32>
        %sub3A_886 = arith.subf %sub3A_885, %mul3A_883 : vector<16xf32>
        %mul3A_887 = arith.mulf %mul3A_878, %sub3A_886 : vector<16xf32>
        %mul3A_888 = arith.mulf %add3A_854, %mul3A_887 : vector<16xf32>
        %add3A_889 = arith.constant 0.280028284 : f32
        %add3A_890 = vector.broadcast %add3A_889 : f32 to vector<16xf32>
        %add3A_891 = arith.addf %add3A_854, %add3A_890 : vector<16xf32>
        %bitcast_convert_type3A_892 = tpu.bitcast %add3A_891 : vector<16xf32> -> vector<16xi32>
        %shift_right_arithmetic3A_893 = arith.constant 1 : i32
        %shift_right_arithmetic3A_894 = vector.broadcast %shift_right_arithmetic3A_893 : i32 to vector<16xi32>
        %shift_right_arithmetic3A_895 = arith.shrsi %bitcast_convert_type3A_892, %shift_right_arithmetic3A_894 : vector<16xi32>
        %sub3A_896 = arith.constant 1597463007 : i32
        %sub3A_897 = vector.broadcast %sub3A_896 : i32 to vector<16xi32>
        %sub3A_898 = arith.subi %sub3A_897, %shift_right_arithmetic3A_895 : vector<16xi32>
        %bitcast_convert_type3A_899 = tpu.bitcast %sub3A_898 : vector<16xi32> -> vector<16xf32>
        %mul3A_900 = arith.constant 5.000000e-01 : f32
        %mul3A_901 = vector.broadcast %mul3A_900 : f32 to vector<16xf32>
        %mul3A_902 = arith.mulf %mul3A_901, %add3A_891 : vector<16xf32>
        %mul3A_903 = arith.mulf %mul3A_902, %bitcast_convert_type3A_899 : vector<16xf32>
        %mul3A_904 = arith.mulf %mul3A_903, %bitcast_convert_type3A_899 : vector<16xf32>
        %sub3A_905 = arith.constant 1.500000e+00 : f32
        %sub3A_906 = vector.broadcast %sub3A_905 : f32 to vector<16xf32>
        %sub3A_907 = arith.subf %sub3A_906, %mul3A_904 : vector<16xf32>
        %mul3A_908 = arith.mulf %bitcast_convert_type3A_899, %sub3A_907 : vector<16xf32>
        %mul3A_909 = arith.constant 5.000000e-01 : f32
        %mul3A_910 = vector.broadcast %mul3A_909 : f32 to vector<16xf32>
        %mul3A_911 = arith.mulf %mul3A_910, %add3A_891 : vector<16xf32>
        %mul3A_912 = arith.mulf %mul3A_911, %mul3A_908 : vector<16xf32>
        %mul3A_913 = arith.mulf %mul3A_912, %mul3A_908 : vector<16xf32>
        %sub3A_914 = arith.constant 1.500000e+00 : f32
        %sub3A_915 = vector.broadcast %sub3A_914 : f32 to vector<16xf32>
        %sub3A_916 = arith.subf %sub3A_915, %mul3A_913 : vector<16xf32>
        %mul3A_917 = arith.mulf %mul3A_908, %sub3A_916 : vector<16xf32>
        %mul3A_918 = arith.constant 5.000000e-01 : f32
        %mul3A_919 = vector.broadcast %mul3A_918 : f32 to vector<16xf32>
        %mul3A_920 = arith.mulf %mul3A_919, %add3A_891 : vector<16xf32>
        %mul3A_921 = arith.mulf %mul3A_920, %mul3A_917 : vector<16xf32>
        %mul3A_922 = arith.mulf %mul3A_921, %mul3A_917 : vector<16xf32>
        %sub3A_923 = arith.constant 1.500000e+00 : f32
        %sub3A_924 = vector.broadcast %sub3A_923 : f32 to vector<16xf32>
        %sub3A_925 = arith.subf %sub3A_924, %mul3A_922 : vector<16xf32>
        %mul3A_926 = arith.mulf %mul3A_917, %sub3A_925 : vector<16xf32>
        %sub3A_927 = arith.constant 1.250000e+00 : f32
        %sub3A_928 = vector.broadcast %sub3A_927 : f32 to vector<16xf32>
        %sub3A_929 = arith.subf %mul3A_888, %sub3A_928 : vector<16xf32>
        %mul3A_930 = arith.constant 4.000000e-01 : f32
        %mul3A_931 = vector.broadcast %mul3A_930 : f32 to vector<16xf32>
        %mul3A_932 = arith.mulf %sub3A_929, %mul3A_931 : vector<16xf32>
        %sub3A_933 = arith.constant 1.000000e+00 : f32
        %sub3A_934 = vector.broadcast %sub3A_933 : f32 to vector<16xf32>
        %sub3A_935 = arith.subf %sub3A_934, %mul3A_932 : vector<16xf32>
        %gt3A = arith.constant 0.000000e+00 : f32
        %gt3A_936 = vector.broadcast %gt3A : f32 to vector<16xf32>
        %gt3A_937 = arith.cmpf ogt, %mul3A_932, %gt3A_936 : vector<16xf32>
        %gt3A_938 = arith.constant 0.000000e+00 : f32
        %gt3A_939 = vector.broadcast %gt3A_938 : f32 to vector<16xf32>
        %gt3A_940 = arith.cmpf ogt, %sub3A_935, %gt3A_939 : vector<16xf32>
        %and3A = arith.andi %gt3A_937, %gt3A_940 : vector<16xi1>
        %mul3A_941 = arith.mulf %mul3A_932, %sub3A_935 : vector<16xf32>
        %jit3A = arith.constant 1.000000e+00 : f32
        %broadcast_in_dim3A_942 = vector.broadcast %jit3A : f32 to vector<16xf32>
        %select_n3A = arith.select %and3A, %mul3A_941, %broadcast_in_dim3A_942 : vector<16xi1>, vector<16xf32>
        %sub3A_943 = arith.subf %mul3A_932, %sub3A_935 : vector<16xf32>
        %div3A = arith.divf %sub3A_943, %select_n3A : vector<16xf32>
        %lt3A_944 = arith.constant 3.400000e+01 : f32
        %lt3A_945 = vector.broadcast %lt3A_944 : f32 to vector<16xf32>
        %lt3A_946 = arith.cmpf olt, %div3A, %lt3A_945 : vector<16xf32>
        %and3A_947 = arith.andi %and3A, %lt3A_946 : vector<16xi1>
        %jit3A_948 = arith.constant 0.000000e+00 : f32
        %broadcast_in_dim3A_949 = vector.broadcast %jit3A_948 : f32 to vector<16xf32>
        %select_n3A_950 = arith.select %and3A_947, %div3A, %broadcast_in_dim3A_949 : vector<16xi1>, vector<16xf32>
        %ge3A = arith.constant 3.400000e+01 : f32
        %ge3A_951 = vector.broadcast %ge3A : f32 to vector<16xf32>
        %ge3A_952 = arith.cmpf oge, %div3A, %ge3A_951 : vector<16xf32>
        %exp3A = math.exp %select_n3A_950 : vector<16xf32>
        %add3A_953 = arith.constant 1.000000e+00 : f32
        %add3A_954 = vector.broadcast %add3A_953 : f32 to vector<16xf32>
        %add3A_955 = arith.addf %add3A_954, %exp3A : vector<16xf32>
        %div3A_956 = arith.constant 1.000000e+00 : f32
        %div3A_957 = vector.broadcast %div3A_956 : f32 to vector<16xf32>
        %div3A_958 = arith.divf %div3A_957, %add3A_955 : vector<16xf32>
        %jit3A_959 = arith.constant 0.000000e+00 : f32
        %broadcast_in_dim3A_960 = vector.broadcast %jit3A_959 : f32 to vector<16xf32>
        %select_n3A_961 = arith.select %ge3A_952, %broadcast_in_dim3A_960, %div3A_958 : vector<16xi1>, vector<16xf32>
        %le3A = arith.constant 0.000000e+00 : f32
        %le3A_962 = vector.broadcast %le3A : f32 to vector<16xf32>
        %le3A_963 = arith.cmpf ole, %mul3A_932, %le3A_962 : vector<16xf32>
        %gt3A_964 = arith.constant 0.000000e+00 : f32
        %gt3A_965 = vector.broadcast %gt3A_964 : f32 to vector<16xf32>
        %gt3A_966 = arith.cmpf ogt, %sub3A_935, %gt3A_965 : vector<16xf32>
        %and3A_967 = arith.andi %le3A_963, %gt3A_966 : vector<16xi1>
        %jit3A_968 = arith.constant 1.000000e+00 : f32
        %jit3A_969 = arith.constant 0.000000e+00 : f32
        %broadcast_in_dim3A_970 = vector.broadcast %jit3A_968 : f32 to vector<16xf32>
        %broadcast_in_dim3A_971 = vector.broadcast %jit3A_969 : f32 to vector<16xf32>
        %select_n3A_972 = arith.select %and3A_967, %broadcast_in_dim3A_970, %broadcast_in_dim3A_971 : vector<16xi1>, vector<16xf32>
        %select_n3A_973 = arith.select %and3A, %select_n3A_961, %select_n3A_972 : vector<16xi1>, vector<16xf32>
        %mul3A_974 = arith.mulf %add3A_842, %add3A_844 : vector<16xf32>
        %mul3A_975 = arith.constant 332.06369 : f32
        %mul3A_976 = vector.broadcast %mul3A_975 : f32 to vector<16xf32>
        %mul3A_977 = arith.mulf %mul3A_976, %mul3A_974 : vector<16xf32>
        %mul3A_978 = arith.mulf %select_n3A_973, %mul3A_926 : vector<16xf32>
        %sub3A_979 = arith.constant 1.000000e+00 : f32
        %sub3A_980 = vector.broadcast %sub3A_979 : f32 to vector<16xf32>
        %sub3A_981 = arith.subf %sub3A_980, %select_n3A_973 : vector<16xf32>
        %mul3A_982 = arith.mulf %sub3A_981, %mul3A_887 : vector<16xf32>
        %add3A_983 = arith.addf %mul3A_978, %mul3A_982 : vector<16xf32>
        %mul3A_984 = arith.mulf %mul3A_977, %add3A_983 : vector<16xf32>
        tpu.vector_store_idx %arg19[%convert_element_type3A_839, %iota3A], %mul3A_984 {add = true} : memref<512x16xf32, #tpu.memory_space<vmem>>[vector<16xi32>, vector<16xi32>], vector<16xf32>,
      }
      %scan3A_314 = arith.constant 64 : i32
      %add3A_315 = arith.constant 1 : i32
      %add3A_316 = arith.addi %mul3A_167, %add3A_315 : i32
      %add3A_317 = arith.constant 1 : i32
      %add3A_318 = arith.addi %add3A_316, %add3A_317 : i32
      %lt3A_319 = arith.constant 100 : i32
      %lt3A_320 = arith.cmpi slt, %add3A_318, %lt3A_319 : i32
      %convert_element_type3A_321 = arith.extui %lt3A_320 : i1 to i32
      %cond3A_322 = arith.constant 0 : i32
      %cond3A_323 = arith.cmpi ne, %convert_element_type3A_321, %cond3A_322 : i32
      scf.if %cond3A_323 {
        %add3A_765 = arith.constant 1 : i32
        %add3A_766 = arith.addi %add3A_316, %add3A_765 : i32
        %mul3A_767 = arith.constant 1024 : i32
        %mul3A_768 = arith.muli %add3A_766, %mul3A_767 : i32
        %add3A_769 = arith.addi %mul3A_2, %mul3A_768 : i32
        %dma_wait3A_770 = tpu.memref_slice %arg2[%add3A_769] : memref<3276800xi32, #tpu.memory_space<hbm>> -> memref<1024xi32, #tpu.memory_space<hbm>>
        %dma_wait3A_771 = tpu.memref_slice %arg2[%add3A_769] : memref<3276800xi32, #tpu.memory_space<hbm>> -> memref<1024xi32, #tpu.memory_space<hbm>>
        tpu.wait_dma2 semaphore(%arg25 : memref<!tpu.dma_semaphore, #tpu.memory_space<semaphore_mem>>) src(%dma_wait3A_771 : memref<1024xi32, #tpu.memory_space<hbm>>) dst(%arg11 : memref<1024xi32, #tpu.memory_space<vmem>>)
        %dma_wait3A_772 = tpu.memref_slice %arg3[%add3A_769] : memref<3276800xi32, #tpu.memory_space<hbm>> -> memref<1024xi32, #tpu.memory_space<hbm>>
        %dma_wait3A_773 = tpu.memref_slice %arg3[%add3A_769] : memref<3276800xi32, #tpu.memory_space<hbm>> -> memref<1024xi32, #tpu.memory_space<hbm>>
        tpu.wait_dma2 semaphore(%arg25 : memref<!tpu.dma_semaphore, #tpu.memory_space<semaphore_mem>>) src(%dma_wait3A_773 : memref<1024xi32, #tpu.memory_space<hbm>>) dst(%arg12 : memref<1024xi32, #tpu.memory_space<vmem>>)
        %dma_start3A_774 = arith.constant 0 : i32
        %dma_start3A_775 = arith.constant 0 : i32
        %dma_start3A_776 = tpu.memref_slice %arg15[%dma_start3A_774, %dma_start3A_775] : memref<1024x16xf32, #tpu.memory_space<vmem>> -> memref<128x16xf32, #tpu.memory_space<vmem>>
        %dma_start3A_777 = arith.constant 0 : i32
        %dma_start3A_778 = tpu.memref_slice %arg11[%dma_start3A_777] : memref<1024xi32, #tpu.memory_space<vmem>> -> memref<128xi32, #tpu.memory_space<vmem>>
        %dma_start3A_779 = arith.constant 0 : i32
        %dma_start3A_780 = arith.constant 0 : i32
        %dma_start3A_781 = tpu.memref_slice %arg4[%dma_start3A_779, %dma_start3A_780] : memref<100352x16xf32, #tpu.memory_space<hbm>> -> memref<100352x16xf32, #tpu.memory_space<hbm>>
        tpu.enqueue_indirect_dma source(%dma_start3A_781 : memref<100352x16xf32, #tpu.memory_space<hbm>>) target(%dma_start3A_776 : memref<128x16xf32, #tpu.memory_space<vmem>>) offsets(%dma_start3A_778 : memref<128xi32, #tpu.memory_space<vmem>>) semaphore(%arg21 : memref<!tpu.dma_semaphore, #tpu.memory_space<semaphore_mem>>)
        %dma_start3A_782 = arith.constant 0 : i32
        %dma_start3A_783 = arith.constant 0 : i32
        %dma_start3A_784 = tpu.memref_slice %arg16[%dma_start3A_782, %dma_start3A_783] : memref<1024x16xf32, #tpu.memory_space<vmem>> -> memref<128x16xf32, #tpu.memory_space<vmem>>
        %dma_start3A_785 = arith.constant 0 : i32
        %dma_start3A_786 = tpu.memref_slice %arg12[%dma_start3A_785] : memref<1024xi32, #tpu.memory_space<vmem>> -> memref<128xi32, #tpu.memory_space<vmem>>
        %dma_start3A_787 = arith.constant 0 : i32
        %dma_start3A_788 = arith.constant 0 : i32
        %dma_start3A_789 = tpu.memref_slice %arg4[%dma_start3A_787, %dma_start3A_788] : memref<100352x16xf32, #tpu.memory_space<hbm>> -> memref<100352x16xf32, #tpu.memory_space<hbm>>
        tpu.enqueue_indirect_dma source(%dma_start3A_789 : memref<100352x16xf32, #tpu.memory_space<hbm>>) target(%dma_start3A_784 : memref<128x16xf32, #tpu.memory_space<vmem>>) offsets(%dma_start3A_786 : memref<128xi32, #tpu.memory_space<vmem>>) semaphore(%arg21 : memref<!tpu.dma_semaphore, #tpu.memory_space<semaphore_mem>>)
        %dma_start3A_790 = arith.constant 128 : i32
        %dma_start3A_791 = arith.constant 0 : i32
        %dma_start3A_792 = tpu.memref_slice %arg15[%dma_start3A_790, %dma_start3A_791] : memref<1024x16xf32, #tpu.memory_space<vmem>> -> memref<128x16xf32, #tpu.memory_space<vmem>>
        %dma_start3A_793 = arith.constant 128 : i32
        %dma_start3A_794 = tpu.memref_slice %arg11[%dma_start3A_793] : memref<1024xi32, #tpu.memory_space<vmem>> -> memref<128xi32, #tpu.memory_space<vmem>>
        %dma_start3A_795 = arith.constant 0 : i32
        %dma_start3A_796 = arith.constant 0 : i32
        %dma_start3A_797 = tpu.memref_slice %arg4[%dma_start3A_795, %dma_start3A_796] : memref<100352x16xf32, #tpu.memory_space<hbm>> -> memref<100352x16xf32, #tpu.memory_space<hbm>>
        tpu.enqueue_indirect_dma source(%dma_start3A_797 : memref<100352x16xf32, #tpu.memory_space<hbm>>) target(%dma_start3A_792 : memref<128x16xf32, #tpu.memory_space<vmem>>) offsets(%dma_start3A_794 : memref<128xi32, #tpu.memory_space<vmem>>) semaphore(%arg21 : memref<!tpu.dma_semaphore, #tpu.memory_space<semaphore_mem>>)
        %dma_start3A_798 = arith.constant 128 : i32
        %dma_start3A_799 = arith.constant 0 : i32
        %dma_start3A_800 = tpu.memref_slice %arg16[%dma_start3A_798, %dma_start3A_799] : memref<1024x16xf32, #tpu.memory_space<vmem>> -> memref<128x16xf32, #tpu.memory_space<vmem>>
        %dma_start3A_801 = arith.constant 128 : i32
        %dma_start3A_802 = tpu.memref_slice %arg12[%dma_start3A_801] : memref<1024xi32, #tpu.memory_space<vmem>> -> memref<128xi32, #tpu.memory_space<vmem>>
        %dma_start3A_803 = arith.constant 0 : i32
        %dma_start3A_804 = arith.constant 0 : i32
        %dma_start3A_805 = tpu.memref_slice %arg4[%dma_start3A_803, %dma_start3A_804] : memref<100352x16xf32, #tpu.memory_space<hbm>> -> memref<100352x16xf32, #tpu.memory_space<hbm>>
        tpu.enqueue_indirect_dma source(%dma_start3A_805 : memref<100352x16xf32, #tpu.memory_space<hbm>>) target(%dma_start3A_800 : memref<128x16xf32, #tpu.memory_space<vmem>>) offsets(%dma_start3A_802 : memref<128xi32, #tpu.memory_space<vmem>>) semaphore(%arg21 : memref<!tpu.dma_semaphore, #tpu.memory_space<semaphore_mem>>)
        %dma_start3A_806 = arith.constant 256 : i32
        %dma_start3A_807 = arith.constant 0 : i32
        %dma_start3A_808 = tpu.memref_slice %arg15[%dma_start3A_806, %dma_start3A_807] : memref<1024x16xf32, #tpu.memory_space<vmem>> -> memref<128x16xf32, #tpu.memory_space<vmem>>
        %dma_start3A_809 = arith.constant 256 : i32
        %dma_start3A_810 = tpu.memref_slice %arg11[%dma_start3A_809] : memref<1024xi32, #tpu.memory_space<vmem>> -> memref<128xi32, #tpu.memory_space<vmem>>
        %dma_start3A_811 = arith.constant 0 : i32
        %dma_start3A_812 = arith.constant 0 : i32
        %dma_start3A_813 = tpu.memref_slice %arg4[%dma_start3A_811, %dma_start3A_812] : memref<100352x16xf32, #tpu.memory_space<hbm>> -> memref<100352x16xf32, #tpu.memory_space<hbm>>
        tpu.enqueue_indirect_dma source(%dma_start3A_813 : memref<100352x16xf32, #tpu.memory_space<hbm>>) target(%dma_start3A_808 : memref<128x16xf32, #tpu.memory_space<vmem>>) offsets(%dma_start3A_810 : memref<128xi32, #tpu.memory_space<vmem>>) semaphore(%arg21 : memref<!tpu.dma_semaphore, #tpu.memory_space<semaphore_mem>>)
        %dma_start3A_814 = arith.constant 256 : i32
        %dma_start3A_815 = arith.constant 0 : i32
        %dma_start3A_816 = tpu.memref_slice %arg16[%dma_start3A_814, %dma_start3A_815] : memref<1024x16xf32, #tpu.memory_space<vmem>> -> memref<128x16xf32, #tpu.memory_space<vmem>>
        %dma_start3A_817 = arith.constant 256 : i32
        %dma_start3A_818 = tpu.memref_slice %arg12[%dma_start3A_817] : memref<1024xi32, #tpu.memory_space<vmem>> -> memref<128xi32, #tpu.memory_space<vmem>>
        %dma_start3A_819 = arith.constant 0 : i32
        %dma_start3A_820 = arith.constant 0 : i32
        %dma_start3A_821 = tpu.memref_slice %arg4[%dma_start3A_819, %dma_start3A_820] : memref<100352x16xf32, #tpu.memory_space<hbm>> -> memref<100352x16xf32, #tpu.memory_space<hbm>>
        tpu.enqueue_indirect_dma source(%dma_start3A_821 : memref<100352x16xf32, #tpu.memory_space<hbm>>) target(%dma_start3A_816 : memref<128x16xf32, #tpu.memory_space<vmem>>) offsets(%dma_start3A_818 : memref<128xi32, #tpu.memory_space<vmem>>) semaphore(%arg21 : memref<!tpu.dma_semaphore, #tpu.memory_space<semaphore_mem>>)
        %dma_start3A_822 = arith.constant 384 : i32
        %dma_start3A_823 = arith.constant 0 : i32
        %dma_start3A_824 = tpu.memref_slice %arg15[%dma_start3A_822, %dma_start3A_823] : memref<1024x16xf32, #tpu.memory_space<vmem>> -> memref<128x16xf32, #tpu.memory_space<vmem>>
        %dma_start3A_825 = arith.constant 384 : i32
        %dma_start3A_826 = tpu.memref_slice %arg11[%dma_start3A_825] : memref<1024xi32, #tpu.memory_space<vmem>> -> memref<128xi32, #tpu.memory_space<vmem>>
        %dma_start3A_827 = arith.constant 0 : i32
        %dma_start3A_828 = arith.constant 0 : i32
        %dma_start3A_829 = tpu.memref_slice %arg4[%dma_start3A_827, %dma_start3A_828] : memref<100352x16xf32, #tpu.memory_space<hbm>> -> memref<100352x16xf32, #tpu.memory_space<hbm>>
        tpu.enqueue_indirect_dma source(%dma_start3A_829 : memref<100352x16xf32, #tpu.memory_space<hbm>>) target(%dma_start3A_824 : memref<128x16xf32, #tpu.memory_space<vmem>>) offsets(%dma_start3A_826 : memref<128xi32, #tpu.memory_space<vmem>>) semaphore(%arg21 : memref<!tpu.dma_semaphore, #tpu.memory_space<semaphore_mem>>)
        %dma_start3A_830 = arith.constant 384 : i32
        %dma_start3A_831 = arith.constant 0 : i32
        %dma_start3A_832 = tpu.memref_slice %arg16[%dma_start3A_830, %dma_start3A_831] : memref<1024x16xf32, #tpu.memory_space<vmem>> -> memref<128x16xf32, #tpu.memory_space<vmem>>
        %dma_start3A_833 = arith.constant 384 : i32
        %dma_start3A_834 = tpu.memref_slice %arg12[%dma_start3A_833] : memref<1024xi32, #tpu.memory_space<vmem>> -> memref<128xi32, #tpu.memory_space<vmem>>
        %dma_start3A_835 = arith.constant 0 : i32
        %dma_start3A_836 = arith.constant 0 : i32
        %dma_start3A_837 = tpu.memref_slice %arg4[%dma_start3A_835, %dma_start3A_836] : memref<100352x16xf32, #tpu.memory_space<hbm>> -> memref<100352x16xf32, #tpu.memory_space<hbm>>
        tpu.enqueue_indirect_dma source(%dma_start3A_837 : memref<100352x16xf32, #tpu.memory_space<hbm>>) target(%dma_start3A_832 : memref<128x16xf32, #tpu.memory_space<vmem>>) offsets(%dma_start3A_834 : memref<128xi32, #tpu.memory_space<vmem>>) semaphore(%arg21 : memref<!tpu.dma_semaphore, #tpu.memory_space<semaphore_mem>>)
        %dma_start3A_838 = arith.constant 512 : i32
        %dma_start3A_839 = arith.constant 0 : i32
        %dma_start3A_840 = tpu.memref_slice %arg15[%dma_start3A_838, %dma_start3A_839] : memref<1024x16xf32, #tpu.memory_space<vmem>> -> memref<128x16xf32, #tpu.memory_space<vmem>>
        %dma_start3A_841 = arith.constant 512 : i32
        %dma_start3A_842 = tpu.memref_slice %arg11[%dma_start3A_841] : memref<1024xi32, #tpu.memory_space<vmem>> -> memref<128xi32, #tpu.memory_space<vmem>>
        %dma_start3A_843 = arith.constant 0 : i32
        %dma_start3A_844 = arith.constant 0 : i32
        %dma_start3A_845 = tpu.memref_slice %arg4[%dma_start3A_843, %dma_start3A_844] : memref<100352x16xf32, #tpu.memory_space<hbm>> -> memref<100352x16xf32, #tpu.memory_space<hbm>>
        tpu.enqueue_indirect_dma source(%dma_start3A_845 : memref<100352x16xf32, #tpu.memory_space<hbm>>) target(%dma_start3A_840 : memref<128x16xf32, #tpu.memory_space<vmem>>) offsets(%dma_start3A_842 : memref<128xi32, #tpu.memory_space<vmem>>) semaphore(%arg21 : memref<!tpu.dma_semaphore, #tpu.memory_space<semaphore_mem>>)
        %dma_start3A_846 = arith.constant 512 : i32
        %dma_start3A_847 = arith.constant 0 : i32
        %dma_start3A_848 = tpu.memref_slice %arg16[%dma_start3A_846, %dma_start3A_847] : memref<1024x16xf32, #tpu.memory_space<vmem>> -> memref<128x16xf32, #tpu.memory_space<vmem>>
        %dma_start3A_849 = arith.constant 512 : i32
        %dma_start3A_850 = tpu.memref_slice %arg12[%dma_start3A_849] : memref<1024xi32, #tpu.memory_space<vmem>> -> memref<128xi32, #tpu.memory_space<vmem>>
        %dma_start3A_851 = arith.constant 0 : i32
        %dma_start3A_852 = arith.constant 0 : i32
        %dma_start3A_853 = tpu.memref_slice %arg4[%dma_start3A_851, %dma_start3A_852] : memref<100352x16xf32, #tpu.memory_space<hbm>> -> memref<100352x16xf32, #tpu.memory_space<hbm>>
        tpu.enqueue_indirect_dma source(%dma_start3A_853 : memref<100352x16xf32, #tpu.memory_space<hbm>>) target(%dma_start3A_848 : memref<128x16xf32, #tpu.memory_space<vmem>>) offsets(%dma_start3A_850 : memref<128xi32, #tpu.memory_space<vmem>>) semaphore(%arg21 : memref<!tpu.dma_semaphore, #tpu.memory_space<semaphore_mem>>)
        %dma_start3A_854 = arith.constant 640 : i32
        %dma_start3A_855 = arith.constant 0 : i32
        %dma_start3A_856 = tpu.memref_slice %arg15[%dma_start3A_854, %dma_start3A_855] : memref<1024x16xf32, #tpu.memory_space<vmem>> -> memref<128x16xf32, #tpu.memory_space<vmem>>
        %dma_start3A_857 = arith.constant 640 : i32
        %dma_start3A_858 = tpu.memref_slice %arg11[%dma_start3A_857] : memref<1024xi32, #tpu.memory_space<vmem>> -> memref<128xi32, #tpu.memory_space<vmem>>
        %dma_start3A_859 = arith.constant 0 : i32
        %dma_start3A_860 = arith.constant 0 : i32
        %dma_start3A_861 = tpu.memref_slice %arg4[%dma_start3A_859, %dma_start3A_860] : memref<100352x16xf32, #tpu.memory_space<hbm>> -> memref<100352x16xf32, #tpu.memory_space<hbm>>
        tpu.enqueue_indirect_dma source(%dma_start3A_861 : memref<100352x16xf32, #tpu.memory_space<hbm>>) target(%dma_start3A_856 : memref<128x16xf32, #tpu.memory_space<vmem>>) offsets(%dma_start3A_858 : memref<128xi32, #tpu.memory_space<vmem>>) semaphore(%arg21 : memref<!tpu.dma_semaphore, #tpu.memory_space<semaphore_mem>>)
        %dma_start3A_862 = arith.constant 640 : i32
        %dma_start3A_863 = arith.constant 0 : i32
        %dma_start3A_864 = tpu.memref_slice %arg16[%dma_start3A_862, %dma_start3A_863] : memref<1024x16xf32, #tpu.memory_space<vmem>> -> memref<128x16xf32, #tpu.memory_space<vmem>>
        %dma_start3A_865 = arith.constant 640 : i32
        %dma_start3A_866 = tpu.memref_slice %arg12[%dma_start3A_865] : memref<1024xi32, #tpu.memory_space<vmem>> -> memref<128xi32, #tpu.memory_space<vmem>>
        %dma_start3A_867 = arith.constant 0 : i32
        %dma_start3A_868 = arith.constant 0 : i32
        %dma_start3A_869 = tpu.memref_slice %arg4[%dma_start3A_867, %dma_start3A_868] : memref<100352x16xf32, #tpu.memory_space<hbm>> -> memref<100352x16xf32, #tpu.memory_space<hbm>>
        tpu.enqueue_indirect_dma source(%dma_start3A_869 : memref<100352x16xf32, #tpu.memory_space<hbm>>) target(%dma_start3A_864 : memref<128x16xf32, #tpu.memory_space<vmem>>) offsets(%dma_start3A_866 : memref<128xi32, #tpu.memory_space<vmem>>) semaphore(%arg21 : memref<!tpu.dma_semaphore, #tpu.memory_space<semaphore_mem>>)
        %dma_start3A_870 = arith.constant 768 : i32
        %dma_start3A_871 = arith.constant 0 : i32
        %dma_start3A_872 = tpu.memref_slice %arg15[%dma_start3A_870, %dma_start3A_871] : memref<1024x16xf32, #tpu.memory_space<vmem>> -> memref<128x16xf32, #tpu.memory_space<vmem>>
        %dma_start3A_873 = arith.constant 768 : i32
        %dma_start3A_874 = tpu.memref_slice %arg11[%dma_start3A_873] : memref<1024xi32, #tpu.memory_space<vmem>> -> memref<128xi32, #tpu.memory_space<vmem>>
        %dma_start3A_875 = arith.constant 0 : i32
        %dma_start3A_876 = arith.constant 0 : i32
        %dma_start3A_877 = tpu.memref_slice %arg4[%dma_start3A_875, %dma_start3A_876] : memref<100352x16xf32, #tpu.memory_space<hbm>> -> memref<100352x16xf32, #tpu.memory_space<hbm>>
        tpu.enqueue_indirect_dma source(%dma_start3A_877 : memref<100352x16xf32, #tpu.memory_space<hbm>>) target(%dma_start3A_872 : memref<128x16xf32, #tpu.memory_space<vmem>>) offsets(%dma_start3A_874 : memref<128xi32, #tpu.memory_space<vmem>>) semaphore(%arg21 : memref<!tpu.dma_semaphore, #tpu.memory_space<semaphore_mem>>)
        %dma_start3A_878 = arith.constant 768 : i32
        %dma_start3A_879 = arith.constant 0 : i32
        %dma_start3A_880 = tpu.memref_slice %arg16[%dma_start3A_878, %dma_start3A_879] : memref<1024x16xf32, #tpu.memory_space<vmem>> -> memref<128x16xf32, #tpu.memory_space<vmem>>
        %dma_start3A_881 = arith.constant 768 : i32
        %dma_start3A_882 = tpu.memref_slice %arg12[%dma_start3A_881] : memref<1024xi32, #tpu.memory_space<vmem>> -> memref<128xi32, #tpu.memory_space<vmem>>
        %dma_start3A_883 = arith.constant 0 : i32
        %dma_start3A_884 = arith.constant 0 : i32
        %dma_start3A_885 = tpu.memref_slice %arg4[%dma_start3A_883, %dma_start3A_884] : memref<100352x16xf32, #tpu.memory_space<hbm>> -> memref<100352x16xf32, #tpu.memory_space<hbm>>
        tpu.enqueue_indirect_dma source(%dma_start3A_885 : memref<100352x16xf32, #tpu.memory_space<hbm>>) target(%dma_start3A_880 : memref<128x16xf32, #tpu.memory_space<vmem>>) offsets(%dma_start3A_882 : memref<128xi32, #tpu.memory_space<vmem>>) semaphore(%arg21 : memref<!tpu.dma_semaphore, #tpu.memory_space<semaphore_mem>>)
        %dma_start3A_886 = arith.constant 896 : i32
        %dma_start3A_887 = arith.constant 0 : i32
        %dma_start3A_888 = tpu.memref_slice %arg15[%dma_start3A_886, %dma_start3A_887] : memref<1024x16xf32, #tpu.memory_space<vmem>> -> memref<128x16xf32, #tpu.memory_space<vmem>>
        %dma_start3A_889 = arith.constant 896 : i32
        %dma_start3A_890 = tpu.memref_slice %arg11[%dma_start3A_889] : memref<1024xi32, #tpu.memory_space<vmem>> -> memref<128xi32, #tpu.memory_space<vmem>>
        %dma_start3A_891 = arith.constant 0 : i32
        %dma_start3A_892 = arith.constant 0 : i32
        %dma_start3A_893 = tpu.memref_slice %arg4[%dma_start3A_891, %dma_start3A_892] : memref<100352x16xf32, #tpu.memory_space<hbm>> -> memref<100352x16xf32, #tpu.memory_space<hbm>>
        tpu.enqueue_indirect_dma source(%dma_start3A_893 : memref<100352x16xf32, #tpu.memory_space<hbm>>) target(%dma_start3A_888 : memref<128x16xf32, #tpu.memory_space<vmem>>) offsets(%dma_start3A_890 : memref<128xi32, #tpu.memory_space<vmem>>) semaphore(%arg21 : memref<!tpu.dma_semaphore, #tpu.memory_space<semaphore_mem>>)
        %dma_start3A_894 = arith.constant 896 : i32
        %dma_start3A_895 = arith.constant 0 : i32
        %dma_start3A_896 = tpu.memref_slice %arg16[%dma_start3A_894, %dma_start3A_895] : memref<1024x16xf32, #tpu.memory_space<vmem>> -> memref<128x16xf32, #tpu.memory_space<vmem>>
        %dma_start3A_897 = arith.constant 896 : i32
        %dma_start3A_898 = tpu.memref_slice %arg12[%dma_start3A_897] : memref<1024xi32, #tpu.memory_space<vmem>> -> memref<128xi32, #tpu.memory_space<vmem>>
        %dma_start3A_899 = arith.constant 0 : i32
        %dma_start3A_900 = arith.constant 0 : i32
        %dma_start3A_901 = tpu.memref_slice %arg4[%dma_start3A_899, %dma_start3A_900] : memref<100352x16xf32, #tpu.memory_space<hbm>> -> memref<100352x16xf32, #tpu.memory_space<hbm>>
        tpu.enqueue_indirect_dma source(%dma_start3A_901 : memref<100352x16xf32, #tpu.memory_space<hbm>>) target(%dma_start3A_896 : memref<128x16xf32, #tpu.memory_space<vmem>>) offsets(%dma_start3A_898 : memref<128xi32, #tpu.memory_space<vmem>>) semaphore(%arg21 : memref<!tpu.dma_semaphore, #tpu.memory_space<semaphore_mem>>)
      } else {
      }
      %add3A_324 = arith.constant 3 : i32
      %add3A_325 = arith.addi %add3A_316, %add3A_324 : i32
      %lt3A_326 = arith.constant 100 : i32
      %lt3A_327 = arith.cmpi slt, %add3A_325, %lt3A_326 : i32
      %convert_element_type3A_328 = arith.extui %lt3A_327 : i1 to i32
      %cond3A_329 = arith.constant 0 : i32
      %cond3A_330 = arith.cmpi ne, %convert_element_type3A_328, %cond3A_329 : i32
      scf.if %cond3A_330 {
        %add3A_765 = arith.constant 3 : i32
        %add3A_766 = arith.addi %add3A_316, %add3A_765 : i32
        %mul3A_767 = arith.constant 1024 : i32
        %mul3A_768 = arith.muli %add3A_766, %mul3A_767 : i32
        %add3A_769 = arith.addi %mul3A_2, %mul3A_768 : i32
        %dma_start3A_770 = tpu.memref_slice %arg2[%add3A_769] : memref<3276800xi32, #tpu.memory_space<hbm>> -> memref<1024xi32, #tpu.memory_space<hbm>>
        %dma_start3A_771 = tpu.memref_slice %arg2[%add3A_769] : memref<3276800xi32, #tpu.memory_space<hbm>> -> memref<1024xi32, #tpu.memory_space<hbm>>
        tpu.enqueue_dma source(%dma_start3A_771 : memref<1024xi32, #tpu.memory_space<hbm>>) target(%arg7 : memref<1024xi32, #tpu.memory_space<vmem>>) target_semaphore(%arg23 : memref<!tpu.dma_semaphore, #tpu.memory_space<semaphore_mem>>)
        %dma_start3A_772 = tpu.memref_slice %arg3[%add3A_769] : memref<3276800xi32, #tpu.memory_space<hbm>> -> memref<1024xi32, #tpu.memory_space<hbm>>
        %dma_start3A_773 = tpu.memref_slice %arg3[%add3A_769] : memref<3276800xi32, #tpu.memory_space<hbm>> -> memref<1024xi32, #tpu.memory_space<hbm>>
        tpu.enqueue_dma source(%dma_start3A_773 : memref<1024xi32, #tpu.memory_space<hbm>>) target(%arg8 : memref<1024xi32, #tpu.memory_space<vmem>>) target_semaphore(%arg23 : memref<!tpu.dma_semaphore, #tpu.memory_space<semaphore_mem>>)
      } else {
      }
      %dma_wait3A_331 = arith.constant 0 : i32
      %dma_wait3A_332 = arith.constant 0 : i32
      %dma_wait3A_333 = tpu.memref_slice %arg17[%dma_wait3A_331, %dma_wait3A_332] : memref<1024x16xf32, #tpu.memory_space<vmem>> -> memref<128x16xf32, #tpu.memory_space<vmem>>
      %dma_wait3A_334 = arith.constant 0 : i32
      %dma_wait3A_335 = tpu.memref_slice %arg9[%dma_wait3A_334] : memref<1024xi32, #tpu.memory_space<vmem>> -> memref<128xi32, #tpu.memory_space<vmem>>
      %dma_wait3A_336 = arith.constant 0 : i32
      %dma_wait3A_337 = arith.constant 0 : i32
      %dma_wait3A_338 = tpu.memref_slice %arg4[%dma_wait3A_336, %dma_wait3A_337] : memref<100352x16xf32, #tpu.memory_space<hbm>> -> memref<100352x16xf32, #tpu.memory_space<hbm>>
      tpu.wait_indirect_dma semaphore(%arg22 : memref<!tpu.dma_semaphore, #tpu.memory_space<semaphore_mem>>) src(%dma_wait3A_338 : memref<100352x16xf32, #tpu.memory_space<hbm>>) dst(%dma_wait3A_333 : memref<128x16xf32, #tpu.memory_space<vmem>>)
      %dma_wait3A_339 = arith.constant 0 : i32
      %dma_wait3A_340 = arith.constant 0 : i32
      %dma_wait3A_341 = tpu.memref_slice %arg18[%dma_wait3A_339, %dma_wait3A_340] : memref<1024x16xf32, #tpu.memory_space<vmem>> -> memref<128x16xf32, #tpu.memory_space<vmem>>
      %dma_wait3A_342 = arith.constant 0 : i32
      %dma_wait3A_343 = tpu.memref_slice %arg10[%dma_wait3A_342] : memref<1024xi32, #tpu.memory_space<vmem>> -> memref<128xi32, #tpu.memory_space<vmem>>
      %dma_wait3A_344 = arith.constant 0 : i32
      %dma_wait3A_345 = arith.constant 0 : i32
      %dma_wait3A_346 = tpu.memref_slice %arg4[%dma_wait3A_344, %dma_wait3A_345] : memref<100352x16xf32, #tpu.memory_space<hbm>> -> memref<100352x16xf32, #tpu.memory_space<hbm>>
      tpu.wait_indirect_dma semaphore(%arg22 : memref<!tpu.dma_semaphore, #tpu.memory_space<semaphore_mem>>) src(%dma_wait3A_346 : memref<100352x16xf32, #tpu.memory_space<hbm>>) dst(%dma_wait3A_341 : memref<128x16xf32, #tpu.memory_space<vmem>>)
      %dma_wait3A_347 = arith.constant 128 : i32
      %dma_wait3A_348 = arith.constant 0 : i32
      %dma_wait3A_349 = tpu.memref_slice %arg17[%dma_wait3A_347, %dma_wait3A_348] : memref<1024x16xf32, #tpu.memory_space<vmem>> -> memref<128x16xf32, #tpu.memory_space<vmem>>
      %dma_wait3A_350 = arith.constant 128 : i32
      %dma_wait3A_351 = tpu.memref_slice %arg9[%dma_wait3A_350] : memref<1024xi32, #tpu.memory_space<vmem>> -> memref<128xi32, #tpu.memory_space<vmem>>
      %dma_wait3A_352 = arith.constant 0 : i32
      %dma_wait3A_353 = arith.constant 0 : i32
      %dma_wait3A_354 = tpu.memref_slice %arg4[%dma_wait3A_352, %dma_wait3A_353] : memref<100352x16xf32, #tpu.memory_space<hbm>> -> memref<100352x16xf32, #tpu.memory_space<hbm>>
      tpu.wait_indirect_dma semaphore(%arg22 : memref<!tpu.dma_semaphore, #tpu.memory_space<semaphore_mem>>) src(%dma_wait3A_354 : memref<100352x16xf32, #tpu.memory_space<hbm>>) dst(%dma_wait3A_349 : memref<128x16xf32, #tpu.memory_space<vmem>>)
      %dma_wait3A_355 = arith.constant 128 : i32
      %dma_wait3A_356 = arith.constant 0 : i32
      %dma_wait3A_357 = tpu.memref_slice %arg18[%dma_wait3A_355, %dma_wait3A_356] : memref<1024x16xf32, #tpu.memory_space<vmem>> -> memref<128x16xf32, #tpu.memory_space<vmem>>
      %dma_wait3A_358 = arith.constant 128 : i32
      %dma_wait3A_359 = tpu.memref_slice %arg10[%dma_wait3A_358] : memref<1024xi32, #tpu.memory_space<vmem>> -> memref<128xi32, #tpu.memory_space<vmem>>
      %dma_wait3A_360 = arith.constant 0 : i32
      %dma_wait3A_361 = arith.constant 0 : i32
      %dma_wait3A_362 = tpu.memref_slice %arg4[%dma_wait3A_360, %dma_wait3A_361] : memref<100352x16xf32, #tpu.memory_space<hbm>> -> memref<100352x16xf32, #tpu.memory_space<hbm>>
      tpu.wait_indirect_dma semaphore(%arg22 : memref<!tpu.dma_semaphore, #tpu.memory_space<semaphore_mem>>) src(%dma_wait3A_362 : memref<100352x16xf32, #tpu.memory_space<hbm>>) dst(%dma_wait3A_357 : memref<128x16xf32, #tpu.memory_space<vmem>>)
      %dma_wait3A_363 = arith.constant 256 : i32
      %dma_wait3A_364 = arith.constant 0 : i32
      %dma_wait3A_365 = tpu.memref_slice %arg17[%dma_wait3A_363, %dma_wait3A_364] : memref<1024x16xf32, #tpu.memory_space<vmem>> -> memref<128x16xf32, #tpu.memory_space<vmem>>
      %dma_wait3A_366 = arith.constant 256 : i32
      %dma_wait3A_367 = tpu.memref_slice %arg9[%dma_wait3A_366] : memref<1024xi32, #tpu.memory_space<vmem>> -> memref<128xi32, #tpu.memory_space<vmem>>
      %dma_wait3A_368 = arith.constant 0 : i32
      %dma_wait3A_369 = arith.constant 0 : i32
      %dma_wait3A_370 = tpu.memref_slice %arg4[%dma_wait3A_368, %dma_wait3A_369] : memref<100352x16xf32, #tpu.memory_space<hbm>> -> memref<100352x16xf32, #tpu.memory_space<hbm>>
      tpu.wait_indirect_dma semaphore(%arg22 : memref<!tpu.dma_semaphore, #tpu.memory_space<semaphore_mem>>) src(%dma_wait3A_370 : memref<100352x16xf32, #tpu.memory_space<hbm>>) dst(%dma_wait3A_365 : memref<128x16xf32, #tpu.memory_space<vmem>>)
      %dma_wait3A_371 = arith.constant 256 : i32
      %dma_wait3A_372 = arith.constant 0 : i32
      %dma_wait3A_373 = tpu.memref_slice %arg18[%dma_wait3A_371, %dma_wait3A_372] : memref<1024x16xf32, #tpu.memory_space<vmem>> -> memref<128x16xf32, #tpu.memory_space<vmem>>
      %dma_wait3A_374 = arith.constant 256 : i32
      %dma_wait3A_375 = tpu.memref_slice %arg10[%dma_wait3A_374] : memref<1024xi32, #tpu.memory_space<vmem>> -> memref<128xi32, #tpu.memory_space<vmem>>
      %dma_wait3A_376 = arith.constant 0 : i32
      %dma_wait3A_377 = arith.constant 0 : i32
      %dma_wait3A_378 = tpu.memref_slice %arg4[%dma_wait3A_376, %dma_wait3A_377] : memref<100352x16xf32, #tpu.memory_space<hbm>> -> memref<100352x16xf32, #tpu.memory_space<hbm>>
      tpu.wait_indirect_dma semaphore(%arg22 : memref<!tpu.dma_semaphore, #tpu.memory_space<semaphore_mem>>) src(%dma_wait3A_378 : memref<100352x16xf32, #tpu.memory_space<hbm>>) dst(%dma_wait3A_373 : memref<128x16xf32, #tpu.memory_space<vmem>>)
      %dma_wait3A_379 = arith.constant 384 : i32
      %dma_wait3A_380 = arith.constant 0 : i32
      %dma_wait3A_381 = tpu.memref_slice %arg17[%dma_wait3A_379, %dma_wait3A_380] : memref<1024x16xf32, #tpu.memory_space<vmem>> -> memref<128x16xf32, #tpu.memory_space<vmem>>
      %dma_wait3A_382 = arith.constant 384 : i32
      %dma_wait3A_383 = tpu.memref_slice %arg9[%dma_wait3A_382] : memref<1024xi32, #tpu.memory_space<vmem>> -> memref<128xi32, #tpu.memory_space<vmem>>
      %dma_wait3A_384 = arith.constant 0 : i32
      %dma_wait3A_385 = arith.constant 0 : i32
      %dma_wait3A_386 = tpu.memref_slice %arg4[%dma_wait3A_384, %dma_wait3A_385] : memref<100352x16xf32, #tpu.memory_space<hbm>> -> memref<100352x16xf32, #tpu.memory_space<hbm>>
      tpu.wait_indirect_dma semaphore(%arg22 : memref<!tpu.dma_semaphore, #tpu.memory_space<semaphore_mem>>) src(%dma_wait3A_386 : memref<100352x16xf32, #tpu.memory_space<hbm>>) dst(%dma_wait3A_381 : memref<128x16xf32, #tpu.memory_space<vmem>>)
      %dma_wait3A_387 = arith.constant 384 : i32
      %dma_wait3A_388 = arith.constant 0 : i32
      %dma_wait3A_389 = tpu.memref_slice %arg18[%dma_wait3A_387, %dma_wait3A_388] : memref<1024x16xf32, #tpu.memory_space<vmem>> -> memref<128x16xf32, #tpu.memory_space<vmem>>
      %dma_wait3A_390 = arith.constant 384 : i32
      %dma_wait3A_391 = tpu.memref_slice %arg10[%dma_wait3A_390] : memref<1024xi32, #tpu.memory_space<vmem>> -> memref<128xi32, #tpu.memory_space<vmem>>
      %dma_wait3A_392 = arith.constant 0 : i32
      %dma_wait3A_393 = arith.constant 0 : i32
      %dma_wait3A_394 = tpu.memref_slice %arg4[%dma_wait3A_392, %dma_wait3A_393] : memref<100352x16xf32, #tpu.memory_space<hbm>> -> memref<100352x16xf32, #tpu.memory_space<hbm>>
      tpu.wait_indirect_dma semaphore(%arg22 : memref<!tpu.dma_semaphore, #tpu.memory_space<semaphore_mem>>) src(%dma_wait3A_394 : memref<100352x16xf32, #tpu.memory_space<hbm>>) dst(%dma_wait3A_389 : memref<128x16xf32, #tpu.memory_space<vmem>>)
      %dma_wait3A_395 = arith.constant 512 : i32
      %dma_wait3A_396 = arith.constant 0 : i32
      %dma_wait3A_397 = tpu.memref_slice %arg17[%dma_wait3A_395, %dma_wait3A_396] : memref<1024x16xf32, #tpu.memory_space<vmem>> -> memref<128x16xf32, #tpu.memory_space<vmem>>
      %dma_wait3A_398 = arith.constant 512 : i32
      %dma_wait3A_399 = tpu.memref_slice %arg9[%dma_wait3A_398] : memref<1024xi32, #tpu.memory_space<vmem>> -> memref<128xi32, #tpu.memory_space<vmem>>
      %dma_wait3A_400 = arith.constant 0 : i32
      %dma_wait3A_401 = arith.constant 0 : i32
      %dma_wait3A_402 = tpu.memref_slice %arg4[%dma_wait3A_400, %dma_wait3A_401] : memref<100352x16xf32, #tpu.memory_space<hbm>> -> memref<100352x16xf32, #tpu.memory_space<hbm>>
      tpu.wait_indirect_dma semaphore(%arg22 : memref<!tpu.dma_semaphore, #tpu.memory_space<semaphore_mem>>) src(%dma_wait3A_402 : memref<100352x16xf32, #tpu.memory_space<hbm>>) dst(%dma_wait3A_397 : memref<128x16xf32, #tpu.memory_space<vmem>>)
      %dma_wait3A_403 = arith.constant 512 : i32
      %dma_wait3A_404 = arith.constant 0 : i32
      %dma_wait3A_405 = tpu.memref_slice %arg18[%dma_wait3A_403, %dma_wait3A_404] : memref<1024x16xf32, #tpu.memory_space<vmem>> -> memref<128x16xf32, #tpu.memory_space<vmem>>
      %dma_wait3A_406 = arith.constant 512 : i32
      %dma_wait3A_407 = tpu.memref_slice %arg10[%dma_wait3A_406] : memref<1024xi32, #tpu.memory_space<vmem>> -> memref<128xi32, #tpu.memory_space<vmem>>
      %dma_wait3A_408 = arith.constant 0 : i32
      %dma_wait3A_409 = arith.constant 0 : i32
      %dma_wait3A_410 = tpu.memref_slice %arg4[%dma_wait3A_408, %dma_wait3A_409] : memref<100352x16xf32, #tpu.memory_space<hbm>> -> memref<100352x16xf32, #tpu.memory_space<hbm>>
      tpu.wait_indirect_dma semaphore(%arg22 : memref<!tpu.dma_semaphore, #tpu.memory_space<semaphore_mem>>) src(%dma_wait3A_410 : memref<100352x16xf32, #tpu.memory_space<hbm>>) dst(%dma_wait3A_405 : memref<128x16xf32, #tpu.memory_space<vmem>>)
      %dma_wait3A_411 = arith.constant 640 : i32
      %dma_wait3A_412 = arith.constant 0 : i32
      %dma_wait3A_413 = tpu.memref_slice %arg17[%dma_wait3A_411, %dma_wait3A_412] : memref<1024x16xf32, #tpu.memory_space<vmem>> -> memref<128x16xf32, #tpu.memory_space<vmem>>
      %dma_wait3A_414 = arith.constant 640 : i32
      %dma_wait3A_415 = tpu.memref_slice %arg9[%dma_wait3A_414] : memref<1024xi32, #tpu.memory_space<vmem>> -> memref<128xi32, #tpu.memory_space<vmem>>
      %dma_wait3A_416 = arith.constant 0 : i32
      %dma_wait3A_417 = arith.constant 0 : i32
      %dma_wait3A_418 = tpu.memref_slice %arg4[%dma_wait3A_416, %dma_wait3A_417] : memref<100352x16xf32, #tpu.memory_space<hbm>> -> memref<100352x16xf32, #tpu.memory_space<hbm>>
      tpu.wait_indirect_dma semaphore(%arg22 : memref<!tpu.dma_semaphore, #tpu.memory_space<semaphore_mem>>) src(%dma_wait3A_418 : memref<100352x16xf32, #tpu.memory_space<hbm>>) dst(%dma_wait3A_413 : memref<128x16xf32, #tpu.memory_space<vmem>>)
      %dma_wait3A_419 = arith.constant 640 : i32
      %dma_wait3A_420 = arith.constant 0 : i32
      %dma_wait3A_421 = tpu.memref_slice %arg18[%dma_wait3A_419, %dma_wait3A_420] : memref<1024x16xf32, #tpu.memory_space<vmem>> -> memref<128x16xf32, #tpu.memory_space<vmem>>
      %dma_wait3A_422 = arith.constant 640 : i32
      %dma_wait3A_423 = tpu.memref_slice %arg10[%dma_wait3A_422] : memref<1024xi32, #tpu.memory_space<vmem>> -> memref<128xi32, #tpu.memory_space<vmem>>
      %dma_wait3A_424 = arith.constant 0 : i32
      %dma_wait3A_425 = arith.constant 0 : i32
      %dma_wait3A_426 = tpu.memref_slice %arg4[%dma_wait3A_424, %dma_wait3A_425] : memref<100352x16xf32, #tpu.memory_space<hbm>> -> memref<100352x16xf32, #tpu.memory_space<hbm>>
      tpu.wait_indirect_dma semaphore(%arg22 : memref<!tpu.dma_semaphore, #tpu.memory_space<semaphore_mem>>) src(%dma_wait3A_426 : memref<100352x16xf32, #tpu.memory_space<hbm>>) dst(%dma_wait3A_421 : memref<128x16xf32, #tpu.memory_space<vmem>>)
      %dma_wait3A_427 = arith.constant 768 : i32
      %dma_wait3A_428 = arith.constant 0 : i32
      %dma_wait3A_429 = tpu.memref_slice %arg17[%dma_wait3A_427, %dma_wait3A_428] : memref<1024x16xf32, #tpu.memory_space<vmem>> -> memref<128x16xf32, #tpu.memory_space<vmem>>
      %dma_wait3A_430 = arith.constant 768 : i32
      %dma_wait3A_431 = tpu.memref_slice %arg9[%dma_wait3A_430] : memref<1024xi32, #tpu.memory_space<vmem>> -> memref<128xi32, #tpu.memory_space<vmem>>
      %dma_wait3A_432 = arith.constant 0 : i32
      %dma_wait3A_433 = arith.constant 0 : i32
      %dma_wait3A_434 = tpu.memref_slice %arg4[%dma_wait3A_432, %dma_wait3A_433] : memref<100352x16xf32, #tpu.memory_space<hbm>> -> memref<100352x16xf32, #tpu.memory_space<hbm>>
      tpu.wait_indirect_dma semaphore(%arg22 : memref<!tpu.dma_semaphore, #tpu.memory_space<semaphore_mem>>) src(%dma_wait3A_434 : memref<100352x16xf32, #tpu.memory_space<hbm>>) dst(%dma_wait3A_429 : memref<128x16xf32, #tpu.memory_space<vmem>>)
      %dma_wait3A_435 = arith.constant 768 : i32
      %dma_wait3A_436 = arith.constant 0 : i32
      %dma_wait3A_437 = tpu.memref_slice %arg18[%dma_wait3A_435, %dma_wait3A_436] : memref<1024x16xf32, #tpu.memory_space<vmem>> -> memref<128x16xf32, #tpu.memory_space<vmem>>
      %dma_wait3A_438 = arith.constant 768 : i32
      %dma_wait3A_439 = tpu.memref_slice %arg10[%dma_wait3A_438] : memref<1024xi32, #tpu.memory_space<vmem>> -> memref<128xi32, #tpu.memory_space<vmem>>
      %dma_wait3A_440 = arith.constant 0 : i32
      %dma_wait3A_441 = arith.constant 0 : i32
      %dma_wait3A_442 = tpu.memref_slice %arg4[%dma_wait3A_440, %dma_wait3A_441] : memref<100352x16xf32, #tpu.memory_space<hbm>> -> memref<100352x16xf32, #tpu.memory_space<hbm>>
      tpu.wait_indirect_dma semaphore(%arg22 : memref<!tpu.dma_semaphore, #tpu.memory_space<semaphore_mem>>) src(%dma_wait3A_442 : memref<100352x16xf32, #tpu.memory_space<hbm>>) dst(%dma_wait3A_437 : memref<128x16xf32, #tpu.memory_space<vmem>>)
      %dma_wait3A_443 = arith.constant 896 : i32
      %dma_wait3A_444 = arith.constant 0 : i32
      %dma_wait3A_445 = tpu.memref_slice %arg17[%dma_wait3A_443, %dma_wait3A_444] : memref<1024x16xf32, #tpu.memory_space<vmem>> -> memref<128x16xf32, #tpu.memory_space<vmem>>
      %dma_wait3A_446 = arith.constant 896 : i32
      %dma_wait3A_447 = tpu.memref_slice %arg9[%dma_wait3A_446] : memref<1024xi32, #tpu.memory_space<vmem>> -> memref<128xi32, #tpu.memory_space<vmem>>
      %dma_wait3A_448 = arith.constant 0 : i32
      %dma_wait3A_449 = arith.constant 0 : i32
      %dma_wait3A_450 = tpu.memref_slice %arg4[%dma_wait3A_448, %dma_wait3A_449] : memref<100352x16xf32, #tpu.memory_space<hbm>> -> memref<100352x16xf32, #tpu.memory_space<hbm>>
      tpu.wait_indirect_dma semaphore(%arg22 : memref<!tpu.dma_semaphore, #tpu.memory_space<semaphore_mem>>) src(%dma_wait3A_450 : memref<100352x16xf32, #tpu.memory_space<hbm>>) dst(%dma_wait3A_445 : memref<128x16xf32, #tpu.memory_space<vmem>>)
      %dma_wait3A_451 = arith.constant 896 : i32
      %dma_wait3A_452 = arith.constant 0 : i32
      %dma_wait3A_453 = tpu.memref_slice %arg18[%dma_wait3A_451, %dma_wait3A_452] : memref<1024x16xf32, #tpu.memory_space<vmem>> -> memref<128x16xf32, #tpu.memory_space<vmem>>
      %dma_wait3A_454 = arith.constant 896 : i32
      %dma_wait3A_455 = tpu.memref_slice %arg10[%dma_wait3A_454] : memref<1024xi32, #tpu.memory_space<vmem>> -> memref<128xi32, #tpu.memory_space<vmem>>
      %dma_wait3A_456 = arith.constant 0 : i32
      %dma_wait3A_457 = arith.constant 0 : i32
      %dma_wait3A_458 = tpu.memref_slice %arg4[%dma_wait3A_456, %dma_wait3A_457] : memref<100352x16xf32, #tpu.memory_space<hbm>> -> memref<100352x16xf32, #tpu.memory_space<hbm>>
      tpu.wait_indirect_dma semaphore(%arg22 : memref<!tpu.dma_semaphore, #tpu.memory_space<semaphore_mem>>) src(%dma_wait3A_458 : memref<100352x16xf32, #tpu.memory_space<hbm>>) dst(%dma_wait3A_453 : memref<128x16xf32, #tpu.memory_space<vmem>>)
      %scan3A_459 = arith.constant 0 : i32
      %scan3A_460 = arith.constant 0 : i32
      %scan3A_461 = arith.constant 64 : i32
      %scan3A_462 = arith.addi %scan3A_460, %scan3A_461 : i32
      %scan3A_463 = arith.constant 1 : i32
      scf.for %scan3A_765 = %scan3A_460 to %scan3A_462 step %scan3A_463  : i32 {
        %mul3A_766 = arith.constant 16 : i32
        %mul3A_767 = arith.muli %scan3A_765, %mul3A_766 : i32
        %add3A_768 = vector.broadcast %mul3A_767 : i32 to vector<16xi32>
        %add3A_769 = arith.addi %add3A_768, %iota3A : vector<16xi32>
        %mul3A_770 = arith.constant 0 : i32
        %mul3A_771 = vector.broadcast %mul3A_770 : i32 to vector<16xi32>
        %mul3A_772 = arith.muli %iota3A, %mul3A_771 : vector<16xi32>
        %add3A_773 = arith.constant 0 : i32
        %add3A_774 = vector.broadcast %add3A_773 : i32 to vector<16xi32>
        %add3A_775 = arith.addi %mul3A_772, %add3A_774 : vector<16xi32>
        %gather3A = tpu.vector_load_idx %arg17[%add3A_769, %add3A_775] : memref<1024x16xf32, #tpu.memory_space<vmem>>[vector<16xi32>, vector<16xi32>], vector<16xf32>,
        %mul3A_776 = arith.constant 0 : i32
        %mul3A_777 = vector.broadcast %mul3A_776 : i32 to vector<16xi32>
        %mul3A_778 = arith.muli %iota3A, %mul3A_777 : vector<16xi32>
        %add3A_779 = arith.constant 1 : i32
        %add3A_780 = vector.broadcast %add3A_779 : i32 to vector<16xi32>
        %add3A_781 = arith.addi %mul3A_778, %add3A_780 : vector<16xi32>
        %gather3A_782 = tpu.vector_load_idx %arg17[%add3A_769, %add3A_781] : memref<1024x16xf32, #tpu.memory_space<vmem>>[vector<16xi32>, vector<16xi32>], vector<16xf32>,
        %mul3A_783 = arith.constant 0 : i32
        %mul3A_784 = vector.broadcast %mul3A_783 : i32 to vector<16xi32>
        %mul3A_785 = arith.muli %iota3A, %mul3A_784 : vector<16xi32>
        %add3A_786 = arith.constant 2 : i32
        %add3A_787 = vector.broadcast %add3A_786 : i32 to vector<16xi32>
        %add3A_788 = arith.addi %mul3A_785, %add3A_787 : vector<16xi32>
        %gather3A_789 = tpu.vector_load_idx %arg17[%add3A_769, %add3A_788] : memref<1024x16xf32, #tpu.memory_space<vmem>>[vector<16xi32>, vector<16xi32>], vector<16xf32>,
        %mul3A_790 = arith.constant 0 : i32
        %mul3A_791 = vector.broadcast %mul3A_790 : i32 to vector<16xi32>
        %mul3A_792 = arith.muli %iota3A, %mul3A_791 : vector<16xi32>
        %add3A_793 = arith.constant 3 : i32
        %add3A_794 = vector.broadcast %add3A_793 : i32 to vector<16xi32>
        %add3A_795 = arith.addi %mul3A_792, %add3A_794 : vector<16xi32>
        %gather3A_796 = tpu.vector_load_idx %arg17[%add3A_769, %add3A_795] : memref<1024x16xf32, #tpu.memory_space<vmem>>[vector<16xi32>, vector<16xi32>], vector<16xf32>,
        %mul3A_797 = arith.constant 0 : i32
        %mul3A_798 = vector.broadcast %mul3A_797 : i32 to vector<16xi32>
        %mul3A_799 = arith.muli %iota3A, %mul3A_798 : vector<16xi32>
        %add3A_800 = arith.constant 4 : i32
        %add3A_801 = vector.broadcast %add3A_800 : i32 to vector<16xi32>
        %add3A_802 = arith.addi %mul3A_799, %add3A_801 : vector<16xi32>
        %gather3A_803 = tpu.vector_load_idx %arg17[%add3A_769, %add3A_802] : memref<1024x16xf32, #tpu.memory_space<vmem>>[vector<16xi32>, vector<16xi32>], vector<16xf32>,
        %mul3A_804 = arith.constant 0 : i32
        %mul3A_805 = vector.broadcast %mul3A_804 : i32 to vector<16xi32>
        %mul3A_806 = arith.muli %iota3A, %mul3A_805 : vector<16xi32>
        %add3A_807 = arith.constant 0 : i32
        %add3A_808 = vector.broadcast %add3A_807 : i32 to vector<16xi32>
        %add3A_809 = arith.addi %mul3A_806, %add3A_808 : vector<16xi32>
        %gather3A_810 = tpu.vector_load_idx %arg18[%add3A_769, %add3A_809] : memref<1024x16xf32, #tpu.memory_space<vmem>>[vector<16xi32>, vector<16xi32>], vector<16xf32>,
        %mul3A_811 = arith.constant 0 : i32
        %mul3A_812 = vector.broadcast %mul3A_811 : i32 to vector<16xi32>
        %mul3A_813 = arith.muli %iota3A, %mul3A_812 : vector<16xi32>
        %add3A_814 = arith.constant 1 : i32
        %add3A_815 = vector.broadcast %add3A_814 : i32 to vector<16xi32>
        %add3A_816 = arith.addi %mul3A_813, %add3A_815 : vector<16xi32>
        %gather3A_817 = tpu.vector_load_idx %arg18[%add3A_769, %add3A_816] : memref<1024x16xf32, #tpu.memory_space<vmem>>[vector<16xi32>, vector<16xi32>], vector<16xf32>,
        %mul3A_818 = arith.constant 0 : i32
        %mul3A_819 = vector.broadcast %mul3A_818 : i32 to vector<16xi32>
        %mul3A_820 = arith.muli %iota3A, %mul3A_819 : vector<16xi32>
        %add3A_821 = arith.constant 2 : i32
        %add3A_822 = vector.broadcast %add3A_821 : i32 to vector<16xi32>
        %add3A_823 = arith.addi %mul3A_820, %add3A_822 : vector<16xi32>
        %gather3A_824 = tpu.vector_load_idx %arg18[%add3A_769, %add3A_823] : memref<1024x16xf32, #tpu.memory_space<vmem>>[vector<16xi32>, vector<16xi32>], vector<16xf32>,
        %mul3A_825 = arith.constant 0 : i32
        %mul3A_826 = vector.broadcast %mul3A_825 : i32 to vector<16xi32>
        %mul3A_827 = arith.muli %iota3A, %mul3A_826 : vector<16xi32>
        %add3A_828 = arith.constant 3 : i32
        %add3A_829 = vector.broadcast %add3A_828 : i32 to vector<16xi32>
        %add3A_830 = arith.addi %mul3A_827, %add3A_829 : vector<16xi32>
        %gather3A_831 = tpu.vector_load_idx %arg18[%add3A_769, %add3A_830] : memref<1024x16xf32, #tpu.memory_space<vmem>>[vector<16xi32>, vector<16xi32>], vector<16xf32>,
        %mul3A_832 = arith.constant 0 : i32
        %mul3A_833 = vector.broadcast %mul3A_832 : i32 to vector<16xi32>
        %mul3A_834 = arith.muli %iota3A, %mul3A_833 : vector<16xi32>
        %add3A_835 = arith.constant 4 : i32
        %add3A_836 = vector.broadcast %add3A_835 : i32 to vector<16xi32>
        %add3A_837 = arith.addi %mul3A_834, %add3A_836 : vector<16xi32>
        %gather3A_838 = tpu.vector_load_idx %arg18[%add3A_769, %add3A_837] : memref<1024x16xf32, #tpu.memory_space<vmem>>[vector<16xi32>, vector<16xi32>], vector<16xf32>,
        %convert_element_type3A_839 = arith.fptosi %gather3A_803 : vector<16xf32> to vector<16xi32>
        %convert_element_type3A_840 = arith.fptosi %gather3A_838 : vector<16xf32> to vector<16xi32>
        %gather3A_841 = tpu.vector_load_idx %arg20[%convert_element_type3A_839] : memref<512xf32, #tpu.memory_space<vmem>>[vector<16xi32>], vector<16xf32>,
        %add3A_842 = arith.addf %gather3A_796, %gather3A_841 : vector<16xf32>
        %gather3A_843 = tpu.vector_load_idx %arg20[%convert_element_type3A_840] : memref<512xf32, #tpu.memory_space<vmem>>[vector<16xi32>], vector<16xf32>,
        %add3A_844 = arith.addf %gather3A_831, %gather3A_843 : vector<16xf32>
        %sub3A = arith.subf %gather3A, %gather3A_810 : vector<16xf32>
        %sub3A_845 = arith.subf %gather3A_782, %gather3A_817 : vector<16xf32>
        %sub3A_846 = arith.subf %gather3A_789, %gather3A_824 : vector<16xf32>
        %mul3A_847 = arith.mulf %sub3A, %sub3A : vector<16xf32>
        %mul3A_848 = arith.mulf %sub3A_845, %sub3A_845 : vector<16xf32>
        %add3A_849 = arith.addf %mul3A_847, %mul3A_848 : vector<16xf32>
        %mul3A_850 = arith.mulf %sub3A_846, %sub3A_846 : vector<16xf32>
        %add3A_851 = arith.addf %add3A_849, %mul3A_850 : vector<16xf32>
        %add3A_852 = arith.constant 1.000000e-15 : f32
        %add3A_853 = vector.broadcast %add3A_852 : f32 to vector<16xf32>
        %add3A_854 = arith.addf %add3A_851, %add3A_853 : vector<16xf32>
        %bitcast_convert_type3A = tpu.bitcast %add3A_854 : vector<16xf32> -> vector<16xi32>
        %shift_right_arithmetic3A = arith.constant 1 : i32
        %shift_right_arithmetic3A_855 = vector.broadcast %shift_right_arithmetic3A : i32 to vector<16xi32>
        %shift_right_arithmetic3A_856 = arith.shrsi %bitcast_convert_type3A, %shift_right_arithmetic3A_855 : vector<16xi32>
        %sub3A_857 = arith.constant 1597463007 : i32
        %sub3A_858 = vector.broadcast %sub3A_857 : i32 to vector<16xi32>
        %sub3A_859 = arith.subi %sub3A_858, %shift_right_arithmetic3A_856 : vector<16xi32>
        %bitcast_convert_type3A_860 = tpu.bitcast %sub3A_859 : vector<16xi32> -> vector<16xf32>
        %mul3A_861 = arith.constant 5.000000e-01 : f32
        %mul3A_862 = vector.broadcast %mul3A_861 : f32 to vector<16xf32>
        %mul3A_863 = arith.mulf %mul3A_862, %add3A_854 : vector<16xf32>
        %mul3A_864 = arith.mulf %mul3A_863, %bitcast_convert_type3A_860 : vector<16xf32>
        %mul3A_865 = arith.mulf %mul3A_864, %bitcast_convert_type3A_860 : vector<16xf32>
        %sub3A_866 = arith.constant 1.500000e+00 : f32
        %sub3A_867 = vector.broadcast %sub3A_866 : f32 to vector<16xf32>
        %sub3A_868 = arith.subf %sub3A_867, %mul3A_865 : vector<16xf32>
        %mul3A_869 = arith.mulf %bitcast_convert_type3A_860, %sub3A_868 : vector<16xf32>
        %mul3A_870 = arith.constant 5.000000e-01 : f32
        %mul3A_871 = vector.broadcast %mul3A_870 : f32 to vector<16xf32>
        %mul3A_872 = arith.mulf %mul3A_871, %add3A_854 : vector<16xf32>
        %mul3A_873 = arith.mulf %mul3A_872, %mul3A_869 : vector<16xf32>
        %mul3A_874 = arith.mulf %mul3A_873, %mul3A_869 : vector<16xf32>
        %sub3A_875 = arith.constant 1.500000e+00 : f32
        %sub3A_876 = vector.broadcast %sub3A_875 : f32 to vector<16xf32>
        %sub3A_877 = arith.subf %sub3A_876, %mul3A_874 : vector<16xf32>
        %mul3A_878 = arith.mulf %mul3A_869, %sub3A_877 : vector<16xf32>
        %mul3A_879 = arith.constant 5.000000e-01 : f32
        %mul3A_880 = vector.broadcast %mul3A_879 : f32 to vector<16xf32>
        %mul3A_881 = arith.mulf %mul3A_880, %add3A_854 : vector<16xf32>
        %mul3A_882 = arith.mulf %mul3A_881, %mul3A_878 : vector<16xf32>
        %mul3A_883 = arith.mulf %mul3A_882, %mul3A_878 : vector<16xf32>
        %sub3A_884 = arith.constant 1.500000e+00 : f32
        %sub3A_885 = vector.broadcast %sub3A_884 : f32 to vector<16xf32>
        %sub3A_886 = arith.subf %sub3A_885, %mul3A_883 : vector<16xf32>
        %mul3A_887 = arith.mulf %mul3A_878, %sub3A_886 : vector<16xf32>
        %mul3A_888 = arith.mulf %add3A_854, %mul3A_887 : vector<16xf32>
        %add3A_889 = arith.constant 0.280028284 : f32
        %add3A_890 = vector.broadcast %add3A_889 : f32 to vector<16xf32>
        %add3A_891 = arith.addf %add3A_854, %add3A_890 : vector<16xf32>
        %bitcast_convert_type3A_892 = tpu.bitcast %add3A_891 : vector<16xf32> -> vector<16xi32>
        %shift_right_arithmetic3A_893 = arith.constant 1 : i32
        %shift_right_arithmetic3A_894 = vector.broadcast %shift_right_arithmetic3A_893 : i32 to vector<16xi32>
        %shift_right_arithmetic3A_895 = arith.shrsi %bitcast_convert_type3A_892, %shift_right_arithmetic3A_894 : vector<16xi32>
        %sub3A_896 = arith.constant 1597463007 : i32
        %sub3A_897 = vector.broadcast %sub3A_896 : i32 to vector<16xi32>
        %sub3A_898 = arith.subi %sub3A_897, %shift_right_arithmetic3A_895 : vector<16xi32>
        %bitcast_convert_type3A_899 = tpu.bitcast %sub3A_898 : vector<16xi32> -> vector<16xf32>
        %mul3A_900 = arith.constant 5.000000e-01 : f32
        %mul3A_901 = vector.broadcast %mul3A_900 : f32 to vector<16xf32>
        %mul3A_902 = arith.mulf %mul3A_901, %add3A_891 : vector<16xf32>
        %mul3A_903 = arith.mulf %mul3A_902, %bitcast_convert_type3A_899 : vector<16xf32>
        %mul3A_904 = arith.mulf %mul3A_903, %bitcast_convert_type3A_899 : vector<16xf32>
        %sub3A_905 = arith.constant 1.500000e+00 : f32
        %sub3A_906 = vector.broadcast %sub3A_905 : f32 to vector<16xf32>
        %sub3A_907 = arith.subf %sub3A_906, %mul3A_904 : vector<16xf32>
        %mul3A_908 = arith.mulf %bitcast_convert_type3A_899, %sub3A_907 : vector<16xf32>
        %mul3A_909 = arith.constant 5.000000e-01 : f32
        %mul3A_910 = vector.broadcast %mul3A_909 : f32 to vector<16xf32>
        %mul3A_911 = arith.mulf %mul3A_910, %add3A_891 : vector<16xf32>
        %mul3A_912 = arith.mulf %mul3A_911, %mul3A_908 : vector<16xf32>
        %mul3A_913 = arith.mulf %mul3A_912, %mul3A_908 : vector<16xf32>
        %sub3A_914 = arith.constant 1.500000e+00 : f32
        %sub3A_915 = vector.broadcast %sub3A_914 : f32 to vector<16xf32>
        %sub3A_916 = arith.subf %sub3A_915, %mul3A_913 : vector<16xf32>
        %mul3A_917 = arith.mulf %mul3A_908, %sub3A_916 : vector<16xf32>
        %mul3A_918 = arith.constant 5.000000e-01 : f32
        %mul3A_919 = vector.broadcast %mul3A_918 : f32 to vector<16xf32>
        %mul3A_920 = arith.mulf %mul3A_919, %add3A_891 : vector<16xf32>
        %mul3A_921 = arith.mulf %mul3A_920, %mul3A_917 : vector<16xf32>
        %mul3A_922 = arith.mulf %mul3A_921, %mul3A_917 : vector<16xf32>
        %sub3A_923 = arith.constant 1.500000e+00 : f32
        %sub3A_924 = vector.broadcast %sub3A_923 : f32 to vector<16xf32>
        %sub3A_925 = arith.subf %sub3A_924, %mul3A_922 : vector<16xf32>
        %mul3A_926 = arith.mulf %mul3A_917, %sub3A_925 : vector<16xf32>
        %sub3A_927 = arith.constant 1.250000e+00 : f32
        %sub3A_928 = vector.broadcast %sub3A_927 : f32 to vector<16xf32>
        %sub3A_929 = arith.subf %mul3A_888, %sub3A_928 : vector<16xf32>
        %mul3A_930 = arith.constant 4.000000e-01 : f32
        %mul3A_931 = vector.broadcast %mul3A_930 : f32 to vector<16xf32>
        %mul3A_932 = arith.mulf %sub3A_929, %mul3A_931 : vector<16xf32>
        %sub3A_933 = arith.constant 1.000000e+00 : f32
        %sub3A_934 = vector.broadcast %sub3A_933 : f32 to vector<16xf32>
        %sub3A_935 = arith.subf %sub3A_934, %mul3A_932 : vector<16xf32>
        %gt3A = arith.constant 0.000000e+00 : f32
        %gt3A_936 = vector.broadcast %gt3A : f32 to vector<16xf32>
        %gt3A_937 = arith.cmpf ogt, %mul3A_932, %gt3A_936 : vector<16xf32>
        %gt3A_938 = arith.constant 0.000000e+00 : f32
        %gt3A_939 = vector.broadcast %gt3A_938 : f32 to vector<16xf32>
        %gt3A_940 = arith.cmpf ogt, %sub3A_935, %gt3A_939 : vector<16xf32>
        %and3A = arith.andi %gt3A_937, %gt3A_940 : vector<16xi1>
        %mul3A_941 = arith.mulf %mul3A_932, %sub3A_935 : vector<16xf32>
        %jit3A = arith.constant 1.000000e+00 : f32
        %broadcast_in_dim3A_942 = vector.broadcast %jit3A : f32 to vector<16xf32>
        %select_n3A = arith.select %and3A, %mul3A_941, %broadcast_in_dim3A_942 : vector<16xi1>, vector<16xf32>
        %sub3A_943 = arith.subf %mul3A_932, %sub3A_935 : vector<16xf32>
        %div3A = arith.divf %sub3A_943, %select_n3A : vector<16xf32>
        %lt3A_944 = arith.constant 3.400000e+01 : f32
        %lt3A_945 = vector.broadcast %lt3A_944 : f32 to vector<16xf32>
        %lt3A_946 = arith.cmpf olt, %div3A, %lt3A_945 : vector<16xf32>
        %and3A_947 = arith.andi %and3A, %lt3A_946 : vector<16xi1>
        %jit3A_948 = arith.constant 0.000000e+00 : f32
        %broadcast_in_dim3A_949 = vector.broadcast %jit3A_948 : f32 to vector<16xf32>
        %select_n3A_950 = arith.select %and3A_947, %div3A, %broadcast_in_dim3A_949 : vector<16xi1>, vector<16xf32>
        %ge3A = arith.constant 3.400000e+01 : f32
        %ge3A_951 = vector.broadcast %ge3A : f32 to vector<16xf32>
        %ge3A_952 = arith.cmpf oge, %div3A, %ge3A_951 : vector<16xf32>
        %exp3A = math.exp %select_n3A_950 : vector<16xf32>
        %add3A_953 = arith.constant 1.000000e+00 : f32
        %add3A_954 = vector.broadcast %add3A_953 : f32 to vector<16xf32>
        %add3A_955 = arith.addf %add3A_954, %exp3A : vector<16xf32>
        %div3A_956 = arith.constant 1.000000e+00 : f32
        %div3A_957 = vector.broadcast %div3A_956 : f32 to vector<16xf32>
        %div3A_958 = arith.divf %div3A_957, %add3A_955 : vector<16xf32>
        %jit3A_959 = arith.constant 0.000000e+00 : f32
        %broadcast_in_dim3A_960 = vector.broadcast %jit3A_959 : f32 to vector<16xf32>
        %select_n3A_961 = arith.select %ge3A_952, %broadcast_in_dim3A_960, %div3A_958 : vector<16xi1>, vector<16xf32>
        %le3A = arith.constant 0.000000e+00 : f32
        %le3A_962 = vector.broadcast %le3A : f32 to vector<16xf32>
        %le3A_963 = arith.cmpf ole, %mul3A_932, %le3A_962 : vector<16xf32>
        %gt3A_964 = arith.constant 0.000000e+00 : f32
        %gt3A_965 = vector.broadcast %gt3A_964 : f32 to vector<16xf32>
        %gt3A_966 = arith.cmpf ogt, %sub3A_935, %gt3A_965 : vector<16xf32>
        %and3A_967 = arith.andi %le3A_963, %gt3A_966 : vector<16xi1>
        %jit3A_968 = arith.constant 1.000000e+00 : f32
        %jit3A_969 = arith.constant 0.000000e+00 : f32
        %broadcast_in_dim3A_970 = vector.broadcast %jit3A_968 : f32 to vector<16xf32>
        %broadcast_in_dim3A_971 = vector.broadcast %jit3A_969 : f32 to vector<16xf32>
        %select_n3A_972 = arith.select %and3A_967, %broadcast_in_dim3A_970, %broadcast_in_dim3A_971 : vector<16xi1>, vector<16xf32>
        %select_n3A_973 = arith.select %and3A, %select_n3A_961, %select_n3A_972 : vector<16xi1>, vector<16xf32>
        %mul3A_974 = arith.mulf %add3A_842, %add3A_844 : vector<16xf32>
        %mul3A_975 = arith.constant 332.06369 : f32
        %mul3A_976 = vector.broadcast %mul3A_975 : f32 to vector<16xf32>
        %mul3A_977 = arith.mulf %mul3A_976, %mul3A_974 : vector<16xf32>
        %mul3A_978 = arith.mulf %select_n3A_973, %mul3A_926 : vector<16xf32>
        %sub3A_979 = arith.constant 1.000000e+00 : f32
        %sub3A_980 = vector.broadcast %sub3A_979 : f32 to vector<16xf32>
        %sub3A_981 = arith.subf %sub3A_980, %select_n3A_973 : vector<16xf32>
        %mul3A_982 = arith.mulf %sub3A_981, %mul3A_887 : vector<16xf32>
        %add3A_983 = arith.addf %mul3A_978, %mul3A_982 : vector<16xf32>
        %mul3A_984 = arith.mulf %mul3A_977, %add3A_983 : vector<16xf32>
        tpu.vector_store_idx %arg19[%convert_element_type3A_839, %iota3A], %mul3A_984 {add = true} : memref<512x16xf32, #tpu.memory_space<vmem>>[vector<16xi32>, vector<16xi32>], vector<16xf32>,
      }
      %scan3A_464 = arith.constant 64 : i32
      %add3A_465 = arith.constant 2 : i32
      %add3A_466 = arith.addi %mul3A_167, %add3A_465 : i32
      %add3A_467 = arith.constant 1 : i32
      %add3A_468 = arith.addi %add3A_466, %add3A_467 : i32
      %lt3A_469 = arith.constant 100 : i32
      %lt3A_470 = arith.cmpi slt, %add3A_468, %lt3A_469 : i32
      %convert_element_type3A_471 = arith.extui %lt3A_470 : i1 to i32
      %cond3A_472 = arith.constant 0 : i32
      %cond3A_473 = arith.cmpi ne, %convert_element_type3A_471, %cond3A_472 : i32
      scf.if %cond3A_473 {
        %add3A_765 = arith.constant 1 : i32
        %add3A_766 = arith.addi %add3A_466, %add3A_765 : i32
        %mul3A_767 = arith.constant 1024 : i32
        %mul3A_768 = arith.muli %add3A_766, %mul3A_767 : i32
        %add3A_769 = arith.addi %mul3A_2, %mul3A_768 : i32
        %dma_wait3A_770 = tpu.memref_slice %arg2[%add3A_769] : memref<3276800xi32, #tpu.memory_space<hbm>> -> memref<1024xi32, #tpu.memory_space<hbm>>
        %dma_wait3A_771 = tpu.memref_slice %arg2[%add3A_769] : memref<3276800xi32, #tpu.memory_space<hbm>> -> memref<1024xi32, #tpu.memory_space<hbm>>
        tpu.wait_dma2 semaphore(%arg26 : memref<!tpu.dma_semaphore, #tpu.memory_space<semaphore_mem>>) src(%dma_wait3A_771 : memref<1024xi32, #tpu.memory_space<hbm>>) dst(%arg13 : memref<1024xi32, #tpu.memory_space<vmem>>)
        %dma_wait3A_772 = tpu.memref_slice %arg3[%add3A_769] : memref<3276800xi32, #tpu.memory_space<hbm>> -> memref<1024xi32, #tpu.memory_space<hbm>>
        %dma_wait3A_773 = tpu.memref_slice %arg3[%add3A_769] : memref<3276800xi32, #tpu.memory_space<hbm>> -> memref<1024xi32, #tpu.memory_space<hbm>>
        tpu.wait_dma2 semaphore(%arg26 : memref<!tpu.dma_semaphore, #tpu.memory_space<semaphore_mem>>) src(%dma_wait3A_773 : memref<1024xi32, #tpu.memory_space<hbm>>) dst(%arg14 : memref<1024xi32, #tpu.memory_space<vmem>>)
        %dma_start3A_774 = arith.constant 0 : i32
        %dma_start3A_775 = arith.constant 0 : i32
        %dma_start3A_776 = tpu.memref_slice %arg17[%dma_start3A_774, %dma_start3A_775] : memref<1024x16xf32, #tpu.memory_space<vmem>> -> memref<128x16xf32, #tpu.memory_space<vmem>>
        %dma_start3A_777 = arith.constant 0 : i32
        %dma_start3A_778 = tpu.memref_slice %arg13[%dma_start3A_777] : memref<1024xi32, #tpu.memory_space<vmem>> -> memref<128xi32, #tpu.memory_space<vmem>>
        %dma_start3A_779 = arith.constant 0 : i32
        %dma_start3A_780 = arith.constant 0 : i32
        %dma_start3A_781 = tpu.memref_slice %arg4[%dma_start3A_779, %dma_start3A_780] : memref<100352x16xf32, #tpu.memory_space<hbm>> -> memref<100352x16xf32, #tpu.memory_space<hbm>>
        tpu.enqueue_indirect_dma source(%dma_start3A_781 : memref<100352x16xf32, #tpu.memory_space<hbm>>) target(%dma_start3A_776 : memref<128x16xf32, #tpu.memory_space<vmem>>) offsets(%dma_start3A_778 : memref<128xi32, #tpu.memory_space<vmem>>) semaphore(%arg22 : memref<!tpu.dma_semaphore, #tpu.memory_space<semaphore_mem>>)
        %dma_start3A_782 = arith.constant 0 : i32
        %dma_start3A_783 = arith.constant 0 : i32
        %dma_start3A_784 = tpu.memref_slice %arg18[%dma_start3A_782, %dma_start3A_783] : memref<1024x16xf32, #tpu.memory_space<vmem>> -> memref<128x16xf32, #tpu.memory_space<vmem>>
        %dma_start3A_785 = arith.constant 0 : i32
        %dma_start3A_786 = tpu.memref_slice %arg14[%dma_start3A_785] : memref<1024xi32, #tpu.memory_space<vmem>> -> memref<128xi32, #tpu.memory_space<vmem>>
        %dma_start3A_787 = arith.constant 0 : i32
        %dma_start3A_788 = arith.constant 0 : i32
        %dma_start3A_789 = tpu.memref_slice %arg4[%dma_start3A_787, %dma_start3A_788] : memref<100352x16xf32, #tpu.memory_space<hbm>> -> memref<100352x16xf32, #tpu.memory_space<hbm>>
        tpu.enqueue_indirect_dma source(%dma_start3A_789 : memref<100352x16xf32, #tpu.memory_space<hbm>>) target(%dma_start3A_784 : memref<128x16xf32, #tpu.memory_space<vmem>>) offsets(%dma_start3A_786 : memref<128xi32, #tpu.memory_space<vmem>>) semaphore(%arg22 : memref<!tpu.dma_semaphore, #tpu.memory_space<semaphore_mem>>)
        %dma_start3A_790 = arith.constant 128 : i32
        %dma_start3A_791 = arith.constant 0 : i32
        %dma_start3A_792 = tpu.memref_slice %arg17[%dma_start3A_790, %dma_start3A_791] : memref<1024x16xf32, #tpu.memory_space<vmem>> -> memref<128x16xf32, #tpu.memory_space<vmem>>
        %dma_start3A_793 = arith.constant 128 : i32
        %dma_start3A_794 = tpu.memref_slice %arg13[%dma_start3A_793] : memref<1024xi32, #tpu.memory_space<vmem>> -> memref<128xi32, #tpu.memory_space<vmem>>
        %dma_start3A_795 = arith.constant 0 : i32
        %dma_start3A_796 = arith.constant 0 : i32
        %dma_start3A_797 = tpu.memref_slice %arg4[%dma_start3A_795, %dma_start3A_796] : memref<100352x16xf32, #tpu.memory_space<hbm>> -> memref<100352x16xf32, #tpu.memory_space<hbm>>
        tpu.enqueue_indirect_dma source(%dma_start3A_797 : memref<100352x16xf32, #tpu.memory_space<hbm>>) target(%dma_start3A_792 : memref<128x16xf32, #tpu.memory_space<vmem>>) offsets(%dma_start3A_794 : memref<128xi32, #tpu.memory_space<vmem>>) semaphore(%arg22 : memref<!tpu.dma_semaphore, #tpu.memory_space<semaphore_mem>>)
        %dma_start3A_798 = arith.constant 128 : i32
        %dma_start3A_799 = arith.constant 0 : i32
        %dma_start3A_800 = tpu.memref_slice %arg18[%dma_start3A_798, %dma_start3A_799] : memref<1024x16xf32, #tpu.memory_space<vmem>> -> memref<128x16xf32, #tpu.memory_space<vmem>>
        %dma_start3A_801 = arith.constant 128 : i32
        %dma_start3A_802 = tpu.memref_slice %arg14[%dma_start3A_801] : memref<1024xi32, #tpu.memory_space<vmem>> -> memref<128xi32, #tpu.memory_space<vmem>>
        %dma_start3A_803 = arith.constant 0 : i32
        %dma_start3A_804 = arith.constant 0 : i32
        %dma_start3A_805 = tpu.memref_slice %arg4[%dma_start3A_803, %dma_start3A_804] : memref<100352x16xf32, #tpu.memory_space<hbm>> -> memref<100352x16xf32, #tpu.memory_space<hbm>>
        tpu.enqueue_indirect_dma source(%dma_start3A_805 : memref<100352x16xf32, #tpu.memory_space<hbm>>) target(%dma_start3A_800 : memref<128x16xf32, #tpu.memory_space<vmem>>) offsets(%dma_start3A_802 : memref<128xi32, #tpu.memory_space<vmem>>) semaphore(%arg22 : memref<!tpu.dma_semaphore, #tpu.memory_space<semaphore_mem>>)
        %dma_start3A_806 = arith.constant 256 : i32
        %dma_start3A_807 = arith.constant 0 : i32
        %dma_start3A_808 = tpu.memref_slice %arg17[%dma_start3A_806, %dma_start3A_807] : memref<1024x16xf32, #tpu.memory_space<vmem>> -> memref<128x16xf32, #tpu.memory_space<vmem>>
        %dma_start3A_809 = arith.constant 256 : i32
        %dma_start3A_810 = tpu.memref_slice %arg13[%dma_start3A_809] : memref<1024xi32, #tpu.memory_space<vmem>> -> memref<128xi32, #tpu.memory_space<vmem>>
        %dma_start3A_811 = arith.constant 0 : i32
        %dma_start3A_812 = arith.constant 0 : i32
        %dma_start3A_813 = tpu.memref_slice %arg4[%dma_start3A_811, %dma_start3A_812] : memref<100352x16xf32, #tpu.memory_space<hbm>> -> memref<100352x16xf32, #tpu.memory_space<hbm>>
        tpu.enqueue_indirect_dma source(%dma_start3A_813 : memref<100352x16xf32, #tpu.memory_space<hbm>>) target(%dma_start3A_808 : memref<128x16xf32, #tpu.memory_space<vmem>>) offsets(%dma_start3A_810 : memref<128xi32, #tpu.memory_space<vmem>>) semaphore(%arg22 : memref<!tpu.dma_semaphore, #tpu.memory_space<semaphore_mem>>)
        %dma_start3A_814 = arith.constant 256 : i32
        %dma_start3A_815 = arith.constant 0 : i32
        %dma_start3A_816 = tpu.memref_slice %arg18[%dma_start3A_814, %dma_start3A_815] : memref<1024x16xf32, #tpu.memory_space<vmem>> -> memref<128x16xf32, #tpu.memory_space<vmem>>
        %dma_start3A_817 = arith.constant 256 : i32
        %dma_start3A_818 = tpu.memref_slice %arg14[%dma_start3A_817] : memref<1024xi32, #tpu.memory_space<vmem>> -> memref<128xi32, #tpu.memory_space<vmem>>
        %dma_start3A_819 = arith.constant 0 : i32
        %dma_start3A_820 = arith.constant 0 : i32
        %dma_start3A_821 = tpu.memref_slice %arg4[%dma_start3A_819, %dma_start3A_820] : memref<100352x16xf32, #tpu.memory_space<hbm>> -> memref<100352x16xf32, #tpu.memory_space<hbm>>
        tpu.enqueue_indirect_dma source(%dma_start3A_821 : memref<100352x16xf32, #tpu.memory_space<hbm>>) target(%dma_start3A_816 : memref<128x16xf32, #tpu.memory_space<vmem>>) offsets(%dma_start3A_818 : memref<128xi32, #tpu.memory_space<vmem>>) semaphore(%arg22 : memref<!tpu.dma_semaphore, #tpu.memory_space<semaphore_mem>>)
        %dma_start3A_822 = arith.constant 384 : i32
        %dma_start3A_823 = arith.constant 0 : i32
        %dma_start3A_824 = tpu.memref_slice %arg17[%dma_start3A_822, %dma_start3A_823] : memref<1024x16xf32, #tpu.memory_space<vmem>> -> memref<128x16xf32, #tpu.memory_space<vmem>>
        %dma_start3A_825 = arith.constant 384 : i32
        %dma_start3A_826 = tpu.memref_slice %arg13[%dma_start3A_825] : memref<1024xi32, #tpu.memory_space<vmem>> -> memref<128xi32, #tpu.memory_space<vmem>>
        %dma_start3A_827 = arith.constant 0 : i32
        %dma_start3A_828 = arith.constant 0 : i32
        %dma_start3A_829 = tpu.memref_slice %arg4[%dma_start3A_827, %dma_start3A_828] : memref<100352x16xf32, #tpu.memory_space<hbm>> -> memref<100352x16xf32, #tpu.memory_space<hbm>>
        tpu.enqueue_indirect_dma source(%dma_start3A_829 : memref<100352x16xf32, #tpu.memory_space<hbm>>) target(%dma_start3A_824 : memref<128x16xf32, #tpu.memory_space<vmem>>) offsets(%dma_start3A_826 : memref<128xi32, #tpu.memory_space<vmem>>) semaphore(%arg22 : memref<!tpu.dma_semaphore, #tpu.memory_space<semaphore_mem>>)
        %dma_start3A_830 = arith.constant 384 : i32
        %dma_start3A_831 = arith.constant 0 : i32
        %dma_start3A_832 = tpu.memref_slice %arg18[%dma_start3A_830, %dma_start3A_831] : memref<1024x16xf32, #tpu.memory_space<vmem>> -> memref<128x16xf32, #tpu.memory_space<vmem>>
        %dma_start3A_833 = arith.constant 384 : i32
        %dma_start3A_834 = tpu.memref_slice %arg14[%dma_start3A_833] : memref<1024xi32, #tpu.memory_space<vmem>> -> memref<128xi32, #tpu.memory_space<vmem>>
        %dma_start3A_835 = arith.constant 0 : i32
        %dma_start3A_836 = arith.constant 0 : i32
        %dma_start3A_837 = tpu.memref_slice %arg4[%dma_start3A_835, %dma_start3A_836] : memref<100352x16xf32, #tpu.memory_space<hbm>> -> memref<100352x16xf32, #tpu.memory_space<hbm>>
        tpu.enqueue_indirect_dma source(%dma_start3A_837 : memref<100352x16xf32, #tpu.memory_space<hbm>>) target(%dma_start3A_832 : memref<128x16xf32, #tpu.memory_space<vmem>>) offsets(%dma_start3A_834 : memref<128xi32, #tpu.memory_space<vmem>>) semaphore(%arg22 : memref<!tpu.dma_semaphore, #tpu.memory_space<semaphore_mem>>)
        %dma_start3A_838 = arith.constant 512 : i32
        %dma_start3A_839 = arith.constant 0 : i32
        %dma_start3A_840 = tpu.memref_slice %arg17[%dma_start3A_838, %dma_start3A_839] : memref<1024x16xf32, #tpu.memory_space<vmem>> -> memref<128x16xf32, #tpu.memory_space<vmem>>
        %dma_start3A_841 = arith.constant 512 : i32
        %dma_start3A_842 = tpu.memref_slice %arg13[%dma_start3A_841] : memref<1024xi32, #tpu.memory_space<vmem>> -> memref<128xi32, #tpu.memory_space<vmem>>
        %dma_start3A_843 = arith.constant 0 : i32
        %dma_start3A_844 = arith.constant 0 : i32
        %dma_start3A_845 = tpu.memref_slice %arg4[%dma_start3A_843, %dma_start3A_844] : memref<100352x16xf32, #tpu.memory_space<hbm>> -> memref<100352x16xf32, #tpu.memory_space<hbm>>
        tpu.enqueue_indirect_dma source(%dma_start3A_845 : memref<100352x16xf32, #tpu.memory_space<hbm>>) target(%dma_start3A_840 : memref<128x16xf32, #tpu.memory_space<vmem>>) offsets(%dma_start3A_842 : memref<128xi32, #tpu.memory_space<vmem>>) semaphore(%arg22 : memref<!tpu.dma_semaphore, #tpu.memory_space<semaphore_mem>>)
        %dma_start3A_846 = arith.constant 512 : i32
        %dma_start3A_847 = arith.constant 0 : i32
        %dma_start3A_848 = tpu.memref_slice %arg18[%dma_start3A_846, %dma_start3A_847] : memref<1024x16xf32, #tpu.memory_space<vmem>> -> memref<128x16xf32, #tpu.memory_space<vmem>>
        %dma_start3A_849 = arith.constant 512 : i32
        %dma_start3A_850 = tpu.memref_slice %arg14[%dma_start3A_849] : memref<1024xi32, #tpu.memory_space<vmem>> -> memref<128xi32, #tpu.memory_space<vmem>>
        %dma_start3A_851 = arith.constant 0 : i32
        %dma_start3A_852 = arith.constant 0 : i32
        %dma_start3A_853 = tpu.memref_slice %arg4[%dma_start3A_851, %dma_start3A_852] : memref<100352x16xf32, #tpu.memory_space<hbm>> -> memref<100352x16xf32, #tpu.memory_space<hbm>>
        tpu.enqueue_indirect_dma source(%dma_start3A_853 : memref<100352x16xf32, #tpu.memory_space<hbm>>) target(%dma_start3A_848 : memref<128x16xf32, #tpu.memory_space<vmem>>) offsets(%dma_start3A_850 : memref<128xi32, #tpu.memory_space<vmem>>) semaphore(%arg22 : memref<!tpu.dma_semaphore, #tpu.memory_space<semaphore_mem>>)
        %dma_start3A_854 = arith.constant 640 : i32
        %dma_start3A_855 = arith.constant 0 : i32
        %dma_start3A_856 = tpu.memref_slice %arg17[%dma_start3A_854, %dma_start3A_855] : memref<1024x16xf32, #tpu.memory_space<vmem>> -> memref<128x16xf32, #tpu.memory_space<vmem>>
        %dma_start3A_857 = arith.constant 640 : i32
        %dma_start3A_858 = tpu.memref_slice %arg13[%dma_start3A_857] : memref<1024xi32, #tpu.memory_space<vmem>> -> memref<128xi32, #tpu.memory_space<vmem>>
        %dma_start3A_859 = arith.constant 0 : i32
        %dma_start3A_860 = arith.constant 0 : i32
        %dma_start3A_861 = tpu.memref_slice %arg4[%dma_start3A_859, %dma_start3A_860] : memref<100352x16xf32, #tpu.memory_space<hbm>> -> memref<100352x16xf32, #tpu.memory_space<hbm>>
        tpu.enqueue_indirect_dma source(%dma_start3A_861 : memref<100352x16xf32, #tpu.memory_space<hbm>>) target(%dma_start3A_856 : memref<128x16xf32, #tpu.memory_space<vmem>>) offsets(%dma_start3A_858 : memref<128xi32, #tpu.memory_space<vmem>>) semaphore(%arg22 : memref<!tpu.dma_semaphore, #tpu.memory_space<semaphore_mem>>)
        %dma_start3A_862 = arith.constant 640 : i32
        %dma_start3A_863 = arith.constant 0 : i32
        %dma_start3A_864 = tpu.memref_slice %arg18[%dma_start3A_862, %dma_start3A_863] : memref<1024x16xf32, #tpu.memory_space<vmem>> -> memref<128x16xf32, #tpu.memory_space<vmem>>
        %dma_start3A_865 = arith.constant 640 : i32
        %dma_start3A_866 = tpu.memref_slice %arg14[%dma_start3A_865] : memref<1024xi32, #tpu.memory_space<vmem>> -> memref<128xi32, #tpu.memory_space<vmem>>
        %dma_start3A_867 = arith.constant 0 : i32
        %dma_start3A_868 = arith.constant 0 : i32
        %dma_start3A_869 = tpu.memref_slice %arg4[%dma_start3A_867, %dma_start3A_868] : memref<100352x16xf32, #tpu.memory_space<hbm>> -> memref<100352x16xf32, #tpu.memory_space<hbm>>
        tpu.enqueue_indirect_dma source(%dma_start3A_869 : memref<100352x16xf32, #tpu.memory_space<hbm>>) target(%dma_start3A_864 : memref<128x16xf32, #tpu.memory_space<vmem>>) offsets(%dma_start3A_866 : memref<128xi32, #tpu.memory_space<vmem>>) semaphore(%arg22 : memref<!tpu.dma_semaphore, #tpu.memory_space<semaphore_mem>>)
        %dma_start3A_870 = arith.constant 768 : i32
        %dma_start3A_871 = arith.constant 0 : i32
        %dma_start3A_872 = tpu.memref_slice %arg17[%dma_start3A_870, %dma_start3A_871] : memref<1024x16xf32, #tpu.memory_space<vmem>> -> memref<128x16xf32, #tpu.memory_space<vmem>>
        %dma_start3A_873 = arith.constant 768 : i32
        %dma_start3A_874 = tpu.memref_slice %arg13[%dma_start3A_873] : memref<1024xi32, #tpu.memory_space<vmem>> -> memref<128xi32, #tpu.memory_space<vmem>>
        %dma_start3A_875 = arith.constant 0 : i32
        %dma_start3A_876 = arith.constant 0 : i32
        %dma_start3A_877 = tpu.memref_slice %arg4[%dma_start3A_875, %dma_start3A_876] : memref<100352x16xf32, #tpu.memory_space<hbm>> -> memref<100352x16xf32, #tpu.memory_space<hbm>>
        tpu.enqueue_indirect_dma source(%dma_start3A_877 : memref<100352x16xf32, #tpu.memory_space<hbm>>) target(%dma_start3A_872 : memref<128x16xf32, #tpu.memory_space<vmem>>) offsets(%dma_start3A_874 : memref<128xi32, #tpu.memory_space<vmem>>) semaphore(%arg22 : memref<!tpu.dma_semaphore, #tpu.memory_space<semaphore_mem>>)
        %dma_start3A_878 = arith.constant 768 : i32
        %dma_start3A_879 = arith.constant 0 : i32
        %dma_start3A_880 = tpu.memref_slice %arg18[%dma_start3A_878, %dma_start3A_879] : memref<1024x16xf32, #tpu.memory_space<vmem>> -> memref<128x16xf32, #tpu.memory_space<vmem>>
        %dma_start3A_881 = arith.constant 768 : i32
        %dma_start3A_882 = tpu.memref_slice %arg14[%dma_start3A_881] : memref<1024xi32, #tpu.memory_space<vmem>> -> memref<128xi32, #tpu.memory_space<vmem>>
        %dma_start3A_883 = arith.constant 0 : i32
        %dma_start3A_884 = arith.constant 0 : i32
        %dma_start3A_885 = tpu.memref_slice %arg4[%dma_start3A_883, %dma_start3A_884] : memref<100352x16xf32, #tpu.memory_space<hbm>> -> memref<100352x16xf32, #tpu.memory_space<hbm>>
        tpu.enqueue_indirect_dma source(%dma_start3A_885 : memref<100352x16xf32, #tpu.memory_space<hbm>>) target(%dma_start3A_880 : memref<128x16xf32, #tpu.memory_space<vmem>>) offsets(%dma_start3A_882 : memref<128xi32, #tpu.memory_space<vmem>>) semaphore(%arg22 : memref<!tpu.dma_semaphore, #tpu.memory_space<semaphore_mem>>)
        %dma_start3A_886 = arith.constant 896 : i32
        %dma_start3A_887 = arith.constant 0 : i32
        %dma_start3A_888 = tpu.memref_slice %arg17[%dma_start3A_886, %dma_start3A_887] : memref<1024x16xf32, #tpu.memory_space<vmem>> -> memref<128x16xf32, #tpu.memory_space<vmem>>
        %dma_start3A_889 = arith.constant 896 : i32
        %dma_start3A_890 = tpu.memref_slice %arg13[%dma_start3A_889] : memref<1024xi32, #tpu.memory_space<vmem>> -> memref<128xi32, #tpu.memory_space<vmem>>
        %dma_start3A_891 = arith.constant 0 : i32
        %dma_start3A_892 = arith.constant 0 : i32
        %dma_start3A_893 = tpu.memref_slice %arg4[%dma_start3A_891, %dma_start3A_892] : memref<100352x16xf32, #tpu.memory_space<hbm>> -> memref<100352x16xf32, #tpu.memory_space<hbm>>
        tpu.enqueue_indirect_dma source(%dma_start3A_893 : memref<100352x16xf32, #tpu.memory_space<hbm>>) target(%dma_start3A_888 : memref<128x16xf32, #tpu.memory_space<vmem>>) offsets(%dma_start3A_890 : memref<128xi32, #tpu.memory_space<vmem>>) semaphore(%arg22 : memref<!tpu.dma_semaphore, #tpu.memory_space<semaphore_mem>>)
        %dma_start3A_894 = arith.constant 896 : i32
        %dma_start3A_895 = arith.constant 0 : i32
        %dma_start3A_896 = tpu.memref_slice %arg18[%dma_start3A_894, %dma_start3A_895] : memref<1024x16xf32, #tpu.memory_space<vmem>> -> memref<128x16xf32, #tpu.memory_space<vmem>>
        %dma_start3A_897 = arith.constant 896 : i32
        %dma_start3A_898 = tpu.memref_slice %arg14[%dma_start3A_897] : memref<1024xi32, #tpu.memory_space<vmem>> -> memref<128xi32, #tpu.memory_space<vmem>>
        %dma_start3A_899 = arith.constant 0 : i32
        %dma_start3A_900 = arith.constant 0 : i32
        %dma_start3A_901 = tpu.memref_slice %arg4[%dma_start3A_899, %dma_start3A_900] : memref<100352x16xf32, #tpu.memory_space<hbm>> -> memref<100352x16xf32, #tpu.memory_space<hbm>>
        tpu.enqueue_indirect_dma source(%dma_start3A_901 : memref<100352x16xf32, #tpu.memory_space<hbm>>) target(%dma_start3A_896 : memref<128x16xf32, #tpu.memory_space<vmem>>) offsets(%dma_start3A_898 : memref<128xi32, #tpu.memory_space<vmem>>) semaphore(%arg22 : memref<!tpu.dma_semaphore, #tpu.memory_space<semaphore_mem>>)
      } else {
      }
      %add3A_474 = arith.constant 3 : i32
      %add3A_475 = arith.addi %add3A_466, %add3A_474 : i32
      %lt3A_476 = arith.constant 100 : i32
      %lt3A_477 = arith.cmpi slt, %add3A_475, %lt3A_476 : i32
      %convert_element_type3A_478 = arith.extui %lt3A_477 : i1 to i32
      %cond3A_479 = arith.constant 0 : i32
      %cond3A_480 = arith.cmpi ne, %convert_element_type3A_478, %cond3A_479 : i32
      scf.if %cond3A_480 {
        %add3A_765 = arith.constant 3 : i32
        %add3A_766 = arith.addi %add3A_466, %add3A_765 : i32
        %mul3A_767 = arith.constant 1024 : i32
        %mul3A_768 = arith.muli %add3A_766, %mul3A_767 : i32
        %add3A_769 = arith.addi %mul3A_2, %mul3A_768 : i32
        %dma_start3A_770 = tpu.memref_slice %arg2[%add3A_769] : memref<3276800xi32, #tpu.memory_space<hbm>> -> memref<1024xi32, #tpu.memory_space<hbm>>
        %dma_start3A_771 = tpu.memref_slice %arg2[%add3A_769] : memref<3276800xi32, #tpu.memory_space<hbm>> -> memref<1024xi32, #tpu.memory_space<hbm>>
        tpu.enqueue_dma source(%dma_start3A_771 : memref<1024xi32, #tpu.memory_space<hbm>>) target(%arg9 : memref<1024xi32, #tpu.memory_space<vmem>>) target_semaphore(%arg24 : memref<!tpu.dma_semaphore, #tpu.memory_space<semaphore_mem>>)
        %dma_start3A_772 = tpu.memref_slice %arg3[%add3A_769] : memref<3276800xi32, #tpu.memory_space<hbm>> -> memref<1024xi32, #tpu.memory_space<hbm>>
        %dma_start3A_773 = tpu.memref_slice %arg3[%add3A_769] : memref<3276800xi32, #tpu.memory_space<hbm>> -> memref<1024xi32, #tpu.memory_space<hbm>>
        tpu.enqueue_dma source(%dma_start3A_773 : memref<1024xi32, #tpu.memory_space<hbm>>) target(%arg10 : memref<1024xi32, #tpu.memory_space<vmem>>) target_semaphore(%arg24 : memref<!tpu.dma_semaphore, #tpu.memory_space<semaphore_mem>>)
      } else {
      }
      %dma_wait3A_481 = arith.constant 0 : i32
      %dma_wait3A_482 = arith.constant 0 : i32
      %dma_wait3A_483 = tpu.memref_slice %arg15[%dma_wait3A_481, %dma_wait3A_482] : memref<1024x16xf32, #tpu.memory_space<vmem>> -> memref<128x16xf32, #tpu.memory_space<vmem>>
      %dma_wait3A_484 = arith.constant 0 : i32
      %dma_wait3A_485 = tpu.memref_slice %arg11[%dma_wait3A_484] : memref<1024xi32, #tpu.memory_space<vmem>> -> memref<128xi32, #tpu.memory_space<vmem>>
      %dma_wait3A_486 = arith.constant 0 : i32
      %dma_wait3A_487 = arith.constant 0 : i32
      %dma_wait3A_488 = tpu.memref_slice %arg4[%dma_wait3A_486, %dma_wait3A_487] : memref<100352x16xf32, #tpu.memory_space<hbm>> -> memref<100352x16xf32, #tpu.memory_space<hbm>>
      tpu.wait_indirect_dma semaphore(%arg21 : memref<!tpu.dma_semaphore, #tpu.memory_space<semaphore_mem>>) src(%dma_wait3A_488 : memref<100352x16xf32, #tpu.memory_space<hbm>>) dst(%dma_wait3A_483 : memref<128x16xf32, #tpu.memory_space<vmem>>)
      %dma_wait3A_489 = arith.constant 0 : i32
      %dma_wait3A_490 = arith.constant 0 : i32
      %dma_wait3A_491 = tpu.memref_slice %arg16[%dma_wait3A_489, %dma_wait3A_490] : memref<1024x16xf32, #tpu.memory_space<vmem>> -> memref<128x16xf32, #tpu.memory_space<vmem>>
      %dma_wait3A_492 = arith.constant 0 : i32
      %dma_wait3A_493 = tpu.memref_slice %arg12[%dma_wait3A_492] : memref<1024xi32, #tpu.memory_space<vmem>> -> memref<128xi32, #tpu.memory_space<vmem>>
      %dma_wait3A_494 = arith.constant 0 : i32
      %dma_wait3A_495 = arith.constant 0 : i32
      %dma_wait3A_496 = tpu.memref_slice %arg4[%dma_wait3A_494, %dma_wait3A_495] : memref<100352x16xf32, #tpu.memory_space<hbm>> -> memref<100352x16xf32, #tpu.memory_space<hbm>>
      tpu.wait_indirect_dma semaphore(%arg21 : memref<!tpu.dma_semaphore, #tpu.memory_space<semaphore_mem>>) src(%dma_wait3A_496 : memref<100352x16xf32, #tpu.memory_space<hbm>>) dst(%dma_wait3A_491 : memref<128x16xf32, #tpu.memory_space<vmem>>)
      %dma_wait3A_497 = arith.constant 128 : i32
      %dma_wait3A_498 = arith.constant 0 : i32
      %dma_wait3A_499 = tpu.memref_slice %arg15[%dma_wait3A_497, %dma_wait3A_498] : memref<1024x16xf32, #tpu.memory_space<vmem>> -> memref<128x16xf32, #tpu.memory_space<vmem>>
      %dma_wait3A_500 = arith.constant 128 : i32
      %dma_wait3A_501 = tpu.memref_slice %arg11[%dma_wait3A_500] : memref<1024xi32, #tpu.memory_space<vmem>> -> memref<128xi32, #tpu.memory_space<vmem>>
      %dma_wait3A_502 = arith.constant 0 : i32
      %dma_wait3A_503 = arith.constant 0 : i32
      %dma_wait3A_504 = tpu.memref_slice %arg4[%dma_wait3A_502, %dma_wait3A_503] : memref<100352x16xf32, #tpu.memory_space<hbm>> -> memref<100352x16xf32, #tpu.memory_space<hbm>>
      tpu.wait_indirect_dma semaphore(%arg21 : memref<!tpu.dma_semaphore, #tpu.memory_space<semaphore_mem>>) src(%dma_wait3A_504 : memref<100352x16xf32, #tpu.memory_space<hbm>>) dst(%dma_wait3A_499 : memref<128x16xf32, #tpu.memory_space<vmem>>)
      %dma_wait3A_505 = arith.constant 128 : i32
      %dma_wait3A_506 = arith.constant 0 : i32
      %dma_wait3A_507 = tpu.memref_slice %arg16[%dma_wait3A_505, %dma_wait3A_506] : memref<1024x16xf32, #tpu.memory_space<vmem>> -> memref<128x16xf32, #tpu.memory_space<vmem>>
      %dma_wait3A_508 = arith.constant 128 : i32
      %dma_wait3A_509 = tpu.memref_slice %arg12[%dma_wait3A_508] : memref<1024xi32, #tpu.memory_space<vmem>> -> memref<128xi32, #tpu.memory_space<vmem>>
      %dma_wait3A_510 = arith.constant 0 : i32
      %dma_wait3A_511 = arith.constant 0 : i32
      %dma_wait3A_512 = tpu.memref_slice %arg4[%dma_wait3A_510, %dma_wait3A_511] : memref<100352x16xf32, #tpu.memory_space<hbm>> -> memref<100352x16xf32, #tpu.memory_space<hbm>>
      tpu.wait_indirect_dma semaphore(%arg21 : memref<!tpu.dma_semaphore, #tpu.memory_space<semaphore_mem>>) src(%dma_wait3A_512 : memref<100352x16xf32, #tpu.memory_space<hbm>>) dst(%dma_wait3A_507 : memref<128x16xf32, #tpu.memory_space<vmem>>)
      %dma_wait3A_513 = arith.constant 256 : i32
      %dma_wait3A_514 = arith.constant 0 : i32
      %dma_wait3A_515 = tpu.memref_slice %arg15[%dma_wait3A_513, %dma_wait3A_514] : memref<1024x16xf32, #tpu.memory_space<vmem>> -> memref<128x16xf32, #tpu.memory_space<vmem>>
      %dma_wait3A_516 = arith.constant 256 : i32
      %dma_wait3A_517 = tpu.memref_slice %arg11[%dma_wait3A_516] : memref<1024xi32, #tpu.memory_space<vmem>> -> memref<128xi32, #tpu.memory_space<vmem>>
      %dma_wait3A_518 = arith.constant 0 : i32
      %dma_wait3A_519 = arith.constant 0 : i32
      %dma_wait3A_520 = tpu.memref_slice %arg4[%dma_wait3A_518, %dma_wait3A_519] : memref<100352x16xf32, #tpu.memory_space<hbm>> -> memref<100352x16xf32, #tpu.memory_space<hbm>>
      tpu.wait_indirect_dma semaphore(%arg21 : memref<!tpu.dma_semaphore, #tpu.memory_space<semaphore_mem>>) src(%dma_wait3A_520 : memref<100352x16xf32, #tpu.memory_space<hbm>>) dst(%dma_wait3A_515 : memref<128x16xf32, #tpu.memory_space<vmem>>)
      %dma_wait3A_521 = arith.constant 256 : i32
      %dma_wait3A_522 = arith.constant 0 : i32
      %dma_wait3A_523 = tpu.memref_slice %arg16[%dma_wait3A_521, %dma_wait3A_522] : memref<1024x16xf32, #tpu.memory_space<vmem>> -> memref<128x16xf32, #tpu.memory_space<vmem>>
      %dma_wait3A_524 = arith.constant 256 : i32
      %dma_wait3A_525 = tpu.memref_slice %arg12[%dma_wait3A_524] : memref<1024xi32, #tpu.memory_space<vmem>> -> memref<128xi32, #tpu.memory_space<vmem>>
      %dma_wait3A_526 = arith.constant 0 : i32
      %dma_wait3A_527 = arith.constant 0 : i32
      %dma_wait3A_528 = tpu.memref_slice %arg4[%dma_wait3A_526, %dma_wait3A_527] : memref<100352x16xf32, #tpu.memory_space<hbm>> -> memref<100352x16xf32, #tpu.memory_space<hbm>>
      tpu.wait_indirect_dma semaphore(%arg21 : memref<!tpu.dma_semaphore, #tpu.memory_space<semaphore_mem>>) src(%dma_wait3A_528 : memref<100352x16xf32, #tpu.memory_space<hbm>>) dst(%dma_wait3A_523 : memref<128x16xf32, #tpu.memory_space<vmem>>)
      %dma_wait3A_529 = arith.constant 384 : i32
      %dma_wait3A_530 = arith.constant 0 : i32
      %dma_wait3A_531 = tpu.memref_slice %arg15[%dma_wait3A_529, %dma_wait3A_530] : memref<1024x16xf32, #tpu.memory_space<vmem>> -> memref<128x16xf32, #tpu.memory_space<vmem>>
      %dma_wait3A_532 = arith.constant 384 : i32
      %dma_wait3A_533 = tpu.memref_slice %arg11[%dma_wait3A_532] : memref<1024xi32, #tpu.memory_space<vmem>> -> memref<128xi32, #tpu.memory_space<vmem>>
      %dma_wait3A_534 = arith.constant 0 : i32
      %dma_wait3A_535 = arith.constant 0 : i32
      %dma_wait3A_536 = tpu.memref_slice %arg4[%dma_wait3A_534, %dma_wait3A_535] : memref<100352x16xf32, #tpu.memory_space<hbm>> -> memref<100352x16xf32, #tpu.memory_space<hbm>>
      tpu.wait_indirect_dma semaphore(%arg21 : memref<!tpu.dma_semaphore, #tpu.memory_space<semaphore_mem>>) src(%dma_wait3A_536 : memref<100352x16xf32, #tpu.memory_space<hbm>>) dst(%dma_wait3A_531 : memref<128x16xf32, #tpu.memory_space<vmem>>)
      %dma_wait3A_537 = arith.constant 384 : i32
      %dma_wait3A_538 = arith.constant 0 : i32
      %dma_wait3A_539 = tpu.memref_slice %arg16[%dma_wait3A_537, %dma_wait3A_538] : memref<1024x16xf32, #tpu.memory_space<vmem>> -> memref<128x16xf32, #tpu.memory_space<vmem>>
      %dma_wait3A_540 = arith.constant 384 : i32
      %dma_wait3A_541 = tpu.memref_slice %arg12[%dma_wait3A_540] : memref<1024xi32, #tpu.memory_space<vmem>> -> memref<128xi32, #tpu.memory_space<vmem>>
      %dma_wait3A_542 = arith.constant 0 : i32
      %dma_wait3A_543 = arith.constant 0 : i32
      %dma_wait3A_544 = tpu.memref_slice %arg4[%dma_wait3A_542, %dma_wait3A_543] : memref<100352x16xf32, #tpu.memory_space<hbm>> -> memref<100352x16xf32, #tpu.memory_space<hbm>>
      tpu.wait_indirect_dma semaphore(%arg21 : memref<!tpu.dma_semaphore, #tpu.memory_space<semaphore_mem>>) src(%dma_wait3A_544 : memref<100352x16xf32, #tpu.memory_space<hbm>>) dst(%dma_wait3A_539 : memref<128x16xf32, #tpu.memory_space<vmem>>)
      %dma_wait3A_545 = arith.constant 512 : i32
      %dma_wait3A_546 = arith.constant 0 : i32
      %dma_wait3A_547 = tpu.memref_slice %arg15[%dma_wait3A_545, %dma_wait3A_546] : memref<1024x16xf32, #tpu.memory_space<vmem>> -> memref<128x16xf32, #tpu.memory_space<vmem>>
      %dma_wait3A_548 = arith.constant 512 : i32
      %dma_wait3A_549 = tpu.memref_slice %arg11[%dma_wait3A_548] : memref<1024xi32, #tpu.memory_space<vmem>> -> memref<128xi32, #tpu.memory_space<vmem>>
      %dma_wait3A_550 = arith.constant 0 : i32
      %dma_wait3A_551 = arith.constant 0 : i32
      %dma_wait3A_552 = tpu.memref_slice %arg4[%dma_wait3A_550, %dma_wait3A_551] : memref<100352x16xf32, #tpu.memory_space<hbm>> -> memref<100352x16xf32, #tpu.memory_space<hbm>>
      tpu.wait_indirect_dma semaphore(%arg21 : memref<!tpu.dma_semaphore, #tpu.memory_space<semaphore_mem>>) src(%dma_wait3A_552 : memref<100352x16xf32, #tpu.memory_space<hbm>>) dst(%dma_wait3A_547 : memref<128x16xf32, #tpu.memory_space<vmem>>)
      %dma_wait3A_553 = arith.constant 512 : i32
      %dma_wait3A_554 = arith.constant 0 : i32
      %dma_wait3A_555 = tpu.memref_slice %arg16[%dma_wait3A_553, %dma_wait3A_554] : memref<1024x16xf32, #tpu.memory_space<vmem>> -> memref<128x16xf32, #tpu.memory_space<vmem>>
      %dma_wait3A_556 = arith.constant 512 : i32
      %dma_wait3A_557 = tpu.memref_slice %arg12[%dma_wait3A_556] : memref<1024xi32, #tpu.memory_space<vmem>> -> memref<128xi32, #tpu.memory_space<vmem>>
      %dma_wait3A_558 = arith.constant 0 : i32
      %dma_wait3A_559 = arith.constant 0 : i32
      %dma_wait3A_560 = tpu.memref_slice %arg4[%dma_wait3A_558, %dma_wait3A_559] : memref<100352x16xf32, #tpu.memory_space<hbm>> -> memref<100352x16xf32, #tpu.memory_space<hbm>>
      tpu.wait_indirect_dma semaphore(%arg21 : memref<!tpu.dma_semaphore, #tpu.memory_space<semaphore_mem>>) src(%dma_wait3A_560 : memref<100352x16xf32, #tpu.memory_space<hbm>>) dst(%dma_wait3A_555 : memref<128x16xf32, #tpu.memory_space<vmem>>)
      %dma_wait3A_561 = arith.constant 640 : i32
      %dma_wait3A_562 = arith.constant 0 : i32
      %dma_wait3A_563 = tpu.memref_slice %arg15[%dma_wait3A_561, %dma_wait3A_562] : memref<1024x16xf32, #tpu.memory_space<vmem>> -> memref<128x16xf32, #tpu.memory_space<vmem>>
      %dma_wait3A_564 = arith.constant 640 : i32
      %dma_wait3A_565 = tpu.memref_slice %arg11[%dma_wait3A_564] : memref<1024xi32, #tpu.memory_space<vmem>> -> memref<128xi32, #tpu.memory_space<vmem>>
      %dma_wait3A_566 = arith.constant 0 : i32
      %dma_wait3A_567 = arith.constant 0 : i32
      %dma_wait3A_568 = tpu.memref_slice %arg4[%dma_wait3A_566, %dma_wait3A_567] : memref<100352x16xf32, #tpu.memory_space<hbm>> -> memref<100352x16xf32, #tpu.memory_space<hbm>>
      tpu.wait_indirect_dma semaphore(%arg21 : memref<!tpu.dma_semaphore, #tpu.memory_space<semaphore_mem>>) src(%dma_wait3A_568 : memref<100352x16xf32, #tpu.memory_space<hbm>>) dst(%dma_wait3A_563 : memref<128x16xf32, #tpu.memory_space<vmem>>)
      %dma_wait3A_569 = arith.constant 640 : i32
      %dma_wait3A_570 = arith.constant 0 : i32
      %dma_wait3A_571 = tpu.memref_slice %arg16[%dma_wait3A_569, %dma_wait3A_570] : memref<1024x16xf32, #tpu.memory_space<vmem>> -> memref<128x16xf32, #tpu.memory_space<vmem>>
      %dma_wait3A_572 = arith.constant 640 : i32
      %dma_wait3A_573 = tpu.memref_slice %arg12[%dma_wait3A_572] : memref<1024xi32, #tpu.memory_space<vmem>> -> memref<128xi32, #tpu.memory_space<vmem>>
      %dma_wait3A_574 = arith.constant 0 : i32
      %dma_wait3A_575 = arith.constant 0 : i32
      %dma_wait3A_576 = tpu.memref_slice %arg4[%dma_wait3A_574, %dma_wait3A_575] : memref<100352x16xf32, #tpu.memory_space<hbm>> -> memref<100352x16xf32, #tpu.memory_space<hbm>>
      tpu.wait_indirect_dma semaphore(%arg21 : memref<!tpu.dma_semaphore, #tpu.memory_space<semaphore_mem>>) src(%dma_wait3A_576 : memref<100352x16xf32, #tpu.memory_space<hbm>>) dst(%dma_wait3A_571 : memref<128x16xf32, #tpu.memory_space<vmem>>)
      %dma_wait3A_577 = arith.constant 768 : i32
      %dma_wait3A_578 = arith.constant 0 : i32
      %dma_wait3A_579 = tpu.memref_slice %arg15[%dma_wait3A_577, %dma_wait3A_578] : memref<1024x16xf32, #tpu.memory_space<vmem>> -> memref<128x16xf32, #tpu.memory_space<vmem>>
      %dma_wait3A_580 = arith.constant 768 : i32
      %dma_wait3A_581 = tpu.memref_slice %arg11[%dma_wait3A_580] : memref<1024xi32, #tpu.memory_space<vmem>> -> memref<128xi32, #tpu.memory_space<vmem>>
      %dma_wait3A_582 = arith.constant 0 : i32
      %dma_wait3A_583 = arith.constant 0 : i32
      %dma_wait3A_584 = tpu.memref_slice %arg4[%dma_wait3A_582, %dma_wait3A_583] : memref<100352x16xf32, #tpu.memory_space<hbm>> -> memref<100352x16xf32, #tpu.memory_space<hbm>>
      tpu.wait_indirect_dma semaphore(%arg21 : memref<!tpu.dma_semaphore, #tpu.memory_space<semaphore_mem>>) src(%dma_wait3A_584 : memref<100352x16xf32, #tpu.memory_space<hbm>>) dst(%dma_wait3A_579 : memref<128x16xf32, #tpu.memory_space<vmem>>)
      %dma_wait3A_585 = arith.constant 768 : i32
      %dma_wait3A_586 = arith.constant 0 : i32
      %dma_wait3A_587 = tpu.memref_slice %arg16[%dma_wait3A_585, %dma_wait3A_586] : memref<1024x16xf32, #tpu.memory_space<vmem>> -> memref<128x16xf32, #tpu.memory_space<vmem>>
      %dma_wait3A_588 = arith.constant 768 : i32
      %dma_wait3A_589 = tpu.memref_slice %arg12[%dma_wait3A_588] : memref<1024xi32, #tpu.memory_space<vmem>> -> memref<128xi32, #tpu.memory_space<vmem>>
      %dma_wait3A_590 = arith.constant 0 : i32
      %dma_wait3A_591 = arith.constant 0 : i32
      %dma_wait3A_592 = tpu.memref_slice %arg4[%dma_wait3A_590, %dma_wait3A_591] : memref<100352x16xf32, #tpu.memory_space<hbm>> -> memref<100352x16xf32, #tpu.memory_space<hbm>>
      tpu.wait_indirect_dma semaphore(%arg21 : memref<!tpu.dma_semaphore, #tpu.memory_space<semaphore_mem>>) src(%dma_wait3A_592 : memref<100352x16xf32, #tpu.memory_space<hbm>>) dst(%dma_wait3A_587 : memref<128x16xf32, #tpu.memory_space<vmem>>)
      %dma_wait3A_593 = arith.constant 896 : i32
      %dma_wait3A_594 = arith.constant 0 : i32
      %dma_wait3A_595 = tpu.memref_slice %arg15[%dma_wait3A_593, %dma_wait3A_594] : memref<1024x16xf32, #tpu.memory_space<vmem>> -> memref<128x16xf32, #tpu.memory_space<vmem>>
      %dma_wait3A_596 = arith.constant 896 : i32
      %dma_wait3A_597 = tpu.memref_slice %arg11[%dma_wait3A_596] : memref<1024xi32, #tpu.memory_space<vmem>> -> memref<128xi32, #tpu.memory_space<vmem>>
      %dma_wait3A_598 = arith.constant 0 : i32
      %dma_wait3A_599 = arith.constant 0 : i32
      %dma_wait3A_600 = tpu.memref_slice %arg4[%dma_wait3A_598, %dma_wait3A_599] : memref<100352x16xf32, #tpu.memory_space<hbm>> -> memref<100352x16xf32, #tpu.memory_space<hbm>>
      tpu.wait_indirect_dma semaphore(%arg21 : memref<!tpu.dma_semaphore, #tpu.memory_space<semaphore_mem>>) src(%dma_wait3A_600 : memref<100352x16xf32, #tpu.memory_space<hbm>>) dst(%dma_wait3A_595 : memref<128x16xf32, #tpu.memory_space<vmem>>)
      %dma_wait3A_601 = arith.constant 896 : i32
      %dma_wait3A_602 = arith.constant 0 : i32
      %dma_wait3A_603 = tpu.memref_slice %arg16[%dma_wait3A_601, %dma_wait3A_602] : memref<1024x16xf32, #tpu.memory_space<vmem>> -> memref<128x16xf32, #tpu.memory_space<vmem>>
      %dma_wait3A_604 = arith.constant 896 : i32
      %dma_wait3A_605 = tpu.memref_slice %arg12[%dma_wait3A_604] : memref<1024xi32, #tpu.memory_space<vmem>> -> memref<128xi32, #tpu.memory_space<vmem>>
      %dma_wait3A_606 = arith.constant 0 : i32
      %dma_wait3A_607 = arith.constant 0 : i32
      %dma_wait3A_608 = tpu.memref_slice %arg4[%dma_wait3A_606, %dma_wait3A_607] : memref<100352x16xf32, #tpu.memory_space<hbm>> -> memref<100352x16xf32, #tpu.memory_space<hbm>>
      tpu.wait_indirect_dma semaphore(%arg21 : memref<!tpu.dma_semaphore, #tpu.memory_space<semaphore_mem>>) src(%dma_wait3A_608 : memref<100352x16xf32, #tpu.memory_space<hbm>>) dst(%dma_wait3A_603 : memref<128x16xf32, #tpu.memory_space<vmem>>)
      %scan3A_609 = arith.constant 0 : i32
      %scan3A_610 = arith.constant 0 : i32
      %scan3A_611 = arith.constant 64 : i32
      %scan3A_612 = arith.addi %scan3A_610, %scan3A_611 : i32
      %scan3A_613 = arith.constant 1 : i32
      scf.for %scan3A_765 = %scan3A_610 to %scan3A_612 step %scan3A_613  : i32 {
        %mul3A_766 = arith.constant 16 : i32
        %mul3A_767 = arith.muli %scan3A_765, %mul3A_766 : i32
        %add3A_768 = vector.broadcast %mul3A_767 : i32 to vector<16xi32>
        %add3A_769 = arith.addi %add3A_768, %iota3A : vector<16xi32>
        %mul3A_770 = arith.constant 0 : i32
        %mul3A_771 = vector.broadcast %mul3A_770 : i32 to vector<16xi32>
        %mul3A_772 = arith.muli %iota3A, %mul3A_771 : vector<16xi32>
        %add3A_773 = arith.constant 0 : i32
        %add3A_774 = vector.broadcast %add3A_773 : i32 to vector<16xi32>
        %add3A_775 = arith.addi %mul3A_772, %add3A_774 : vector<16xi32>
        %gather3A = tpu.vector_load_idx %arg15[%add3A_769, %add3A_775] : memref<1024x16xf32, #tpu.memory_space<vmem>>[vector<16xi32>, vector<16xi32>], vector<16xf32>,
        %mul3A_776 = arith.constant 0 : i32
        %mul3A_777 = vector.broadcast %mul3A_776 : i32 to vector<16xi32>
        %mul3A_778 = arith.muli %iota3A, %mul3A_777 : vector<16xi32>
        %add3A_779 = arith.constant 1 : i32
        %add3A_780 = vector.broadcast %add3A_779 : i32 to vector<16xi32>
        %add3A_781 = arith.addi %mul3A_778, %add3A_780 : vector<16xi32>
        %gather3A_782 = tpu.vector_load_idx %arg15[%add3A_769, %add3A_781] : memref<1024x16xf32, #tpu.memory_space<vmem>>[vector<16xi32>, vector<16xi32>], vector<16xf32>,
        %mul3A_783 = arith.constant 0 : i32
        %mul3A_784 = vector.broadcast %mul3A_783 : i32 to vector<16xi32>
        %mul3A_785 = arith.muli %iota3A, %mul3A_784 : vector<16xi32>
        %add3A_786 = arith.constant 2 : i32
        %add3A_787 = vector.broadcast %add3A_786 : i32 to vector<16xi32>
        %add3A_788 = arith.addi %mul3A_785, %add3A_787 : vector<16xi32>
        %gather3A_789 = tpu.vector_load_idx %arg15[%add3A_769, %add3A_788] : memref<1024x16xf32, #tpu.memory_space<vmem>>[vector<16xi32>, vector<16xi32>], vector<16xf32>,
        %mul3A_790 = arith.constant 0 : i32
        %mul3A_791 = vector.broadcast %mul3A_790 : i32 to vector<16xi32>
        %mul3A_792 = arith.muli %iota3A, %mul3A_791 : vector<16xi32>
        %add3A_793 = arith.constant 3 : i32
        %add3A_794 = vector.broadcast %add3A_793 : i32 to vector<16xi32>
        %add3A_795 = arith.addi %mul3A_792, %add3A_794 : vector<16xi32>
        %gather3A_796 = tpu.vector_load_idx %arg15[%add3A_769, %add3A_795] : memref<1024x16xf32, #tpu.memory_space<vmem>>[vector<16xi32>, vector<16xi32>], vector<16xf32>,
        %mul3A_797 = arith.constant 0 : i32
        %mul3A_798 = vector.broadcast %mul3A_797 : i32 to vector<16xi32>
        %mul3A_799 = arith.muli %iota3A, %mul3A_798 : vector<16xi32>
        %add3A_800 = arith.constant 4 : i32
        %add3A_801 = vector.broadcast %add3A_800 : i32 to vector<16xi32>
        %add3A_802 = arith.addi %mul3A_799, %add3A_801 : vector<16xi32>
        %gather3A_803 = tpu.vector_load_idx %arg15[%add3A_769, %add3A_802] : memref<1024x16xf32, #tpu.memory_space<vmem>>[vector<16xi32>, vector<16xi32>], vector<16xf32>,
        %mul3A_804 = arith.constant 0 : i32
        %mul3A_805 = vector.broadcast %mul3A_804 : i32 to vector<16xi32>
        %mul3A_806 = arith.muli %iota3A, %mul3A_805 : vector<16xi32>
        %add3A_807 = arith.constant 0 : i32
        %add3A_808 = vector.broadcast %add3A_807 : i32 to vector<16xi32>
        %add3A_809 = arith.addi %mul3A_806, %add3A_808 : vector<16xi32>
        %gather3A_810 = tpu.vector_load_idx %arg16[%add3A_769, %add3A_809] : memref<1024x16xf32, #tpu.memory_space<vmem>>[vector<16xi32>, vector<16xi32>], vector<16xf32>,
        %mul3A_811 = arith.constant 0 : i32
        %mul3A_812 = vector.broadcast %mul3A_811 : i32 to vector<16xi32>
        %mul3A_813 = arith.muli %iota3A, %mul3A_812 : vector<16xi32>
        %add3A_814 = arith.constant 1 : i32
        %add3A_815 = vector.broadcast %add3A_814 : i32 to vector<16xi32>
        %add3A_816 = arith.addi %mul3A_813, %add3A_815 : vector<16xi32>
        %gather3A_817 = tpu.vector_load_idx %arg16[%add3A_769, %add3A_816] : memref<1024x16xf32, #tpu.memory_space<vmem>>[vector<16xi32>, vector<16xi32>], vector<16xf32>,
        %mul3A_818 = arith.constant 0 : i32
        %mul3A_819 = vector.broadcast %mul3A_818 : i32 to vector<16xi32>
        %mul3A_820 = arith.muli %iota3A, %mul3A_819 : vector<16xi32>
        %add3A_821 = arith.constant 2 : i32
        %add3A_822 = vector.broadcast %add3A_821 : i32 to vector<16xi32>
        %add3A_823 = arith.addi %mul3A_820, %add3A_822 : vector<16xi32>
        %gather3A_824 = tpu.vector_load_idx %arg16[%add3A_769, %add3A_823] : memref<1024x16xf32, #tpu.memory_space<vmem>>[vector<16xi32>, vector<16xi32>], vector<16xf32>,
        %mul3A_825 = arith.constant 0 : i32
        %mul3A_826 = vector.broadcast %mul3A_825 : i32 to vector<16xi32>
        %mul3A_827 = arith.muli %iota3A, %mul3A_826 : vector<16xi32>
        %add3A_828 = arith.constant 3 : i32
        %add3A_829 = vector.broadcast %add3A_828 : i32 to vector<16xi32>
        %add3A_830 = arith.addi %mul3A_827, %add3A_829 : vector<16xi32>
        %gather3A_831 = tpu.vector_load_idx %arg16[%add3A_769, %add3A_830] : memref<1024x16xf32, #tpu.memory_space<vmem>>[vector<16xi32>, vector<16xi32>], vector<16xf32>,
        %mul3A_832 = arith.constant 0 : i32
        %mul3A_833 = vector.broadcast %mul3A_832 : i32 to vector<16xi32>
        %mul3A_834 = arith.muli %iota3A, %mul3A_833 : vector<16xi32>
        %add3A_835 = arith.constant 4 : i32
        %add3A_836 = vector.broadcast %add3A_835 : i32 to vector<16xi32>
        %add3A_837 = arith.addi %mul3A_834, %add3A_836 : vector<16xi32>
        %gather3A_838 = tpu.vector_load_idx %arg16[%add3A_769, %add3A_837] : memref<1024x16xf32, #tpu.memory_space<vmem>>[vector<16xi32>, vector<16xi32>], vector<16xf32>,
        %convert_element_type3A_839 = arith.fptosi %gather3A_803 : vector<16xf32> to vector<16xi32>
        %convert_element_type3A_840 = arith.fptosi %gather3A_838 : vector<16xf32> to vector<16xi32>
        %gather3A_841 = tpu.vector_load_idx %arg20[%convert_element_type3A_839] : memref<512xf32, #tpu.memory_space<vmem>>[vector<16xi32>], vector<16xf32>,
        %add3A_842 = arith.addf %gather3A_796, %gather3A_841 : vector<16xf32>
        %gather3A_843 = tpu.vector_load_idx %arg20[%convert_element_type3A_840] : memref<512xf32, #tpu.memory_space<vmem>>[vector<16xi32>], vector<16xf32>,
        %add3A_844 = arith.addf %gather3A_831, %gather3A_843 : vector<16xf32>
        %sub3A = arith.subf %gather3A, %gather3A_810 : vector<16xf32>
        %sub3A_845 = arith.subf %gather3A_782, %gather3A_817 : vector<16xf32>
        %sub3A_846 = arith.subf %gather3A_789, %gather3A_824 : vector<16xf32>
        %mul3A_847 = arith.mulf %sub3A, %sub3A : vector<16xf32>
        %mul3A_848 = arith.mulf %sub3A_845, %sub3A_845 : vector<16xf32>
        %add3A_849 = arith.addf %mul3A_847, %mul3A_848 : vector<16xf32>
        %mul3A_850 = arith.mulf %sub3A_846, %sub3A_846 : vector<16xf32>
        %add3A_851 = arith.addf %add3A_849, %mul3A_850 : vector<16xf32>
        %add3A_852 = arith.constant 1.000000e-15 : f32
        %add3A_853 = vector.broadcast %add3A_852 : f32 to vector<16xf32>
        %add3A_854 = arith.addf %add3A_851, %add3A_853 : vector<16xf32>
        %bitcast_convert_type3A = tpu.bitcast %add3A_854 : vector<16xf32> -> vector<16xi32>
        %shift_right_arithmetic3A = arith.constant 1 : i32
        %shift_right_arithmetic3A_855 = vector.broadcast %shift_right_arithmetic3A : i32 to vector<16xi32>
        %shift_right_arithmetic3A_856 = arith.shrsi %bitcast_convert_type3A, %shift_right_arithmetic3A_855 : vector<16xi32>
        %sub3A_857 = arith.constant 1597463007 : i32
        %sub3A_858 = vector.broadcast %sub3A_857 : i32 to vector<16xi32>
        %sub3A_859 = arith.subi %sub3A_858, %shift_right_arithmetic3A_856 : vector<16xi32>
        %bitcast_convert_type3A_860 = tpu.bitcast %sub3A_859 : vector<16xi32> -> vector<16xf32>
        %mul3A_861 = arith.constant 5.000000e-01 : f32
        %mul3A_862 = vector.broadcast %mul3A_861 : f32 to vector<16xf32>
        %mul3A_863 = arith.mulf %mul3A_862, %add3A_854 : vector<16xf32>
        %mul3A_864 = arith.mulf %mul3A_863, %bitcast_convert_type3A_860 : vector<16xf32>
        %mul3A_865 = arith.mulf %mul3A_864, %bitcast_convert_type3A_860 : vector<16xf32>
        %sub3A_866 = arith.constant 1.500000e+00 : f32
        %sub3A_867 = vector.broadcast %sub3A_866 : f32 to vector<16xf32>
        %sub3A_868 = arith.subf %sub3A_867, %mul3A_865 : vector<16xf32>
        %mul3A_869 = arith.mulf %bitcast_convert_type3A_860, %sub3A_868 : vector<16xf32>
        %mul3A_870 = arith.constant 5.000000e-01 : f32
        %mul3A_871 = vector.broadcast %mul3A_870 : f32 to vector<16xf32>
        %mul3A_872 = arith.mulf %mul3A_871, %add3A_854 : vector<16xf32>
        %mul3A_873 = arith.mulf %mul3A_872, %mul3A_869 : vector<16xf32>
        %mul3A_874 = arith.mulf %mul3A_873, %mul3A_869 : vector<16xf32>
        %sub3A_875 = arith.constant 1.500000e+00 : f32
        %sub3A_876 = vector.broadcast %sub3A_875 : f32 to vector<16xf32>
        %sub3A_877 = arith.subf %sub3A_876, %mul3A_874 : vector<16xf32>
        %mul3A_878 = arith.mulf %mul3A_869, %sub3A_877 : vector<16xf32>
        %mul3A_879 = arith.constant 5.000000e-01 : f32
        %mul3A_880 = vector.broadcast %mul3A_879 : f32 to vector<16xf32>
        %mul3A_881 = arith.mulf %mul3A_880, %add3A_854 : vector<16xf32>
        %mul3A_882 = arith.mulf %mul3A_881, %mul3A_878 : vector<16xf32>
        %mul3A_883 = arith.mulf %mul3A_882, %mul3A_878 : vector<16xf32>
        %sub3A_884 = arith.constant 1.500000e+00 : f32
        %sub3A_885 = vector.broadcast %sub3A_884 : f32 to vector<16xf32>
        %sub3A_886 = arith.subf %sub3A_885, %mul3A_883 : vector<16xf32>
        %mul3A_887 = arith.mulf %mul3A_878, %sub3A_886 : vector<16xf32>
        %mul3A_888 = arith.mulf %add3A_854, %mul3A_887 : vector<16xf32>
        %add3A_889 = arith.constant 0.280028284 : f32
        %add3A_890 = vector.broadcast %add3A_889 : f32 to vector<16xf32>
        %add3A_891 = arith.addf %add3A_854, %add3A_890 : vector<16xf32>
        %bitcast_convert_type3A_892 = tpu.bitcast %add3A_891 : vector<16xf32> -> vector<16xi32>
        %shift_right_arithmetic3A_893 = arith.constant 1 : i32
        %shift_right_arithmetic3A_894 = vector.broadcast %shift_right_arithmetic3A_893 : i32 to vector<16xi32>
        %shift_right_arithmetic3A_895 = arith.shrsi %bitcast_convert_type3A_892, %shift_right_arithmetic3A_894 : vector<16xi32>
        %sub3A_896 = arith.constant 1597463007 : i32
        %sub3A_897 = vector.broadcast %sub3A_896 : i32 to vector<16xi32>
        %sub3A_898 = arith.subi %sub3A_897, %shift_right_arithmetic3A_895 : vector<16xi32>
        %bitcast_convert_type3A_899 = tpu.bitcast %sub3A_898 : vector<16xi32> -> vector<16xf32>
        %mul3A_900 = arith.constant 5.000000e-01 : f32
        %mul3A_901 = vector.broadcast %mul3A_900 : f32 to vector<16xf32>
        %mul3A_902 = arith.mulf %mul3A_901, %add3A_891 : vector<16xf32>
        %mul3A_903 = arith.mulf %mul3A_902, %bitcast_convert_type3A_899 : vector<16xf32>
        %mul3A_904 = arith.mulf %mul3A_903, %bitcast_convert_type3A_899 : vector<16xf32>
        %sub3A_905 = arith.constant 1.500000e+00 : f32
        %sub3A_906 = vector.broadcast %sub3A_905 : f32 to vector<16xf32>
        %sub3A_907 = arith.subf %sub3A_906, %mul3A_904 : vector<16xf32>
        %mul3A_908 = arith.mulf %bitcast_convert_type3A_899, %sub3A_907 : vector<16xf32>
        %mul3A_909 = arith.constant 5.000000e-01 : f32
        %mul3A_910 = vector.broadcast %mul3A_909 : f32 to vector<16xf32>
        %mul3A_911 = arith.mulf %mul3A_910, %add3A_891 : vector<16xf32>
        %mul3A_912 = arith.mulf %mul3A_911, %mul3A_908 : vector<16xf32>
        %mul3A_913 = arith.mulf %mul3A_912, %mul3A_908 : vector<16xf32>
        %sub3A_914 = arith.constant 1.500000e+00 : f32
        %sub3A_915 = vector.broadcast %sub3A_914 : f32 to vector<16xf32>
        %sub3A_916 = arith.subf %sub3A_915, %mul3A_913 : vector<16xf32>
        %mul3A_917 = arith.mulf %mul3A_908, %sub3A_916 : vector<16xf32>
        %mul3A_918 = arith.constant 5.000000e-01 : f32
        %mul3A_919 = vector.broadcast %mul3A_918 : f32 to vector<16xf32>
        %mul3A_920 = arith.mulf %mul3A_919, %add3A_891 : vector<16xf32>
        %mul3A_921 = arith.mulf %mul3A_920, %mul3A_917 : vector<16xf32>
        %mul3A_922 = arith.mulf %mul3A_921, %mul3A_917 : vector<16xf32>
        %sub3A_923 = arith.constant 1.500000e+00 : f32
        %sub3A_924 = vector.broadcast %sub3A_923 : f32 to vector<16xf32>
        %sub3A_925 = arith.subf %sub3A_924, %mul3A_922 : vector<16xf32>
        %mul3A_926 = arith.mulf %mul3A_917, %sub3A_925 : vector<16xf32>
        %sub3A_927 = arith.constant 1.250000e+00 : f32
        %sub3A_928 = vector.broadcast %sub3A_927 : f32 to vector<16xf32>
        %sub3A_929 = arith.subf %mul3A_888, %sub3A_928 : vector<16xf32>
        %mul3A_930 = arith.constant 4.000000e-01 : f32
        %mul3A_931 = vector.broadcast %mul3A_930 : f32 to vector<16xf32>
        %mul3A_932 = arith.mulf %sub3A_929, %mul3A_931 : vector<16xf32>
        %sub3A_933 = arith.constant 1.000000e+00 : f32
        %sub3A_934 = vector.broadcast %sub3A_933 : f32 to vector<16xf32>
        %sub3A_935 = arith.subf %sub3A_934, %mul3A_932 : vector<16xf32>
        %gt3A = arith.constant 0.000000e+00 : f32
        %gt3A_936 = vector.broadcast %gt3A : f32 to vector<16xf32>
        %gt3A_937 = arith.cmpf ogt, %mul3A_932, %gt3A_936 : vector<16xf32>
        %gt3A_938 = arith.constant 0.000000e+00 : f32
        %gt3A_939 = vector.broadcast %gt3A_938 : f32 to vector<16xf32>
        %gt3A_940 = arith.cmpf ogt, %sub3A_935, %gt3A_939 : vector<16xf32>
        %and3A = arith.andi %gt3A_937, %gt3A_940 : vector<16xi1>
        %mul3A_941 = arith.mulf %mul3A_932, %sub3A_935 : vector<16xf32>
        %jit3A = arith.constant 1.000000e+00 : f32
        %broadcast_in_dim3A_942 = vector.broadcast %jit3A : f32 to vector<16xf32>
        %select_n3A = arith.select %and3A, %mul3A_941, %broadcast_in_dim3A_942 : vector<16xi1>, vector<16xf32>
        %sub3A_943 = arith.subf %mul3A_932, %sub3A_935 : vector<16xf32>
        %div3A = arith.divf %sub3A_943, %select_n3A : vector<16xf32>
        %lt3A_944 = arith.constant 3.400000e+01 : f32
        %lt3A_945 = vector.broadcast %lt3A_944 : f32 to vector<16xf32>
        %lt3A_946 = arith.cmpf olt, %div3A, %lt3A_945 : vector<16xf32>
        %and3A_947 = arith.andi %and3A, %lt3A_946 : vector<16xi1>
        %jit3A_948 = arith.constant 0.000000e+00 : f32
        %broadcast_in_dim3A_949 = vector.broadcast %jit3A_948 : f32 to vector<16xf32>
        %select_n3A_950 = arith.select %and3A_947, %div3A, %broadcast_in_dim3A_949 : vector<16xi1>, vector<16xf32>
        %ge3A = arith.constant 3.400000e+01 : f32
        %ge3A_951 = vector.broadcast %ge3A : f32 to vector<16xf32>
        %ge3A_952 = arith.cmpf oge, %div3A, %ge3A_951 : vector<16xf32>
        %exp3A = math.exp %select_n3A_950 : vector<16xf32>
        %add3A_953 = arith.constant 1.000000e+00 : f32
        %add3A_954 = vector.broadcast %add3A_953 : f32 to vector<16xf32>
        %add3A_955 = arith.addf %add3A_954, %exp3A : vector<16xf32>
        %div3A_956 = arith.constant 1.000000e+00 : f32
        %div3A_957 = vector.broadcast %div3A_956 : f32 to vector<16xf32>
        %div3A_958 = arith.divf %div3A_957, %add3A_955 : vector<16xf32>
        %jit3A_959 = arith.constant 0.000000e+00 : f32
        %broadcast_in_dim3A_960 = vector.broadcast %jit3A_959 : f32 to vector<16xf32>
        %select_n3A_961 = arith.select %ge3A_952, %broadcast_in_dim3A_960, %div3A_958 : vector<16xi1>, vector<16xf32>
        %le3A = arith.constant 0.000000e+00 : f32
        %le3A_962 = vector.broadcast %le3A : f32 to vector<16xf32>
        %le3A_963 = arith.cmpf ole, %mul3A_932, %le3A_962 : vector<16xf32>
        %gt3A_964 = arith.constant 0.000000e+00 : f32
        %gt3A_965 = vector.broadcast %gt3A_964 : f32 to vector<16xf32>
        %gt3A_966 = arith.cmpf ogt, %sub3A_935, %gt3A_965 : vector<16xf32>
        %and3A_967 = arith.andi %le3A_963, %gt3A_966 : vector<16xi1>
        %jit3A_968 = arith.constant 1.000000e+00 : f32
        %jit3A_969 = arith.constant 0.000000e+00 : f32
        %broadcast_in_dim3A_970 = vector.broadcast %jit3A_968 : f32 to vector<16xf32>
        %broadcast_in_dim3A_971 = vector.broadcast %jit3A_969 : f32 to vector<16xf32>
        %select_n3A_972 = arith.select %and3A_967, %broadcast_in_dim3A_970, %broadcast_in_dim3A_971 : vector<16xi1>, vector<16xf32>
        %select_n3A_973 = arith.select %and3A, %select_n3A_961, %select_n3A_972 : vector<16xi1>, vector<16xf32>
        %mul3A_974 = arith.mulf %add3A_842, %add3A_844 : vector<16xf32>
        %mul3A_975 = arith.constant 332.06369 : f32
        %mul3A_976 = vector.broadcast %mul3A_975 : f32 to vector<16xf32>
        %mul3A_977 = arith.mulf %mul3A_976, %mul3A_974 : vector<16xf32>
        %mul3A_978 = arith.mulf %select_n3A_973, %mul3A_926 : vector<16xf32>
        %sub3A_979 = arith.constant 1.000000e+00 : f32
        %sub3A_980 = vector.broadcast %sub3A_979 : f32 to vector<16xf32>
        %sub3A_981 = arith.subf %sub3A_980, %select_n3A_973 : vector<16xf32>
        %mul3A_982 = arith.mulf %sub3A_981, %mul3A_887 : vector<16xf32>
        %add3A_983 = arith.addf %mul3A_978, %mul3A_982 : vector<16xf32>
        %mul3A_984 = arith.mulf %mul3A_977, %add3A_983 : vector<16xf32>
        tpu.vector_store_idx %arg19[%convert_element_type3A_839, %iota3A], %mul3A_984 {add = true} : memref<512x16xf32, #tpu.memory_space<vmem>>[vector<16xi32>, vector<16xi32>], vector<16xf32>,
      }
      %scan3A_614 = arith.constant 64 : i32
      %add3A_615 = arith.constant 3 : i32
      %add3A_616 = arith.addi %mul3A_167, %add3A_615 : i32
      %add3A_617 = arith.constant 1 : i32
      %add3A_618 = arith.addi %add3A_616, %add3A_617 : i32
      %lt3A_619 = arith.constant 100 : i32
      %lt3A_620 = arith.cmpi slt, %add3A_618, %lt3A_619 : i32
      %convert_element_type3A_621 = arith.extui %lt3A_620 : i1 to i32
      %cond3A_622 = arith.constant 0 : i32
      %cond3A_623 = arith.cmpi ne, %convert_element_type3A_621, %cond3A_622 : i32
      scf.if %cond3A_623 {
        %add3A_765 = arith.constant 1 : i32
        %add3A_766 = arith.addi %add3A_616, %add3A_765 : i32
        %mul3A_767 = arith.constant 1024 : i32
        %mul3A_768 = arith.muli %add3A_766, %mul3A_767 : i32
        %add3A_769 = arith.addi %mul3A_2, %mul3A_768 : i32
        %dma_wait3A_770 = tpu.memref_slice %arg2[%add3A_769] : memref<3276800xi32, #tpu.memory_space<hbm>> -> memref<1024xi32, #tpu.memory_space<hbm>>
        %dma_wait3A_771 = tpu.memref_slice %arg2[%add3A_769] : memref<3276800xi32, #tpu.memory_space<hbm>> -> memref<1024xi32, #tpu.memory_space<hbm>>
        tpu.wait_dma2 semaphore(%arg23 : memref<!tpu.dma_semaphore, #tpu.memory_space<semaphore_mem>>) src(%dma_wait3A_771 : memref<1024xi32, #tpu.memory_space<hbm>>) dst(%arg7 : memref<1024xi32, #tpu.memory_space<vmem>>)
        %dma_wait3A_772 = tpu.memref_slice %arg3[%add3A_769] : memref<3276800xi32, #tpu.memory_space<hbm>> -> memref<1024xi32, #tpu.memory_space<hbm>>
        %dma_wait3A_773 = tpu.memref_slice %arg3[%add3A_769] : memref<3276800xi32, #tpu.memory_space<hbm>> -> memref<1024xi32, #tpu.memory_space<hbm>>
        tpu.wait_dma2 semaphore(%arg23 : memref<!tpu.dma_semaphore, #tpu.memory_space<semaphore_mem>>) src(%dma_wait3A_773 : memref<1024xi32, #tpu.memory_space<hbm>>) dst(%arg8 : memref<1024xi32, #tpu.memory_space<vmem>>)
        %dma_start3A_774 = arith.constant 0 : i32
        %dma_start3A_775 = arith.constant 0 : i32
        %dma_start3A_776 = tpu.memref_slice %arg15[%dma_start3A_774, %dma_start3A_775] : memref<1024x16xf32, #tpu.memory_space<vmem>> -> memref<128x16xf32, #tpu.memory_space<vmem>>
        %dma_start3A_777 = arith.constant 0 : i32
        %dma_start3A_778 = tpu.memref_slice %arg7[%dma_start3A_777] : memref<1024xi32, #tpu.memory_space<vmem>> -> memref<128xi32, #tpu.memory_space<vmem>>
        %dma_start3A_779 = arith.constant 0 : i32
        %dma_start3A_780 = arith.constant 0 : i32
        %dma_start3A_781 = tpu.memref_slice %arg4[%dma_start3A_779, %dma_start3A_780] : memref<100352x16xf32, #tpu.memory_space<hbm>> -> memref<100352x16xf32, #tpu.memory_space<hbm>>
        tpu.enqueue_indirect_dma source(%dma_start3A_781 : memref<100352x16xf32, #tpu.memory_space<hbm>>) target(%dma_start3A_776 : memref<128x16xf32, #tpu.memory_space<vmem>>) offsets(%dma_start3A_778 : memref<128xi32, #tpu.memory_space<vmem>>) semaphore(%arg21 : memref<!tpu.dma_semaphore, #tpu.memory_space<semaphore_mem>>)
        %dma_start3A_782 = arith.constant 0 : i32
        %dma_start3A_783 = arith.constant 0 : i32
        %dma_start3A_784 = tpu.memref_slice %arg16[%dma_start3A_782, %dma_start3A_783] : memref<1024x16xf32, #tpu.memory_space<vmem>> -> memref<128x16xf32, #tpu.memory_space<vmem>>
        %dma_start3A_785 = arith.constant 0 : i32
        %dma_start3A_786 = tpu.memref_slice %arg8[%dma_start3A_785] : memref<1024xi32, #tpu.memory_space<vmem>> -> memref<128xi32, #tpu.memory_space<vmem>>
        %dma_start3A_787 = arith.constant 0 : i32
        %dma_start3A_788 = arith.constant 0 : i32
        %dma_start3A_789 = tpu.memref_slice %arg4[%dma_start3A_787, %dma_start3A_788] : memref<100352x16xf32, #tpu.memory_space<hbm>> -> memref<100352x16xf32, #tpu.memory_space<hbm>>
        tpu.enqueue_indirect_dma source(%dma_start3A_789 : memref<100352x16xf32, #tpu.memory_space<hbm>>) target(%dma_start3A_784 : memref<128x16xf32, #tpu.memory_space<vmem>>) offsets(%dma_start3A_786 : memref<128xi32, #tpu.memory_space<vmem>>) semaphore(%arg21 : memref<!tpu.dma_semaphore, #tpu.memory_space<semaphore_mem>>)
        %dma_start3A_790 = arith.constant 128 : i32
        %dma_start3A_791 = arith.constant 0 : i32
        %dma_start3A_792 = tpu.memref_slice %arg15[%dma_start3A_790, %dma_start3A_791] : memref<1024x16xf32, #tpu.memory_space<vmem>> -> memref<128x16xf32, #tpu.memory_space<vmem>>
        %dma_start3A_793 = arith.constant 128 : i32
        %dma_start3A_794 = tpu.memref_slice %arg7[%dma_start3A_793] : memref<1024xi32, #tpu.memory_space<vmem>> -> memref<128xi32, #tpu.memory_space<vmem>>
        %dma_start3A_795 = arith.constant 0 : i32
        %dma_start3A_796 = arith.constant 0 : i32
        %dma_start3A_797 = tpu.memref_slice %arg4[%dma_start3A_795, %dma_start3A_796] : memref<100352x16xf32, #tpu.memory_space<hbm>> -> memref<100352x16xf32, #tpu.memory_space<hbm>>
        tpu.enqueue_indirect_dma source(%dma_start3A_797 : memref<100352x16xf32, #tpu.memory_space<hbm>>) target(%dma_start3A_792 : memref<128x16xf32, #tpu.memory_space<vmem>>) offsets(%dma_start3A_794 : memref<128xi32, #tpu.memory_space<vmem>>) semaphore(%arg21 : memref<!tpu.dma_semaphore, #tpu.memory_space<semaphore_mem>>)
        %dma_start3A_798 = arith.constant 128 : i32
        %dma_start3A_799 = arith.constant 0 : i32
        %dma_start3A_800 = tpu.memref_slice %arg16[%dma_start3A_798, %dma_start3A_799] : memref<1024x16xf32, #tpu.memory_space<vmem>> -> memref<128x16xf32, #tpu.memory_space<vmem>>
        %dma_start3A_801 = arith.constant 128 : i32
        %dma_start3A_802 = tpu.memref_slice %arg8[%dma_start3A_801] : memref<1024xi32, #tpu.memory_space<vmem>> -> memref<128xi32, #tpu.memory_space<vmem>>
        %dma_start3A_803 = arith.constant 0 : i32
        %dma_start3A_804 = arith.constant 0 : i32
        %dma_start3A_805 = tpu.memref_slice %arg4[%dma_start3A_803, %dma_start3A_804] : memref<100352x16xf32, #tpu.memory_space<hbm>> -> memref<100352x16xf32, #tpu.memory_space<hbm>>
        tpu.enqueue_indirect_dma source(%dma_start3A_805 : memref<100352x16xf32, #tpu.memory_space<hbm>>) target(%dma_start3A_800 : memref<128x16xf32, #tpu.memory_space<vmem>>) offsets(%dma_start3A_802 : memref<128xi32, #tpu.memory_space<vmem>>) semaphore(%arg21 : memref<!tpu.dma_semaphore, #tpu.memory_space<semaphore_mem>>)
        %dma_start3A_806 = arith.constant 256 : i32
        %dma_start3A_807 = arith.constant 0 : i32
        %dma_start3A_808 = tpu.memref_slice %arg15[%dma_start3A_806, %dma_start3A_807] : memref<1024x16xf32, #tpu.memory_space<vmem>> -> memref<128x16xf32, #tpu.memory_space<vmem>>
        %dma_start3A_809 = arith.constant 256 : i32
        %dma_start3A_810 = tpu.memref_slice %arg7[%dma_start3A_809] : memref<1024xi32, #tpu.memory_space<vmem>> -> memref<128xi32, #tpu.memory_space<vmem>>
        %dma_start3A_811 = arith.constant 0 : i32
        %dma_start3A_812 = arith.constant 0 : i32
        %dma_start3A_813 = tpu.memref_slice %arg4[%dma_start3A_811, %dma_start3A_812] : memref<100352x16xf32, #tpu.memory_space<hbm>> -> memref<100352x16xf32, #tpu.memory_space<hbm>>
        tpu.enqueue_indirect_dma source(%dma_start3A_813 : memref<100352x16xf32, #tpu.memory_space<hbm>>) target(%dma_start3A_808 : memref<128x16xf32, #tpu.memory_space<vmem>>) offsets(%dma_start3A_810 : memref<128xi32, #tpu.memory_space<vmem>>) semaphore(%arg21 : memref<!tpu.dma_semaphore, #tpu.memory_space<semaphore_mem>>)
        %dma_start3A_814 = arith.constant 256 : i32
        %dma_start3A_815 = arith.constant 0 : i32
        %dma_start3A_816 = tpu.memref_slice %arg16[%dma_start3A_814, %dma_start3A_815] : memref<1024x16xf32, #tpu.memory_space<vmem>> -> memref<128x16xf32, #tpu.memory_space<vmem>>
        %dma_start3A_817 = arith.constant 256 : i32
        %dma_start3A_818 = tpu.memref_slice %arg8[%dma_start3A_817] : memref<1024xi32, #tpu.memory_space<vmem>> -> memref<128xi32, #tpu.memory_space<vmem>>
        %dma_start3A_819 = arith.constant 0 : i32
        %dma_start3A_820 = arith.constant 0 : i32
        %dma_start3A_821 = tpu.memref_slice %arg4[%dma_start3A_819, %dma_start3A_820] : memref<100352x16xf32, #tpu.memory_space<hbm>> -> memref<100352x16xf32, #tpu.memory_space<hbm>>
        tpu.enqueue_indirect_dma source(%dma_start3A_821 : memref<100352x16xf32, #tpu.memory_space<hbm>>) target(%dma_start3A_816 : memref<128x16xf32, #tpu.memory_space<vmem>>) offsets(%dma_start3A_818 : memref<128xi32, #tpu.memory_space<vmem>>) semaphore(%arg21 : memref<!tpu.dma_semaphore, #tpu.memory_space<semaphore_mem>>)
        %dma_start3A_822 = arith.constant 384 : i32
        %dma_start3A_823 = arith.constant 0 : i32
        %dma_start3A_824 = tpu.memref_slice %arg15[%dma_start3A_822, %dma_start3A_823] : memref<1024x16xf32, #tpu.memory_space<vmem>> -> memref<128x16xf32, #tpu.memory_space<vmem>>
        %dma_start3A_825 = arith.constant 384 : i32
        %dma_start3A_826 = tpu.memref_slice %arg7[%dma_start3A_825] : memref<1024xi32, #tpu.memory_space<vmem>> -> memref<128xi32, #tpu.memory_space<vmem>>
        %dma_start3A_827 = arith.constant 0 : i32
        %dma_start3A_828 = arith.constant 0 : i32
        %dma_start3A_829 = tpu.memref_slice %arg4[%dma_start3A_827, %dma_start3A_828] : memref<100352x16xf32, #tpu.memory_space<hbm>> -> memref<100352x16xf32, #tpu.memory_space<hbm>>
        tpu.enqueue_indirect_dma source(%dma_start3A_829 : memref<100352x16xf32, #tpu.memory_space<hbm>>) target(%dma_start3A_824 : memref<128x16xf32, #tpu.memory_space<vmem>>) offsets(%dma_start3A_826 : memref<128xi32, #tpu.memory_space<vmem>>) semaphore(%arg21 : memref<!tpu.dma_semaphore, #tpu.memory_space<semaphore_mem>>)
        %dma_start3A_830 = arith.constant 384 : i32
        %dma_start3A_831 = arith.constant 0 : i32
        %dma_start3A_832 = tpu.memref_slice %arg16[%dma_start3A_830, %dma_start3A_831] : memref<1024x16xf32, #tpu.memory_space<vmem>> -> memref<128x16xf32, #tpu.memory_space<vmem>>
        %dma_start3A_833 = arith.constant 384 : i32
        %dma_start3A_834 = tpu.memref_slice %arg8[%dma_start3A_833] : memref<1024xi32, #tpu.memory_space<vmem>> -> memref<128xi32, #tpu.memory_space<vmem>>
        %dma_start3A_835 = arith.constant 0 : i32
        %dma_start3A_836 = arith.constant 0 : i32
        %dma_start3A_837 = tpu.memref_slice %arg4[%dma_start3A_835, %dma_start3A_836] : memref<100352x16xf32, #tpu.memory_space<hbm>> -> memref<100352x16xf32, #tpu.memory_space<hbm>>
        tpu.enqueue_indirect_dma source(%dma_start3A_837 : memref<100352x16xf32, #tpu.memory_space<hbm>>) target(%dma_start3A_832 : memref<128x16xf32, #tpu.memory_space<vmem>>) offsets(%dma_start3A_834 : memref<128xi32, #tpu.memory_space<vmem>>) semaphore(%arg21 : memref<!tpu.dma_semaphore, #tpu.memory_space<semaphore_mem>>)
        %dma_start3A_838 = arith.constant 512 : i32
        %dma_start3A_839 = arith.constant 0 : i32
        %dma_start3A_840 = tpu.memref_slice %arg15[%dma_start3A_838, %dma_start3A_839] : memref<1024x16xf32, #tpu.memory_space<vmem>> -> memref<128x16xf32, #tpu.memory_space<vmem>>
        %dma_start3A_841 = arith.constant 512 : i32
        %dma_start3A_842 = tpu.memref_slice %arg7[%dma_start3A_841] : memref<1024xi32, #tpu.memory_space<vmem>> -> memref<128xi32, #tpu.memory_space<vmem>>
        %dma_start3A_843 = arith.constant 0 : i32
        %dma_start3A_844 = arith.constant 0 : i32
        %dma_start3A_845 = tpu.memref_slice %arg4[%dma_start3A_843, %dma_start3A_844] : memref<100352x16xf32, #tpu.memory_space<hbm>> -> memref<100352x16xf32, #tpu.memory_space<hbm>>
        tpu.enqueue_indirect_dma source(%dma_start3A_845 : memref<100352x16xf32, #tpu.memory_space<hbm>>) target(%dma_start3A_840 : memref<128x16xf32, #tpu.memory_space<vmem>>) offsets(%dma_start3A_842 : memref<128xi32, #tpu.memory_space<vmem>>) semaphore(%arg21 : memref<!tpu.dma_semaphore, #tpu.memory_space<semaphore_mem>>)
        %dma_start3A_846 = arith.constant 512 : i32
        %dma_start3A_847 = arith.constant 0 : i32
        %dma_start3A_848 = tpu.memref_slice %arg16[%dma_start3A_846, %dma_start3A_847] : memref<1024x16xf32, #tpu.memory_space<vmem>> -> memref<128x16xf32, #tpu.memory_space<vmem>>
        %dma_start3A_849 = arith.constant 512 : i32
        %dma_start3A_850 = tpu.memref_slice %arg8[%dma_start3A_849] : memref<1024xi32, #tpu.memory_space<vmem>> -> memref<128xi32, #tpu.memory_space<vmem>>
        %dma_start3A_851 = arith.constant 0 : i32
        %dma_start3A_852 = arith.constant 0 : i32
        %dma_start3A_853 = tpu.memref_slice %arg4[%dma_start3A_851, %dma_start3A_852] : memref<100352x16xf32, #tpu.memory_space<hbm>> -> memref<100352x16xf32, #tpu.memory_space<hbm>>
        tpu.enqueue_indirect_dma source(%dma_start3A_853 : memref<100352x16xf32, #tpu.memory_space<hbm>>) target(%dma_start3A_848 : memref<128x16xf32, #tpu.memory_space<vmem>>) offsets(%dma_start3A_850 : memref<128xi32, #tpu.memory_space<vmem>>) semaphore(%arg21 : memref<!tpu.dma_semaphore, #tpu.memory_space<semaphore_mem>>)
        %dma_start3A_854 = arith.constant 640 : i32
        %dma_start3A_855 = arith.constant 0 : i32
        %dma_start3A_856 = tpu.memref_slice %arg15[%dma_start3A_854, %dma_start3A_855] : memref<1024x16xf32, #tpu.memory_space<vmem>> -> memref<128x16xf32, #tpu.memory_space<vmem>>
        %dma_start3A_857 = arith.constant 640 : i32
        %dma_start3A_858 = tpu.memref_slice %arg7[%dma_start3A_857] : memref<1024xi32, #tpu.memory_space<vmem>> -> memref<128xi32, #tpu.memory_space<vmem>>
        %dma_start3A_859 = arith.constant 0 : i32
        %dma_start3A_860 = arith.constant 0 : i32
        %dma_start3A_861 = tpu.memref_slice %arg4[%dma_start3A_859, %dma_start3A_860] : memref<100352x16xf32, #tpu.memory_space<hbm>> -> memref<100352x16xf32, #tpu.memory_space<hbm>>
        tpu.enqueue_indirect_dma source(%dma_start3A_861 : memref<100352x16xf32, #tpu.memory_space<hbm>>) target(%dma_start3A_856 : memref<128x16xf32, #tpu.memory_space<vmem>>) offsets(%dma_start3A_858 : memref<128xi32, #tpu.memory_space<vmem>>) semaphore(%arg21 : memref<!tpu.dma_semaphore, #tpu.memory_space<semaphore_mem>>)
        %dma_start3A_862 = arith.constant 640 : i32
        %dma_start3A_863 = arith.constant 0 : i32
        %dma_start3A_864 = tpu.memref_slice %arg16[%dma_start3A_862, %dma_start3A_863] : memref<1024x16xf32, #tpu.memory_space<vmem>> -> memref<128x16xf32, #tpu.memory_space<vmem>>
        %dma_start3A_865 = arith.constant 640 : i32
        %dma_start3A_866 = tpu.memref_slice %arg8[%dma_start3A_865] : memref<1024xi32, #tpu.memory_space<vmem>> -> memref<128xi32, #tpu.memory_space<vmem>>
        %dma_start3A_867 = arith.constant 0 : i32
        %dma_start3A_868 = arith.constant 0 : i32
        %dma_start3A_869 = tpu.memref_slice %arg4[%dma_start3A_867, %dma_start3A_868] : memref<100352x16xf32, #tpu.memory_space<hbm>> -> memref<100352x16xf32, #tpu.memory_space<hbm>>
        tpu.enqueue_indirect_dma source(%dma_start3A_869 : memref<100352x16xf32, #tpu.memory_space<hbm>>) target(%dma_start3A_864 : memref<128x16xf32, #tpu.memory_space<vmem>>) offsets(%dma_start3A_866 : memref<128xi32, #tpu.memory_space<vmem>>) semaphore(%arg21 : memref<!tpu.dma_semaphore, #tpu.memory_space<semaphore_mem>>)
        %dma_start3A_870 = arith.constant 768 : i32
        %dma_start3A_871 = arith.constant 0 : i32
        %dma_start3A_872 = tpu.memref_slice %arg15[%dma_start3A_870, %dma_start3A_871] : memref<1024x16xf32, #tpu.memory_space<vmem>> -> memref<128x16xf32, #tpu.memory_space<vmem>>
        %dma_start3A_873 = arith.constant 768 : i32
        %dma_start3A_874 = tpu.memref_slice %arg7[%dma_start3A_873] : memref<1024xi32, #tpu.memory_space<vmem>> -> memref<128xi32, #tpu.memory_space<vmem>>
        %dma_start3A_875 = arith.constant 0 : i32
        %dma_start3A_876 = arith.constant 0 : i32
        %dma_start3A_877 = tpu.memref_slice %arg4[%dma_start3A_875, %dma_start3A_876] : memref<100352x16xf32, #tpu.memory_space<hbm>> -> memref<100352x16xf32, #tpu.memory_space<hbm>>
        tpu.enqueue_indirect_dma source(%dma_start3A_877 : memref<100352x16xf32, #tpu.memory_space<hbm>>) target(%dma_start3A_872 : memref<128x16xf32, #tpu.memory_space<vmem>>) offsets(%dma_start3A_874 : memref<128xi32, #tpu.memory_space<vmem>>) semaphore(%arg21 : memref<!tpu.dma_semaphore, #tpu.memory_space<semaphore_mem>>)
        %dma_start3A_878 = arith.constant 768 : i32
        %dma_start3A_879 = arith.constant 0 : i32
        %dma_start3A_880 = tpu.memref_slice %arg16[%dma_start3A_878, %dma_start3A_879] : memref<1024x16xf32, #tpu.memory_space<vmem>> -> memref<128x16xf32, #tpu.memory_space<vmem>>
        %dma_start3A_881 = arith.constant 768 : i32
        %dma_start3A_882 = tpu.memref_slice %arg8[%dma_start3A_881] : memref<1024xi32, #tpu.memory_space<vmem>> -> memref<128xi32, #tpu.memory_space<vmem>>
        %dma_start3A_883 = arith.constant 0 : i32
        %dma_start3A_884 = arith.constant 0 : i32
        %dma_start3A_885 = tpu.memref_slice %arg4[%dma_start3A_883, %dma_start3A_884] : memref<100352x16xf32, #tpu.memory_space<hbm>> -> memref<100352x16xf32, #tpu.memory_space<hbm>>
        tpu.enqueue_indirect_dma source(%dma_start3A_885 : memref<100352x16xf32, #tpu.memory_space<hbm>>) target(%dma_start3A_880 : memref<128x16xf32, #tpu.memory_space<vmem>>) offsets(%dma_start3A_882 : memref<128xi32, #tpu.memory_space<vmem>>) semaphore(%arg21 : memref<!tpu.dma_semaphore, #tpu.memory_space<semaphore_mem>>)
        %dma_start3A_886 = arith.constant 896 : i32
        %dma_start3A_887 = arith.constant 0 : i32
        %dma_start3A_888 = tpu.memref_slice %arg15[%dma_start3A_886, %dma_start3A_887] : memref<1024x16xf32, #tpu.memory_space<vmem>> -> memref<128x16xf32, #tpu.memory_space<vmem>>
        %dma_start3A_889 = arith.constant 896 : i32
        %dma_start3A_890 = tpu.memref_slice %arg7[%dma_start3A_889] : memref<1024xi32, #tpu.memory_space<vmem>> -> memref<128xi32, #tpu.memory_space<vmem>>
        %dma_start3A_891 = arith.constant 0 : i32
        %dma_start3A_892 = arith.constant 0 : i32
        %dma_start3A_893 = tpu.memref_slice %arg4[%dma_start3A_891, %dma_start3A_892] : memref<100352x16xf32, #tpu.memory_space<hbm>> -> memref<100352x16xf32, #tpu.memory_space<hbm>>
        tpu.enqueue_indirect_dma source(%dma_start3A_893 : memref<100352x16xf32, #tpu.memory_space<hbm>>) target(%dma_start3A_888 : memref<128x16xf32, #tpu.memory_space<vmem>>) offsets(%dma_start3A_890 : memref<128xi32, #tpu.memory_space<vmem>>) semaphore(%arg21 : memref<!tpu.dma_semaphore, #tpu.memory_space<semaphore_mem>>)
        %dma_start3A_894 = arith.constant 896 : i32
        %dma_start3A_895 = arith.constant 0 : i32
        %dma_start3A_896 = tpu.memref_slice %arg16[%dma_start3A_894, %dma_start3A_895] : memref<1024x16xf32, #tpu.memory_space<vmem>> -> memref<128x16xf32, #tpu.memory_space<vmem>>
        %dma_start3A_897 = arith.constant 896 : i32
        %dma_start3A_898 = tpu.memref_slice %arg8[%dma_start3A_897] : memref<1024xi32, #tpu.memory_space<vmem>> -> memref<128xi32, #tpu.memory_space<vmem>>
        %dma_start3A_899 = arith.constant 0 : i32
        %dma_start3A_900 = arith.constant 0 : i32
        %dma_start3A_901 = tpu.memref_slice %arg4[%dma_start3A_899, %dma_start3A_900] : memref<100352x16xf32, #tpu.memory_space<hbm>> -> memref<100352x16xf32, #tpu.memory_space<hbm>>
        tpu.enqueue_indirect_dma source(%dma_start3A_901 : memref<100352x16xf32, #tpu.memory_space<hbm>>) target(%dma_start3A_896 : memref<128x16xf32, #tpu.memory_space<vmem>>) offsets(%dma_start3A_898 : memref<128xi32, #tpu.memory_space<vmem>>) semaphore(%arg21 : memref<!tpu.dma_semaphore, #tpu.memory_space<semaphore_mem>>)
      } else {
      }
      %add3A_624 = arith.constant 3 : i32
      %add3A_625 = arith.addi %add3A_616, %add3A_624 : i32
      %lt3A_626 = arith.constant 100 : i32
      %lt3A_627 = arith.cmpi slt, %add3A_625, %lt3A_626 : i32
      %convert_element_type3A_628 = arith.extui %lt3A_627 : i1 to i32
      %cond3A_629 = arith.constant 0 : i32
      %cond3A_630 = arith.cmpi ne, %convert_element_type3A_628, %cond3A_629 : i32
      scf.if %cond3A_630 {
        %add3A_765 = arith.constant 3 : i32
        %add3A_766 = arith.addi %add3A_616, %add3A_765 : i32
        %mul3A_767 = arith.constant 1024 : i32
        %mul3A_768 = arith.muli %add3A_766, %mul3A_767 : i32
        %add3A_769 = arith.addi %mul3A_2, %mul3A_768 : i32
        %dma_start3A_770 = tpu.memref_slice %arg2[%add3A_769] : memref<3276800xi32, #tpu.memory_space<hbm>> -> memref<1024xi32, #tpu.memory_space<hbm>>
        %dma_start3A_771 = tpu.memref_slice %arg2[%add3A_769] : memref<3276800xi32, #tpu.memory_space<hbm>> -> memref<1024xi32, #tpu.memory_space<hbm>>
        tpu.enqueue_dma source(%dma_start3A_771 : memref<1024xi32, #tpu.memory_space<hbm>>) target(%arg11 : memref<1024xi32, #tpu.memory_space<vmem>>) target_semaphore(%arg25 : memref<!tpu.dma_semaphore, #tpu.memory_space<semaphore_mem>>)
        %dma_start3A_772 = tpu.memref_slice %arg3[%add3A_769] : memref<3276800xi32, #tpu.memory_space<hbm>> -> memref<1024xi32, #tpu.memory_space<hbm>>
        %dma_start3A_773 = tpu.memref_slice %arg3[%add3A_769] : memref<3276800xi32, #tpu.memory_space<hbm>> -> memref<1024xi32, #tpu.memory_space<hbm>>
        tpu.enqueue_dma source(%dma_start3A_773 : memref<1024xi32, #tpu.memory_space<hbm>>) target(%arg12 : memref<1024xi32, #tpu.memory_space<vmem>>) target_semaphore(%arg25 : memref<!tpu.dma_semaphore, #tpu.memory_space<semaphore_mem>>)
      } else {
      }
      %dma_wait3A_631 = arith.constant 0 : i32
      %dma_wait3A_632 = arith.constant 0 : i32
      %dma_wait3A_633 = tpu.memref_slice %arg17[%dma_wait3A_631, %dma_wait3A_632] : memref<1024x16xf32, #tpu.memory_space<vmem>> -> memref<128x16xf32, #tpu.memory_space<vmem>>
      %dma_wait3A_634 = arith.constant 0 : i32
      %dma_wait3A_635 = tpu.memref_slice %arg13[%dma_wait3A_634] : memref<1024xi32, #tpu.memory_space<vmem>> -> memref<128xi32, #tpu.memory_space<vmem>>
      %dma_wait3A_636 = arith.constant 0 : i32
      %dma_wait3A_637 = arith.constant 0 : i32
      %dma_wait3A_638 = tpu.memref_slice %arg4[%dma_wait3A_636, %dma_wait3A_637] : memref<100352x16xf32, #tpu.memory_space<hbm>> -> memref<100352x16xf32, #tpu.memory_space<hbm>>
      tpu.wait_indirect_dma semaphore(%arg22 : memref<!tpu.dma_semaphore, #tpu.memory_space<semaphore_mem>>) src(%dma_wait3A_638 : memref<100352x16xf32, #tpu.memory_space<hbm>>) dst(%dma_wait3A_633 : memref<128x16xf32, #tpu.memory_space<vmem>>)
      %dma_wait3A_639 = arith.constant 0 : i32
      %dma_wait3A_640 = arith.constant 0 : i32
      %dma_wait3A_641 = tpu.memref_slice %arg18[%dma_wait3A_639, %dma_wait3A_640] : memref<1024x16xf32, #tpu.memory_space<vmem>> -> memref<128x16xf32, #tpu.memory_space<vmem>>
      %dma_wait3A_642 = arith.constant 0 : i32
      %dma_wait3A_643 = tpu.memref_slice %arg14[%dma_wait3A_642] : memref<1024xi32, #tpu.memory_space<vmem>> -> memref<128xi32, #tpu.memory_space<vmem>>
      %dma_wait3A_644 = arith.constant 0 : i32
      %dma_wait3A_645 = arith.constant 0 : i32
      %dma_wait3A_646 = tpu.memref_slice %arg4[%dma_wait3A_644, %dma_wait3A_645] : memref<100352x16xf32, #tpu.memory_space<hbm>> -> memref<100352x16xf32, #tpu.memory_space<hbm>>
      tpu.wait_indirect_dma semaphore(%arg22 : memref<!tpu.dma_semaphore, #tpu.memory_space<semaphore_mem>>) src(%dma_wait3A_646 : memref<100352x16xf32, #tpu.memory_space<hbm>>) dst(%dma_wait3A_641 : memref<128x16xf32, #tpu.memory_space<vmem>>)
      %dma_wait3A_647 = arith.constant 128 : i32
      %dma_wait3A_648 = arith.constant 0 : i32
      %dma_wait3A_649 = tpu.memref_slice %arg17[%dma_wait3A_647, %dma_wait3A_648] : memref<1024x16xf32, #tpu.memory_space<vmem>> -> memref<128x16xf32, #tpu.memory_space<vmem>>
      %dma_wait3A_650 = arith.constant 128 : i32
      %dma_wait3A_651 = tpu.memref_slice %arg13[%dma_wait3A_650] : memref<1024xi32, #tpu.memory_space<vmem>> -> memref<128xi32, #tpu.memory_space<vmem>>
      %dma_wait3A_652 = arith.constant 0 : i32
      %dma_wait3A_653 = arith.constant 0 : i32
      %dma_wait3A_654 = tpu.memref_slice %arg4[%dma_wait3A_652, %dma_wait3A_653] : memref<100352x16xf32, #tpu.memory_space<hbm>> -> memref<100352x16xf32, #tpu.memory_space<hbm>>
      tpu.wait_indirect_dma semaphore(%arg22 : memref<!tpu.dma_semaphore, #tpu.memory_space<semaphore_mem>>) src(%dma_wait3A_654 : memref<100352x16xf32, #tpu.memory_space<hbm>>) dst(%dma_wait3A_649 : memref<128x16xf32, #tpu.memory_space<vmem>>)
      %dma_wait3A_655 = arith.constant 128 : i32
      %dma_wait3A_656 = arith.constant 0 : i32
      %dma_wait3A_657 = tpu.memref_slice %arg18[%dma_wait3A_655, %dma_wait3A_656] : memref<1024x16xf32, #tpu.memory_space<vmem>> -> memref<128x16xf32, #tpu.memory_space<vmem>>
      %dma_wait3A_658 = arith.constant 128 : i32
      %dma_wait3A_659 = tpu.memref_slice %arg14[%dma_wait3A_658] : memref<1024xi32, #tpu.memory_space<vmem>> -> memref<128xi32, #tpu.memory_space<vmem>>
      %dma_wait3A_660 = arith.constant 0 : i32
      %dma_wait3A_661 = arith.constant 0 : i32
      %dma_wait3A_662 = tpu.memref_slice %arg4[%dma_wait3A_660, %dma_wait3A_661] : memref<100352x16xf32, #tpu.memory_space<hbm>> -> memref<100352x16xf32, #tpu.memory_space<hbm>>
      tpu.wait_indirect_dma semaphore(%arg22 : memref<!tpu.dma_semaphore, #tpu.memory_space<semaphore_mem>>) src(%dma_wait3A_662 : memref<100352x16xf32, #tpu.memory_space<hbm>>) dst(%dma_wait3A_657 : memref<128x16xf32, #tpu.memory_space<vmem>>)
      %dma_wait3A_663 = arith.constant 256 : i32
      %dma_wait3A_664 = arith.constant 0 : i32
      %dma_wait3A_665 = tpu.memref_slice %arg17[%dma_wait3A_663, %dma_wait3A_664] : memref<1024x16xf32, #tpu.memory_space<vmem>> -> memref<128x16xf32, #tpu.memory_space<vmem>>
      %dma_wait3A_666 = arith.constant 256 : i32
      %dma_wait3A_667 = tpu.memref_slice %arg13[%dma_wait3A_666] : memref<1024xi32, #tpu.memory_space<vmem>> -> memref<128xi32, #tpu.memory_space<vmem>>
      %dma_wait3A_668 = arith.constant 0 : i32
      %dma_wait3A_669 = arith.constant 0 : i32
      %dma_wait3A_670 = tpu.memref_slice %arg4[%dma_wait3A_668, %dma_wait3A_669] : memref<100352x16xf32, #tpu.memory_space<hbm>> -> memref<100352x16xf32, #tpu.memory_space<hbm>>
      tpu.wait_indirect_dma semaphore(%arg22 : memref<!tpu.dma_semaphore, #tpu.memory_space<semaphore_mem>>) src(%dma_wait3A_670 : memref<100352x16xf32, #tpu.memory_space<hbm>>) dst(%dma_wait3A_665 : memref<128x16xf32, #tpu.memory_space<vmem>>)
      %dma_wait3A_671 = arith.constant 256 : i32
      %dma_wait3A_672 = arith.constant 0 : i32
      %dma_wait3A_673 = tpu.memref_slice %arg18[%dma_wait3A_671, %dma_wait3A_672] : memref<1024x16xf32, #tpu.memory_space<vmem>> -> memref<128x16xf32, #tpu.memory_space<vmem>>
      %dma_wait3A_674 = arith.constant 256 : i32
      %dma_wait3A_675 = tpu.memref_slice %arg14[%dma_wait3A_674] : memref<1024xi32, #tpu.memory_space<vmem>> -> memref<128xi32, #tpu.memory_space<vmem>>
      %dma_wait3A_676 = arith.constant 0 : i32
      %dma_wait3A_677 = arith.constant 0 : i32
      %dma_wait3A_678 = tpu.memref_slice %arg4[%dma_wait3A_676, %dma_wait3A_677] : memref<100352x16xf32, #tpu.memory_space<hbm>> -> memref<100352x16xf32, #tpu.memory_space<hbm>>
      tpu.wait_indirect_dma semaphore(%arg22 : memref<!tpu.dma_semaphore, #tpu.memory_space<semaphore_mem>>) src(%dma_wait3A_678 : memref<100352x16xf32, #tpu.memory_space<hbm>>) dst(%dma_wait3A_673 : memref<128x16xf32, #tpu.memory_space<vmem>>)
      %dma_wait3A_679 = arith.constant 384 : i32
      %dma_wait3A_680 = arith.constant 0 : i32
      %dma_wait3A_681 = tpu.memref_slice %arg17[%dma_wait3A_679, %dma_wait3A_680] : memref<1024x16xf32, #tpu.memory_space<vmem>> -> memref<128x16xf32, #tpu.memory_space<vmem>>
      %dma_wait3A_682 = arith.constant 384 : i32
      %dma_wait3A_683 = tpu.memref_slice %arg13[%dma_wait3A_682] : memref<1024xi32, #tpu.memory_space<vmem>> -> memref<128xi32, #tpu.memory_space<vmem>>
      %dma_wait3A_684 = arith.constant 0 : i32
      %dma_wait3A_685 = arith.constant 0 : i32
      %dma_wait3A_686 = tpu.memref_slice %arg4[%dma_wait3A_684, %dma_wait3A_685] : memref<100352x16xf32, #tpu.memory_space<hbm>> -> memref<100352x16xf32, #tpu.memory_space<hbm>>
      tpu.wait_indirect_dma semaphore(%arg22 : memref<!tpu.dma_semaphore, #tpu.memory_space<semaphore_mem>>) src(%dma_wait3A_686 : memref<100352x16xf32, #tpu.memory_space<hbm>>) dst(%dma_wait3A_681 : memref<128x16xf32, #tpu.memory_space<vmem>>)
      %dma_wait3A_687 = arith.constant 384 : i32
      %dma_wait3A_688 = arith.constant 0 : i32
      %dma_wait3A_689 = tpu.memref_slice %arg18[%dma_wait3A_687, %dma_wait3A_688] : memref<1024x16xf32, #tpu.memory_space<vmem>> -> memref<128x16xf32, #tpu.memory_space<vmem>>
      %dma_wait3A_690 = arith.constant 384 : i32
      %dma_wait3A_691 = tpu.memref_slice %arg14[%dma_wait3A_690] : memref<1024xi32, #tpu.memory_space<vmem>> -> memref<128xi32, #tpu.memory_space<vmem>>
      %dma_wait3A_692 = arith.constant 0 : i32
      %dma_wait3A_693 = arith.constant 0 : i32
      %dma_wait3A_694 = tpu.memref_slice %arg4[%dma_wait3A_692, %dma_wait3A_693] : memref<100352x16xf32, #tpu.memory_space<hbm>> -> memref<100352x16xf32, #tpu.memory_space<hbm>>
      tpu.wait_indirect_dma semaphore(%arg22 : memref<!tpu.dma_semaphore, #tpu.memory_space<semaphore_mem>>) src(%dma_wait3A_694 : memref<100352x16xf32, #tpu.memory_space<hbm>>) dst(%dma_wait3A_689 : memref<128x16xf32, #tpu.memory_space<vmem>>)
      %dma_wait3A_695 = arith.constant 512 : i32
      %dma_wait3A_696 = arith.constant 0 : i32
      %dma_wait3A_697 = tpu.memref_slice %arg17[%dma_wait3A_695, %dma_wait3A_696] : memref<1024x16xf32, #tpu.memory_space<vmem>> -> memref<128x16xf32, #tpu.memory_space<vmem>>
      %dma_wait3A_698 = arith.constant 512 : i32
      %dma_wait3A_699 = tpu.memref_slice %arg13[%dma_wait3A_698] : memref<1024xi32, #tpu.memory_space<vmem>> -> memref<128xi32, #tpu.memory_space<vmem>>
      %dma_wait3A_700 = arith.constant 0 : i32
      %dma_wait3A_701 = arith.constant 0 : i32
      %dma_wait3A_702 = tpu.memref_slice %arg4[%dma_wait3A_700, %dma_wait3A_701] : memref<100352x16xf32, #tpu.memory_space<hbm>> -> memref<100352x16xf32, #tpu.memory_space<hbm>>
      tpu.wait_indirect_dma semaphore(%arg22 : memref<!tpu.dma_semaphore, #tpu.memory_space<semaphore_mem>>) src(%dma_wait3A_702 : memref<100352x16xf32, #tpu.memory_space<hbm>>) dst(%dma_wait3A_697 : memref<128x16xf32, #tpu.memory_space<vmem>>)
      %dma_wait3A_703 = arith.constant 512 : i32
      %dma_wait3A_704 = arith.constant 0 : i32
      %dma_wait3A_705 = tpu.memref_slice %arg18[%dma_wait3A_703, %dma_wait3A_704] : memref<1024x16xf32, #tpu.memory_space<vmem>> -> memref<128x16xf32, #tpu.memory_space<vmem>>
      %dma_wait3A_706 = arith.constant 512 : i32
      %dma_wait3A_707 = tpu.memref_slice %arg14[%dma_wait3A_706] : memref<1024xi32, #tpu.memory_space<vmem>> -> memref<128xi32, #tpu.memory_space<vmem>>
      %dma_wait3A_708 = arith.constant 0 : i32
      %dma_wait3A_709 = arith.constant 0 : i32
      %dma_wait3A_710 = tpu.memref_slice %arg4[%dma_wait3A_708, %dma_wait3A_709] : memref<100352x16xf32, #tpu.memory_space<hbm>> -> memref<100352x16xf32, #tpu.memory_space<hbm>>
      tpu.wait_indirect_dma semaphore(%arg22 : memref<!tpu.dma_semaphore, #tpu.memory_space<semaphore_mem>>) src(%dma_wait3A_710 : memref<100352x16xf32, #tpu.memory_space<hbm>>) dst(%dma_wait3A_705 : memref<128x16xf32, #tpu.memory_space<vmem>>)
      %dma_wait3A_711 = arith.constant 640 : i32
      %dma_wait3A_712 = arith.constant 0 : i32
      %dma_wait3A_713 = tpu.memref_slice %arg17[%dma_wait3A_711, %dma_wait3A_712] : memref<1024x16xf32, #tpu.memory_space<vmem>> -> memref<128x16xf32, #tpu.memory_space<vmem>>
      %dma_wait3A_714 = arith.constant 640 : i32
      %dma_wait3A_715 = tpu.memref_slice %arg13[%dma_wait3A_714] : memref<1024xi32, #tpu.memory_space<vmem>> -> memref<128xi32, #tpu.memory_space<vmem>>
      %dma_wait3A_716 = arith.constant 0 : i32
      %dma_wait3A_717 = arith.constant 0 : i32
      %dma_wait3A_718 = tpu.memref_slice %arg4[%dma_wait3A_716, %dma_wait3A_717] : memref<100352x16xf32, #tpu.memory_space<hbm>> -> memref<100352x16xf32, #tpu.memory_space<hbm>>
      tpu.wait_indirect_dma semaphore(%arg22 : memref<!tpu.dma_semaphore, #tpu.memory_space<semaphore_mem>>) src(%dma_wait3A_718 : memref<100352x16xf32, #tpu.memory_space<hbm>>) dst(%dma_wait3A_713 : memref<128x16xf32, #tpu.memory_space<vmem>>)
      %dma_wait3A_719 = arith.constant 640 : i32
      %dma_wait3A_720 = arith.constant 0 : i32
      %dma_wait3A_721 = tpu.memref_slice %arg18[%dma_wait3A_719, %dma_wait3A_720] : memref<1024x16xf32, #tpu.memory_space<vmem>> -> memref<128x16xf32, #tpu.memory_space<vmem>>
      %dma_wait3A_722 = arith.constant 640 : i32
      %dma_wait3A_723 = tpu.memref_slice %arg14[%dma_wait3A_722] : memref<1024xi32, #tpu.memory_space<vmem>> -> memref<128xi32, #tpu.memory_space<vmem>>
      %dma_wait3A_724 = arith.constant 0 : i32
      %dma_wait3A_725 = arith.constant 0 : i32
      %dma_wait3A_726 = tpu.memref_slice %arg4[%dma_wait3A_724, %dma_wait3A_725] : memref<100352x16xf32, #tpu.memory_space<hbm>> -> memref<100352x16xf32, #tpu.memory_space<hbm>>
      tpu.wait_indirect_dma semaphore(%arg22 : memref<!tpu.dma_semaphore, #tpu.memory_space<semaphore_mem>>) src(%dma_wait3A_726 : memref<100352x16xf32, #tpu.memory_space<hbm>>) dst(%dma_wait3A_721 : memref<128x16xf32, #tpu.memory_space<vmem>>)
      %dma_wait3A_727 = arith.constant 768 : i32
      %dma_wait3A_728 = arith.constant 0 : i32
      %dma_wait3A_729 = tpu.memref_slice %arg17[%dma_wait3A_727, %dma_wait3A_728] : memref<1024x16xf32, #tpu.memory_space<vmem>> -> memref<128x16xf32, #tpu.memory_space<vmem>>
      %dma_wait3A_730 = arith.constant 768 : i32
      %dma_wait3A_731 = tpu.memref_slice %arg13[%dma_wait3A_730] : memref<1024xi32, #tpu.memory_space<vmem>> -> memref<128xi32, #tpu.memory_space<vmem>>
      %dma_wait3A_732 = arith.constant 0 : i32
      %dma_wait3A_733 = arith.constant 0 : i32
      %dma_wait3A_734 = tpu.memref_slice %arg4[%dma_wait3A_732, %dma_wait3A_733] : memref<100352x16xf32, #tpu.memory_space<hbm>> -> memref<100352x16xf32, #tpu.memory_space<hbm>>
      tpu.wait_indirect_dma semaphore(%arg22 : memref<!tpu.dma_semaphore, #tpu.memory_space<semaphore_mem>>) src(%dma_wait3A_734 : memref<100352x16xf32, #tpu.memory_space<hbm>>) dst(%dma_wait3A_729 : memref<128x16xf32, #tpu.memory_space<vmem>>)
      %dma_wait3A_735 = arith.constant 768 : i32
      %dma_wait3A_736 = arith.constant 0 : i32
      %dma_wait3A_737 = tpu.memref_slice %arg18[%dma_wait3A_735, %dma_wait3A_736] : memref<1024x16xf32, #tpu.memory_space<vmem>> -> memref<128x16xf32, #tpu.memory_space<vmem>>
      %dma_wait3A_738 = arith.constant 768 : i32
      %dma_wait3A_739 = tpu.memref_slice %arg14[%dma_wait3A_738] : memref<1024xi32, #tpu.memory_space<vmem>> -> memref<128xi32, #tpu.memory_space<vmem>>
      %dma_wait3A_740 = arith.constant 0 : i32
      %dma_wait3A_741 = arith.constant 0 : i32
      %dma_wait3A_742 = tpu.memref_slice %arg4[%dma_wait3A_740, %dma_wait3A_741] : memref<100352x16xf32, #tpu.memory_space<hbm>> -> memref<100352x16xf32, #tpu.memory_space<hbm>>
      tpu.wait_indirect_dma semaphore(%arg22 : memref<!tpu.dma_semaphore, #tpu.memory_space<semaphore_mem>>) src(%dma_wait3A_742 : memref<100352x16xf32, #tpu.memory_space<hbm>>) dst(%dma_wait3A_737 : memref<128x16xf32, #tpu.memory_space<vmem>>)
      %dma_wait3A_743 = arith.constant 896 : i32
      %dma_wait3A_744 = arith.constant 0 : i32
      %dma_wait3A_745 = tpu.memref_slice %arg17[%dma_wait3A_743, %dma_wait3A_744] : memref<1024x16xf32, #tpu.memory_space<vmem>> -> memref<128x16xf32, #tpu.memory_space<vmem>>
      %dma_wait3A_746 = arith.constant 896 : i32
      %dma_wait3A_747 = tpu.memref_slice %arg13[%dma_wait3A_746] : memref<1024xi32, #tpu.memory_space<vmem>> -> memref<128xi32, #tpu.memory_space<vmem>>
      %dma_wait3A_748 = arith.constant 0 : i32
      %dma_wait3A_749 = arith.constant 0 : i32
      %dma_wait3A_750 = tpu.memref_slice %arg4[%dma_wait3A_748, %dma_wait3A_749] : memref<100352x16xf32, #tpu.memory_space<hbm>> -> memref<100352x16xf32, #tpu.memory_space<hbm>>
      tpu.wait_indirect_dma semaphore(%arg22 : memref<!tpu.dma_semaphore, #tpu.memory_space<semaphore_mem>>) src(%dma_wait3A_750 : memref<100352x16xf32, #tpu.memory_space<hbm>>) dst(%dma_wait3A_745 : memref<128x16xf32, #tpu.memory_space<vmem>>)
      %dma_wait3A_751 = arith.constant 896 : i32
      %dma_wait3A_752 = arith.constant 0 : i32
      %dma_wait3A_753 = tpu.memref_slice %arg18[%dma_wait3A_751, %dma_wait3A_752] : memref<1024x16xf32, #tpu.memory_space<vmem>> -> memref<128x16xf32, #tpu.memory_space<vmem>>
      %dma_wait3A_754 = arith.constant 896 : i32
      %dma_wait3A_755 = tpu.memref_slice %arg14[%dma_wait3A_754] : memref<1024xi32, #tpu.memory_space<vmem>> -> memref<128xi32, #tpu.memory_space<vmem>>
      %dma_wait3A_756 = arith.constant 0 : i32
      %dma_wait3A_757 = arith.constant 0 : i32
      %dma_wait3A_758 = tpu.memref_slice %arg4[%dma_wait3A_756, %dma_wait3A_757] : memref<100352x16xf32, #tpu.memory_space<hbm>> -> memref<100352x16xf32, #tpu.memory_space<hbm>>
      tpu.wait_indirect_dma semaphore(%arg22 : memref<!tpu.dma_semaphore, #tpu.memory_space<semaphore_mem>>) src(%dma_wait3A_758 : memref<100352x16xf32, #tpu.memory_space<hbm>>) dst(%dma_wait3A_753 : memref<128x16xf32, #tpu.memory_space<vmem>>)
      %scan3A_759 = arith.constant 0 : i32
      %scan3A_760 = arith.constant 0 : i32
      %scan3A_761 = arith.constant 64 : i32
      %scan3A_762 = arith.addi %scan3A_760, %scan3A_761 : i32
      %scan3A_763 = arith.constant 1 : i32
      scf.for %scan3A_765 = %scan3A_760 to %scan3A_762 step %scan3A_763  : i32 {
        %mul3A_766 = arith.constant 16 : i32
        %mul3A_767 = arith.muli %scan3A_765, %mul3A_766 : i32
        %add3A_768 = vector.broadcast %mul3A_767 : i32 to vector<16xi32>
        %add3A_769 = arith.addi %add3A_768, %iota3A : vector<16xi32>
        %mul3A_770 = arith.constant 0 : i32
        %mul3A_771 = vector.broadcast %mul3A_770 : i32 to vector<16xi32>
        %mul3A_772 = arith.muli %iota3A, %mul3A_771 : vector<16xi32>
        %add3A_773 = arith.constant 0 : i32
        %add3A_774 = vector.broadcast %add3A_773 : i32 to vector<16xi32>
        %add3A_775 = arith.addi %mul3A_772, %add3A_774 : vector<16xi32>
        %gather3A = tpu.vector_load_idx %arg17[%add3A_769, %add3A_775] : memref<1024x16xf32, #tpu.memory_space<vmem>>[vector<16xi32>, vector<16xi32>], vector<16xf32>,
        %mul3A_776 = arith.constant 0 : i32
        %mul3A_777 = vector.broadcast %mul3A_776 : i32 to vector<16xi32>
        %mul3A_778 = arith.muli %iota3A, %mul3A_777 : vector<16xi32>
        %add3A_779 = arith.constant 1 : i32
        %add3A_780 = vector.broadcast %add3A_779 : i32 to vector<16xi32>
        %add3A_781 = arith.addi %mul3A_778, %add3A_780 : vector<16xi32>
        %gather3A_782 = tpu.vector_load_idx %arg17[%add3A_769, %add3A_781] : memref<1024x16xf32, #tpu.memory_space<vmem>>[vector<16xi32>, vector<16xi32>], vector<16xf32>,
        %mul3A_783 = arith.constant 0 : i32
        %mul3A_784 = vector.broadcast %mul3A_783 : i32 to vector<16xi32>
        %mul3A_785 = arith.muli %iota3A, %mul3A_784 : vector<16xi32>
        %add3A_786 = arith.constant 2 : i32
        %add3A_787 = vector.broadcast %add3A_786 : i32 to vector<16xi32>
        %add3A_788 = arith.addi %mul3A_785, %add3A_787 : vector<16xi32>
        %gather3A_789 = tpu.vector_load_idx %arg17[%add3A_769, %add3A_788] : memref<1024x16xf32, #tpu.memory_space<vmem>>[vector<16xi32>, vector<16xi32>], vector<16xf32>,
        %mul3A_790 = arith.constant 0 : i32
        %mul3A_791 = vector.broadcast %mul3A_790 : i32 to vector<16xi32>
        %mul3A_792 = arith.muli %iota3A, %mul3A_791 : vector<16xi32>
        %add3A_793 = arith.constant 3 : i32
        %add3A_794 = vector.broadcast %add3A_793 : i32 to vector<16xi32>
        %add3A_795 = arith.addi %mul3A_792, %add3A_794 : vector<16xi32>
        %gather3A_796 = tpu.vector_load_idx %arg17[%add3A_769, %add3A_795] : memref<1024x16xf32, #tpu.memory_space<vmem>>[vector<16xi32>, vector<16xi32>], vector<16xf32>,
        %mul3A_797 = arith.constant 0 : i32
        %mul3A_798 = vector.broadcast %mul3A_797 : i32 to vector<16xi32>
        %mul3A_799 = arith.muli %iota3A, %mul3A_798 : vector<16xi32>
        %add3A_800 = arith.constant 4 : i32
        %add3A_801 = vector.broadcast %add3A_800 : i32 to vector<16xi32>
        %add3A_802 = arith.addi %mul3A_799, %add3A_801 : vector<16xi32>
        %gather3A_803 = tpu.vector_load_idx %arg17[%add3A_769, %add3A_802] : memref<1024x16xf32, #tpu.memory_space<vmem>>[vector<16xi32>, vector<16xi32>], vector<16xf32>,
        %mul3A_804 = arith.constant 0 : i32
        %mul3A_805 = vector.broadcast %mul3A_804 : i32 to vector<16xi32>
        %mul3A_806 = arith.muli %iota3A, %mul3A_805 : vector<16xi32>
        %add3A_807 = arith.constant 0 : i32
        %add3A_808 = vector.broadcast %add3A_807 : i32 to vector<16xi32>
        %add3A_809 = arith.addi %mul3A_806, %add3A_808 : vector<16xi32>
        %gather3A_810 = tpu.vector_load_idx %arg18[%add3A_769, %add3A_809] : memref<1024x16xf32, #tpu.memory_space<vmem>>[vector<16xi32>, vector<16xi32>], vector<16xf32>,
        %mul3A_811 = arith.constant 0 : i32
        %mul3A_812 = vector.broadcast %mul3A_811 : i32 to vector<16xi32>
        %mul3A_813 = arith.muli %iota3A, %mul3A_812 : vector<16xi32>
        %add3A_814 = arith.constant 1 : i32
        %add3A_815 = vector.broadcast %add3A_814 : i32 to vector<16xi32>
        %add3A_816 = arith.addi %mul3A_813, %add3A_815 : vector<16xi32>
        %gather3A_817 = tpu.vector_load_idx %arg18[%add3A_769, %add3A_816] : memref<1024x16xf32, #tpu.memory_space<vmem>>[vector<16xi32>, vector<16xi32>], vector<16xf32>,
        %mul3A_818 = arith.constant 0 : i32
        %mul3A_819 = vector.broadcast %mul3A_818 : i32 to vector<16xi32>
        %mul3A_820 = arith.muli %iota3A, %mul3A_819 : vector<16xi32>
        %add3A_821 = arith.constant 2 : i32
        %add3A_822 = vector.broadcast %add3A_821 : i32 to vector<16xi32>
        %add3A_823 = arith.addi %mul3A_820, %add3A_822 : vector<16xi32>
        %gather3A_824 = tpu.vector_load_idx %arg18[%add3A_769, %add3A_823] : memref<1024x16xf32, #tpu.memory_space<vmem>>[vector<16xi32>, vector<16xi32>], vector<16xf32>,
        %mul3A_825 = arith.constant 0 : i32
        %mul3A_826 = vector.broadcast %mul3A_825 : i32 to vector<16xi32>
        %mul3A_827 = arith.muli %iota3A, %mul3A_826 : vector<16xi32>
        %add3A_828 = arith.constant 3 : i32
        %add3A_829 = vector.broadcast %add3A_828 : i32 to vector<16xi32>
        %add3A_830 = arith.addi %mul3A_827, %add3A_829 : vector<16xi32>
        %gather3A_831 = tpu.vector_load_idx %arg18[%add3A_769, %add3A_830] : memref<1024x16xf32, #tpu.memory_space<vmem>>[vector<16xi32>, vector<16xi32>], vector<16xf32>,
        %mul3A_832 = arith.constant 0 : i32
        %mul3A_833 = vector.broadcast %mul3A_832 : i32 to vector<16xi32>
        %mul3A_834 = arith.muli %iota3A, %mul3A_833 : vector<16xi32>
        %add3A_835 = arith.constant 4 : i32
        %add3A_836 = vector.broadcast %add3A_835 : i32 to vector<16xi32>
        %add3A_837 = arith.addi %mul3A_834, %add3A_836 : vector<16xi32>
        %gather3A_838 = tpu.vector_load_idx %arg18[%add3A_769, %add3A_837] : memref<1024x16xf32, #tpu.memory_space<vmem>>[vector<16xi32>, vector<16xi32>], vector<16xf32>,
        %convert_element_type3A_839 = arith.fptosi %gather3A_803 : vector<16xf32> to vector<16xi32>
        %convert_element_type3A_840 = arith.fptosi %gather3A_838 : vector<16xf32> to vector<16xi32>
        %gather3A_841 = tpu.vector_load_idx %arg20[%convert_element_type3A_839] : memref<512xf32, #tpu.memory_space<vmem>>[vector<16xi32>], vector<16xf32>,
        %add3A_842 = arith.addf %gather3A_796, %gather3A_841 : vector<16xf32>
        %gather3A_843 = tpu.vector_load_idx %arg20[%convert_element_type3A_840] : memref<512xf32, #tpu.memory_space<vmem>>[vector<16xi32>], vector<16xf32>,
        %add3A_844 = arith.addf %gather3A_831, %gather3A_843 : vector<16xf32>
        %sub3A = arith.subf %gather3A, %gather3A_810 : vector<16xf32>
        %sub3A_845 = arith.subf %gather3A_782, %gather3A_817 : vector<16xf32>
        %sub3A_846 = arith.subf %gather3A_789, %gather3A_824 : vector<16xf32>
        %mul3A_847 = arith.mulf %sub3A, %sub3A : vector<16xf32>
        %mul3A_848 = arith.mulf %sub3A_845, %sub3A_845 : vector<16xf32>
        %add3A_849 = arith.addf %mul3A_847, %mul3A_848 : vector<16xf32>
        %mul3A_850 = arith.mulf %sub3A_846, %sub3A_846 : vector<16xf32>
        %add3A_851 = arith.addf %add3A_849, %mul3A_850 : vector<16xf32>
        %add3A_852 = arith.constant 1.000000e-15 : f32
        %add3A_853 = vector.broadcast %add3A_852 : f32 to vector<16xf32>
        %add3A_854 = arith.addf %add3A_851, %add3A_853 : vector<16xf32>
        %bitcast_convert_type3A = tpu.bitcast %add3A_854 : vector<16xf32> -> vector<16xi32>
        %shift_right_arithmetic3A = arith.constant 1 : i32
        %shift_right_arithmetic3A_855 = vector.broadcast %shift_right_arithmetic3A : i32 to vector<16xi32>
        %shift_right_arithmetic3A_856 = arith.shrsi %bitcast_convert_type3A, %shift_right_arithmetic3A_855 : vector<16xi32>
        %sub3A_857 = arith.constant 1597463007 : i32
        %sub3A_858 = vector.broadcast %sub3A_857 : i32 to vector<16xi32>
        %sub3A_859 = arith.subi %sub3A_858, %shift_right_arithmetic3A_856 : vector<16xi32>
        %bitcast_convert_type3A_860 = tpu.bitcast %sub3A_859 : vector<16xi32> -> vector<16xf32>
        %mul3A_861 = arith.constant 5.000000e-01 : f32
        %mul3A_862 = vector.broadcast %mul3A_861 : f32 to vector<16xf32>
        %mul3A_863 = arith.mulf %mul3A_862, %add3A_854 : vector<16xf32>
        %mul3A_864 = arith.mulf %mul3A_863, %bitcast_convert_type3A_860 : vector<16xf32>
        %mul3A_865 = arith.mulf %mul3A_864, %bitcast_convert_type3A_860 : vector<16xf32>
        %sub3A_866 = arith.constant 1.500000e+00 : f32
        %sub3A_867 = vector.broadcast %sub3A_866 : f32 to vector<16xf32>
        %sub3A_868 = arith.subf %sub3A_867, %mul3A_865 : vector<16xf32>
        %mul3A_869 = arith.mulf %bitcast_convert_type3A_860, %sub3A_868 : vector<16xf32>
        %mul3A_870 = arith.constant 5.000000e-01 : f32
        %mul3A_871 = vector.broadcast %mul3A_870 : f32 to vector<16xf32>
        %mul3A_872 = arith.mulf %mul3A_871, %add3A_854 : vector<16xf32>
        %mul3A_873 = arith.mulf %mul3A_872, %mul3A_869 : vector<16xf32>
        %mul3A_874 = arith.mulf %mul3A_873, %mul3A_869 : vector<16xf32>
        %sub3A_875 = arith.constant 1.500000e+00 : f32
        %sub3A_876 = vector.broadcast %sub3A_875 : f32 to vector<16xf32>
        %sub3A_877 = arith.subf %sub3A_876, %mul3A_874 : vector<16xf32>
        %mul3A_878 = arith.mulf %mul3A_869, %sub3A_877 : vector<16xf32>
        %mul3A_879 = arith.constant 5.000000e-01 : f32
        %mul3A_880 = vector.broadcast %mul3A_879 : f32 to vector<16xf32>
        %mul3A_881 = arith.mulf %mul3A_880, %add3A_854 : vector<16xf32>
        %mul3A_882 = arith.mulf %mul3A_881, %mul3A_878 : vector<16xf32>
        %mul3A_883 = arith.mulf %mul3A_882, %mul3A_878 : vector<16xf32>
        %sub3A_884 = arith.constant 1.500000e+00 : f32
        %sub3A_885 = vector.broadcast %sub3A_884 : f32 to vector<16xf32>
        %sub3A_886 = arith.subf %sub3A_885, %mul3A_883 : vector<16xf32>
        %mul3A_887 = arith.mulf %mul3A_878, %sub3A_886 : vector<16xf32>
        %mul3A_888 = arith.mulf %add3A_854, %mul3A_887 : vector<16xf32>
        %add3A_889 = arith.constant 0.280028284 : f32
        %add3A_890 = vector.broadcast %add3A_889 : f32 to vector<16xf32>
        %add3A_891 = arith.addf %add3A_854, %add3A_890 : vector<16xf32>
        %bitcast_convert_type3A_892 = tpu.bitcast %add3A_891 : vector<16xf32> -> vector<16xi32>
        %shift_right_arithmetic3A_893 = arith.constant 1 : i32
        %shift_right_arithmetic3A_894 = vector.broadcast %shift_right_arithmetic3A_893 : i32 to vector<16xi32>
        %shift_right_arithmetic3A_895 = arith.shrsi %bitcast_convert_type3A_892, %shift_right_arithmetic3A_894 : vector<16xi32>
        %sub3A_896 = arith.constant 1597463007 : i32
        %sub3A_897 = vector.broadcast %sub3A_896 : i32 to vector<16xi32>
        %sub3A_898 = arith.subi %sub3A_897, %shift_right_arithmetic3A_895 : vector<16xi32>
        %bitcast_convert_type3A_899 = tpu.bitcast %sub3A_898 : vector<16xi32> -> vector<16xf32>
        %mul3A_900 = arith.constant 5.000000e-01 : f32
        %mul3A_901 = vector.broadcast %mul3A_900 : f32 to vector<16xf32>
        %mul3A_902 = arith.mulf %mul3A_901, %add3A_891 : vector<16xf32>
        %mul3A_903 = arith.mulf %mul3A_902, %bitcast_convert_type3A_899 : vector<16xf32>
        %mul3A_904 = arith.mulf %mul3A_903, %bitcast_convert_type3A_899 : vector<16xf32>
        %sub3A_905 = arith.constant 1.500000e+00 : f32
        %sub3A_906 = vector.broadcast %sub3A_905 : f32 to vector<16xf32>
        %sub3A_907 = arith.subf %sub3A_906, %mul3A_904 : vector<16xf32>
        %mul3A_908 = arith.mulf %bitcast_convert_type3A_899, %sub3A_907 : vector<16xf32>
        %mul3A_909 = arith.constant 5.000000e-01 : f32
        %mul3A_910 = vector.broadcast %mul3A_909 : f32 to vector<16xf32>
        %mul3A_911 = arith.mulf %mul3A_910, %add3A_891 : vector<16xf32>
        %mul3A_912 = arith.mulf %mul3A_911, %mul3A_908 : vector<16xf32>
        %mul3A_913 = arith.mulf %mul3A_912, %mul3A_908 : vector<16xf32>
        %sub3A_914 = arith.constant 1.500000e+00 : f32
        %sub3A_915 = vector.broadcast %sub3A_914 : f32 to vector<16xf32>
        %sub3A_916 = arith.subf %sub3A_915, %mul3A_913 : vector<16xf32>
        %mul3A_917 = arith.mulf %mul3A_908, %sub3A_916 : vector<16xf32>
        %mul3A_918 = arith.constant 5.000000e-01 : f32
        %mul3A_919 = vector.broadcast %mul3A_918 : f32 to vector<16xf32>
        %mul3A_920 = arith.mulf %mul3A_919, %add3A_891 : vector<16xf32>
        %mul3A_921 = arith.mulf %mul3A_920, %mul3A_917 : vector<16xf32>
        %mul3A_922 = arith.mulf %mul3A_921, %mul3A_917 : vector<16xf32>
        %sub3A_923 = arith.constant 1.500000e+00 : f32
        %sub3A_924 = vector.broadcast %sub3A_923 : f32 to vector<16xf32>
        %sub3A_925 = arith.subf %sub3A_924, %mul3A_922 : vector<16xf32>
        %mul3A_926 = arith.mulf %mul3A_917, %sub3A_925 : vector<16xf32>
        %sub3A_927 = arith.constant 1.250000e+00 : f32
        %sub3A_928 = vector.broadcast %sub3A_927 : f32 to vector<16xf32>
        %sub3A_929 = arith.subf %mul3A_888, %sub3A_928 : vector<16xf32>
        %mul3A_930 = arith.constant 4.000000e-01 : f32
        %mul3A_931 = vector.broadcast %mul3A_930 : f32 to vector<16xf32>
        %mul3A_932 = arith.mulf %sub3A_929, %mul3A_931 : vector<16xf32>
        %sub3A_933 = arith.constant 1.000000e+00 : f32
        %sub3A_934 = vector.broadcast %sub3A_933 : f32 to vector<16xf32>
        %sub3A_935 = arith.subf %sub3A_934, %mul3A_932 : vector<16xf32>
        %gt3A = arith.constant 0.000000e+00 : f32
        %gt3A_936 = vector.broadcast %gt3A : f32 to vector<16xf32>
        %gt3A_937 = arith.cmpf ogt, %mul3A_932, %gt3A_936 : vector<16xf32>
        %gt3A_938 = arith.constant 0.000000e+00 : f32
        %gt3A_939 = vector.broadcast %gt3A_938 : f32 to vector<16xf32>
        %gt3A_940 = arith.cmpf ogt, %sub3A_935, %gt3A_939 : vector<16xf32>
        %and3A = arith.andi %gt3A_937, %gt3A_940 : vector<16xi1>
        %mul3A_941 = arith.mulf %mul3A_932, %sub3A_935 : vector<16xf32>
        %jit3A = arith.constant 1.000000e+00 : f32
        %broadcast_in_dim3A_942 = vector.broadcast %jit3A : f32 to vector<16xf32>
        %select_n3A = arith.select %and3A, %mul3A_941, %broadcast_in_dim3A_942 : vector<16xi1>, vector<16xf32>
        %sub3A_943 = arith.subf %mul3A_932, %sub3A_935 : vector<16xf32>
        %div3A = arith.divf %sub3A_943, %select_n3A : vector<16xf32>
        %lt3A_944 = arith.constant 3.400000e+01 : f32
        %lt3A_945 = vector.broadcast %lt3A_944 : f32 to vector<16xf32>
        %lt3A_946 = arith.cmpf olt, %div3A, %lt3A_945 : vector<16xf32>
        %and3A_947 = arith.andi %and3A, %lt3A_946 : vector<16xi1>
        %jit3A_948 = arith.constant 0.000000e+00 : f32
        %broadcast_in_dim3A_949 = vector.broadcast %jit3A_948 : f32 to vector<16xf32>
        %select_n3A_950 = arith.select %and3A_947, %div3A, %broadcast_in_dim3A_949 : vector<16xi1>, vector<16xf32>
        %ge3A = arith.constant 3.400000e+01 : f32
        %ge3A_951 = vector.broadcast %ge3A : f32 to vector<16xf32>
        %ge3A_952 = arith.cmpf oge, %div3A, %ge3A_951 : vector<16xf32>
        %exp3A = math.exp %select_n3A_950 : vector<16xf32>
        %add3A_953 = arith.constant 1.000000e+00 : f32
        %add3A_954 = vector.broadcast %add3A_953 : f32 to vector<16xf32>
        %add3A_955 = arith.addf %add3A_954, %exp3A : vector<16xf32>
        %div3A_956 = arith.constant 1.000000e+00 : f32
        %div3A_957 = vector.broadcast %div3A_956 : f32 to vector<16xf32>
        %div3A_958 = arith.divf %div3A_957, %add3A_955 : vector<16xf32>
        %jit3A_959 = arith.constant 0.000000e+00 : f32
        %broadcast_in_dim3A_960 = vector.broadcast %jit3A_959 : f32 to vector<16xf32>
        %select_n3A_961 = arith.select %ge3A_952, %broadcast_in_dim3A_960, %div3A_958 : vector<16xi1>, vector<16xf32>
        %le3A = arith.constant 0.000000e+00 : f32
        %le3A_962 = vector.broadcast %le3A : f32 to vector<16xf32>
        %le3A_963 = arith.cmpf ole, %mul3A_932, %le3A_962 : vector<16xf32>
        %gt3A_964 = arith.constant 0.000000e+00 : f32
        %gt3A_965 = vector.broadcast %gt3A_964 : f32 to vector<16xf32>
        %gt3A_966 = arith.cmpf ogt, %sub3A_935, %gt3A_965 : vector<16xf32>
        %and3A_967 = arith.andi %le3A_963, %gt3A_966 : vector<16xi1>
        %jit3A_968 = arith.constant 1.000000e+00 : f32
        %jit3A_969 = arith.constant 0.000000e+00 : f32
        %broadcast_in_dim3A_970 = vector.broadcast %jit3A_968 : f32 to vector<16xf32>
        %broadcast_in_dim3A_971 = vector.broadcast %jit3A_969 : f32 to vector<16xf32>
        %select_n3A_972 = arith.select %and3A_967, %broadcast_in_dim3A_970, %broadcast_in_dim3A_971 : vector<16xi1>, vector<16xf32>
        %select_n3A_973 = arith.select %and3A, %select_n3A_961, %select_n3A_972 : vector<16xi1>, vector<16xf32>
        %mul3A_974 = arith.mulf %add3A_842, %add3A_844 : vector<16xf32>
        %mul3A_975 = arith.constant 332.06369 : f32
        %mul3A_976 = vector.broadcast %mul3A_975 : f32 to vector<16xf32>
        %mul3A_977 = arith.mulf %mul3A_976, %mul3A_974 : vector<16xf32>
        %mul3A_978 = arith.mulf %select_n3A_973, %mul3A_926 : vector<16xf32>
        %sub3A_979 = arith.constant 1.000000e+00 : f32
        %sub3A_980 = vector.broadcast %sub3A_979 : f32 to vector<16xf32>
        %sub3A_981 = arith.subf %sub3A_980, %select_n3A_973 : vector<16xf32>
        %mul3A_982 = arith.mulf %sub3A_981, %mul3A_887 : vector<16xf32>
        %add3A_983 = arith.addf %mul3A_978, %mul3A_982 : vector<16xf32>
        %mul3A_984 = arith.mulf %mul3A_977, %add3A_983 : vector<16xf32>
        tpu.vector_store_idx %arg19[%convert_element_type3A_839, %iota3A], %mul3A_984 {add = true} : memref<512x16xf32, #tpu.memory_space<vmem>>[vector<16xi32>, vector<16xi32>], vector<16xf32>,
      }
      %scan3A_764 = arith.constant 64 : i32
    }
    %scan3A_164 = arith.constant 25 : i32
    "tpu.region"() ({
      %run_scoped3A_165 = tpu.sem_alloc : memref<!tpu.dma_semaphore, #tpu.memory_space<semaphore_mem>>
      %dma_start3A_166 = arith.constant 0 : i32
      %dma_start3A_167 = arith.constant 0 : i32
      %dma_start3A_168 = tpu.memref_slice %arg6[%add3A, %dma_start3A_166, %dma_start3A_167] : memref<32x512x16xf32, #tpu.memory_space<hbm>> -> memref<1x512x16xf32, #tpu.memory_space<hbm>>
      %dma_start3A_169 = tpu.memref_squeeze %dma_start3A_168 : memref<1x512x16xf32, #tpu.memory_space<hbm>> -> memref<512x16xf32, #tpu.memory_space<hbm>>
      %dma_start3A_170 = arith.constant 0 : i32
      %dma_start3A_171 = arith.constant 0 : i32
      %dma_start3A_172 = tpu.memref_slice %arg6[%add3A, %dma_start3A_170, %dma_start3A_171] : memref<32x512x16xf32, #tpu.memory_space<hbm>> -> memref<1x512x16xf32, #tpu.memory_space<hbm>>
      %dma_start3A_173 = tpu.memref_squeeze %dma_start3A_172 : memref<1x512x16xf32, #tpu.memory_space<hbm>> -> memref<512x16xf32, #tpu.memory_space<hbm>>
      tpu.enqueue_dma source(%arg19 : memref<512x16xf32, #tpu.memory_space<vmem>>) target(%dma_start3A_173 : memref<512x16xf32, #tpu.memory_space<hbm>>) target_semaphore(%run_scoped3A_165 : memref<!tpu.dma_semaphore, #tpu.memory_space<semaphore_mem>>)
      %dma_wait3A_174 = arith.constant 0 : i32
      %dma_wait3A_175 = arith.constant 0 : i32
      %dma_wait3A_176 = tpu.memref_slice %arg6[%add3A, %dma_wait3A_174, %dma_wait3A_175] : memref<32x512x16xf32, #tpu.memory_space<hbm>> -> memref<1x512x16xf32, #tpu.memory_space<hbm>>
      %dma_wait3A_177 = tpu.memref_squeeze %dma_wait3A_176 : memref<1x512x16xf32, #tpu.memory_space<hbm>> -> memref<512x16xf32, #tpu.memory_space<hbm>>
      %dma_wait3A_178 = arith.constant 0 : i32
      %dma_wait3A_179 = arith.constant 0 : i32
      %dma_wait3A_180 = tpu.memref_slice %arg6[%add3A, %dma_wait3A_178, %dma_wait3A_179] : memref<32x512x16xf32, #tpu.memory_space<hbm>> -> memref<1x512x16xf32, #tpu.memory_space<hbm>>
      %dma_wait3A_181 = tpu.memref_squeeze %dma_wait3A_180 : memref<1x512x16xf32, #tpu.memory_space<hbm>> -> memref<512x16xf32, #tpu.memory_space<hbm>>
      tpu.wait_dma2 semaphore(%run_scoped3A_165 : memref<!tpu.dma_semaphore, #tpu.memory_space<semaphore_mem>>) src(%arg19 : memref<512x16xf32, #tpu.memory_space<vmem>>) dst(%dma_wait3A_181 : memref<512x16xf32, #tpu.memory_space<hbm>>)
      tpu.yield
    }) : () -> ()
    return
  }
}

module attributes {stable_mosaic.version = 14 : i64} {
  func.func @_charge_body(%arg0: i32, %arg1: memref<1024x128xf32, #tpu.memory_space<vmem>>, %arg2: memref<1x1x1024xi32, #tpu.memory_space<vmem>>, %arg3: memref<1x1x1024xi32, #tpu.memory_space<vmem>>, %arg4: memref<1024x3xf32, #tpu.memory_space<vmem>>, %arg5: memref<1x512xf32, #tpu.memory_space<vmem>>, %arg6: memref<1x512xi32, #tpu.memory_space<vmem>>, %arg7: memref<1x128xf32, #tpu.memory_space<vmem>>, %arg8: memref<128x1xf32, #tpu.memory_space<vmem>>, %arg9: memref<1024x1xf32, #tpu.memory_space<vmem>>, %arg10: memref<1024x16xf32, #tpu.memory_space<vmem>>, %arg11: memref<1x512xf32, #tpu.memory_space<vmem>>, %arg12: memref<1x512xf32, #tpu.memory_space<vmem>>, %arg13: memref<1x512xbf16, #tpu.memory_space<vmem>>, %arg14: memref<1x512xbf16, #tpu.memory_space<vmem>>) attributes {dimension_semantics = [#tpu.dimension_semantics<arbitrary>], iteration_bounds = array<i64: 98>, scalar_prefetch = 0 : i64, scratch_operands = 0 : i64, tpu.core_type = #tpu.core_type<tc>, window_params = [{transform_indices = @transform_0, window_bounds = array<i64: 1024, 128>}, {transform_indices = @transform_1, window_bounds = array<i64: 1, 1, 1024>}, {transform_indices = @transform_2, window_bounds = array<i64: 1, 1, 1024>}, {transform_indices = @transform_3, window_bounds = array<i64: 1024, 3>}, {pipeline_mode = #tpu.pipeline_mode<synchronous>, transform_indices = @transform_4, window_bounds = array<i64: 1, 512>}, {pipeline_mode = #tpu.pipeline_mode<synchronous>, transform_indices = @transform_5, window_bounds = array<i64: 1, 512>}, {pipeline_mode = #tpu.pipeline_mode<synchronous>, transform_indices = @transform_6, window_bounds = array<i64: 1, 128>}, {pipeline_mode = #tpu.pipeline_mode<synchronous>, transform_indices = @transform_7, window_bounds = array<i64: 128, 1>}, {transform_indices = @transform_8, window_bounds = array<i64: 1024, 1>}, {transform_indices = @transform_9, window_bounds = array<i64: 1024, 16>}, {pipeline_mode = #tpu.pipeline_mode<synchronous>, transform_indices = @transform_10, window_bounds = array<i64: 1, 512>}, {pipeline_mode = #tpu.pipeline_mode<synchronous>, transform_indices = @transform_11, window_bounds = array<i64: 1, 512>}, {pipeline_mode = #tpu.pipeline_mode<synchronous>, transform_indices = @transform_12, window_bounds = array<i64: 1, 512>}, {pipeline_mode = #tpu.pipeline_mode<synchronous>, transform_indices = @transform_13, window_bounds = array<i64: 1, 512>}]} {
    %get3A = arith.constant 0 : index
    %get3A_0 = arith.constant 0 : index
    %get3A_1 = vector.load %arg1[%get3A, %get3A_0] : memref<1024x128xf32, #tpu.memory_space<vmem>>, vector<1024x128xf32>
    %get3A_2 = arith.constant 0 : index
    %get3A_3 = arith.constant 0 : index
    %get3A_4 = arith.constant 0 : index
    %get3A_5 = vector.load %arg2[%get3A_2, %get3A_3, %get3A_4] : memref<1x1x1024xi32, #tpu.memory_space<vmem>>, vector<1x1x1024xi32>
    %reshape3A = vector.shape_cast %get3A_5 : vector<1x1x1024xi32> to vector<1024x1xi32>
    %iota3A = tpu.iota {dimensions = array<i32: 1>} : vector<1024x128xi32>
    %eq3A = vector.broadcast %reshape3A : vector<1024x1xi32> to vector<1024x128xi32>
    %eq3A_6 = arith.cmpi eq, %eq3A, %iota3A : vector<1024x128xi32>
    %convert_element_type3A = arith.extui %eq3A_6 : vector<1024x128xi1> to vector<1024x128xi32>
    %convert_element_type3A_7 = arith.sitofp %convert_element_type3A : vector<1024x128xi32> to vector<1024x128xf32>
    %convert_element_type3A_8 = arith.truncf %convert_element_type3A_7 : vector<1024x128xf32> to vector<1024x128xbf16>
    %get3A_9 = arith.constant 0 : index
    %get3A_10 = arith.constant 0 : index
    %get3A_11 = vector.load %arg7[%get3A_9, %get3A_10] : memref<1x128xf32, #tpu.memory_space<vmem>>, vector<1x128xf32>
    %mul3A = vector.broadcast %get3A_11 : vector<1x128xf32> to vector<1024x128xf32>
    %mul3A_12 = arith.mulf %get3A_1, %mul3A : vector<1024x128xf32>
    %reduce_sum3A = arith.constant dense<0.000000e+00> : vector<1024xf32>
    %reduce_sum3A_13 = vector.multi_reduction <add>, %mul3A_12, %reduce_sum3A [1] : vector<1024x128xf32> to vector<1024xf32>
    %broadcast_in_dim3A = vector.shape_cast %reduce_sum3A_13 : vector<1024xf32> to vector<1024x1xf32>
    %get3A_14 = arith.constant 0 : index
    %get3A_15 = arith.constant 0 : index
    %get3A_16 = vector.load %arg8[%get3A_14, %get3A_15] : memref<128x1xf32, #tpu.memory_space<vmem>>, vector<128x1xf32>
    %convert_element_type3A_17 = arith.truncf %get3A_16 : vector<128x1xf32> to vector<128x1xbf16>
    %dot_general3A = arith.constant dense<0.000000e+00> : vector<1024x1xf32>
    %dot_general3A_18 = tpu.matmul %convert_element_type3A_8, %convert_element_type3A_17, %dot_general3A {dimension_numbers = #tpu.dot_dimension_numbers<[1], [0], [0], [1], [0, 0, 1, 1], [], []>, transpose_lhs_hint = false} : vector<1024x128xbf16>, vector<128x1xbf16>, vector<1024x1xf32> -> vector<1024x1xf32>
    %add3A = arith.addf %broadcast_in_dim3A, %dot_general3A_18 : vector<1024x1xf32>
    %mul3A_19 = arith.constant 1024 : i32
    %mul3A_20 = arith.muli %arg0, %mul3A_19 : i32
    %iota3A_21 = tpu.iota {dimensions = array<i32: 0>} : vector<1024x1xi32>
    %add3A_22 = vector.broadcast %mul3A_20 : i32 to vector<1024x1xi32>
    %add3A_23 = arith.addi %add3A_22, %iota3A_21 : vector<1024x1xi32>
    %lt3A = arith.constant 100128 : i32
    %lt3A_24 = vector.broadcast %lt3A : i32 to vector<1024x1xi32>
    %lt3A_25 = arith.cmpi slt, %add3A_23, %lt3A_24 : vector<1024x1xi32>
    %jit3A = arith.constant 0.000000e+00 : f32
    %broadcast_in_dim3A_26 = vector.broadcast %jit3A : f32 to vector<1024x1xf32>
    %select_n3A = arith.select %lt3A_25, %add3A, %broadcast_in_dim3A_26 : vector<1024x1xi1>, vector<1024x1xf32>
    %swap3A = arith.constant 0 : index
    %swap3A_27 = arith.constant 0 : index
    %swap3A_28 = vector.load %arg9[%swap3A, %swap3A_27] : memref<1024x1xf32, #tpu.memory_space<vmem>>, vector<1024x1xf32>
    tpu.vector_store %arg9[%swap3A, %swap3A_27], %select_n3A {strides = array<i32>} : memref<1024x1xf32, #tpu.memory_space<vmem>>, vector<1024x1xf32>,
    %get3A_29 = arith.constant 0 : index
    %get3A_30 = arith.constant 0 : index
    %get3A_31 = arith.constant 0 : index
    %get3A_32 = vector.load %arg3[%get3A_29, %get3A_30, %get3A_31] : memref<1x1x1024xi32, #tpu.memory_space<vmem>>, vector<1x1x1024xi32>
    %reshape3A_33 = vector.shape_cast %get3A_32 : vector<1x1x1024xi32> to vector<1024x1xi32>
    %get3A_34 = arith.constant 0 : index
    %get3A_35 = arith.constant 0 : index
    %get3A_36 = vector.load %arg4[%get3A_34, %get3A_35] : memref<1024x3xf32, #tpu.memory_space<vmem>>, vector<1024x3xf32>
    %convert_element_type3A_37 = arith.sitofp %reshape3A_33 : vector<1024x1xi32> to vector<1024x1xf32>
    %broadcast_in_dim3A_38 = arith.constant 0.000000e+00 : f32
    %broadcast_in_dim3A_39 = vector.broadcast %broadcast_in_dim3A_38 : f32 to vector<1024x11xf32>
    %concatenate3A = tpu.concatenate %get3A_36, %select_n3A, %convert_element_type3A_37, %broadcast_in_dim3A_39 in 1 : vector<1024x3xf32>, vector<1024x1xf32>, vector<1024x1xf32>, vector<1024x11xf32> -> vector<1024x16xf32>
    %swap3A_40 = arith.constant 0 : index
    %swap3A_41 = arith.constant 0 : index
    %swap3A_42 = vector.load %arg10[%swap3A_40, %swap3A_41] : memref<1024x16xf32, #tpu.memory_space<vmem>>, vector<1024x16xf32>
    tpu.vector_store %arg10[%swap3A_40, %swap3A_41], %concatenate3A {strides = array<i32>} : memref<1024x16xf32, #tpu.memory_space<vmem>>, vector<1024x16xf32>,
    %iota3A_43 = tpu.iota {dimensions = array<i32: 1>} : vector<1024x512xi32>
    %eq3A_44 = vector.broadcast %reshape3A_33 : vector<1024x1xi32> to vector<1024x512xi32>
    %eq3A_45 = arith.cmpi eq, %eq3A_44, %iota3A_43 : vector<1024x512xi32>
    %convert_element_type3A_46 = arith.extui %eq3A_45 : vector<1024x512xi1> to vector<1024x512xi32>
    %convert_element_type3A_47 = arith.sitofp %convert_element_type3A_46 : vector<1024x512xi32> to vector<1024x512xf32>
    %convert_element_type3A_48 = arith.truncf %convert_element_type3A_47 : vector<1024x512xf32> to vector<1024x512xbf16>
    %reshape3A_49 = vector.shape_cast %select_n3A : vector<1024x1xf32> to vector<1x1024xf32>
    %convert_element_type3A_50 = arith.truncf %reshape3A_49 : vector<1x1024xf32> to vector<1x1024xbf16>
    %dot_general3A_51 = arith.constant dense<0.000000e+00> : vector<1x512xf32>
    %dot_general3A_52 = tpu.matmul %convert_element_type3A_50, %convert_element_type3A_48, %dot_general3A_51 {dimension_numbers = #tpu.dot_dimension_numbers<[1], [0], [0], [1], [0, 0, 1, 1], [], []>, transpose_lhs_hint = false} : vector<1x1024xbf16>, vector<1024x512xbf16>, vector<1x512xf32> -> vector<1x512xf32>
    %eq3A_53 = arith.constant 0 : i32
    %eq3A_54 = arith.cmpi eq, %arg0, %eq3A_53 : i32
    %convert_element_type3A_55 = arith.extui %eq3A_54 : i1 to i32
    %cond3A = arith.constant 0 : i32
    %cond3A_56 = arith.cmpi ne, %convert_element_type3A_55, %cond3A : i32
    scf.if %cond3A_56 {
      %broadcast_in_dim3A_69 = arith.constant 0.000000e+00 : f32
      %broadcast_in_dim3A_70 = vector.broadcast %broadcast_in_dim3A_69 : f32 to vector<1x512xf32>
      %swap3A_71 = arith.constant 0 : index
      %swap3A_72 = arith.constant 0 : index
      %swap3A_73 = vector.load %arg11[%swap3A_71, %swap3A_72] : memref<1x512xf32, #tpu.memory_space<vmem>>, vector<1x512xf32>
      tpu.vector_store %arg11[%swap3A_71, %swap3A_72], %broadcast_in_dim3A_70 {strides = array<i32>} : memref<1x512xf32, #tpu.memory_space<vmem>>, vector<1x512xf32>,
    } else {
    }
    %get3A_57 = arith.constant 0 : index
    %get3A_58 = arith.constant 0 : index
    %get3A_59 = vector.load %arg11[%get3A_57, %get3A_58] : memref<1x512xf32, #tpu.memory_space<vmem>>, vector<1x512xf32>
    %add3A_60 = arith.addf %get3A_59, %dot_general3A_52 : vector<1x512xf32>
    %swap3A_61 = arith.constant 0 : index
    %swap3A_62 = arith.constant 0 : index
    %swap3A_63 = vector.load %arg11[%swap3A_61, %swap3A_62] : memref<1x512xf32, #tpu.memory_space<vmem>>, vector<1x512xf32>
    tpu.vector_store %arg11[%swap3A_61, %swap3A_62], %add3A_60 {strides = array<i32>} : memref<1x512xf32, #tpu.memory_space<vmem>>, vector<1x512xf32>,
    %eq3A_64 = arith.constant 97 : i32
    %eq3A_65 = arith.cmpi eq, %arg0, %eq3A_64 : i32
    %convert_element_type3A_66 = arith.extui %eq3A_65 : i1 to i32
    %cond3A_67 = arith.constant 0 : i32
    %cond3A_68 = arith.cmpi ne, %convert_element_type3A_66, %cond3A_67 : i32
    scf.if %cond3A_68 {
      %get3A_69 = arith.constant 0 : index
      %get3A_70 = arith.constant 0 : index
      %get3A_71 = vector.load %arg6[%get3A_69, %get3A_70] : memref<1x512xi32, #tpu.memory_space<vmem>>, vector<1x512xi32>
      %max3A = arith.constant 1 : i32
      %max3A_72 = vector.broadcast %max3A : i32 to vector<1x512xi32>
      %max3A_73 = arith.maxsi %get3A_71, %max3A_72 : vector<1x512xi32>
      %convert_element_type3A_74 = arith.sitofp %max3A_73 : vector<1x512xi32> to vector<1x512xf32>
      %get3A_75 = arith.constant 0 : index
      %get3A_76 = arith.constant 0 : index
      %get3A_77 = vector.load %arg5[%get3A_75, %get3A_76] : memref<1x512xf32, #tpu.memory_space<vmem>>, vector<1x512xf32>
      %get3A_78 = arith.constant 0 : index
      %get3A_79 = arith.constant 0 : index
      %get3A_80 = vector.load %arg11[%get3A_78, %get3A_79] : memref<1x512xf32, #tpu.memory_space<vmem>>, vector<1x512xf32>
      %sub3A = arith.subf %get3A_77, %get3A_80 : vector<1x512xf32>
      %div3A = arith.divf %sub3A, %convert_element_type3A_74 : vector<1x512xf32>
      %swap3A_81 = arith.constant 0 : index
      %swap3A_82 = arith.constant 0 : index
      %swap3A_83 = vector.load %arg12[%swap3A_81, %swap3A_82] : memref<1x512xf32, #tpu.memory_space<vmem>>, vector<1x512xf32>
      tpu.vector_store %arg12[%swap3A_81, %swap3A_82], %div3A {strides = array<i32>} : memref<1x512xf32, #tpu.memory_space<vmem>>, vector<1x512xf32>,
      %convert_element_type3A_84 = arith.truncf %div3A : vector<1x512xf32> to vector<1x512xbf16>
      %swap3A_85 = arith.constant 0 : index
      %swap3A_86 = arith.constant 0 : index
      %swap3A_87 = vector.load %arg13[%swap3A_85, %swap3A_86] : memref<1x512xbf16, #tpu.memory_space<vmem>>, vector<1x512xbf16>
      tpu.vector_store %arg13[%swap3A_85, %swap3A_86], %convert_element_type3A_84 {strides = array<i32>} : memref<1x512xbf16, #tpu.memory_space<vmem>>, vector<1x512xbf16>,
      %convert_element_type3A_88 = arith.extf %convert_element_type3A_84 : vector<1x512xbf16> to vector<1x512xf32>
      %sub3A_89 = arith.subf %div3A, %convert_element_type3A_88 : vector<1x512xf32>
      %convert_element_type3A_90 = arith.truncf %sub3A_89 : vector<1x512xf32> to vector<1x512xbf16>
      %swap3A_91 = arith.constant 0 : index
      %swap3A_92 = arith.constant 0 : index
      %swap3A_93 = vector.load %arg14[%swap3A_91, %swap3A_92] : memref<1x512xbf16, #tpu.memory_space<vmem>>, vector<1x512xbf16>
      tpu.vector_store %arg14[%swap3A_91, %swap3A_92], %convert_element_type3A_90 {strides = array<i32>} : memref<1x512xbf16, #tpu.memory_space<vmem>>, vector<1x512xbf16>,
    } else {
    }
    return
  }
  func.func @transform_0(%arg0: i32) -> (i32, i32) {
    %c0_i32 = arith.constant 0 : i32
    %c0_i32_0 = arith.constant 0 : i32
    return %arg0, %c0_i32 : i32, i32
  }
  func.func @transform_1(%arg0: i32) -> (i32, i32, i32) {
    %c0_i32 = arith.constant 0 : i32
    %c0_i32_0 = arith.constant 0 : i32
    %c0_i32_1 = arith.constant 0 : i32
    return %arg0, %c0_i32, %c0_i32_0 : i32, i32, i32
  }
  func.func @transform_2(%arg0: i32) -> (i32, i32, i32) {
    %c0_i32 = arith.constant 0 : i32
    %c0_i32_0 = arith.constant 0 : i32
    %c0_i32_1 = arith.constant 0 : i32
    return %arg0, %c0_i32, %c0_i32_0 : i32, i32, i32
  }
  func.func @transform_3(%arg0: i32) -> (i32, i32) {
    %c0_i32 = arith.constant 0 : i32
    %c0_i32_0 = arith.constant 0 : i32
    return %arg0, %c0_i32 : i32, i32
  }
  func.func @transform_4(%arg0: i32) -> (i32, i32) {
    %c0_i32 = arith.constant 0 : i32
    %c0_i32_0 = arith.constant 0 : i32
    %c0_i32_1 = arith.constant 0 : i32
    return %c0_i32, %c0_i32_0 : i32, i32
  }
  func.func @transform_5(%arg0: i32) -> (i32, i32) {
    %c0_i32 = arith.constant 0 : i32
    %c0_i32_0 = arith.constant 0 : i32
    %c0_i32_1 = arith.constant 0 : i32
    return %c0_i32, %c0_i32_0 : i32, i32
  }
  func.func @transform_6(%arg0: i32) -> (i32, i32) {
    %c0_i32 = arith.constant 0 : i32
    %c0_i32_0 = arith.constant 0 : i32
    %c0_i32_1 = arith.constant 0 : i32
    return %c0_i32, %c0_i32_0 : i32, i32
  }
  func.func @transform_7(%arg0: i32) -> (i32, i32) {
    %c0_i32 = arith.constant 0 : i32
    %c0_i32_0 = arith.constant 0 : i32
    %c0_i32_1 = arith.constant 0 : i32
    return %c0_i32, %c0_i32_0 : i32, i32
  }
  func.func @transform_8(%arg0: i32) -> (i32, i32) {
    %c0_i32 = arith.constant 0 : i32
    %c0_i32_0 = arith.constant 0 : i32
    return %arg0, %c0_i32 : i32, i32
  }
  func.func @transform_9(%arg0: i32) -> (i32, i32) {
    %c0_i32 = arith.constant 0 : i32
    %c0_i32_0 = arith.constant 0 : i32
    return %arg0, %c0_i32 : i32, i32
  }
  func.func @transform_10(%arg0: i32) -> (i32, i32) {
    %c0_i32 = arith.constant 0 : i32
    %c0_i32_0 = arith.constant 0 : i32
    %c0_i32_1 = arith.constant 0 : i32
    return %c0_i32, %c0_i32_0 : i32, i32
  }
  func.func @transform_11(%arg0: i32) -> (i32, i32) {
    %c0_i32 = arith.constant 0 : i32
    %c0_i32_0 = arith.constant 0 : i32
    %c0_i32_1 = arith.constant 0 : i32
    return %c0_i32, %c0_i32_0 : i32, i32
  }
  func.func @transform_12(%arg0: i32) -> (i32, i32) {
    %c0_i32 = arith.constant 0 : i32
    %c0_i32_0 = arith.constant 0 : i32
    %c0_i32_1 = arith.constant 0 : i32
    return %c0_i32, %c0_i32_0 : i32, i32
  }
  func.func @transform_13(%arg0: i32) -> (i32, i32) {
    %c0_i32 = arith.constant 0 : i32
    %c0_i32_0 = arith.constant 0 : i32
    %c0_i32_1 = arith.constant 0 : i32
    return %c0_i32, %c0_i32_0 : i32, i32
  }
}

module attributes {stable_mosaic.version = 14 : i64} {
  func.func @_q_body(%arg0: i32, %arg1: memref<1024x1xf32, #tpu.memory_space<vmem>>, %arg2: memref<1x1x1024xi32, #tpu.memory_space<vmem>>, %arg3: memref<1x512xbf16, #tpu.memory_space<vmem>>, %arg4: memref<1x512xbf16, #tpu.memory_space<vmem>>, %arg5: memref<1024x1xf32, #tpu.memory_space<vmem>>) attributes {dimension_semantics = [#tpu.dimension_semantics<arbitrary>], iteration_bounds = array<i64: 98>, scalar_prefetch = 0 : i64, scratch_operands = 0 : i64, tpu.core_type = #tpu.core_type<tc>, window_params = [{transform_indices = @transform_0, window_bounds = array<i64: 1024, 1>}, {transform_indices = @transform_1, window_bounds = array<i64: 1, 1, 1024>}, {pipeline_mode = #tpu.pipeline_mode<synchronous>, transform_indices = @transform_2, window_bounds = array<i64: 1, 512>}, {pipeline_mode = #tpu.pipeline_mode<synchronous>, transform_indices = @transform_3, window_bounds = array<i64: 1, 512>}, {transform_indices = @transform_4, window_bounds = array<i64: 1024, 1>}]} {
    %get3A = arith.constant 0 : index
    %get3A_0 = arith.constant 0 : index
    %get3A_1 = arith.constant 0 : index
    %get3A_2 = vector.load %arg2[%get3A, %get3A_0, %get3A_1] : memref<1x1x1024xi32, #tpu.memory_space<vmem>>, vector<1x1x1024xi32>
    %reshape3A = vector.shape_cast %get3A_2 : vector<1x1x1024xi32> to vector<1024x1xi32>
    %iota3A = tpu.iota {dimensions = array<i32: 1>} : vector<1024x512xi32>
    %eq3A = vector.broadcast %reshape3A : vector<1024x1xi32> to vector<1024x512xi32>
    %eq3A_3 = arith.cmpi eq, %eq3A, %iota3A : vector<1024x512xi32>
    %convert_element_type3A = arith.extui %eq3A_3 : vector<1024x512xi1> to vector<1024x512xi32>
    %convert_element_type3A_4 = arith.sitofp %convert_element_type3A : vector<1024x512xi32> to vector<1024x512xf32>
    %convert_element_type3A_5 = arith.truncf %convert_element_type3A_4 : vector<1024x512xf32> to vector<1024x512xbf16>
    %get3A_6 = arith.constant 0 : index
    %get3A_7 = arith.constant 0 : index
    %get3A_8 = vector.load %arg1[%get3A_6, %get3A_7] : memref<1024x1xf32, #tpu.memory_space<vmem>>, vector<1024x1xf32>
    %get3A_9 = arith.constant 0 : index
    %get3A_10 = arith.constant 0 : index
    %get3A_11 = vector.load %arg3[%get3A_9, %get3A_10] : memref<1x512xbf16, #tpu.memory_space<vmem>>, vector<1x512xbf16>
    %reshape3A_12 = vector.shape_cast %get3A_11 : vector<1x512xbf16> to vector<512x1xbf16>
    %dot_general3A = arith.constant dense<0.000000e+00> : vector<1024x1xf32>
    %dot_general3A_13 = tpu.matmul %convert_element_type3A_5, %reshape3A_12, %dot_general3A {dimension_numbers = #tpu.dot_dimension_numbers<[1], [0], [0], [1], [0, 0, 1, 1], [], []>, transpose_lhs_hint = false} : vector<1024x512xbf16>, vector<512x1xbf16>, vector<1024x1xf32> -> vector<1024x1xf32>
    %add3A = arith.addf %get3A_8, %dot_general3A_13 : vector<1024x1xf32>
    %get3A_14 = arith.constant 0 : index
    %get3A_15 = arith.constant 0 : index
    %get3A_16 = vector.load %arg4[%get3A_14, %get3A_15] : memref<1x512xbf16, #tpu.memory_space<vmem>>, vector<1x512xbf16>
    %reshape3A_17 = vector.shape_cast %get3A_16 : vector<1x512xbf16> to vector<512x1xbf16>
    %dot_general3A_18 = arith.constant dense<0.000000e+00> : vector<1024x1xf32>
    %dot_general3A_19 = tpu.matmul %convert_element_type3A_5, %reshape3A_17, %dot_general3A_18 {dimension_numbers = #tpu.dot_dimension_numbers<[1], [0], [0], [1], [0, 0, 1, 1], [], []>, transpose_lhs_hint = false} : vector<1024x512xbf16>, vector<512x1xbf16>, vector<1024x1xf32> -> vector<1024x1xf32>
    %add3A_20 = arith.addf %add3A, %dot_general3A_19 : vector<1024x1xf32>
    %swap3A = arith.constant 0 : index
    %swap3A_21 = arith.constant 0 : index
    %swap3A_22 = vector.load %arg5[%swap3A, %swap3A_21] : memref<1024x1xf32, #tpu.memory_space<vmem>>, vector<1024x1xf32>
    tpu.vector_store %arg5[%swap3A, %swap3A_21], %add3A_20 {strides = array<i32>} : memref<1024x1xf32, #tpu.memory_space<vmem>>, vector<1024x1xf32>,
    return
  }
  func.func @transform_0(%arg0: i32) -> (i32, i32) {
    %c0_i32 = arith.constant 0 : i32
    %c0_i32_0 = arith.constant 0 : i32
    return %arg0, %c0_i32 : i32, i32
  }
  func.func @transform_1(%arg0: i32) -> (i32, i32, i32) {
    %c0_i32 = arith.constant 0 : i32
    %c0_i32_0 = arith.constant 0 : i32
    %c0_i32_1 = arith.constant 0 : i32
    return %arg0, %c0_i32, %c0_i32_0 : i32, i32, i32
  }
  func.func @transform_2(%arg0: i32) -> (i32, i32) {
    %c0_i32 = arith.constant 0 : i32
    %c0_i32_0 = arith.constant 0 : i32
    %c0_i32_1 = arith.constant 0 : i32
    return %c0_i32, %c0_i32_0 : i32, i32
  }
  func.func @transform_3(%arg0: i32) -> (i32, i32) {
    %c0_i32 = arith.constant 0 : i32
    %c0_i32_0 = arith.constant 0 : i32
    %c0_i32_1 = arith.constant 0 : i32
    return %c0_i32, %c0_i32_0 : i32, i32
  }
  func.func @transform_4(%arg0: i32) -> (i32, i32) {
    %c0_i32 = arith.constant 0 : i32
    %c0_i32_0 = arith.constant 0 : i32
    return %arg0, %c0_i32 : i32, i32
  }
}

module attributes {stable_mosaic.version = 14 : i64} {
  func.func @_combine_body(%arg0: memref<32x512x16xf32, #tpu.memory_space<vmem>>, %arg1: memref<1x512xf32, #tpu.memory_space<vmem>>) attributes {dimension_semantics = [], scalar_prefetch = 0 : i64, scratch_operands = 0 : i64, tpu.core_type = #tpu.core_type<tc>} {
    %get3A = arith.constant 0 : index
    %get3A_0 = arith.constant 0 : index
    %get3A_1 = arith.constant 0 : index
    %get3A_2 = vector.load %arg0[%get3A, %get3A_0, %get3A_1] : memref<32x512x16xf32, #tpu.memory_space<vmem>>, vector<32x512x16xf32>
    %reduce_sum3A = arith.constant dense<0.000000e+00> : vector<512xf32>
    %reduce_sum3A_3 = vector.multi_reduction <add>, %get3A_2, %reduce_sum3A [0, 2] : vector<32x512x16xf32> to vector<512xf32>
    %reshape3A = vector.shape_cast %reduce_sum3A_3 : vector<512xf32> to vector<1x512xf32>
    %swap3A = arith.constant 0 : index
    %swap3A_4 = arith.constant 0 : index
    %swap3A_5 = vector.load %arg1[%swap3A, %swap3A_4] : memref<1x512xf32, #tpu.memory_space<vmem>>, vector<1x512xf32>
    tpu.vector_store %arg1[%swap3A, %swap3A_4], %reshape3A {strides = array<i32>} : memref<1x512xf32, #tpu.memory_space<vmem>>, vector<1x512xf32>,
    return
  }
}

</mosaic_0001>

<sc_bundles>
// kernel: kernel.6.cloned.1.call-start
scs
__scs_entry_jumppad:
0x0: {  	(pc) =	sbr.rel $0x88, $3  }
0x1: {  	(tag) =	ssettag $0x0;
	lr =	simm.s32 $0x1  }
0x2: {  	[smem:$0x3F99] =	sst lr;
	_ =	strace $0xD0000000  }
0x3: {  	_ = 	snop  }
0x4: {  	_ = 	snop  }
0x5: {  	_ = 	snop  }
0x6: {  	_ = 	snop  }
0x7: {  	_ = 	snop  }
__scs_overlays_trampoline_lowered:
0x8: {  	[smem:$0x3FA8] =	sst s0  }
0x9: {  	[smem:$0x3FA9] =	sst s1  }
0xa: {  	[smem:$0x3FAA] =	sst s2  }
0xb: {  	[smem:$0x3FAB] =	sst s3  }
0xc: {  	[smem:$0x3FAC] =	sst s4  }
0xd: {  	[smem:$0x3FAD] =	sst s5  }
0xe: {  	[smem:$0x3FAE] =	sst s6  }
0xf: {  	[smem:$0x3FAF] =	sst s7  }
0x10: {  	[smem:$0x3FB0] =	sst s8  }
0x11: {  	[smem:$0x3FB1] =	sst s9;
	s0 =	simm.s32 @!p0 $0x0  }
0x12: {  	s1 =	sld [smem:$0x3F97];
	s0 =	simm.s32 @p0 $0x1  }
0x13: {  	[smem:$0x3FB2] =	sst s0;
	s0 =	simm.s32 @!p1 $0x0  }
0x14: {  	s2 =	sld [smem:$0x3F96];
	s0 =	simm.s32 @p1 $0x1  }
0x15: {  	[smem:$0x3FB3] =	sst s0;
	s0 =	simm.s32 @!p2 $0x0  }
0x16: {  	s3 =	sld [smem:$0x3FDB];
	s0 =	simm.s32 @p2 $0x1  }
0x17: {  	s4 =	simm.s32 $0x1BF5;
	[smem:$0x3FB5] =	sst s0  }
0x18: {  	s0 =	sld [smem:$0x3F98];
	_ =	swait.ge [sflag:s4], $0x0  }
0x19: {  	s7 =	sld [smem:$0x3F99]  }
0x1a: {  	s8 =	sadd.s32 $0xFFFFE003, lr  }
0x1b: {  	s9 =	sadd.s32 $0xFFFFFEF7, lr;
	s5 =	simm.s32 $0xFFFFFFFF;
	p2 =	slt.u32 s8, $0xFFFFF086  }
0x1c: {  	p1 =	slt.u32 s9, $0xF7A;
	s5 =	simm.s32 @!p2 $0x0  }
0x1d: {  	s5 =	simm.s32 @p1 $0x1;
	p0 =	seq.s32 s7, s2  }
0x1e: {  	s7 =	smul.u32 @!p0 $0xF7A, s2;
	p2 =	seq.s32 @!p0 s5, $0x0  }
0x1f: {  	s9 =	smul.u32 $0xF7A, s1;
	s8 =	simm.s32 @!p0 $0x1BF5;
	p2 =	por !p2, p0  }
0x20: {  	[sflag:s8] =	ssyncset.s32 @!p0 $0xFFFFF086;
	s6 =	sadd.s32 @!p0 s3, s7;
	s7 =	simm.s32 @!p0 $0x108  }
0x21: {  	s3 =	sadd.s32 s3, s9;
	s6 =	sadd.s32 @!p0 $0x88, s6;
	s7 =	simm.s32 @p2 $0x1082  }
0x22: {  	[simem:s7], [sflag:s8] =	dma.local @!p0 [hbm:s6], $0xF7A  }
0x23: {  	s9 =	sor.u32 $0xD0000000, s2;
	s6 =	simm.s32 $0x108;
	_ =	swait.ge @!p0 [sflag:s8], $0x0  }
0x24: {  	s3 =	sadd.s32 $0x88, s3;
	s6 =	simm.s32 @!p1 $0x1082;
	[sflag:s4] =	ssyncset.s32 $0xFFFFF086  }
0x25: {  	[simem:s6], [sflag:s4] =	dma.local [hbm:s3], $0xF7A  }
0x26: {  	[smem:$0x3F99] =	sst s1;
	(tag) =	ssettag s2;
	_ =	strace s9  }
0x27: {  	s1 =	sld [smem:$0x3FA9]  }
0x28: {  	s2 =	sld [smem:$0x3FAA]  }
0x29: {  	s4 =	sld [smem:$0x3FAC]  }
0x2a: {  	p0 =	seq.s32 s5, $0x0;
	s5 =	sld [smem:$0x3FAD]  }
0x2b: {  	s6 =	sld [smem:$0x3FAE]  }
0x2c: {  	s7 =	sld [smem:$0x3FAF]  }
0x2d: {  	s3 =	simm.s32 $0x108;
	s8 =	sld [smem:$0x3FB0]  }
0x2e: {  	s3 =	simm.s32 @!p0 $0x1082;
	s9 =	sld [smem:$0x3FB1]  }
0x2f: {  	lr =	sadd.s32 s0, s3;
	s0 =	sld [smem:$0x3FA8]  }
0x30: {  	s3 =	sld [smem:$0x3FAB]  }
0x31: {  	[smem:$0x3FB4] =	sst s10  }
0x32: {  	s10 =	sld [smem:$0x3FB2];
	_ =	sdelay $0x3  }
0x33: {  	p0 =	seq.s32 s10, $0x1;
	s10 =	sld [smem:$0x3FB4];
	_ =	sdelay $0x3  }
0x34: {  	[smem:$0x3FB4] =	sst s10  }
0x35: {  	s10 =	sld [smem:$0x3FB3];
	_ =	sdelay $0x3  }
0x36: {  	p1 =	seq.s32 s10, $0x1;
	s10 =	sld [smem:$0x3FB4];
	_ =	sdelay $0x3  }
0x37: {  	[smem:$0x3FB4] =	sst s10  }
0x38: {  	s10 =	sld [smem:$0x3FB5]  }
0x39: {  	_ = 	snop;
	(pc) =	sbr.ind lr, $3  }
0x3a: {  	_ = 	snop  }
0x3b: {  	_ = 	snop  }
0x3c: {  	p2 =	seq.s32 s10, $0x1;
	s10 =	sld [smem:$0x3FB4]  }
0x3d: {  	_ =	shalt  }
0x3e: {  	_ =	shalt  }
0x3f: {  	_ =	shalt  }
0x40: {  	_ =	shalt  }
0x41: {  	_ =	shalt  }
0x42: {  	_ =	shalt  }
0x43: {  	_ =	shalt  }
0x44: {  	_ =	shalt  }
0x45: {  	_ =	shalt  }
0x46: {  	_ =	shalt  }
0x47: {  	_ =	shalt  }
0x48: {  	_ =	shalt  }
0x49: {  	_ =	shalt  }
0x4a: {  	_ =	shalt  }
0x4b: {  	_ =	shalt  }
0x4c: {  	_ =	shalt  }
0x4d: {  	_ =	shalt  }
0x4e: {  	_ =	shalt  }
0x4f: {  	_ =	shalt  }
0x50: {  	_ =	shalt  }
0x51: {  	_ =	shalt  }
0x52: {  	_ =	shalt  }
0x53: {  	_ =	shalt  }
0x54: {  	_ =	shalt  }
0x55: {  	_ =	shalt  }
0x56: {  	_ =	shalt  }
0x57: {  	_ =	shalt  }
0x58: {  	_ =	shalt  }
0x59: {  	_ =	shalt  }
0x5a: {  	_ =	shalt  }
0x5b: {  	_ =	shalt  }
0x5c: {  	_ =	shalt  }
0x5d: {  	_ =	shalt  }
0x5e: {  	_ =	shalt  }
0x5f: {  	_ =	shalt  }
0x60: {  	_ =	shalt  }
0x61: {  	_ =	shalt  }
0x62: {  	_ =	shalt  }
0x63: {  	_ =	shalt  }
0x64: {  	_ =	shalt  }
0x65: {  	_ =	shalt  }
0x66: {  	_ =	shalt  }
0x67: {  	_ =	shalt  }
0x68: {  	_ =	shalt  }
0x69: {  	_ =	shalt  }
0x6a: {  	_ =	shalt  }
0x6b: {  	_ =	shalt  }
0x6c: {  	_ =	shalt  }
0x6d: {  	_ =	shalt  }
0x6e: {  	_ =	shalt  }
0x6f: {  	_ =	shalt  }
0x70: {  	_ =	shalt  }
0x71: {  	_ =	shalt  }
0x72: {  	_ =	shalt  }
0x73: {  	_ =	shalt  }
0x74: {  	_ =	shalt  }
0x75: {  	_ =	shalt  }
0x76: {  	_ =	shalt  }
0x77: {  	_ =	shalt  }
0x78: {  	_ =	shalt  }
0x79: {  	_ =	shalt  }
0x7a: {  	_ =	shalt  }
0x7b: {  	_ =	shalt  }
0x7c: {  	_ =	shalt  }
0x7d: {  	_ =	shalt  }
0x7e: {  	_ =	shalt  }
0x7f: {  	_ =	shalt  }
0x80: {  	_ =	shalt  }
0x81: {  	_ =	shalt  }
0x82: {  	_ =	shalt  }
0x83: {  	_ =	shalt  }
0x84: {  	_ =	shalt  }
0x85: {  	_ =	shalt  }
0x86: {  	_ =	shalt  }
0x87: {  	_ =	shalt  }
.Lfunc_end0:
.L_simem_size_0:
called_computation_lowered:
.L_overlay_start_0:
0x88: {  	s2 =	sld [smem:$0x3FD9]  }
0x89: {  	s3 =	sld [smem:$0x3FFE];
	_ =	sdelay $0x1  }
0x8a: {  	s1 =	srdreg.scid  }
0x8b: {  	s0 =	sand.u32 $0x1, s1  }
0x8c: {  	s14 =	sshll.u32 s0, $0xA;
	s2 =	sadd.s32 s3, s2  }
0x8d: {  	s2 =	sadd.s32 s2, s14  }
0x8e: {  	[smem:$0x3FC0] =	sst s2  }
0x8f: {  	_ = 	snop  }
0x90: {  	s2 =	sld [smem:$0x3FD0];
	_ =	sdelay $0x2  }
0x91: {  	s15 =	simm.s32 $0xA;
	s4 =	simm.s32 $0x10  }
0x92: {  	[smem:s4], [sflag:s15] =	dma.local [hbm:s2], $0x1  }
0x93: {  	_ =	swait.eq [sflag:s15], $0x1  }
0x94: {  	[sflag:s15] =	ssyncset.done $0x0  }
0x95: {  	[sflag:s15] =	ssyncadd.s32 $0xFFFFFFFF  }
0x96: {  	s16 =	sld [smem:$0x10];
	(tm) =	ssettm $0x1  }
0x97: {  	s17 =	sld [smem:$0x3FFB];
	_ =	sdelay $0x3  }
0x98: {  	_ =	strace s17  }
0x99: {  	s3 =	sld [smem:$0x3FFC];
	_ =	sdelay $0x3  }
0x9a: {  	_ =	strace s3  }
0x9b: {  	s3 =	sld [smem:$0x3FFD];
	_ =	sdelay $0x3  }
0x9c: {  	_ =	strace s3  }
0x9d: {  	_ =	strace $0x8FFFFFFF  }
0x9e: {  	s18 =	sld [smem:$0x3FDB];
	_ =	sdelay $0x1  }
0x9f: {  	s19 =	simm.s32 $_scs_section_size  }
0xa0: {  	s5 =	simm.s32 $_size__tile_overlayer_lowered;
	s6 =	simm.s32 $_tile_overlayer_lowered  }
0xa1: {  	s22 =	simm.s32 $0x1BFF;
	s21 =	sshll.u32 s6, $0x1;
	s3 =	sadd.s32 s19, s18  }
0xa2: {  	s7 =	simm.s32 $0x0;
	s20 =	sshll.u32 s5, $0x1;
	s5 =	sadd.s32 s21, s3  }
0xa3: {  	[timem:s7], [sflag:s22] =	dma.local [hbm:s5], s20  }
0xa4: {  	_ =	swait.ge [sflag:s22], s20  }
0xa5: {  	s4 =	ssub.s32 $0x0, s20;
	[sflag:s22] =	ssyncset.done $0x0  }
0xa6: {  	[sflag:s22] =	ssyncadd.s32 s4;
	_ =	sdelay $0x1  }
0xa7: {  	s23 =	simm.s32 $0x1B8B  }
0xa8: {  	_ =	swait.ge [sflag:s23], $0x1  }
0xa9: {  	[sflag:s23] =	ssyncset.done $0x0  }
0xaa: {  	s25 =	simm.s32 $0x1B8E;
	s24 =	sld [smem:$0x3FFE];
	[sflag:s23] =	ssyncadd.s32 $0xFFFFFFFF  }
0xab: {  	s26 =	simm.s32 $execute0_lowered;
	[smem:$0x3FD2] =	sst s25  }
0xac: {  	s5 =	sshll.u32 s26, $0x1;
	_ =	strace $0x80000046;
	[dreg:$0x1] =	wrdreg $0xFFFFFFFF  }
0xad: {  	s28 =	simm.s32 $_size_execute0_lowered;
	s3 =	sadd.s32 s3, s5;
	[dreg:$0x0] =	wrdreg $0x0  }
0xae: {  	s5 =	sshll.u32 s28, $0x1;
	[dreg:$0x2] =	wrdreg s3  }
0xaf: {  	[dreg:$0x3] =	wrdreg s5  }
0xb0: {  	[dreg:$0x4] =	wrdreg $0xC0  }
0xb1: {  	_ =	task [dreg:s7], $0x5FFFF  }
0xb2: {  	[dreg:$0x1] =	wrdreg $0xFFFFFFFF  }
0xb3: {  	[dreg:$0x0] =	wrdreg $0x60  }
0xb4: {  	[dreg:$0x2] =	wrdreg s24  }
0xb5: {  	[dreg:$0x3] =	wrdreg s16  }
0xb6: {  	[dreg:$0x4] =	wrdreg $0x9  }
0xb7: {  	_ =	task.clear_ibuf [dreg:s7], $0x5FFFF;
	_ =	strace $0x90000046  }
0xb8: {  	s29 =	simm.s32 $0x9;
	_ =	strace $0x80000048  }
0xb9: {  	_ =	swait.ge [sflag:s29], $0x1  }
0xba: {  	[sflag:s29] =	ssyncadd.s32 $0xFFFFFFFF  }
0xbb: {  	_ =	strace $0x90000048  }
0xbc: {  	_ =	sfence  }
0xbd: {  	s30 =	sld [smem:$0x0];
	_ =	sdelay $0x2  }
0xbe: {  	s31 =	sshll.u32 s1, $0xD;
	s1 =	sshrl.u32 s1, $0x2  }
0xbf: {  	s3 =	sand.u32 $0x4000, s31;
	s1 =	sadd.s32 s1, s30  }
0xc0: {  	s0 =	sor.u32 s3, s0;
	s1 =	sshll.u32 s1, $0x11  }
0xc1: {  	s0 =	sor.u32 s1, s0  }
0xc2: {  	s0 =	sadd.s32 $0x8F2B, s0  }
0xc3: {  	[sflag:s0] =	ssyncadd.remote.s32 $0x1  }
0xc4: {  	_ =	sfence.sel $0xFFFF  }
0xc5: {  	[dreg:$0x0] =	wrdreg $0xFFFFFFFF;
	(pc) =	sbr.abs _section_cstart, $3  }
0xc6: {  	[dreg:$0x1] =	wrdreg $0xFFFFFFFF  }
0xc7: {  	_ =	task.clear_ibuf [dreg:s7], $0x2FFFF;
	_ =	strace $0x9FFFFFFF  }
0xc8: {  	(tm) =	ssettm $0x7FFFFFFF  }
0xc9: {  	_ =	shalt  }
tec
execute0_lowered:
.L_overlay_start_1:
0x0: {  	(tag) =	ssettag $0x1  }
0x1: {  	s0 =	rddreg [dreg:$0x0];
	s28 =	simm.s32 $0x0;
	s1 =	srdreg.scid  }
0x2: {  	s2 =	stileid.u32;
	s9 =	simm.s32 $0x11000;
	s10 =	simm.s32 $0xD800  }
0x3: {  	s11 =	simm.s32 $0x11800;
	s12 =	simm.s32 $0x1800;
	s17 =	simm.s32 $0x1C00  }
0x4: {  	s13 =	simm.s32 $0x12000;
	s14 =	simm.s32 $0x5;
	s15 =	simm.s32 $0x2  }
0x5: {  	s16 =	simm.s32 $0x6;
	s29 =	simm.s32 $0x0;
	[smem:$0x7FF] =	sst s28  }
0x6: {  	s1 =	sand.u32 $0x1, s1;
	s2 =	sshll.u32 s2, $0x1;
	s4 =	sadd.s32 $0x96800, s0  }
0x7: {  	s5 =	sadd.s32 $0x32800, s0;
	s6 =	sadd.s32 $0x1800, s0;
	s2 =	sor.u32 s1, s2  }
0x8: {  	s1 =	ssub.s32 $0x2, s1;
	s3 =	smul.u32 $0x19000, s2;
	s2 =	sshll.u32 s2, $0xA  }
0x9: {  	_ =	strace $0x80000047;
	s18 =	sshrl.u32 s1, $0x1;
	s0 =	sadd.s32 s2, s0  }
0xa: {  	s1 =	ssub.s32 s1, s18;
	s18 =	simm.s32 $0x1;
	s24 =	sor.u32 $0xC00, s3  }
0xb: {  	s7 =	sshrl.u32 s3, $0x3;
	s25 =	sadd.s32 $0x1000, s3;
	[dreg:$0x9] =	wrdreg s24  }
0xc: {  	s26 =	sadd.s32 $0x1400, s3;
	s30 =	sadd.s32 $0x1800, s3;
	[dreg:$0xa] =	wrdreg s25  }
0xd: {  	s0 =	sadd.s32 $0xFA800, s0;
	s31 =	smax.u32 s1, $0x1;
	[dreg:$0xb] =	wrdreg s26  }
0xe: {  	s1 =	simm.s32 $0x7;
	s3 =	simm.s32 $0xC800;
	[dreg:$0xc] =	wrdreg s30  }
0xf: {  	s19 =	sadd.s32 s4, s7;
	s20 =	sor.u32 $0x80, s7;
	[dreg:$0xd] =	wrdreg s0  }
0x10: {  	s8 =	sadd.s32 s5, s7;
	s7 =	sor.u32 $0x100, s7;
	[dreg:$0xe] =	wrdreg s31  }
0x11: {  	s24 =	simm.s32 $0x2000;
	s25 =	simm.s32 $0x6000;
	[dreg:$0x3] =	wrdreg s19  }
0x12: {  	s26 =	simm.s32 $0xE000;
	[dreg:$0x4] =	wrdreg s8;
	s21 =	sadd.s32 s4, s20  }
0x13: {  	s2 =	sadd.s32 s5, s20;
	s22 =	sadd.s32 s4, s7;
	[dreg:$0x5] =	wrdreg s21  }
0x14: {  	s23 =	sadd.s32 s5, s7;
	s19 =	simm.s32 $0x14000;
	[dreg:$0x6] =	wrdreg s2  }
0x15: {  	s20 =	simm.s32 $0x4;
	s7 =	simm.s32 $0x10800;
	[dreg:$0x7] =	wrdreg s22  }
0x16: {  	v0 =	vlaneseq.u32;
	s8 =	simm.s32 $0xD000;
	[dreg:$0x8] =	wrdreg s23;
	s23 =	simm.s32 $0x80  }
0x17: {  	v1 =	vimm.f32 $0.0e+00;
	v2 =	vmul.u32 $0x10, v0;
	s22 =	simm.s32 $0xA000;
	s2 =	simm.s32 $0xA800;
	s21 =	simm.s32 $0x10000  }
.LBB2_1:
0x18: {  	[dreg:$0xf] =	wrdreg s29  }
0x19: {  	s0 =	rddreg [dreg:$0x1]  }
0x1a: {  	[tilespmem:s19], [sflag:$0x7] =	stream.linear.gather [hbm4b:s0+s28], $0x200, $0x38;
	[tilespmem:$0x14200] =	vst v63  }
0x1b: {  	_ =	swait.ge [sflag:s1], $0x200  }
0x1c: {  	[sflag:s1] =	ssyncset.done $0x0  }
0x1d: {  	s28 =	simm.s32 $0x0;
	[sflag:s1] =	ssyncadd.s32 $0xFFFFFE00;
	s1 =	simm.s32 $0x40  }
.LBB2_2:
0x1e: {  	p0 =	sne.s32 s1, $0x7FC0;
	[tilespmem:s28+$0x12000] =	vst v1;
	s28 =	smov.u32 s1;
	s1 =	sadd.s32 $0x40, s1  }
.Ltmp0:
0x1f: {  	(pc) =	sbr.rel @p0 .LBB2_2-.Ltmp0, $2  }
0x20: {  	_ =	sdelay $0x2  }
0x21: {  	s28 =	sshra.s32 s28, $0x2  }
0x22: {  	[tilespmem:s28+$0x12000] =	vst v1;
	s29 =	simm.s32 $0x0;
	s0 =	rddreg [dreg:$0x3]  }
0x23: {  	[tilespmem:s29], [sflag:$0x3] =	stream.linear.gather [hbm4b:s0+s29], $0x400, $0x38;
	[tilespmem:$0x14200] =	vst v63  }
0x24: {  	s28 =	rddreg [dreg:$0x4];
	s1 =	simm.s32 $0x400;
	s30 =	simm.s32 $0x3  }
0x25: {  	[tilespmem:s1], [sflag:$0x3] =	stream.linear.gather [hbm4b:s28+s29], $0x400, $0x38;
	[tilespmem:$0x14200] =	vst v63  }
0x26: {  	_ =	swait.ge [sflag:s30], $0x400  }
0x27: {  	[sflag:s30] =	ssyncset.done $0x0  }
0x28: {  	[sflag:s30] =	ssyncadd.s32 $0xFFFFFC00  }
0x29: {  	_ =	swait.ge [sflag:s30], $0x400  }
0x2a: {  	[sflag:s30] =	ssyncset.done $0x0  }
0x2b: {  	[sflag:s30] =	ssyncadd.s32 $0xFFFFFC00  }
0x2c: {  	[tilespmem:s24], [sflag:$0x1] =	stream.indirect.gather [hbm4b:s6+s23], $0x10, s29, s23, $0xb8;
	[tilespmem:$0x14200] =	vst v63  }
0x2d: {  	_ = 	snop  }
0x2e: {  	[tilespmem:s25], [sflag:$0x1] =	stream.indirect.gather [hbm4b:s6+s23], $0x10, s1, s23, $0xb8;
	[tilespmem:$0x14200] =	vst v63  }
0x2f: {  	s1 =	simm.s32 $0x2800  }
0x30: {  	[tilespmem:s1], [sflag:$0x1] =	stream.indirect.gather [hbm4b:s6+s23], $0x10, s23, s23, $0xb8;
	[tilespmem:$0x14200] =	vst v63  }
0x31: {  	s28 =	simm.s32 $0x480;
	s30 =	simm.s32 $0x6800  }
0x32: {  	[tilespmem:s30], [sflag:$0x1] =	stream.indirect.gather [hbm4b:s6+s23], $0x10, s28, s23, $0xb8;
	[tilespmem:$0x14200] =	vst v63  }
0x33: {  	s28 =	simm.s32 $0x100;
	s30 =	simm.s32 $0x3000  }
0x34: {  	[tilespmem:s30], [sflag:$0x1] =	stream.indirect.gather [hbm4b:s6+s23], $0x10, s28, s23, $0xb8;
	[tilespmem:$0x14200] =	vst v63  }
0x35: {  	s28 =	simm.s32 $0x500;
	s30 =	simm.s32 $0x7000  }
0x36: {  	[tilespmem:s30], [sflag:$0x1] =	stream.indirect.gather [hbm4b:s6+s23], $0x10, s28, s23, $0xb8;
	[tilespmem:$0x14200] =	vst v63  }
0x37: {  	s28 =	simm.s32 $0x180;
	s30 =	simm.s32 $0x3800  }
0x38: {  	[tilespmem:s30], [sflag:$0x1] =	stream.indirect.gather [hbm4b:s6+s23], $0x10, s28, s23, $0xb8;
	[tilespmem:$0x14200] =	vst v63  }
0x39: {  	s28 =	simm.s32 $0x580;
	s30 =	simm.s32 $0x7800  }
0x3a: {  	[tilespmem:s30], [sflag:$0x1] =	stream.indirect.gather [hbm4b:s6+s23], $0x10, s28, s23, $0xb8;
	[tilespmem:$0x14200] =	vst v63  }
0x3b: {  	s28 =	simm.s32 $0x200;
	s30 =	simm.s32 $0x4000  }
0x3c: {  	[tilespmem:s30], [sflag:$0x1] =	stream.indirect.gather [hbm4b:s6+s23], $0x10, s28, s23, $0xb8;
	[tilespmem:$0x14200] =	vst v63  }
0x3d: {  	s28 =	simm.s32 $0x600;
	s30 =	simm.s32 $0x8000  }
0x3e: {  	[tilespmem:s30], [sflag:$0x1] =	stream.indirect.gather [hbm4b:s6+s23], $0x10, s28, s23, $0xb8;
	[tilespmem:$0x14200] =	vst v63  }
0x3f: {  	s28 =	simm.s32 $0x280;
	s30 =	simm.s32 $0x4800  }
0x40: {  	[tilespmem:s30], [sflag:$0x1] =	stream.indirect.gather [hbm4b:s6+s23], $0x10, s28, s23, $0xb8;
	[tilespmem:$0x14200] =	vst v63  }
0x41: {  	s28 =	simm.s32 $0x680;
	s30 =	simm.s32 $0x8800  }
0x42: {  	[tilespmem:s30], [sflag:$0x1] =	stream.indirect.gather [hbm4b:s6+s23], $0x10, s28, s23, $0xb8;
	[tilespmem:$0x14200] =	vst v63  }
0x43: {  	s28 =	simm.s32 $0x300;
	s30 =	simm.s32 $0x5000  }
0x44: {  	[tilespmem:s30], [sflag:$0x1] =	stream.indirect.gather [hbm4b:s6+s23], $0x10, s28, s23, $0xb8;
	[tilespmem:$0x14200] =	vst v63  }
0x45: {  	s28 =	simm.s32 $0x700;
	s30 =	simm.s32 $0x9000  }
0x46: {  	[tilespmem:s30], [sflag:$0x1] =	stream.indirect.gather [hbm4b:s6+s23], $0x10, s28, s23, $0xb8;
	[tilespmem:$0x14200] =	vst v63  }
0x47: {  	s28 =	simm.s32 $0x380;
	s30 =	simm.s32 $0x5800  }
0x48: {  	[tilespmem:s30], [sflag:$0x1] =	stream.indirect.gather [hbm4b:s6+s23], $0x10, s28, s23, $0xb8;
	[tilespmem:$0x14200] =	vst v63  }
0x49: {  	s28 =	simm.s32 $0x780;
	s30 =	simm.s32 $0x9800  }
0x4a: {  	[tilespmem:s30], [sflag:$0x1] =	stream.indirect.gather [hbm4b:s6+s23], $0x10, s28, s23, $0xb8;
	[tilespmem:$0x14200] =	vst v63  }
0x4b: {  	s28 =	rddreg [dreg:$0x5];
	s30 =	simm.s32 $0x800  }
0x4c: {  	[tilespmem:s30], [sflag:$0x4] =	stream.linear.gather [hbm4b:s28+s29], $0x400, $0x38;
	[tilespmem:$0x14200] =	vst v63  }
0x4d: {  	s28 =	rddreg [dreg:$0x6];
	s30 =	simm.s32 $0xC00  }
0x4e: {  	[tilespmem:s30], [sflag:$0x4] =	stream.linear.gather [hbm4b:s28+s29], $0x400, $0x38;
	[tilespmem:$0x14200] =	vst v63  }
0x4f: {  	s28 =	rddreg [dreg:$0x7];
	s30 =	simm.s32 $0x1000  }
0x50: {  	[tilespmem:s30], [sflag:$0x5] =	stream.linear.gather [hbm4b:s28+s29], $0x400, $0x38;
	[tilespmem:$0x14200] =	vst v63  }
0x51: {  	s31 =	simm.s32 $0x0;
	s28 =	rddreg [dreg:$0x8];
	s30 =	simm.s32 $0x1400  }
0x52: {  	[tilespmem:s30], [sflag:$0x5] =	stream.linear.gather [hbm4b:s28+s29], $0x400, $0x38;
	[tilespmem:$0x14200] =	vst v63  }
.LBB2_4:
0x53: {  	_ =	swait.ge [sflag:s20], $0x400  }
0x54: {  	[sflag:s20] =	ssyncset.done $0x0  }
0x55: {  	[sflag:s20] =	ssyncadd.s32 $0xFFFFFC00  }
0x56: {  	_ =	swait.ge [sflag:s20], $0x400  }
0x57: {  	[sflag:s20] =	ssyncset.done $0x0  }
0x58: {  	s0 =	simm.s32 $0x800;
	[sflag:s20] =	ssyncadd.s32 $0xFFFFFC00  }
0x59: {  	[tilespmem:s22], [sflag:$0x2] =	stream.indirect.gather [hbm4b:s6+s23], $0x10, s0, s23, $0xb8;
	[tilespmem:$0x14200] =	vst v63  }
0x5a: {  	s30 =	simm.s32 $0xC00  }
0x5b: {  	[tilespmem:s26], [sflag:$0x2] =	stream.indirect.gather [hbm4b:s6+s23], $0x10, s30, s23, $0xb8;
	[tilespmem:$0x14200] =	vst v63  }
0x5c: {  	s1 =	simm.s32 $0x880  }
0x5d: {  	[tilespmem:s2], [sflag:$0x2] =	stream.indirect.gather [hbm4b:s6+s23], $0x10, s1, s23, $0xb8;
	[tilespmem:$0x14200] =	vst v63  }
0x5e: {  	s30 =	simm.s32 $0xC80;
	s1 =	simm.s32 $0xE800  }
0x5f: {  	[tilespmem:s1], [sflag:$0x2] =	stream.indirect.gather [hbm4b:s6+s23], $0x10, s30, s23, $0xb8;
	[tilespmem:$0x14200] =	vst v63  }
0x60: {  	s1 =	simm.s32 $0x900;
	s30 =	simm.s32 $0xB000  }
0x61: {  	[tilespmem:s30], [sflag:$0x2] =	stream.indirect.gather [hbm4b:s6+s23], $0x10, s1, s23, $0xb8;
	[tilespmem:$0x14200] =	vst v63  }
0x62: {  	s1 =	simm.s32 $0xD00;
	s30 =	simm.s32 $0xF000  }
0x63: {  	[tilespmem:s30], [sflag:$0x2] =	stream.indirect.gather [hbm4b:s6+s23], $0x10, s1, s23, $0xb8;
	[tilespmem:$0x14200] =	vst v63  }
0x64: {  	s1 =	simm.s32 $0x980;
	s30 =	simm.s32 $0xB800  }
0x65: {  	[tilespmem:s30], [sflag:$0x2] =	stream.indirect.gather [hbm4b:s6+s23], $0x10, s1, s23, $0xb8;
	[tilespmem:$0x14200] =	vst v63  }
0x66: {  	s1 =	simm.s32 $0xD80;
	s30 =	simm.s32 $0xF800  }
0x67: {  	[tilespmem:s30], [sflag:$0x2] =	stream.indirect.gather [hbm4b:s6+s23], $0x10, s1, s23, $0xb8;
	[tilespmem:$0x14200] =	vst v63  }
0x68: {  	s1 =	simm.s32 $0xA00;
	s30 =	simm.s32 $0xC000  }
0x69: {  	[tilespmem:s30], [sflag:$0x2] =	stream.indirect.gather [hbm4b:s6+s23], $0x10, s1, s23, $0xb8;
	[tilespmem:$0x14200] =	vst v63  }
0x6a: {  	s30 =	simm.s32 $0xE00  }
0x6b: {  	[tilespmem:s21], [sflag:$0x2] =	stream.indirect.gather [hbm4b:s6+s23], $0x10, s30, s23, $0xb8;
	[tilespmem:$0x14200] =	vst v63  }
0x6c: {  	s1 =	simm.s32 $0xA80  }
0x6d: {  	[tilespmem:s3], [sflag:$0x2] =	stream.indirect.gather [hbm4b:s6+s23], $0x10, s1, s23, $0xb8;
	[tilespmem:$0x14200] =	vst v63  }
0x6e: {  	s30 =	simm.s32 $0xE80  }
0x6f: {  	[tilespmem:s7], [sflag:$0x2] =	stream.indirect.gather [hbm4b:s6+s23], $0x10, s30, s23, $0xb8;
	[tilespmem:$0x14200] =	vst v63  }
0x70: {  	s1 =	simm.s32 $0xB00  }
0x71: {  	[tilespmem:s8], [sflag:$0x2] =	stream.indirect.gather [hbm4b:s6+s23], $0x10, s1, s23, $0xb8;
	[tilespmem:$0x14200] =	vst v63  }
0x72: {  	s30 =	simm.s32 $0xF00  }
0x73: {  	[tilespmem:s9], [sflag:$0x2] =	stream.indirect.gather [hbm4b:s6+s23], $0x10, s30, s23, $0xb8;
	[tilespmem:$0x14200] =	vst v63  }
0x74: {  	s1 =	simm.s32 $0xB80  }
0x75: {  	[tilespmem:s10], [sflag:$0x2] =	stream.indirect.gather [hbm4b:s6+s23], $0x10, s1, s23, $0xb8;
	[tilespmem:$0x14200] =	vst v63  }
0x76: {  	s30 =	simm.s32 $0xF80  }
0x77: {  	[tilespmem:s11], [sflag:$0x2] =	stream.indirect.gather [hbm4b:s6+s23], $0x10, s30, s23, $0xb8;
	[tilespmem:$0x14200] =	vst v63  }
0x78: {  	s1 =	sshll.u32 s31, $0xC;
	s30 =	rddreg [dreg:$0x9]  }
0x79: {  	s28 =	sadd.s32 s1, s30  }
0x7a: {  	s28 =	sshrl.u32 s28, $0x3  }
0x7b: {  	s30 =	sadd.s32 s4, s28  }
0x7c: {  	[tilespmem:s12], [sflag:$0x6] =	stream.linear.gather [hbm4b:s30+s29], $0x400, $0x38;
	[tilespmem:$0x14200] =	vst v63  }
0x7d: {  	s30 =	sadd.s32 s5, s28  }
0x7e: {  	[tilespmem:s17], [sflag:$0x6] =	stream.linear.gather [hbm4b:s30+s29], $0x400, $0x38;
	[tilespmem:$0x14200] =	vst v63  }
0x7f: {  	_ =	swait.ge [sflag:s18], $0x800  }
0x80: {  	[sflag:s18] =	ssyncset.done $0x0  }
0x81: {  	[sflag:s18] =	ssyncadd.s32 $0xFFFFF800  }
0x82: {  	_ =	swait.ge [sflag:s18], $0x800  }
0x83: {  	[sflag:s18] =	ssyncset.done $0x0  }
0x84: {  	[sflag:s18] =	ssyncadd.s32 $0xFFFFF800  }
0x85: {  	_ =	swait.ge [sflag:s18], $0x800  }
0x86: {  	[sflag:s18] =	ssyncset.done $0x0  }
0x87: {  	[sflag:s18] =	ssyncadd.s32 $0xFFFFF800  }
0x88: {  	_ =	swait.ge [sflag:s18], $0x800  }
0x89: {  	[sflag:s18] =	ssyncset.done $0x0  }
0x8a: {  	[sflag:s18] =	ssyncadd.s32 $0xFFFFF800  }
0x8b: {  	_ =	swait.ge [sflag:s18], $0x800  }
0x8c: {  	[sflag:s18] =	ssyncset.done $0x0  }
0x8d: {  	[sflag:s18] =	ssyncadd.s32 $0xFFFFF800  }
0x8e: {  	_ =	swait.ge [sflag:s18], $0x800  }
0x8f: {  	[sflag:s18] =	ssyncset.done $0x0  }
0x90: {  	[sflag:s18] =	ssyncadd.s32 $0xFFFFF800  }
0x91: {  	_ =	swait.ge [sflag:s18], $0x800  }
0x92: {  	[sflag:s18] =	ssyncset.done $0x0  }
0x93: {  	[sflag:s18] =	ssyncadd.s32 $0xFFFFF800  }
0x94: {  	_ =	swait.ge [sflag:s18], $0x800  }
0x95: {  	[sflag:s18] =	ssyncset.done $0x0  }
0x96: {  	[sflag:s18] =	ssyncadd.s32 $0xFFFFF800  }
0x97: {  	_ =	swait.ge [sflag:s18], $0x800  }
0x98: {  	[sflag:s18] =	ssyncset.done $0x0  }
0x99: {  	[sflag:s18] =	ssyncadd.s32 $0xFFFFF800  }
0x9a: {  	_ =	swait.ge [sflag:s18], $0x800  }
0x9b: {  	[sflag:s18] =	ssyncset.done $0x0  }
0x9c: {  	[sflag:s18] =	ssyncadd.s32 $0xFFFFF800  }
0x9d: {  	_ =	swait.ge [sflag:s18], $0x800  }
0x9e: {  	[sflag:s18] =	ssyncset.done $0x0  }
0x9f: {  	[sflag:s18] =	ssyncadd.s32 $0xFFFFF800  }
0xa0: {  	_ =	swait.ge [sflag:s18], $0x800  }
0xa1: {  	[sflag:s18] =	ssyncset.done $0x0  }
0xa2: {  	[sflag:s18] =	ssyncadd.s32 $0xFFFFF800  }
0xa3: {  	_ =	swait.ge [sflag:s18], $0x800  }
0xa4: {  	[sflag:s18] =	ssyncset.done $0x0  }
0xa5: {  	[sflag:s18] =	ssyncadd.s32 $0xFFFFF800  }
0xa6: {  	_ =	swait.ge [sflag:s18], $0x800  }
0xa7: {  	v3 =	vmov s29;
	[sflag:s18] =	ssyncset.done $0x0  }
0xa8: {  	v3 =	vshll.u32 v3, $0x4;
	[sflag:s18] =	ssyncadd.s32 $0xFFFFF800  }
0xa9: {  	v3 =	vor.u32 v2, v3;
	_ =	swait.ge [sflag:s18], $0x800  }
0xaa: {  	v4 =	vor.u32 $0x1, v3;
	[sflag:s18] =	ssyncset.done $0x0  }
0xab: {  	[sflag:s18] =	ssyncadd.s32 $0xFFFFF800  }
0xac: {  	_ =	swait.ge [sflag:s18], $0x800  }
0xad: {  	[sflag:s18] =	ssyncset.done $0x0  }
0xae: {  	v5 =	vor.u32 $0x2, v3;
	[sflag:s18] =	ssyncadd.s32 $0xFFFFF800  }
0xaf: {  	v6 =	vld.idx.msk [tilespmem:v4+s25+$0x0], $0xffff  }
0xb0: {  	v4 =	vld.idx.msk [tilespmem:v4+s24+$0x0], $0xffff  }
0xb1: {  	v7 =	vld.idx.msk [tilespmem:v3+s25+$0x0], $0xffff  }
0xb2: {  	v8 =	vld.idx.msk [tilespmem:v3+s24+$0x0], $0xffff  }
0xb3: {  	v9 =	vld.idx.msk [tilespmem:v5+s25+$0x0], $0xffff  }
0xb4: {  	v5 =	vld.idx.msk [tilespmem:v5+s24+$0x0], $0xffff;
	_ =	sdelay $0x2  }
0xb5: {  	v7 =	vsub.f32 v8, v7;
	v4 =	vsub.f32 v4, v6;
	_ =	sdelay $0x1  }
0xb6: {  	v5 =	vsub.f32 v5, v9;
	v6 =	vmul.f32 v7, v7;
	v4 =	vmul.f32 v4, v4;
	_ =	sdelay $0x1  }
0xb7: {  	v5 =	vmul.f32 v5, v5;
	v4 =	vadd.f32 v4, v6;
	_ =	sdelay $0x1  }
0xb8: {  	v4 =	vadd.f32 v5, v4;
	_ =	sdelay $0x1  }
0xb9: {  	v4 =	vadd.f32 $1.000000000e-15, v4;
	_ =	sdelay $0x1  }
0xba: {  	v5 =	vshra.s32 v4, $0x1;
	v6 =	vmul.f32 $5.000000000e-01, v4  }
0xbb: {  	v5 =	vsub.s32 $0x5F3759DF, v5  }
0xbc: {  	v7 =	vmul.f32 v5, v6;
	_ =	sdelay $0x1  }
0xbd: {  	v7 =	vmul.f32 v5, v7;
	_ =	sdelay $0x1  }
0xbe: {  	v7 =	vsub.f32 $1.500000000e+00, v7;
	_ =	sdelay $0x1  }
0xbf: {  	v5 =	vmul.f32 v5, v7;
	_ =	sdelay $0x1  }
0xc0: {  	v7 =	vmul.f32 v5, v6;
	_ =	sdelay $0x1  }
0xc1: {  	v7 =	vmul.f32 v7, v5;
	_ =	sdelay $0x1  }
0xc2: {  	v7 =	vsub.f32 $1.500000000e+00, v7;
	_ =	sdelay $0x1  }
0xc3: {  	v5 =	vmul.f32 v7, v5;
	_ =	sdelay $0x1  }
0xc4: {  	v6 =	vmul.f32 v5, v6;
	_ =	sdelay $0x1  }
0xc5: {  	v6 =	vmul.f32 v6, v5;
	_ =	sdelay $0x1  }
0xc6: {  	v6 =	vsub.f32 $1.500000000e+00, v6;
	_ =	sdelay $0x1  }
0xc7: {  	v5 =	vmul.f32 v6, v5;
	_ =	sdelay $0x1  }
0xc8: {  	v6 =	vmul.f32 v5, v4;
	_ =	sdelay $0x1  }
0xc9: {  	v6 =	vadd.f32 $-1.250000000e+00, v6;
	_ =	sdelay $0x1  }
0xca: {  	v6 =	vmul.f32 $4.000000060e-01, v6;
	_ =	sdelay $0x1  }
0xcb: {  	v7 =	vsub.f32 $1.000000000e+00, v6;
	_ =	sdelay $0x1  }
0xcc: {  	vm0 =	vgt.f32 v6, $0.0e+00;
	vm1 =	vgt.f32 v7, $0.0e+00;
	v8 =	vmul.f32 v7, v6  }
0xcd: {  	vm0 =	vmand vm0, vm1  }
0xce: {  	v8 =	vnsel vm0, $0x3F800000, v8  }
0xcf: {  	(erf) = vrcp.f32 v8;
	_ =	sdelay $0x7  }
0xd0: {  	v7 =	vsub.f32 v6, v7  }
0xd1: {  	v8 =	vpop (erf)  }
0xd2: {  	v7 =	vmul.f32 v8, v7;
	_ =	sdelay $0x1  }
0xd3: {  	vm2 =	vlt.f32 v7, $3.400000000e+01;
	v8 =	vmul.f32 $1.442695020e+00, v7  }
0xd4: {  	v4 =	vadd.f32 $2.800282840e-01, v4;
	vm2 =	vmand vm0, vm2  }
0xd5: {  	v57 =	vor.u32 $0x4, v3;
	v8 =	vnsel vm2, $0x0, v8  }
0xd6: {  	v10 =	vshra.s32 v4, $0x1;
	v4 =	vmul.f32 $5.000000000e-01, v4;
	(erf) = vpow2.f32 v8  }
0xd7: {  	v8 =	vsub.s32 $0x5F3759DF, v10  }
0xd8: {  	v10 =	vmul.f32 v8, v4;
	_ =	sdelay $0x1  }
0xd9: {  	v11 =	vld.idx.msk [tilespmem:v57+s25+$0x0], $0xffff;
	v10 =	vmul.f32 v8, v10  }
0xda: {  	v9 =	vld.idx.msk [tilespmem:v57+s24+$0x0], $0xffff  }
0xdb: {  	v10 =	vsub.f32 $1.500000000e+00, v10;
	_ =	sdelay $0x1  }
0xdc: {  	v8 =	vmul.f32 v8, v10  }
0xdd: {  	v3 =	vor.u32 $0x3, v3;
	v58 =	vtrunc.f32 v11;
	v59 =	vpop (erf)  }
0xde: {  	v9 =	vtrunc.f32 v9;
	v12 =	vmul.f32 v8, v4;
	v11 =	vadd.f32 $1.000000000e+00, v59  }
0xdf: {  	v9 =	vcvt.f32.s32 v9;
	v10 =	vcvt.f32.s32 v58  }
0xe0: {  	v12 =	vmul.f32 v12, v8;
	(erf) = vrcp.f32 v11;
	_ =	sdelay $0x1  }
0xe1: {  	v60 =	vsub.f32 $1.500000000e+00, v12  }
0xe2: {  	v61 =	vld.idx.msk [tilespmem:v3+s24+$0x0], $0xffff  }
0xe3: {  	v3 =	vld.idx.msk [tilespmem:v3+s25+$0x0], $0xffff;
	v8 =	vmul.f32 v60, v8  }
0xe4: {  	v62 =	vld.idx.msk [tilespmem:v9+s19+$0x0], $0xffff  }
0xe5: {  	v10 =	vld.idx.msk [tilespmem:v10+s19+$0x0], $0xffff;
	v4 =	vmul.f32 v8, v4;
	_ =	sdelay $0x1  }
0xe6: {  	vm15 =	vle.f32 v6, $0.0e+00;
	v4 =	vmul.f32 v4, v8  }
0xe7: {  	vm1 =	vmand vm15, vm1;
	vm3 =	vge.f32 v7, $3.400000000e+01;
	v6 =	vpop (erf)  }
0xe8: {  	v7 =	vsel vm1, $0x3F800000, v1;
	v4 =	vsub.f32 $1.500000000e+00, v4;
	v6 =	vsel vm3, $0x0, v6  }
0xe9: {  	s30 =	simm.s32 $0x10;
	v11 =	vadd.f32 v62, v61;
	v3 =	vadd.f32 v10, v3;
	v6 =	vsel vm0, v6, v7  }
0xea: {  	v7 =	vmov s30;
	v4 =	vmul.f32 v4, v8;
	v8 =	vsub.f32 $1.000000000e+00, v6  }
0xeb: {  	v10 =	vmul.f32 v3, v11;
	v7 =	vshll.u32 v7, $0x4  }
0xec: {  	v63 =	vmul.f32 v6, v4;
	v4 =	vshll.u32 v9, $0x4;
	v8 =	vmul.f32 v8, v5  }
0xed: {  	v3 =	vor.u32 v2, v7;
	v5 =	vor.u32 v0, v4  }
0xee: {  	s28 =	simm.s32 $0x20;
	v6 =	vmul.f32 $3.320636900e+02, v10;
	v4 =	vor.u32 $0x1, v3;
	v7 =	vadd.f32 v8, v63  }
.LBB2_5:
0xef: {  	p0 =	sne.s32 s28, $0x3F0  }
0xf0: {  	v6 =	vmul.f32 v7, v6;
	_ =	sdelay $0x1  }
0xf1: {  	v7 =	vor.u32 $0x2, v3;
	[tilespmem:v5+s13+$0x0] =	vst.idx.add.f32.msk $0xffff, v6  }
0xf2: {  	v5 =	vld.idx.msk [tilespmem:v4+s25+$0x0], $0xffff  }
0xf3: {  	v4 =	vld.idx.msk [tilespmem:v4+s24+$0x0], $0xffff  }
0xf4: {  	v6 =	vld.idx.msk [tilespmem:v3+s25+$0x0], $0xffff  }
0xf5: {  	v8 =	vld.idx.msk [tilespmem:v3+s24+$0x0], $0xffff  }
0xf6: {  	v9 =	vld.idx.msk [tilespmem:v7+s25+$0x0], $0xffff  }
0xf7: {  	v7 =	vld.idx.msk [tilespmem:v7+s24+$0x0], $0xffff;
	_ =	sdelay $0x3  }
0xf8: {  	v4 =	vsub.f32 v4, v5;
	v6 =	vsub.f32 v8, v6;
	_ =	sdelay $0x1  }
0xf9: {  	v4 =	vmul.f32 v4, v4;
	v5 =	vsub.f32 v7, v9;
	v6 =	vmul.f32 v6, v6;
	_ =	sdelay $0x1  }
0xfa: {  	v4 =	vadd.f32 v4, v6;
	v5 =	vmul.f32 v5, v5;
	_ =	sdelay $0x1  }
0xfb: {  	v4 =	vadd.f32 v5, v4;
	_ =	sdelay $0x1  }
0xfc: {  	v4 =	vadd.f32 $1.000000000e-15, v4;
	_ =	sdelay $0x1  }
0xfd: {  	v5 =	vshra.s32 v4, $0x1;
	v6 =	vmul.f32 $5.000000000e-01, v4  }
0xfe: {  	v5 =	vsub.s32 $0x5F3759DF, v5  }
0xff: {  	v7 =	vmul.f32 v5, v6;
	_ =	sdelay $0x1  }
0x100: {  	v7 =	vmul.f32 v5, v7;
	_ =	sdelay $0x1  }
0x101: {  	v7 =	vsub.f32 $1.500000000e+00, v7;
	_ =	sdelay $0x1  }
0x102: {  	v5 =	vmul.f32 v5, v7;
	_ =	sdelay $0x1  }
0x103: {  	v7 =	vmul.f32 v5, v6;
	_ =	sdelay $0x1  }
0x104: {  	v7 =	vmul.f32 v7, v5;
	_ =	sdelay $0x1  }
0x105: {  	v7 =	vsub.f32 $1.500000000e+00, v7;
	_ =	sdelay $0x1  }
0x106: {  	v5 =	vmul.f32 v7, v5;
	_ =	sdelay $0x1  }
0x107: {  	v6 =	vmul.f32 v5, v6;
	_ =	sdelay $0x1  }
0x108: {  	v6 =	vmul.f32 v6, v5;
	_ =	sdelay $0x1  }
0x109: {  	v6 =	vsub.f32 $1.500000000e+00, v6;
	_ =	sdelay $0x1  }
0x10a: {  	v5 =	vmul.f32 v6, v5;
	_ =	sdelay $0x1  }
0x10b: {  	v6 =	vmul.f32 v5, v4;
	_ =	sdelay $0x1  }
0x10c: {  	v6 =	vadd.f32 $-1.250000000e+00, v6;
	_ =	sdelay $0x1  }
0x10d: {  	v6 =	vmul.f32 $4.000000060e-01, v6;
	_ =	sdelay $0x1  }
0x10e: {  	v7 =	vsub.f32 $1.000000000e+00, v6;
	_ =	sdelay $0x1  }
0x10f: {  	vm0 =	vgt.f32 v6, $0.0e+00;
	vm1 =	vgt.f32 v7, $0.0e+00;
	v8 =	vmul.f32 v7, v6  }
0x110: {  	vm0 =	vmand vm0, vm1  }
0x111: {  	v8 =	vnsel vm0, $0x3F800000, v8  }
0x112: {  	(erf) = vrcp.f32 v8;
	_ =	sdelay $0x7  }
0x113: {  	v7 =	vsub.f32 v6, v7  }
0x114: {  	v8 =	vpop (erf)  }
0x115: {  	v7 =	vmul.f32 v8, v7;
	_ =	sdelay $0x1  }
0x116: {  	v8 =	vor.u32 $0x4, v3;
	vm2 =	vlt.f32 v7, $3.400000000e+01;
	v9 =	vmul.f32 $1.442695020e+00, v7  }
0x117: {  	v4 =	vadd.f32 $2.800282840e-01, v4;
	vm2 =	vmand vm0, vm2  }
0x118: {  	v9 =	vnsel vm2, $0x0, v9  }
0x119: {  	v10 =	vshra.s32 v4, $0x1;
	v4 =	vmul.f32 $5.000000000e-01, v4;
	(erf) = vpow2.f32 v9  }
0x11a: {  	v9 =	vsub.s32 $0x5F3759DF, v10  }
0x11b: {  	v11 =	vmul.f32 v9, v4;
	v10 =	vld.idx.msk [tilespmem:v8+s25+$0x0], $0xffff;
	_ =	sdelay $0x1  }
0x11c: {  	v11 =	vmul.f32 v9, v11;
	v8 =	vld.idx.msk [tilespmem:v8+s24+$0x0], $0xffff;
	_ =	sdelay $0x1  }
0x11d: {  	v12 =	vsub.f32 $1.500000000e+00, v11;
	_ =	sdelay $0x1  }
0x11e: {  	v10 =	vtrunc.f32 v10;
	v9 =	vmul.f32 v9, v12  }
0x11f: {  	v3 =	vor.u32 $0x3, v3;
	v10 =	vcvt.f32.s32 v10;
	v11 =	vpop (erf)  }
0x120: {  	v8 =	vtrunc.f32 v8;
	v12 =	vmul.f32 v9, v4;
	v11 =	vadd.f32 $1.000000000e+00, v11  }
0x121: {  	v8 =	vcvt.f32.s32 v8  }
0x122: {  	v12 =	vmul.f32 v12, v9;
	(erf) = vrcp.f32 v11;
	_ =	sdelay $0x1  }
0x123: {  	v12 =	vsub.f32 $1.500000000e+00, v12;
	v11 =	vld.idx.msk [tilespmem:v3+s24+$0x0], $0xffff  }
0x124: {  	v3 =	vld.idx.msk [tilespmem:v3+s25+$0x0], $0xffff  }
0x125: {  	v9 =	vmul.f32 v12, v9;
	v10 =	vld.idx.msk [tilespmem:v10+s19+$0x0], $0xffff  }
0x126: {  	v12 =	vld.idx.msk [tilespmem:v8+s19+$0x0], $0xffff  }
0x127: {  	v4 =	vmul.f32 v9, v4;
	_ =	sdelay $0x1  }
0x128: {  	vm2 =	vle.f32 v6, $0.0e+00;
	v4 =	vmul.f32 v4, v9  }
0x129: {  	vm3 =	vge.f32 v7, $3.400000000e+01;
	vm1 =	vmand vm2, vm1;
	v6 =	vpop (erf)  }
0x12a: {  	v7 =	vsel vm1, $0x3F800000, v1;
	v4 =	vsub.f32 $1.500000000e+00, v4;
	v6 =	vsel vm3, $0x0, v6  }
0x12b: {  	v3 =	vadd.f32 v10, v3;
	v11 =	vadd.f32 v12, v11;
	v6 =	vsel vm0, v6, v7  }
.Ltmp1:
0x12c: {  	v7 =	vmov s28;
	v4 =	vmul.f32 v4, v9;
	v9 =	vsub.f32 $1.000000000e+00, v6;
	(pc) =	sbr.rel @p0 .LBB2_5-.Ltmp1, $4  }
0x12d: {  	v7 =	vshll.u32 v7, $0x4;
	v10 =	vmul.f32 v3, v11  }
0x12e: {  	v11 =	vmul.f32 v6, v4;
	v4 =	vshll.u32 v8, $0x4;
	v9 =	vmul.f32 v9, v5  }
0x12f: {  	v3 =	vor.u32 v2, v7;
	v5 =	vor.u32 v0, v4  }
0x130: {  	s28 =	sadd.s32 $0x10, s28;
	v4 =	vor.u32 $0x1, v3;
	v6 =	vmul.f32 $3.320636900e+02, v10;
	v7 =	vadd.f32 v9, v11  }
0x131: {  	_ =	sdelay $0x1  }
0x132: {  	v6 =	vmul.f32 v7, v6;
	_ =	sdelay $0x1  }
0x133: {  	v7 =	vor.u32 $0x2, v3;
	[tilespmem:v5+s13+$0x0] =	vst.idx.add.f32.msk $0xffff, v6  }
0x134: {  	v5 =	vld.idx.msk [tilespmem:v4+s25+$0x0], $0xffff  }
0x135: {  	v4 =	vld.idx.msk [tilespmem:v4+s24+$0x0], $0xffff  }
0x136: {  	v6 =	vld.idx.msk [tilespmem:v3+s25+$0x0], $0xffff  }
0x137: {  	v8 =	vld.idx.msk [tilespmem:v3+s24+$0x0], $0xffff  }
0x138: {  	v9 =	vld.idx.msk [tilespmem:v7+s25+$0x0], $0xffff  }
0x139: {  	v7 =	vld.idx.msk [tilespmem:v7+s24+$0x0], $0xffff;
	_ =	sdelay $0x2  }
0x13a: {  	v6 =	vsub.f32 v8, v6;
	v4 =	vsub.f32 v4, v5;
	_ =	sdelay $0x1  }
0x13b: {  	v5 =	vsub.f32 v7, v9;
	v6 =	vmul.f32 v6, v6;
	v4 =	vmul.f32 v4, v4;
	_ =	sdelay $0x1  }
0x13c: {  	v4 =	vadd.f32 v4, v6;
	v5 =	vmul.f32 v5, v5;
	_ =	sdelay $0x1  }
0x13d: {  	v4 =	vadd.f32 v5, v4;
	_ =	sdelay $0x1  }
0x13e: {  	v4 =	vadd.f32 $1.000000000e-15, v4;
	_ =	sdelay $0x1  }
0x13f: {  	v5 =	vshra.s32 v4, $0x1;
	v6 =	vmul.f32 $5.000000000e-01, v4  }
0x140: {  	v5 =	vsub.s32 $0x5F3759DF, v5  }
0x141: {  	v7 =	vmul.f32 v5, v6;
	_ =	sdelay $0x1  }
0x142: {  	v7 =	vmul.f32 v5, v7;
	_ =	sdelay $0x1  }
0x143: {  	v7 =	vsub.f32 $1.500000000e+00, v7;
	_ =	sdelay $0x1  }
0x144: {  	v5 =	vmul.f32 v5, v7;
	_ =	sdelay $0x1  }
0x145: {  	v7 =	vmul.f32 v5, v6;
	_ =	sdelay $0x1  }
0x146: {  	v7 =	vmul.f32 v7, v5;
	_ =	sdelay $0x1  }
0x147: {  	v7 =	vsub.f32 $1.500000000e+00, v7;
	_ =	sdelay $0x1  }
0x148: {  	v5 =	vmul.f32 v7, v5;
	_ =	sdelay $0x1  }
0x149: {  	v6 =	vmul.f32 v5, v6;
	_ =	sdelay $0x1  }
0x14a: {  	v6 =	vmul.f32 v6, v5;
	_ =	sdelay $0x1  }
0x14b: {  	v6 =	vsub.f32 $1.500000000e+00, v6;
	_ =	sdelay $0x1  }
0x14c: {  	v5 =	vmul.f32 v6, v5;
	_ =	sdelay $0x1  }
0x14d: {  	v6 =	vmul.f32 v5, v4;
	_ =	sdelay $0x1  }
0x14e: {  	v6 =	vadd.f32 $-1.250000000e+00, v6;
	_ =	sdelay $0x1  }
0x14f: {  	v6 =	vmul.f32 $4.000000060e-01, v6;
	_ =	sdelay $0x1  }
0x150: {  	v7 =	vsub.f32 $1.000000000e+00, v6;
	_ =	sdelay $0x1  }
0x151: {  	vm0 =	vgt.f32 v6, $0.0e+00;
	vm1 =	vgt.f32 v7, $0.0e+00;
	v8 =	vmul.f32 v7, v6  }
0x152: {  	vm0 =	vmand vm0, vm1  }
0x153: {  	v8 =	vnsel vm0, $0x3F800000, v8  }
0x154: {  	(erf) = vrcp.f32 v8;
	_ =	sdelay $0x7  }
0x155: {  	v7 =	vsub.f32 v6, v7  }
0x156: {  	v8 =	vpop (erf)  }
0x157: {  	v7 =	vmul.f32 v8, v7;
	_ =	sdelay $0x1  }
0x158: {  	vm2 =	vlt.f32 v7, $3.400000000e+01;
	v8 =	vmul.f32 $1.442695020e+00, v7  }
0x159: {  	v4 =	vadd.f32 $2.800282840e-01, v4;
	vm2 =	vmand vm0, vm2  }
0x15a: {  	v47 =	vor.u32 $0x4, v3;
	v8 =	vnsel vm2, $0x0, v8  }
0x15b: {  	v10 =	vshra.s32 v4, $0x1;
	v4 =	vmul.f32 $5.000000000e-01, v4;
	(erf) = vpow2.f32 v8  }
0x15c: {  	v8 =	vsub.s32 $0x5F3759DF, v10  }
0x15d: {  	v10 =	vmul.f32 v8, v4;
	_ =	sdelay $0x1  }
0x15e: {  	v11 =	vld.idx.msk [tilespmem:v47+s25+$0x0], $0xffff;
	v10 =	vmul.f32 v8, v10  }
0x15f: {  	v9 =	vld.idx.msk [tilespmem:v47+s24+$0x0], $0xffff  }
0x160: {  	v10 =	vsub.f32 $1.500000000e+00, v10;
	_ =	sdelay $0x1  }
0x161: {  	v8 =	vmul.f32 v8, v10  }
0x162: {  	v3 =	vor.u32 $0x3, v3;
	v48 =	vtrunc.f32 v11;
	v49 =	vpop (erf)  }
0x163: {  	v9 =	vtrunc.f32 v9;
	v12 =	vmul.f32 v8, v4;
	v11 =	vadd.f32 $1.000000000e+00, v49  }
0x164: {  	v9 =	vcvt.f32.s32 v9;
	v10 =	vcvt.f32.s32 v48  }
0x165: {  	v12 =	vmul.f32 v12, v8;
	(erf) = vrcp.f32 v11;
	_ =	sdelay $0x1  }
0x166: {  	v50 =	vsub.f32 $1.500000000e+00, v12  }
0x167: {  	v51 =	vld.idx.msk [tilespmem:v3+s24+$0x0], $0xffff  }
0x168: {  	v3 =	vld.idx.msk [tilespmem:v3+s25+$0x0], $0xffff;
	v8 =	vmul.f32 v50, v8  }
0x169: {  	v52 =	vld.idx.msk [tilespmem:v9+s19+$0x0], $0xffff  }
0x16a: {  	v10 =	vld.idx.msk [tilespmem:v10+s19+$0x0], $0xffff;
	v4 =	vmul.f32 v8, v4;
	_ =	sdelay $0x1  }
0x16b: {  	vm10 =	vle.f32 v6, $0.0e+00;
	v4 =	vmul.f32 v4, v8  }
0x16c: {  	vm1 =	vmand vm10, vm1;
	vm3 =	vge.f32 v7, $3.400000000e+01;
	v6 =	vpop (erf)  }
0x16d: {  	v7 =	vsel vm1, $0x3F800000, v1;
	v4 =	vsub.f32 $1.500000000e+00, v4;
	v6 =	vsel vm3, $0x0, v6  }
0x16e: {  	v11 =	vadd.f32 v52, v51;
	v3 =	vadd.f32 v10, v3;
	v6 =	vsel vm0, v6, v7  }
0x16f: {  	v4 =	vmul.f32 v4, v8;
	v7 =	vsub.f32 $1.000000000e+00, v6  }
0x170: {  	v3 =	vmul.f32 v3, v11  }
0x171: {  	v4 =	vmul.f32 v6, v4;
	v6 =	vshll.u32 v9, $0x4;
	v5 =	vmul.f32 v7, v5  }
0x172: {  	v6 =	vor.u32 v0, v6  }
0x173: {  	v3 =	vmul.f32 $3.320636900e+02, v3;
	v4 =	vadd.f32 v5, v4;
	_ =	sdelay $0x1  }
0x174: {  	v3 =	vmul.f32 v4, v3;
	_ =	sdelay $0x1  }
0x175: {  	[tilespmem:v6+s13+$0x0] =	vst.idx.add.f32.msk $0xffff, v3  }
0x176: {  	_ =	swait.ge [sflag:s14], $0x400  }
0x177: {  	[sflag:s14] =	ssyncset.done $0x0  }
0x178: {  	[sflag:s14] =	ssyncadd.s32 $0xFFFFFC00  }
0x179: {  	_ =	swait.ge [sflag:s14], $0x400  }
0x17a: {  	[sflag:s14] =	ssyncset.done $0x0  }
0x17b: {  	s0 =	simm.s32 $0x1000;
	[sflag:s14] =	ssyncadd.s32 $0xFFFFFC00  }
0x17c: {  	[tilespmem:s24], [sflag:$0x1] =	stream.indirect.gather [hbm4b:s6+s23], $0x10, s0, s23, $0xb8;
	[tilespmem:$0x14200] =	vst v63  }
0x17d: {  	s30 =	simm.s32 $0x1400  }
0x17e: {  	[tilespmem:s25], [sflag:$0x1] =	stream.indirect.gather [hbm4b:s6+s23], $0x10, s30, s23, $0xb8;
	[tilespmem:$0x14200] =	vst v63  }
0x17f: {  	s28 =	simm.s32 $0x1080;
	s30 =	simm.s32 $0x2800  }
0x180: {  	[tilespmem:s30], [sflag:$0x1] =	stream.indirect.gather [hbm4b:s6+s23], $0x10, s28, s23, $0xb8;
	[tilespmem:$0x14200] =	vst v63  }
0x181: {  	s30 =	simm.s32 $0x6800;
	s28 =	simm.s32 $0x1480  }
0x182: {  	[tilespmem:s30], [sflag:$0x1] =	stream.indirect.gather [hbm4b:s6+s23], $0x10, s28, s23, $0xb8;
	[tilespmem:$0x14200] =	vst v63  }
0x183: {  	s30 =	simm.s32 $0x3000;
	s28 =	simm.s32 $0x1100  }
0x184: {  	[tilespmem:s30], [sflag:$0x1] =	stream.indirect.gather [hbm4b:s6+s23], $0x10, s28, s23, $0xb8;
	[tilespmem:$0x14200] =	vst v63  }
0x185: {  	s30 =	simm.s32 $0x7000;
	s28 =	simm.s32 $0x1500  }
0x186: {  	[tilespmem:s30], [sflag:$0x1] =	stream.indirect.gather [hbm4b:s6+s23], $0x10, s28, s23, $0xb8;
	[tilespmem:$0x14200] =	vst v63  }
0x187: {  	s30 =	simm.s32 $0x3800;
	s28 =	simm.s32 $0x1180  }
0x188: {  	[tilespmem:s30], [sflag:$0x1] =	stream.indirect.gather [hbm4b:s6+s23], $0x10, s28, s23, $0xb8;
	[tilespmem:$0x14200] =	vst v63  }
0x189: {  	s30 =	simm.s32 $0x7800;
	s28 =	simm.s32 $0x1580  }
0x18a: {  	[tilespmem:s30], [sflag:$0x1] =	stream.indirect.gather [hbm4b:s6+s23], $0x10, s28, s23, $0xb8;
	[tilespmem:$0x14200] =	vst v63  }
0x18b: {  	s30 =	simm.s32 $0x4000;
	s28 =	simm.s32 $0x1200  }
0x18c: {  	[tilespmem:s30], [sflag:$0x1] =	stream.indirect.gather [hbm4b:s6+s23], $0x10, s28, s23, $0xb8;
	[tilespmem:$0x14200] =	vst v63  }
0x18d: {  	s30 =	simm.s32 $0x8000;
	s28 =	simm.s32 $0x1600  }
0x18e: {  	[tilespmem:s30], [sflag:$0x1] =	stream.indirect.gather [hbm4b:s6+s23], $0x10, s28, s23, $0xb8;
	[tilespmem:$0x14200] =	vst v63  }
0x18f: {  	s30 =	simm.s32 $0x4800;
	s28 =	simm.s32 $0x1280  }
0x190: {  	[tilespmem:s30], [sflag:$0x1] =	stream.indirect.gather [hbm4b:s6+s23], $0x10, s28, s23, $0xb8;
	[tilespmem:$0x14200] =	vst v63  }
0x191: {  	s30 =	simm.s32 $0x8800;
	s28 =	simm.s32 $0x1680  }
0x192: {  	[tilespmem:s30], [sflag:$0x1] =	stream.indirect.gather [hbm4b:s6+s23], $0x10, s28, s23, $0xb8;
	[tilespmem:$0x14200] =	vst v63  }
0x193: {  	p0 =	seq.s32 s31, $0x18;
	s30 =	simm.s32 $0x5000;
	s28 =	simm.s32 $0x1300  }
0x194: {  	[tilespmem:s30], [sflag:$0x1] =	stream.indirect.gather [hbm4b:s6+s23], $0x10, s28, s23, $0xb8;
	[tilespmem:$0x14200] =	vst v63  }
0x195: {  	s0 =	rddreg [dreg:$0xa];
	s30 =	simm.s32 $0x9000;
	s28 =	simm.s32 $0x1700  }
0x196: {  	[tilespmem:s30], [sflag:$0x1] =	stream.indirect.gather [hbm4b:s6+s23], $0x10, s28, s23, $0xb8;
	[tilespmem:$0x14200] =	vst v63  }
0x197: {  	s0 =	sadd.s32 @!p0 s1, s0;
	s30 =	simm.s32 $0x5800;
	s28 =	simm.s32 $0x1380  }
0x198: {  	[tilespmem:s30], [sflag:$0x1] =	stream.indirect.gather [hbm4b:s6+s23], $0x10, s28, s23, $0xb8;
	[tilespmem:$0x14200] =	vst v63  }
0x199: {  	s0 =	sshrl.u32 @!p0 s0, $0x3;
	s30 =	simm.s32 $0x9800;
	s28 =	simm.s32 $0x1780  }
0x19a: {  	[tilespmem:s30], [sflag:$0x1] =	stream.indirect.gather [hbm4b:s6+s23], $0x10, s28, s23, $0xb8;
	[tilespmem:$0x14200] =	vst v63  }
0x19b: {  	s28 =	sadd.s32 @!p0 s4, s0;
	s30 =	simm.s32 @!p0 $0x0  }
0x19c: {  	[tilespmem:s30], [sflag:$0x3] =	stream.linear.gather @!p0 [hbm4b:s28+s30], $0x400, $0x38;
	[tilespmem:$0x14200] =	vst v63  }
0x19d: {  	s0 =	sadd.s32 @!p0 s5, s0;
	s28 =	simm.s32 @!p0 $0x400  }
0x19e: {  	[tilespmem:s28], [sflag:$0x3] =	stream.linear.gather @!p0 [hbm4b:s0+s30], $0x400, $0x38;
	[tilespmem:$0x14200] =	vst v63  }
0x19f: {  	_ =	swait.ge [sflag:s15], $0x800  }
0x1a0: {  	[sflag:s15] =	ssyncset.done $0x0  }
0x1a1: {  	[sflag:s15] =	ssyncadd.s32 $0xFFFFF800  }
0x1a2: {  	_ =	swait.ge [sflag:s15], $0x800  }
0x1a3: {  	[sflag:s15] =	ssyncset.done $0x0  }
0x1a4: {  	[sflag:s15] =	ssyncadd.s32 $0xFFFFF800  }
0x1a5: {  	_ =	swait.ge [sflag:s15], $0x800  }
0x1a6: {  	[sflag:s15] =	ssyncset.done $0x0  }
0x1a7: {  	[sflag:s15] =	ssyncadd.s32 $0xFFFFF800  }
0x1a8: {  	_ =	swait.ge [sflag:s15], $0x800  }
0x1a9: {  	[sflag:s15] =	ssyncset.done $0x0  }
0x1aa: {  	[sflag:s15] =	ssyncadd.s32 $0xFFFFF800  }
0x1ab: {  	_ =	swait.ge [sflag:s15], $0x800  }
0x1ac: {  	[sflag:s15] =	ssyncset.done $0x0  }
0x1ad: {  	[sflag:s15] =	ssyncadd.s32 $0xFFFFF800  }
0x1ae: {  	_ =	swait.ge [sflag:s15], $0x800  }
0x1af: {  	[sflag:s15] =	ssyncset.done $0x0  }
0x1b0: {  	[sflag:s15] =	ssyncadd.s32 $0xFFFFF800  }
0x1b1: {  	_ =	swait.ge [sflag:s15], $0x800  }
0x1b2: {  	[sflag:s15] =	ssyncset.done $0x0  }
0x1b3: {  	[sflag:s15] =	ssyncadd.s32 $0xFFFFF800  }
0x1b4: {  	_ =	swait.ge [sflag:s15], $0x800  }
0x1b5: {  	[sflag:s15] =	ssyncset.done $0x0  }
0x1b6: {  	[sflag:s15] =	ssyncadd.s32 $0xFFFFF800  }
0x1b7: {  	_ =	swait.ge [sflag:s15], $0x800  }
0x1b8: {  	[sflag:s15] =	ssyncset.done $0x0  }
0x1b9: {  	[sflag:s15] =	ssyncadd.s32 $0xFFFFF800  }
0x1ba: {  	_ =	swait.ge [sflag:s15], $0x800  }
0x1bb: {  	[sflag:s15] =	ssyncset.done $0x0  }
0x1bc: {  	[sflag:s15] =	ssyncadd.s32 $0xFFFFF800  }
0x1bd: {  	_ =	swait.ge [sflag:s15], $0x800  }
0x1be: {  	[sflag:s15] =	ssyncset.done $0x0  }
0x1bf: {  	[sflag:s15] =	ssyncadd.s32 $0xFFFFF800  }
0x1c0: {  	_ =	swait.ge [sflag:s15], $0x800  }
0x1c1: {  	[sflag:s15] =	ssyncset.done $0x0  }
0x1c2: {  	[sflag:s15] =	ssyncadd.s32 $0xFFFFF800  }
0x1c3: {  	_ =	swait.ge [sflag:s15], $0x800  }
0x1c4: {  	[sflag:s15] =	ssyncset.done $0x0  }
0x1c5: {  	[sflag:s15] =	ssyncadd.s32 $0xFFFFF800  }
0x1c6: {  	s30 =	simm.s32 $0x0;
	_ =	swait.ge [sflag:s15], $0x800  }
0x1c7: {  	v3 =	vmov s30;
	[sflag:s15] =	ssyncset.done $0x0  }
0x1c8: {  	v3 =	vshll.u32 v3, $0x4;
	[sflag:s15] =	ssyncadd.s32 $0xFFFFF800  }
0x1c9: {  	v3 =	vor.u32 v2, v3;
	_ =	swait.ge [sflag:s15], $0x800  }
0x1ca: {  	v4 =	vor.u32 $0x1, v3;
	[sflag:s15] =	ssyncset.done $0x0  }
0x1cb: {  	[sflag:s15] =	ssyncadd.s32 $0xFFFFF800  }
0x1cc: {  	_ =	swait.ge [sflag:s15], $0x800  }
0x1cd: {  	[sflag:s15] =	ssyncset.done $0x0  }
0x1ce: {  	v5 =	vor.u32 $0x2, v3;
	[sflag:s15] =	ssyncadd.s32 $0xFFFFF800  }
0x1cf: {  	v6 =	vld.idx.msk [tilespmem:v4+s26+$0x0], $0xffff  }
0x1d0: {  	v4 =	vld.idx.msk [tilespmem:v4+s22+$0x0], $0xffff  }
0x1d1: {  	v7 =	vld.idx.msk [tilespmem:v3+s26+$0x0], $0xffff  }
0x1d2: {  	v8 =	vld.idx.msk [tilespmem:v3+s22+$0x0], $0xffff  }
0x1d3: {  	v53 =	vld.idx.msk [tilespmem:v5+s26+$0x0], $0xffff  }
0x1d4: {  	v5 =	vld.idx.msk [tilespmem:v5+s22+$0x0], $0xffff;
	_ =	sdelay $0x2  }
0x1d5: {  	v7 =	vsub.f32 v8, v7;
	v4 =	vsub.f32 v4, v6;
	_ =	sdelay $0x1  }
0x1d6: {  	v5 =	vsub.f32 v5, v53;
	v6 =	vmul.f32 v7, v7;
	v4 =	vmul.f32 v4, v4;
	_ =	sdelay $0x1  }
0x1d7: {  	v5 =	vmul.f32 v5, v5;
	v4 =	vadd.f32 v4, v6;
	_ =	sdelay $0x1  }
0x1d8: {  	v4 =	vadd.f32 v5, v4;
	_ =	sdelay $0x1  }
0x1d9: {  	v4 =	vadd.f32 $1.000000000e-15, v4;
	_ =	sdelay $0x1  }
0x1da: {  	v5 =	vshra.s32 v4, $0x1;
	v6 =	vmul.f32 $5.000000000e-01, v4  }
0x1db: {  	v5 =	vsub.s32 $0x5F3759DF, v5  }
0x1dc: {  	v7 =	vmul.f32 v5, v6;
	_ =	sdelay $0x1  }
0x1dd: {  	v7 =	vmul.f32 v5, v7;
	_ =	sdelay $0x1  }
0x1de: {  	v7 =	vsub.f32 $1.500000000e+00, v7;
	_ =	sdelay $0x1  }
0x1df: {  	v5 =	vmul.f32 v5, v7;
	_ =	sdelay $0x1  }
0x1e0: {  	v7 =	vmul.f32 v5, v6;
	_ =	sdelay $0x1  }
0x1e1: {  	v7 =	vmul.f32 v7, v5;
	_ =	sdelay $0x1  }
0x1e2: {  	v7 =	vsub.f32 $1.500000000e+00, v7;
	_ =	sdelay $0x1  }
0x1e3: {  	v5 =	vmul.f32 v7, v5;
	_ =	sdelay $0x1  }
0x1e4: {  	v6 =	vmul.f32 v5, v6;
	_ =	sdelay $0x1  }
0x1e5: {  	v6 =	vmul.f32 v6, v5;
	_ =	sdelay $0x1  }
0x1e6: {  	v6 =	vsub.f32 $1.500000000e+00, v6;
	_ =	sdelay $0x1  }
0x1e7: {  	v5 =	vmul.f32 v6, v5;
	_ =	sdelay $0x1  }
0x1e8: {  	v6 =	vmul.f32 v5, v4;
	_ =	sdelay $0x1  }
0x1e9: {  	v6 =	vadd.f32 $-1.250000000e+00, v6;
	_ =	sdelay $0x1  }
0x1ea: {  	v6 =	vmul.f32 $4.000000060e-01, v6;
	_ =	sdelay $0x1  }
0x1eb: {  	v7 =	vsub.f32 $1.000000000e+00, v6;
	_ =	sdelay $0x1  }
0x1ec: {  	vm11 =	vgt.f32 v6, $0.0e+00;
	vm12 =	vgt.f32 v7, $0.0e+00;
	v8 =	vmul.f32 v7, v6  }
0x1ed: {  	vm0 =	vmand vm11, vm12  }
0x1ee: {  	v8 =	vnsel vm0, $0x3F800000, v8  }
0x1ef: {  	(erf) = vrcp.f32 v8;
	_ =	sdelay $0x7  }
0x1f0: {  	v7 =	vsub.f32 v6, v7  }
0x1f1: {  	v8 =	vpop (erf)  }
0x1f2: {  	v7 =	vmul.f32 v8, v7;
	_ =	sdelay $0x1  }
0x1f3: {  	vm13 =	vlt.f32 v7, $3.400000000e+01;
	v8 =	vmul.f32 $1.442695020e+00, v7  }
0x1f4: {  	v4 =	vadd.f32 $2.800282840e-01, v4;
	vm2 =	vmand vm0, vm13  }
0x1f5: {  	v54 =	vor.u32 $0x4, v3;
	v8 =	vnsel vm2, $0x0, v8  }
0x1f6: {  	v55 =	vshra.s32 v4, $0x1;
	v4 =	vmul.f32 $5.000000000e-01, v4;
	(erf) = vpow2.f32 v8  }
0x1f7: {  	v8 =	vsub.s32 $0x5F3759DF, v55  }
0x1f8: {  	v10 =	vmul.f32 v8, v4;
	_ =	sdelay $0x1  }
0x1f9: {  	v56 =	vld.idx.msk [tilespmem:v54+s26+$0x0], $0xffff;
	v10 =	vmul.f32 v8, v10  }
0x1fa: {  	v9 =	vld.idx.msk [tilespmem:v54+s22+$0x0], $0xffff  }
0x1fb: {  	v10 =	vsub.f32 $1.500000000e+00, v10;
	_ =	sdelay $0x1  }
0x1fc: {  	v8 =	vmul.f32 v8, v10  }
0x1fd: {  	v3 =	vor.u32 $0x3, v3;
	v57 =	vtrunc.f32 v56;
	v58 =	vpop (erf)  }
0x1fe: {  	v9 =	vtrunc.f32 v9;
	v59 =	vmul.f32 v8, v4;
	v11 =	vadd.f32 $1.000000000e+00, v58  }
0x1ff: {  	v9 =	vcvt.f32.s32 v9;
	v10 =	vcvt.f32.s32 v57  }
0x200: {  	v12 =	vmul.f32 v59, v8;
	(erf) = vrcp.f32 v11;
	_ =	sdelay $0x1  }
0x201: {  	v60 =	vsub.f32 $1.500000000e+00, v12  }
0x202: {  	v61 =	vld.idx.msk [tilespmem:v3+s22+$0x0], $0xffff  }
0x203: {  	v3 =	vld.idx.msk [tilespmem:v3+s26+$0x0], $0xffff;
	v8 =	vmul.f32 v60, v8  }
0x204: {  	v62 =	vld.idx.msk [tilespmem:v9+s19+$0x0], $0xffff  }
0x205: {  	v10 =	vld.idx.msk [tilespmem:v10+s19+$0x0], $0xffff;
	v4 =	vmul.f32 v8, v4;
	_ =	sdelay $0x1  }
0x206: {  	vm14 =	vle.f32 v6, $0.0e+00;
	v4 =	vmul.f32 v4, v8  }
0x207: {  	vm1 =	vmand vm14, vm12;
	vm15 =	vge.f32 v7, $3.400000000e+01;
	v6 =	vpop (erf)  }
0x208: {  	v7 =	vsel vm1, $0x3F800000, v1;
	v4 =	vsub.f32 $1.500000000e+00, v4;
	v6 =	vsel vm15, $0x0, v6  }
0x209: {  	s30 =	simm.s32 $0x10;
	v11 =	vadd.f32 v62, v61;
	v3 =	vadd.f32 v10, v3;
	v6 =	vsel vm0, v6, v7  }
0x20a: {  	v7 =	vmov s30;
	v4 =	vmul.f32 v4, v8;
	v8 =	vsub.f32 $1.000000000e+00, v6  }
0x20b: {  	v10 =	vmul.f32 v3, v11;
	v7 =	vshll.u32 v7, $0x4  }
0x20c: {  	v63 =	vmul.f32 v6, v4;
	v4 =	vshll.u32 v9, $0x4;
	v8 =	vmul.f32 v8, v5  }
0x20d: {  	v3 =	vor.u32 v2, v7;
	v5 =	vor.u32 v0, v4  }
0x20e: {  	s28 =	simm.s32 $0x20;
	v6 =	vmul.f32 $3.320636900e+02, v10;
	v4 =	vor.u32 $0x1, v3;
	v7 =	vadd.f32 v8, v63  }
.LBB2_7:
0x20f: {  	p1 =	sne.s32 s28, $0x3F0  }
0x210: {  	v6 =	vmul.f32 v7, v6;
	_ =	sdelay $0x1  }
0x211: {  	v7 =	vor.u32 $0x2, v3;
	[tilespmem:v5+s13+$0x0] =	vst.idx.add.f32.msk $0xffff, v6  }
0x212: {  	v5 =	vld.idx.msk [tilespmem:v4+s26+$0x0], $0xffff  }
0x213: {  	v4 =	vld.idx.msk [tilespmem:v4+s22+$0x0], $0xffff  }
0x214: {  	v6 =	vld.idx.msk [tilespmem:v3+s26+$0x0], $0xffff  }
0x215: {  	v8 =	vld.idx.msk [tilespmem:v3+s22+$0x0], $0xffff  }
0x216: {  	v9 =	vld.idx.msk [tilespmem:v7+s26+$0x0], $0xffff  }
0x217: {  	v7 =	vld.idx.msk [tilespmem:v7+s22+$0x0], $0xffff;
	_ =	sdelay $0x3  }
0x218: {  	v4 =	vsub.f32 v4, v5;
	v6 =	vsub.f32 v8, v6;
	_ =	sdelay $0x1  }
0x219: {  	v4 =	vmul.f32 v4, v4;
	v5 =	vsub.f32 v7, v9;
	v6 =	vmul.f32 v6, v6;
	_ =	sdelay $0x1  }
0x21a: {  	v4 =	vadd.f32 v4, v6;
	v5 =	vmul.f32 v5, v5;
	_ =	sdelay $0x1  }
0x21b: {  	v4 =	vadd.f32 v5, v4;
	_ =	sdelay $0x1  }
0x21c: {  	v4 =	vadd.f32 $1.000000000e-15, v4;
	_ =	sdelay $0x1  }
0x21d: {  	v5 =	vshra.s32 v4, $0x1;
	v6 =	vmul.f32 $5.000000000e-01, v4  }
0x21e: {  	v5 =	vsub.s32 $0x5F3759DF, v5  }
0x21f: {  	v7 =	vmul.f32 v5, v6;
	_ =	sdelay $0x1  }
0x220: {  	v7 =	vmul.f32 v5, v7;
	_ =	sdelay $0x1  }
0x221: {  	v7 =	vsub.f32 $1.500000000e+00, v7;
	_ =	sdelay $0x1  }
0x222: {  	v5 =	vmul.f32 v5, v7;
	_ =	sdelay $0x1  }
0x223: {  	v7 =	vmul.f32 v5, v6;
	_ =	sdelay $0x1  }
0x224: {  	v7 =	vmul.f32 v7, v5;
	_ =	sdelay $0x1  }
0x225: {  	v7 =	vsub.f32 $1.500000000e+00, v7;
	_ =	sdelay $0x1  }
0x226: {  	v5 =	vmul.f32 v7, v5;
	_ =	sdelay $0x1  }
0x227: {  	v6 =	vmul.f32 v5, v6;
	_ =	sdelay $0x1  }
0x228: {  	v6 =	vmul.f32 v6, v5;
	_ =	sdelay $0x1  }
0x229: {  	v6 =	vsub.f32 $1.500000000e+00, v6;
	_ =	sdelay $0x1  }
0x22a: {  	v5 =	vmul.f32 v6, v5;
	_ =	sdelay $0x1  }
0x22b: {  	v6 =	vmul.f32 v5, v4;
	_ =	sdelay $0x1  }
0x22c: {  	v6 =	vadd.f32 $-1.250000000e+00, v6;
	_ =	sdelay $0x1  }
0x22d: {  	v6 =	vmul.f32 $4.000000060e-01, v6;
	_ =	sdelay $0x1  }
0x22e: {  	v7 =	vsub.f32 $1.000000000e+00, v6;
	_ =	sdelay $0x1  }
0x22f: {  	vm0 =	vgt.f32 v6, $0.0e+00;
	vm1 =	vgt.f32 v7, $0.0e+00;
	v8 =	vmul.f32 v7, v6  }
0x230: {  	vm0 =	vmand vm0, vm1  }
0x231: {  	v8 =	vnsel vm0, $0x3F800000, v8  }
0x232: {  	(erf) = vrcp.f32 v8;
	_ =	sdelay $0x7  }
0x233: {  	v7 =	vsub.f32 v6, v7  }
0x234: {  	v8 =	vpop (erf)  }
0x235: {  	v7 =	vmul.f32 v8, v7;
	_ =	sdelay $0x1  }
0x236: {  	v8 =	vor.u32 $0x4, v3;
	vm2 =	vlt.f32 v7, $3.400000000e+01;
	v9 =	vmul.f32 $1.442695020e+00, v7  }
0x237: {  	v4 =	vadd.f32 $2.800282840e-01, v4;
	vm2 =	vmand vm0, vm2  }
0x238: {  	v9 =	vnsel vm2, $0x0, v9  }
0x239: {  	v10 =	vshra.s32 v4, $0x1;
	v4 =	vmul.f32 $5.000000000e-01, v4;
	(erf) = vpow2.f32 v9  }
0x23a: {  	v9 =	vsub.s32 $0x5F3759DF, v10  }
0x23b: {  	v11 =	vmul.f32 v9, v4;
	v10 =	vld.idx.msk [tilespmem:v8+s26+$0x0], $0xffff;
	_ =	sdelay $0x1  }
0x23c: {  	v11 =	vmul.f32 v9, v11;
	v8 =	vld.idx.msk [tilespmem:v8+s22+$0x0], $0xffff;
	_ =	sdelay $0x1  }
0x23d: {  	v12 =	vsub.f32 $1.500000000e+00, v11;
	_ =	sdelay $0x1  }
0x23e: {  	v10 =	vtrunc.f32 v10;
	v9 =	vmul.f32 v9, v12  }
0x23f: {  	v3 =	vor.u32 $0x3, v3;
	v10 =	vcvt.f32.s32 v10;
	v11 =	vpop (erf)  }
0x240: {  	v8 =	vtrunc.f32 v8;
	v12 =	vmul.f32 v9, v4;
	v11 =	vadd.f32 $1.000000000e+00, v11  }
0x241: {  	v8 =	vcvt.f32.s32 v8  }
0x242: {  	v12 =	vmul.f32 v12, v9;
	(erf) = vrcp.f32 v11;
	_ =	sdelay $0x1  }
0x243: {  	v12 =	vsub.f32 $1.500000000e+00, v12;
	v11 =	vld.idx.msk [tilespmem:v3+s22+$0x0], $0xffff  }
0x244: {  	v3 =	vld.idx.msk [tilespmem:v3+s26+$0x0], $0xffff  }
0x245: {  	v9 =	vmul.f32 v12, v9;
	v10 =	vld.idx.msk [tilespmem:v10+s19+$0x0], $0xffff  }
0x246: {  	v12 =	vld.idx.msk [tilespmem:v8+s19+$0x0], $0xffff  }
0x247: {  	v4 =	vmul.f32 v9, v4;
	_ =	sdelay $0x1  }
0x248: {  	vm2 =	vle.f32 v6, $0.0e+00;
	v4 =	vmul.f32 v4, v9  }
0x249: {  	vm3 =	vge.f32 v7, $3.400000000e+01;
	vm1 =	vmand vm2, vm1;
	v6 =	vpop (erf)  }
0x24a: {  	v7 =	vsel vm1, $0x3F800000, v1;
	v4 =	vsub.f32 $1.500000000e+00, v4;
	v6 =	vsel vm3, $0x0, v6  }
0x24b: {  	v3 =	vadd.f32 v10, v3;
	v11 =	vadd.f32 v12, v11;
	v6 =	vsel vm0, v6, v7  }
.Ltmp2:
0x24c: {  	v7 =	vmov s28;
	v4 =	vmul.f32 v4, v9;
	v9 =	vsub.f32 $1.000000000e+00, v6;
	(pc) =	sbr.rel @p1 .LBB2_7-.Ltmp2, $4  }
0x24d: {  	v7 =	vshll.u32 v7, $0x4;
	v10 =	vmul.f32 v3, v11  }
0x24e: {  	v11 =	vmul.f32 v6, v4;
	v4 =	vshll.u32 v8, $0x4;
	v9 =	vmul.f32 v9, v5  }
0x24f: {  	v3 =	vor.u32 v2, v7;
	v5 =	vor.u32 v0, v4  }
0x250: {  	s28 =	sadd.s32 $0x10, s28;
	v4 =	vor.u32 $0x1, v3;
	v6 =	vmul.f32 $3.320636900e+02, v10;
	v7 =	vadd.f32 v9, v11  }
0x251: {  	_ =	sdelay $0x1  }
0x252: {  	v6 =	vmul.f32 v7, v6;
	_ =	sdelay $0x1  }
0x253: {  	v7 =	vor.u32 $0x2, v3;
	[tilespmem:v5+s13+$0x0] =	vst.idx.add.f32.msk $0xffff, v6  }
0x254: {  	v5 =	vld.idx.msk [tilespmem:v4+s26+$0x0], $0xffff  }
0x255: {  	v4 =	vld.idx.msk [tilespmem:v4+s22+$0x0], $0xffff  }
0x256: {  	v6 =	vld.idx.msk [tilespmem:v3+s26+$0x0], $0xffff  }
0x257: {  	v8 =	vld.idx.msk [tilespmem:v3+s22+$0x0], $0xffff  }
0x258: {  	v9 =	vld.idx.msk [tilespmem:v7+s26+$0x0], $0xffff  }
0x259: {  	v7 =	vld.idx.msk [tilespmem:v7+s22+$0x0], $0xffff;
	_ =	sdelay $0x2  }
0x25a: {  	v6 =	vsub.f32 v8, v6;
	v4 =	vsub.f32 v4, v5;
	_ =	sdelay $0x1  }
0x25b: {  	v5 =	vsub.f32 v7, v9;
	v6 =	vmul.f32 v6, v6;
	v4 =	vmul.f32 v4, v4;
	_ =	sdelay $0x1  }
0x25c: {  	v4 =	vadd.f32 v4, v6;
	v5 =	vmul.f32 v5, v5;
	_ =	sdelay $0x1  }
0x25d: {  	v4 =	vadd.f32 v5, v4;
	_ =	sdelay $0x1  }
0x25e: {  	v4 =	vadd.f32 $1.000000000e-15, v4;
	_ =	sdelay $0x1  }
0x25f: {  	v5 =	vshra.s32 v4, $0x1;
	v6 =	vmul.f32 $5.000000000e-01, v4  }
0x260: {  	v5 =	vsub.s32 $0x5F3759DF, v5  }
0x261: {  	v7 =	vmul.f32 v5, v6;
	_ =	sdelay $0x1  }
0x262: {  	v7 =	vmul.f32 v5, v7;
	_ =	sdelay $0x1  }
0x263: {  	v7 =	vsub.f32 $1.500000000e+00, v7;
	_ =	sdelay $0x1  }
0x264: {  	v5 =	vmul.f32 v5, v7;
	_ =	sdelay $0x1  }
0x265: {  	v7 =	vmul.f32 v5, v6;
	_ =	sdelay $0x1  }
0x266: {  	v7 =	vmul.f32 v7, v5;
	_ =	sdelay $0x1  }
0x267: {  	v7 =	vsub.f32 $1.500000000e+00, v7;
	_ =	sdelay $0x1  }
0x268: {  	v5 =	vmul.f32 v7, v5;
	_ =	sdelay $0x1  }
0x269: {  	v6 =	vmul.f32 v5, v6;
	_ =	sdelay $0x1  }
0x26a: {  	v6 =	vmul.f32 v6, v5;
	_ =	sdelay $0x1  }
0x26b: {  	v6 =	vsub.f32 $1.500000000e+00, v6;
	_ =	sdelay $0x1  }
0x26c: {  	v5 =	vmul.f32 v6, v5;
	_ =	sdelay $0x1  }
0x26d: {  	v6 =	vmul.f32 v5, v4;
	_ =	sdelay $0x1  }
0x26e: {  	v6 =	vadd.f32 $-1.250000000e+00, v6;
	_ =	sdelay $0x1  }
0x26f: {  	v6 =	vmul.f32 $4.000000060e-01, v6;
	_ =	sdelay $0x1  }
0x270: {  	v7 =	vsub.f32 $1.000000000e+00, v6;
	_ =	sdelay $0x1  }
0x271: {  	vm0 =	vgt.f32 v6, $0.0e+00;
	vm1 =	vgt.f32 v7, $0.0e+00;
	v8 =	vmul.f32 v7, v6  }
0x272: {  	vm0 =	vmand vm0, vm1  }
0x273: {  	v8 =	vnsel vm0, $0x3F800000, v8  }
0x274: {  	(erf) = vrcp.f32 v8;
	_ =	sdelay $0x7  }
0x275: {  	v7 =	vsub.f32 v6, v7  }
0x276: {  	v8 =	vpop (erf)  }
0x277: {  	v7 =	vmul.f32 v8, v7;
	_ =	sdelay $0x1  }
0x278: {  	vm2 =	vlt.f32 v7, $3.400000000e+01;
	v8 =	vmul.f32 $1.442695020e+00, v7  }
0x279: {  	v4 =	vadd.f32 $2.800282840e-01, v4;
	vm2 =	vmand vm0, vm2  }
0x27a: {  	v47 =	vor.u32 $0x4, v3;
	v8 =	vnsel vm2, $0x0, v8  }
0x27b: {  	v10 =	vshra.s32 v4, $0x1;
	v4 =	vmul.f32 $5.000000000e-01, v4;
	(erf) = vpow2.f32 v8  }
0x27c: {  	v8 =	vsub.s32 $0x5F3759DF, v10  }
0x27d: {  	v10 =	vmul.f32 v8, v4;
	_ =	sdelay $0x1  }
0x27e: {  	v11 =	vld.idx.msk [tilespmem:v47+s26+$0x0], $0xffff;
	v10 =	vmul.f32 v8, v10  }
0x27f: {  	v9 =	vld.idx.msk [tilespmem:v47+s22+$0x0], $0xffff  }
0x280: {  	v10 =	vsub.f32 $1.500000000e+00, v10;
	_ =	sdelay $0x1  }
0x281: {  	v8 =	vmul.f32 v8, v10  }
0x282: {  	v3 =	vor.u32 $0x3, v3;
	v48 =	vtrunc.f32 v11;
	v49 =	vpop (erf)  }
0x283: {  	v9 =	vtrunc.f32 v9;
	v12 =	vmul.f32 v8, v4;
	v11 =	vadd.f32 $1.000000000e+00, v49  }
0x284: {  	v9 =	vcvt.f32.s32 v9;
	v10 =	vcvt.f32.s32 v48  }
0x285: {  	v12 =	vmul.f32 v12, v8;
	(erf) = vrcp.f32 v11;
	_ =	sdelay $0x1  }
0x286: {  	v50 =	vsub.f32 $1.500000000e+00, v12  }
0x287: {  	v51 =	vld.idx.msk [tilespmem:v3+s22+$0x0], $0xffff  }
0x288: {  	v3 =	vld.idx.msk [tilespmem:v3+s26+$0x0], $0xffff;
	v8 =	vmul.f32 v50, v8  }
0x289: {  	v52 =	vld.idx.msk [tilespmem:v9+s19+$0x0], $0xffff  }
0x28a: {  	v10 =	vld.idx.msk [tilespmem:v10+s19+$0x0], $0xffff;
	v4 =	vmul.f32 v8, v4;
	_ =	sdelay $0x1  }
0x28b: {  	vm10 =	vle.f32 v6, $0.0e+00;
	v4 =	vmul.f32 v4, v8  }
0x28c: {  	vm1 =	vmand vm10, vm1;
	vm3 =	vge.f32 v7, $3.400000000e+01;
	v6 =	vpop (erf)  }
0x28d: {  	v7 =	vsel vm1, $0x3F800000, v1;
	v4 =	vsub.f32 $1.500000000e+00, v4;
	v6 =	vsel vm3, $0x0, v6  }
0x28e: {  	v11 =	vadd.f32 v52, v51;
	v3 =	vadd.f32 v10, v3;
	v6 =	vsel vm0, v6, v7  }
0x28f: {  	v4 =	vmul.f32 v4, v8;
	v7 =	vsub.f32 $1.000000000e+00, v6  }
0x290: {  	v3 =	vmul.f32 v3, v11  }
0x291: {  	v4 =	vmul.f32 v6, v4;
	v6 =	vshll.u32 v9, $0x4;
	v5 =	vmul.f32 v7, v5  }
0x292: {  	v6 =	vor.u32 v0, v6  }
0x293: {  	v3 =	vmul.f32 $3.320636900e+02, v3;
	v4 =	vadd.f32 v5, v4;
	_ =	sdelay $0x1  }
0x294: {  	v3 =	vmul.f32 v4, v3;
	_ =	sdelay $0x1  }
0x295: {  	[tilespmem:v6+s13+$0x0] =	vst.idx.add.f32.msk $0xffff, v3  }
0x296: {  	_ =	swait.ge [sflag:s16], $0x400  }
0x297: {  	[sflag:s16] =	ssyncset.done $0x0  }
0x298: {  	[sflag:s16] =	ssyncadd.s32 $0xFFFFFC00  }
0x299: {  	_ =	swait.ge [sflag:s16], $0x400  }
0x29a: {  	[sflag:s16] =	ssyncset.done $0x0  }
0x29b: {  	[sflag:s16] =	ssyncadd.s32 $0xFFFFFC00  }
0x29c: {  	[tilespmem:s22], [sflag:$0x2] =	stream.indirect.gather [hbm4b:s6+s23], $0x10, s12, s23, $0xb8;
	[tilespmem:$0x14200] =	vst v63  }
0x29d: {  	_ = 	snop  }
0x29e: {  	[tilespmem:s26], [sflag:$0x2] =	stream.indirect.gather [hbm4b:s6+s23], $0x10, s17, s23, $0xb8;
	[tilespmem:$0x14200] =	vst v63  }
0x29f: {  	s0 =	simm.s32 $0x1880  }
0x2a0: {  	[tilespmem:s2], [sflag:$0x2] =	stream.indirect.gather [hbm4b:s6+s23], $0x10, s0, s23, $0xb8;
	[tilespmem:$0x14200] =	vst v63  }
0x2a1: {  	s30 =	simm.s32 $0x1C80;
	s2 =	simm.s32 $0xE800  }
0x2a2: {  	[tilespmem:s2], [sflag:$0x2] =	stream.indirect.gather [hbm4b:s6+s23], $0x10, s30, s23, $0xb8;
	[tilespmem:$0x14200] =	vst v63  }
0x2a3: {  	s2 =	simm.s32 $0xB000;
	s30 =	simm.s32 $0x1900  }
0x2a4: {  	[tilespmem:s2], [sflag:$0x2] =	stream.indirect.gather [hbm4b:s6+s23], $0x10, s30, s23, $0xb8;
	[tilespmem:$0x14200] =	vst v63  }
0x2a5: {  	s2 =	simm.s32 $0xF000;
	s30 =	simm.s32 $0x1D00  }
0x2a6: {  	[tilespmem:s2], [sflag:$0x2] =	stream.indirect.gather [hbm4b:s6+s23], $0x10, s30, s23, $0xb8;
	[tilespmem:$0x14200] =	vst v63  }
0x2a7: {  	s2 =	simm.s32 $0xB800;
	s30 =	simm.s32 $0x1980  }
0x2a8: {  	[tilespmem:s2], [sflag:$0x2] =	stream.indirect.gather [hbm4b:s6+s23], $0x10, s30, s23, $0xb8;
	[tilespmem:$0x14200] =	vst v63  }
0x2a9: {  	s2 =	simm.s32 $0xF800;
	s30 =	simm.s32 $0x1D80  }
0x2aa: {  	[tilespmem:s2], [sflag:$0x2] =	stream.indirect.gather [hbm4b:s6+s23], $0x10, s30, s23, $0xb8;
	[tilespmem:$0x14200] =	vst v63  }
0x2ab: {  	s2 =	simm.s32 $0xC000;
	s30 =	simm.s32 $0x1A00  }
0x2ac: {  	[tilespmem:s2], [sflag:$0x2] =	stream.indirect.gather [hbm4b:s6+s23], $0x10, s30, s23, $0xb8;
	[tilespmem:$0x14200] =	vst v63  }
0x2ad: {  	s30 =	simm.s32 $0x1E00  }
0x2ae: {  	[tilespmem:s21], [sflag:$0x2] =	stream.indirect.gather [hbm4b:s6+s23], $0x10, s30, s23, $0xb8;
	[tilespmem:$0x14200] =	vst v63  }
0x2af: {  	s2 =	simm.s32 $0x1A80  }
0x2b0: {  	[tilespmem:s3], [sflag:$0x2] =	stream.indirect.gather [hbm4b:s6+s23], $0x10, s2, s23, $0xb8;
	[tilespmem:$0x14200] =	vst v63  }
0x2b1: {  	s30 =	simm.s32 $0x1E80  }
0x2b2: {  	[tilespmem:s7], [sflag:$0x2] =	stream.indirect.gather [hbm4b:s6+s23], $0x10, s30, s23, $0xb8;
	[tilespmem:$0x14200] =	vst v63  }
0x2b3: {  	s2 =	simm.s32 $0x1B00  }
0x2b4: {  	[tilespmem:s8], [sflag:$0x2] =	stream.indirect.gather [hbm4b:s6+s23], $0x10, s2, s23, $0xb8;
	[tilespmem:$0x14200] =	vst v63  }
0x2b5: {  	s0 =	rddreg [dreg:$0xb];
	s30 =	simm.s32 $0x1F00  }
0x2b6: {  	[tilespmem:s9], [sflag:$0x2] =	stream.indirect.gather [hbm4b:s6+s23], $0x10, s30, s23, $0xb8;
	[tilespmem:$0x14200] =	vst v63  }
0x2b7: {  	s0 =	sadd.s32 @!p0 s1, s0;
	s2 =	simm.s32 $0x1B80  }
0x2b8: {  	[tilespmem:s10], [sflag:$0x2] =	stream.indirect.gather [hbm4b:s6+s23], $0x10, s2, s23, $0xb8;
	[tilespmem:$0x14200] =	vst v63  }
0x2b9: {  	s0 =	sshrl.u32 @!p0 s0, $0x3;
	s30 =	simm.s32 $0x1F80  }
0x2ba: {  	[tilespmem:s11], [sflag:$0x2] =	stream.indirect.gather [hbm4b:s6+s23], $0x10, s30, s23, $0xb8;
	[tilespmem:$0x14200] =	vst v63  }
0x2bb: {  	s28 =	sadd.s32 @!p0 s4, s0;
	s2 =	simm.s32 @!p0 $0x800;
	s30 =	simm.s32 @!p0 $0x0  }
0x2bc: {  	[tilespmem:s2], [sflag:$0x4] =	stream.linear.gather @!p0 [hbm4b:s28+s30], $0x400, $0x38;
	[tilespmem:$0x14200] =	vst v63  }
0x2bd: {  	s0 =	sadd.s32 @!p0 s5, s0;
	s2 =	simm.s32 @!p0 $0xC00  }
0x2be: {  	[tilespmem:s2], [sflag:$0x4] =	stream.linear.gather @!p0 [hbm4b:s0+s30], $0x400, $0x38;
	[tilespmem:$0x14200] =	vst v63  }
0x2bf: {  	_ =	swait.ge [sflag:s18], $0x800  }
0x2c0: {  	[sflag:s18] =	ssyncset.done $0x0  }
0x2c1: {  	[sflag:s18] =	ssyncadd.s32 $0xFFFFF800  }
0x2c2: {  	_ =	swait.ge [sflag:s18], $0x800  }
0x2c3: {  	[sflag:s18] =	ssyncset.done $0x0  }
0x2c4: {  	[sflag:s18] =	ssyncadd.s32 $0xFFFFF800  }
0x2c5: {  	_ =	swait.ge [sflag:s18], $0x800  }
0x2c6: {  	[sflag:s18] =	ssyncset.done $0x0  }
0x2c7: {  	[sflag:s18] =	ssyncadd.s32 $0xFFFFF800  }
0x2c8: {  	_ =	swait.ge [sflag:s18], $0x800  }
0x2c9: {  	[sflag:s18] =	ssyncset.done $0x0  }
0x2ca: {  	[sflag:s18] =	ssyncadd.s32 $0xFFFFF800  }
0x2cb: {  	_ =	swait.ge [sflag:s18], $0x800  }
0x2cc: {  	[sflag:s18] =	ssyncset.done $0x0  }
0x2cd: {  	[sflag:s18] =	ssyncadd.s32 $0xFFFFF800  }
0x2ce: {  	_ =	swait.ge [sflag:s18], $0x800  }
0x2cf: {  	[sflag:s18] =	ssyncset.done $0x0  }
0x2d0: {  	[sflag:s18] =	ssyncadd.s32 $0xFFFFF800  }
0x2d1: {  	_ =	swait.ge [sflag:s18], $0x800  }
0x2d2: {  	[sflag:s18] =	ssyncset.done $0x0  }
0x2d3: {  	[sflag:s18] =	ssyncadd.s32 $0xFFFFF800  }
0x2d4: {  	_ =	swait.ge [sflag:s18], $0x800  }
0x2d5: {  	[sflag:s18] =	ssyncset.done $0x0  }
0x2d6: {  	[sflag:s18] =	ssyncadd.s32 $0xFFFFF800  }
0x2d7: {  	_ =	swait.ge [sflag:s18], $0x800  }
0x2d8: {  	[sflag:s18] =	ssyncset.done $0x0  }
0x2d9: {  	[sflag:s18] =	ssyncadd.s32 $0xFFFFF800  }
0x2da: {  	_ =	swait.ge [sflag:s18], $0x800  }
0x2db: {  	[sflag:s18] =	ssyncset.done $0x0  }
0x2dc: {  	[sflag:s18] =	ssyncadd.s32 $0xFFFFF800  }
0x2dd: {  	_ =	swait.ge [sflag:s18], $0x800  }
0x2de: {  	[sflag:s18] =	ssyncset.done $0x0  }
0x2df: {  	[sflag:s18] =	ssyncadd.s32 $0xFFFFF800  }
0x2e0: {  	_ =	swait.ge [sflag:s18], $0x800  }
0x2e1: {  	[sflag:s18] =	ssyncset.done $0x0  }
0x2e2: {  	[sflag:s18] =	ssyncadd.s32 $0xFFFFF800  }
0x2e3: {  	_ =	swait.ge [sflag:s18], $0x800  }
0x2e4: {  	[sflag:s18] =	ssyncset.done $0x0  }
0x2e5: {  	[sflag:s18] =	ssyncadd.s32 $0xFFFFF800  }
0x2e6: {  	s2 =	simm.s32 $0x0;
	_ =	swait.ge [sflag:s18], $0x800  }
0x2e7: {  	v3 =	vmov s2;
	[sflag:s18] =	ssyncset.done $0x0  }
0x2e8: {  	v3 =	vshll.u32 v3, $0x4;
	[sflag:s18] =	ssyncadd.s32 $0xFFFFF800  }
0x2e9: {  	v3 =	vor.u32 v2, v3;
	_ =	swait.ge [sflag:s18], $0x800  }
0x2ea: {  	v4 =	vor.u32 $0x1, v3;
	[sflag:s18] =	ssyncset.done $0x0  }
0x2eb: {  	[sflag:s18] =	ssyncadd.s32 $0xFFFFF800  }
0x2ec: {  	_ =	swait.ge [sflag:s18], $0x800  }
0x2ed: {  	[sflag:s18] =	ssyncset.done $0x0  }
0x2ee: {  	v5 =	vor.u32 $0x2, v3;
	[sflag:s18] =	ssyncadd.s32 $0xFFFFF800  }
0x2ef: {  	v6 =	vld.idx.msk [tilespmem:v4+s25+$0x0], $0xffff  }
0x2f0: {  	v4 =	vld.idx.msk [tilespmem:v4+s24+$0x0], $0xffff  }
0x2f1: {  	v7 =	vld.idx.msk [tilespmem:v3+s25+$0x0], $0xffff  }
0x2f2: {  	v8 =	vld.idx.msk [tilespmem:v3+s24+$0x0], $0xffff  }
0x2f3: {  	v53 =	vld.idx.msk [tilespmem:v5+s25+$0x0], $0xffff  }
0x2f4: {  	v5 =	vld.idx.msk [tilespmem:v5+s24+$0x0], $0xffff;
	_ =	sdelay $0x2  }
0x2f5: {  	v7 =	vsub.f32 v8, v7;
	v4 =	vsub.f32 v4, v6;
	_ =	sdelay $0x1  }
0x2f6: {  	v5 =	vsub.f32 v5, v53;
	v6 =	vmul.f32 v7, v7;
	v4 =	vmul.f32 v4, v4;
	_ =	sdelay $0x1  }
0x2f7: {  	v5 =	vmul.f32 v5, v5;
	v4 =	vadd.f32 v4, v6;
	_ =	sdelay $0x1  }
0x2f8: {  	v4 =	vadd.f32 v5, v4;
	_ =	sdelay $0x1  }
0x2f9: {  	v4 =	vadd.f32 $1.000000000e-15, v4;
	_ =	sdelay $0x1  }
0x2fa: {  	v5 =	vshra.s32 v4, $0x1;
	v6 =	vmul.f32 $5.000000000e-01, v4  }
0x2fb: {  	v5 =	vsub.s32 $0x5F3759DF, v5  }
0x2fc: {  	v7 =	vmul.f32 v5, v6;
	_ =	sdelay $0x1  }
0x2fd: {  	v7 =	vmul.f32 v5, v7;
	_ =	sdelay $0x1  }
0x2fe: {  	v7 =	vsub.f32 $1.500000000e+00, v7;
	_ =	sdelay $0x1  }
0x2ff: {  	v5 =	vmul.f32 v5, v7;
	_ =	sdelay $0x1  }
0x300: {  	v7 =	vmul.f32 v5, v6;
	_ =	sdelay $0x1  }
0x301: {  	v7 =	vmul.f32 v7, v5;
	_ =	sdelay $0x1  }
0x302: {  	v7 =	vsub.f32 $1.500000000e+00, v7;
	_ =	sdelay $0x1  }
0x303: {  	v5 =	vmul.f32 v7, v5;
	_ =	sdelay $0x1  }
0x304: {  	v6 =	vmul.f32 v5, v6;
	_ =	sdelay $0x1  }
0x305: {  	v6 =	vmul.f32 v6, v5;
	_ =	sdelay $0x1  }
0x306: {  	v6 =	vsub.f32 $1.500000000e+00, v6;
	_ =	sdelay $0x1  }
0x307: {  	v5 =	vmul.f32 v6, v5;
	_ =	sdelay $0x1  }
0x308: {  	v6 =	vmul.f32 v5, v4;
	_ =	sdelay $0x1  }
0x309: {  	v6 =	vadd.f32 $-1.250000000e+00, v6;
	_ =	sdelay $0x1  }
0x30a: {  	v6 =	vmul.f32 $4.000000060e-01, v6;
	_ =	sdelay $0x1  }
0x30b: {  	v7 =	vsub.f32 $1.000000000e+00, v6;
	_ =	sdelay $0x1  }
0x30c: {  	vm11 =	vgt.f32 v6, $0.0e+00;
	vm12 =	vgt.f32 v7, $0.0e+00;
	v8 =	vmul.f32 v7, v6  }
0x30d: {  	vm0 =	vmand vm11, vm12  }
0x30e: {  	v8 =	vnsel vm0, $0x3F800000, v8  }
0x30f: {  	(erf) = vrcp.f32 v8;
	_ =	sdelay $0x7  }
0x310: {  	v7 =	vsub.f32 v6, v7  }
0x311: {  	v8 =	vpop (erf)  }
0x312: {  	v7 =	vmul.f32 v8, v7;
	_ =	sdelay $0x1  }
0x313: {  	vm13 =	vlt.f32 v7, $3.400000000e+01;
	v8 =	vmul.f32 $1.442695020e+00, v7  }
0x314: {  	v4 =	vadd.f32 $2.800282840e-01, v4;
	vm2 =	vmand vm0, vm13  }
0x315: {  	v54 =	vor.u32 $0x4, v3;
	v8 =	vnsel vm2, $0x0, v8  }
0x316: {  	v55 =	vshra.s32 v4, $0x1;
	v4 =	vmul.f32 $5.000000000e-01, v4;
	(erf) = vpow2.f32 v8  }
0x317: {  	v8 =	vsub.s32 $0x5F3759DF, v55  }
0x318: {  	v10 =	vmul.f32 v8, v4;
	_ =	sdelay $0x1  }
0x319: {  	v56 =	vld.idx.msk [tilespmem:v54+s25+$0x0], $0xffff;
	v10 =	vmul.f32 v8, v10  }
0x31a: {  	v9 =	vld.idx.msk [tilespmem:v54+s24+$0x0], $0xffff  }
0x31b: {  	v10 =	vsub.f32 $1.500000000e+00, v10;
	_ =	sdelay $0x1  }
0x31c: {  	v8 =	vmul.f32 v8, v10  }
0x31d: {  	v3 =	vor.u32 $0x3, v3;
	v57 =	vtrunc.f32 v56;
	v58 =	vpop (erf)  }
0x31e: {  	v9 =	vtrunc.f32 v9;
	v59 =	vmul.f32 v8, v4;
	v11 =	vadd.f32 $1.000000000e+00, v58  }
0x31f: {  	v9 =	vcvt.f32.s32 v9;
	v10 =	vcvt.f32.s32 v57  }
0x320: {  	v12 =	vmul.f32 v59, v8;
	(erf) = vrcp.f32 v11;
	_ =	sdelay $0x1  }
0x321: {  	v60 =	vsub.f32 $1.500000000e+00, v12  }
0x322: {  	v61 =	vld.idx.msk [tilespmem:v3+s24+$0x0], $0xffff  }
0x323: {  	v3 =	vld.idx.msk [tilespmem:v3+s25+$0x0], $0xffff;
	v8 =	vmul.f32 v60, v8  }
0x324: {  	v62 =	vld.idx.msk [tilespmem:v9+s19+$0x0], $0xffff  }
0x325: {  	v10 =	vld.idx.msk [tilespmem:v10+s19+$0x0], $0xffff;
	v4 =	vmul.f32 v8, v4;
	_ =	sdelay $0x1  }
0x326: {  	vm14 =	vle.f32 v6, $0.0e+00;
	v4 =	vmul.f32 v4, v8  }
0x327: {  	vm1 =	vmand vm14, vm12;
	vm15 =	vge.f32 v7, $3.400000000e+01;
	v6 =	vpop (erf)  }
0x328: {  	v7 =	vsel vm1, $0x3F800000, v1;
	v4 =	vsub.f32 $1.500000000e+00, v4;
	v6 =	vsel vm15, $0x0, v6  }
0x329: {  	s30 =	simm.s32 $0x10;
	v11 =	vadd.f32 v62, v61;
	v3 =	vadd.f32 v10, v3;
	v6 =	vsel vm0, v6, v7  }
0x32a: {  	v7 =	vmov s30;
	v4 =	vmul.f32 v4, v8;
	v8 =	vsub.f32 $1.000000000e+00, v6  }
0x32b: {  	v10 =	vmul.f32 v3, v11;
	v7 =	vshll.u32 v7, $0x4  }
0x32c: {  	v63 =	vmul.f32 v6, v4;
	v4 =	vshll.u32 v9, $0x4;
	v8 =	vmul.f32 v8, v5  }
0x32d: {  	v3 =	vor.u32 v2, v7;
	v5 =	vor.u32 v0, v4  }
0x32e: {  	s28 =	simm.s32 $0x20;
	v6 =	vmul.f32 $3.320636900e+02, v10;
	v4 =	vor.u32 $0x1, v3;
	v7 =	vadd.f32 v8, v63  }
.LBB2_9:
0x32f: {  	p1 =	sne.s32 s28, $0x3F0  }
0x330: {  	v6 =	vmul.f32 v7, v6;
	_ =	sdelay $0x1  }
0x331: {  	v7 =	vor.u32 $0x2, v3;
	[tilespmem:v5+s13+$0x0] =	vst.idx.add.f32.msk $0xffff, v6  }
0x332: {  	v5 =	vld.idx.msk [tilespmem:v4+s25+$0x0], $0xffff  }
0x333: {  	v4 =	vld.idx.msk [tilespmem:v4+s24+$0x0], $0xffff  }
0x334: {  	v6 =	vld.idx.msk [tilespmem:v3+s25+$0x0], $0xffff  }
0x335: {  	v8 =	vld.idx.msk [tilespmem:v3+s24+$0x0], $0xffff  }
0x336: {  	v9 =	vld.idx.msk [tilespmem:v7+s25+$0x0], $0xffff  }
0x337: {  	v7 =	vld.idx.msk [tilespmem:v7+s24+$0x0], $0xffff;
	_ =	sdelay $0x3  }
0x338: {  	v4 =	vsub.f32 v4, v5;
	v6 =	vsub.f32 v8, v6;
	_ =	sdelay $0x1  }
0x339: {  	v4 =	vmul.f32 v4, v4;
	v5 =	vsub.f32 v7, v9;
	v6 =	vmul.f32 v6, v6;
	_ =	sdelay $0x1  }
0x33a: {  	v4 =	vadd.f32 v4, v6;
	v5 =	vmul.f32 v5, v5;
	_ =	sdelay $0x1  }
0x33b: {  	v4 =	vadd.f32 v5, v4;
	_ =	sdelay $0x1  }
0x33c: {  	v4 =	vadd.f32 $1.000000000e-15, v4;
	_ =	sdelay $0x1  }
0x33d: {  	v5 =	vshra.s32 v4, $0x1;
	v6 =	vmul.f32 $5.000000000e-01, v4  }
0x33e: {  	v5 =	vsub.s32 $0x5F3759DF, v5  }
0x33f: {  	v7 =	vmul.f32 v5, v6;
	_ =	sdelay $0x1  }
0x340: {  	v7 =	vmul.f32 v5, v7;
	_ =	sdelay $0x1  }
0x341: {  	v7 =	vsub.f32 $1.500000000e+00, v7;
	_ =	sdelay $0x1  }
0x342: {  	v5 =	vmul.f32 v5, v7;
	_ =	sdelay $0x1  }
0x343: {  	v7 =	vmul.f32 v5, v6;
	_ =	sdelay $0x1  }
0x344: {  	v7 =	vmul.f32 v7, v5;
	_ =	sdelay $0x1  }
0x345: {  	v7 =	vsub.f32 $1.500000000e+00, v7;
	_ =	sdelay $0x1  }
0x346: {  	v5 =	vmul.f32 v7, v5;
	_ =	sdelay $0x1  }
0x347: {  	v6 =	vmul.f32 v5, v6;
	_ =	sdelay $0x1  }
0x348: {  	v6 =	vmul.f32 v6, v5;
	_ =	sdelay $0x1  }
0x349: {  	v6 =	vsub.f32 $1.500000000e+00, v6;
	_ =	sdelay $0x1  }
0x34a: {  	v5 =	vmul.f32 v6, v5;
	_ =	sdelay $0x1  }
0x34b: {  	v6 =	vmul.f32 v5, v4;
	_ =	sdelay $0x1  }
0x34c: {  	v6 =	vadd.f32 $-1.250000000e+00, v6;
	_ =	sdelay $0x1  }
0x34d: {  	v6 =	vmul.f32 $4.000000060e-01, v6;
	_ =	sdelay $0x1  }
0x34e: {  	v7 =	vsub.f32 $1.000000000e+00, v6;
	_ =	sdelay $0x1  }
0x34f: {  	vm0 =	vgt.f32 v6, $0.0e+00;
	vm1 =	vgt.f32 v7, $0.0e+00;
	v8 =	vmul.f32 v7, v6  }
0x350: {  	vm0 =	vmand vm0, vm1  }
0x351: {  	v8 =	vnsel vm0, $0x3F800000, v8  }
0x352: {  	(erf) = vrcp.f32 v8;
	_ =	sdelay $0x7  }
0x353: {  	v7 =	vsub.f32 v6, v7  }
0x354: {  	v8 =	vpop (erf)  }
0x355: {  	v7 =	vmul.f32 v8, v7;
	_ =	sdelay $0x1  }
0x356: {  	v8 =	vor.u32 $0x4, v3;
	vm2 =	vlt.f32 v7, $3.400000000e+01;
	v9 =	vmul.f32 $1.442695020e+00, v7  }
0x357: {  	v4 =	vadd.f32 $2.800282840e-01, v4;
	vm2 =	vmand vm0, vm2  }
0x358: {  	v9 =	vnsel vm2, $0x0, v9  }
0x359: {  	v10 =	vshra.s32 v4, $0x1;
	v4 =	vmul.f32 $5.000000000e-01, v4;
	(erf) = vpow2.f32 v9  }
0x35a: {  	v9 =	vsub.s32 $0x5F3759DF, v10  }
0x35b: {  	v11 =	vmul.f32 v9, v4;
	v10 =	vld.idx.msk [tilespmem:v8+s25+$0x0], $0xffff;
	_ =	sdelay $0x1  }
0x35c: {  	v11 =	vmul.f32 v9, v11;
	v8 =	vld.idx.msk [tilespmem:v8+s24+$0x0], $0xffff;
	_ =	sdelay $0x1  }
0x35d: {  	v12 =	vsub.f32 $1.500000000e+00, v11;
	_ =	sdelay $0x1  }
0x35e: {  	v10 =	vtrunc.f32 v10;
	v9 =	vmul.f32 v9, v12  }
0x35f: {  	v3 =	vor.u32 $0x3, v3;
	v10 =	vcvt.f32.s32 v10;
	v11 =	vpop (erf)  }
0x360: {  	v8 =	vtrunc.f32 v8;
	v12 =	vmul.f32 v9, v4;
	v11 =	vadd.f32 $1.000000000e+00, v11  }
0x361: {  	v8 =	vcvt.f32.s32 v8  }
0x362: {  	v12 =	vmul.f32 v12, v9;
	(erf) = vrcp.f32 v11;
	_ =	sdelay $0x1  }
0x363: {  	v12 =	vsub.f32 $1.500000000e+00, v12;
	v11 =	vld.idx.msk [tilespmem:v3+s24+$0x0], $0xffff  }
0x364: {  	v3 =	vld.idx.msk [tilespmem:v3+s25+$0x0], $0xffff  }
0x365: {  	v9 =	vmul.f32 v12, v9;
	v10 =	vld.idx.msk [tilespmem:v10+s19+$0x0], $0xffff  }
0x366: {  	v12 =	vld.idx.msk [tilespmem:v8+s19+$0x0], $0xffff  }
0x367: {  	v4 =	vmul.f32 v9, v4;
	_ =	sdelay $0x1  }
0x368: {  	vm2 =	vle.f32 v6, $0.0e+00;
	v4 =	vmul.f32 v4, v9  }
0x369: {  	vm3 =	vge.f32 v7, $3.400000000e+01;
	vm1 =	vmand vm2, vm1;
	v6 =	vpop (erf)  }
0x36a: {  	v7 =	vsel vm1, $0x3F800000, v1;
	v4 =	vsub.f32 $1.500000000e+00, v4;
	v6 =	vsel vm3, $0x0, v6  }
0x36b: {  	v3 =	vadd.f32 v10, v3;
	v11 =	vadd.f32 v12, v11;
	v6 =	vsel vm0, v6, v7  }
.Ltmp3:
0x36c: {  	v7 =	vmov s28;
	v4 =	vmul.f32 v4, v9;
	v9 =	vsub.f32 $1.000000000e+00, v6;
	(pc) =	sbr.rel @p1 .LBB2_9-.Ltmp3, $4  }
0x36d: {  	v7 =	vshll.u32 v7, $0x4;
	v10 =	vmul.f32 v3, v11  }
0x36e: {  	v11 =	vmul.f32 v6, v4;
	v4 =	vshll.u32 v8, $0x4;
	v9 =	vmul.f32 v9, v5  }
0x36f: {  	v3 =	vor.u32 v2, v7;
	v5 =	vor.u32 v0, v4  }
0x370: {  	s28 =	sadd.s32 $0x10, s28;
	v4 =	vor.u32 $0x1, v3;
	v6 =	vmul.f32 $3.320636900e+02, v10;
	v7 =	vadd.f32 v9, v11  }
0x371: {  	_ =	sdelay $0x1  }
0x372: {  	v6 =	vmul.f32 v7, v6;
	_ =	sdelay $0x1  }
0x373: {  	v7 =	vor.u32 $0x2, v3;
	[tilespmem:v5+s13+$0x0] =	vst.idx.add.f32.msk $0xffff, v6  }
0x374: {  	v5 =	vld.idx.msk [tilespmem:v4+s25+$0x0], $0xffff  }
0x375: {  	v4 =	vld.idx.msk [tilespmem:v4+s24+$0x0], $0xffff  }
0x376: {  	v6 =	vld.idx.msk [tilespmem:v3+s25+$0x0], $0xffff  }
0x377: {  	v8 =	vld.idx.msk [tilespmem:v3+s24+$0x0], $0xffff  }
0x378: {  	v9 =	vld.idx.msk [tilespmem:v7+s25+$0x0], $0xffff  }
0x379: {  	v7 =	vld.idx.msk [tilespmem:v7+s24+$0x0], $0xffff;
	_ =	sdelay $0x2  }
0x37a: {  	v6 =	vsub.f32 v8, v6;
	v4 =	vsub.f32 v4, v5;
	_ =	sdelay $0x1  }
0x37b: {  	v5 =	vsub.f32 v7, v9;
	v6 =	vmul.f32 v6, v6;
	v4 =	vmul.f32 v4, v4;
	_ =	sdelay $0x1  }
0x37c: {  	v4 =	vadd.f32 v4, v6;
	v5 =	vmul.f32 v5, v5;
	_ =	sdelay $0x1  }
0x37d: {  	v4 =	vadd.f32 v5, v4;
	_ =	sdelay $0x1  }
0x37e: {  	v4 =	vadd.f32 $1.000000000e-15, v4;
	_ =	sdelay $0x1  }
0x37f: {  	v5 =	vshra.s32 v4, $0x1;
	v6 =	vmul.f32 $5.000000000e-01, v4  }
0x380: {  	v5 =	vsub.s32 $0x5F3759DF, v5  }
0x381: {  	v7 =	vmul.f32 v5, v6;
	_ =	sdelay $0x1  }
0x382: {  	v7 =	vmul.f32 v5, v7;
	_ =	sdelay $0x1  }
0x383: {  	v7 =	vsub.f32 $1.500000000e+00, v7;
	_ =	sdelay $0x1  }
0x384: {  	v5 =	vmul.f32 v5, v7;
	_ =	sdelay $0x1  }
0x385: {  	v7 =	vmul.f32 v5, v6;
	_ =	sdelay $0x1  }
0x386: {  	v7 =	vmul.f32 v7, v5;
	_ =	sdelay $0x1  }
0x387: {  	v7 =	vsub.f32 $1.500000000e+00, v7;
	_ =	sdelay $0x1  }
0x388: {  	v5 =	vmul.f32 v7, v5;
	_ =	sdelay $0x1  }
0x389: {  	v6 =	vmul.f32 v5, v6;
	_ =	sdelay $0x1  }
0x38a: {  	v6 =	vmul.f32 v6, v5;
	_ =	sdelay $0x1  }
0x38b: {  	v6 =	vsub.f32 $1.500000000e+00, v6;
	_ =	sdelay $0x1  }
0x38c: {  	v5 =	vmul.f32 v6, v5;
	_ =	sdelay $0x1  }
0x38d: {  	v6 =	vmul.f32 v5, v4;
	_ =	sdelay $0x1  }
0x38e: {  	v6 =	vadd.f32 $-1.250000000e+00, v6;
	_ =	sdelay $0x1  }
0x38f: {  	v6 =	vmul.f32 $4.000000060e-01, v6;
	_ =	sdelay $0x1  }
0x390: {  	v7 =	vsub.f32 $1.000000000e+00, v6;
	_ =	sdelay $0x1  }
0x391: {  	vm0 =	vgt.f32 v6, $0.0e+00;
	vm1 =	vgt.f32 v7, $0.0e+00;
	v8 =	vmul.f32 v7, v6  }
0x392: {  	vm0 =	vmand vm0, vm1  }
0x393: {  	v8 =	vnsel vm0, $0x3F800000, v8  }
0x394: {  	(erf) = vrcp.f32 v8;
	_ =	sdelay $0x7  }
0x395: {  	v7 =	vsub.f32 v6, v7  }
0x396: {  	v8 =	vpop (erf)  }
0x397: {  	v7 =	vmul.f32 v8, v7;
	_ =	sdelay $0x1  }
0x398: {  	vm2 =	vlt.f32 v7, $3.400000000e+01;
	v8 =	vmul.f32 $1.442695020e+00, v7  }
0x399: {  	v4 =	vadd.f32 $2.800282840e-01, v4;
	vm2 =	vmand vm0, vm2  }
0x39a: {  	v47 =	vor.u32 $0x4, v3;
	v8 =	vnsel vm2, $0x0, v8  }
0x39b: {  	v10 =	vshra.s32 v4, $0x1;
	v4 =	vmul.f32 $5.000000000e-01, v4;
	(erf) = vpow2.f32 v8  }
0x39c: {  	v8 =	vsub.s32 $0x5F3759DF, v10  }
0x39d: {  	v10 =	vmul.f32 v8, v4;
	_ =	sdelay $0x1  }
0x39e: {  	v11 =	vld.idx.msk [tilespmem:v47+s25+$0x0], $0xffff;
	v10 =	vmul.f32 v8, v10  }
0x39f: {  	v9 =	vld.idx.msk [tilespmem:v47+s24+$0x0], $0xffff  }
0x3a0: {  	v10 =	vsub.f32 $1.500000000e+00, v10;
	_ =	sdelay $0x1  }
0x3a1: {  	v8 =	vmul.f32 v8, v10  }
0x3a2: {  	v3 =	vor.u32 $0x3, v3;
	v48 =	vtrunc.f32 v11;
	v49 =	vpop (erf)  }
0x3a3: {  	v9 =	vtrunc.f32 v9;
	v12 =	vmul.f32 v8, v4;
	v11 =	vadd.f32 $1.000000000e+00, v49  }
0x3a4: {  	v9 =	vcvt.f32.s32 v9;
	v10 =	vcvt.f32.s32 v48  }
0x3a5: {  	v12 =	vmul.f32 v12, v8;
	(erf) = vrcp.f32 v11;
	_ =	sdelay $0x1  }
0x3a6: {  	v50 =	vsub.f32 $1.500000000e+00, v12  }
0x3a7: {  	v51 =	vld.idx.msk [tilespmem:v3+s24+$0x0], $0xffff  }
0x3a8: {  	v3 =	vld.idx.msk [tilespmem:v3+s25+$0x0], $0xffff;
	v8 =	vmul.f32 v50, v8  }
0x3a9: {  	v52 =	vld.idx.msk [tilespmem:v9+s19+$0x0], $0xffff  }
0x3aa: {  	v10 =	vld.idx.msk [tilespmem:v10+s19+$0x0], $0xffff;
	v4 =	vmul.f32 v8, v4;
	_ =	sdelay $0x1  }
0x3ab: {  	vm10 =	vle.f32 v6, $0.0e+00;
	v4 =	vmul.f32 v4, v8  }
0x3ac: {  	vm1 =	vmand vm10, vm1;
	vm3 =	vge.f32 v7, $3.400000000e+01;
	v6 =	vpop (erf)  }
0x3ad: {  	v7 =	vsel vm1, $0x3F800000, v1;
	v4 =	vsub.f32 $1.500000000e+00, v4;
	v6 =	vsel vm3, $0x0, v6  }
0x3ae: {  	v11 =	vadd.f32 v52, v51;
	v3 =	vadd.f32 v10, v3;
	v6 =	vsel vm0, v6, v7  }
0x3af: {  	v4 =	vmul.f32 v4, v8;
	v7 =	vsub.f32 $1.000000000e+00, v6  }
0x3b0: {  	v3 =	vmul.f32 v3, v11  }
0x3b1: {  	v4 =	vmul.f32 v6, v4;
	v6 =	vshll.u32 v9, $0x4;
	v5 =	vmul.f32 v7, v5  }
0x3b2: {  	v6 =	vor.u32 v0, v6  }
0x3b3: {  	v3 =	vmul.f32 $3.320636900e+02, v3;
	v4 =	vadd.f32 v5, v4;
	_ =	sdelay $0x1  }
0x3b4: {  	v3 =	vmul.f32 v4, v3;
	_ =	sdelay $0x1  }
0x3b5: {  	s0 =	simm.s32 @!p0 $0x3;
	[tilespmem:v6+s13+$0x0] =	vst.idx.add.f32.msk $0xffff, v3  }
0x3b6: {  	_ =	swait.ge @!p0 [sflag:s0], $0x400  }
0x3b7: {  	[sflag:s0] =	ssyncset.done @!p0 $0x0  }
0x3b8: {  	[sflag:s0] =	ssyncadd.s32 @!p0 $0xFFFFFC00  }
0x3b9: {  	_ =	swait.ge @!p0 [sflag:s0], $0x400  }
0x3ba: {  	s2 =	simm.s32 @!p0 $0x0;
	[sflag:s0] =	ssyncset.done @!p0 $0x0  }
0x3bb: {  	s28 =	simm.s32 @!p0 $0x2000;
	[sflag:s0] =	ssyncadd.s32 @!p0 $0xFFFFFC00;
	s0 =	simm.s32 @!p0 $0x80  }
0x3bc: {  	[tilespmem:s28], [sflag:$0x1] =	stream.indirect.gather @!p0 [hbm4b:s6+s0], $0x10, s2, s0, $0xb8;
	[tilespmem:$0x14200] =	vst v63  }
0x3bd: {  	s30 =	simm.s32 @!p0 $0x6000;
	s28 =	simm.s32 @!p0 $0x400  }
0x3be: {  	[tilespmem:s30], [sflag:$0x1] =	stream.indirect.gather @!p0 [hbm4b:s6+s0], $0x10, s28, s0, $0xb8;
	[tilespmem:$0x14200] =	vst v63  }
0x3bf: {  	s28 =	simm.s32 @!p0 $0x2800  }
0x3c0: {  	[tilespmem:s28], [sflag:$0x1] =	stream.indirect.gather @!p0 [hbm4b:s6+s0], $0x10, s0, s0, $0xb8;
	[tilespmem:$0x14200] =	vst v63  }
0x3c1: {  	s30 =	simm.s32 @!p0 $0x6800;
	s28 =	simm.s32 @!p0 $0x480  }
0x3c2: {  	[tilespmem:s30], [sflag:$0x1] =	stream.indirect.gather @!p0 [hbm4b:s6+s0], $0x10, s28, s0, $0xb8;
	[tilespmem:$0x14200] =	vst v63  }
0x3c3: {  	s28 =	simm.s32 @!p0 $0x100;
	s30 =	simm.s32 @!p0 $0x3000  }
0x3c4: {  	[tilespmem:s30], [sflag:$0x1] =	stream.indirect.gather @!p0 [hbm4b:s6+s0], $0x10, s28, s0, $0xb8;
	[tilespmem:$0x14200] =	vst v63  }
0x3c5: {  	s28 =	simm.s32 @!p0 $0x500;
	s30 =	simm.s32 @!p0 $0x7000  }
0x3c6: {  	[tilespmem:s30], [sflag:$0x1] =	stream.indirect.gather @!p0 [hbm4b:s6+s0], $0x10, s28, s0, $0xb8;
	[tilespmem:$0x14200] =	vst v63  }
0x3c7: {  	s28 =	simm.s32 @!p0 $0x180;
	s30 =	simm.s32 @!p0 $0x3800  }
0x3c8: {  	[tilespmem:s30], [sflag:$0x1] =	stream.indirect.gather @!p0 [hbm4b:s6+s0], $0x10, s28, s0, $0xb8;
	[tilespmem:$0x14200] =	vst v63  }
0x3c9: {  	s28 =	simm.s32 @!p0 $0x580;
	s30 =	simm.s32 @!p0 $0x7800  }
0x3ca: {  	[tilespmem:s30], [sflag:$0x1] =	stream.indirect.gather @!p0 [hbm4b:s6+s0], $0x10, s28, s0, $0xb8;
	[tilespmem:$0x14200] =	vst v63  }
0x3cb: {  	s28 =	simm.s32 @!p0 $0x200;
	s30 =	simm.s32 @!p0 $0x4000  }
0x3cc: {  	[tilespmem:s30], [sflag:$0x1] =	stream.indirect.gather @!p0 [hbm4b:s6+s0], $0x10, s28, s0, $0xb8;
	[tilespmem:$0x14200] =	vst v63  }
0x3cd: {  	s28 =	simm.s32 @!p0 $0x600;
	s30 =	simm.s32 @!p0 $0x8000  }
0x3ce: {  	[tilespmem:s30], [sflag:$0x1] =	stream.indirect.gather @!p0 [hbm4b:s6+s0], $0x10, s28, s0, $0xb8;
	[tilespmem:$0x14200] =	vst v63  }
0x3cf: {  	s28 =	simm.s32 @!p0 $0x280;
	s30 =	simm.s32 @!p0 $0x4800  }
0x3d0: {  	[tilespmem:s30], [sflag:$0x1] =	stream.indirect.gather @!p0 [hbm4b:s6+s0], $0x10, s28, s0, $0xb8;
	[tilespmem:$0x14200] =	vst v63  }
0x3d1: {  	s28 =	simm.s32 @!p0 $0x680;
	s30 =	simm.s32 @!p0 $0x8800  }
0x3d2: {  	[tilespmem:s30], [sflag:$0x1] =	stream.indirect.gather @!p0 [hbm4b:s6+s0], $0x10, s28, s0, $0xb8;
	[tilespmem:$0x14200] =	vst v63  }
0x3d3: {  	s28 =	simm.s32 @!p0 $0x300;
	s30 =	simm.s32 @!p0 $0x5000  }
0x3d4: {  	[tilespmem:s30], [sflag:$0x1] =	stream.indirect.gather @!p0 [hbm4b:s6+s0], $0x10, s28, s0, $0xb8;
	[tilespmem:$0x14200] =	vst v63  }
0x3d5: {  	s28 =	simm.s32 @!p0 $0x700;
	s30 =	simm.s32 @!p0 $0x9000  }
0x3d6: {  	[tilespmem:s30], [sflag:$0x1] =	stream.indirect.gather @!p0 [hbm4b:s6+s0], $0x10, s28, s0, $0xb8;
	[tilespmem:$0x14200] =	vst v63  }
0x3d7: {  	s28 =	simm.s32 @!p0 $0x380;
	s30 =	simm.s32 @!p0 $0x5800  }
0x3d8: {  	[tilespmem:s30], [sflag:$0x1] =	stream.indirect.gather @!p0 [hbm4b:s6+s0], $0x10, s28, s0, $0xb8;
	[tilespmem:$0x14200] =	vst v63  }
0x3d9: {  	s28 =	simm.s32 @!p0 $0x780;
	s30 =	simm.s32 @!p0 $0x9800  }
0x3da: {  	[tilespmem:s30], [sflag:$0x1] =	stream.indirect.gather @!p0 [hbm4b:s6+s0], $0x10, s28, s0, $0xb8;
	[tilespmem:$0x14200] =	vst v63  }
0x3db: {  	s0 =	rddreg [dreg:$0xc]  }
0x3dc: {  	s0 =	sadd.s32 @!p0 s1, s0  }
0x3dd: {  	s0 =	sshrl.u32 @!p0 s0, $0x3  }
0x3de: {  	s28 =	simm.s32 @!p0 $0x1000;
	s1 =	sadd.s32 @!p0 s4, s0  }
0x3df: {  	[tilespmem:s28], [sflag:$0x5] =	stream.linear.gather @!p0 [hbm4b:s1+s2], $0x400, $0x38;
	[tilespmem:$0x14200] =	vst v63  }
0x3e0: {  	s0 =	sadd.s32 @!p0 s5, s0;
	s1 =	simm.s32 @!p0 $0x1400  }
0x3e1: {  	[tilespmem:s1], [sflag:$0x5] =	stream.linear.gather @!p0 [hbm4b:s0+s2], $0x400, $0x38;
	[tilespmem:$0x14200] =	vst v63  }
0x3e2: {  	_ =	swait.ge [sflag:s15], $0x800  }
0x3e3: {  	[sflag:s15] =	ssyncset.done $0x0  }
0x3e4: {  	[sflag:s15] =	ssyncadd.s32 $0xFFFFF800  }
0x3e5: {  	_ =	swait.ge [sflag:s15], $0x800  }
0x3e6: {  	[sflag:s15] =	ssyncset.done $0x0  }
0x3e7: {  	[sflag:s15] =	ssyncadd.s32 $0xFFFFF800  }
0x3e8: {  	_ =	swait.ge [sflag:s15], $0x800  }
0x3e9: {  	[sflag:s15] =	ssyncset.done $0x0  }
0x3ea: {  	[sflag:s15] =	ssyncadd.s32 $0xFFFFF800  }
0x3eb: {  	_ =	swait.ge [sflag:s15], $0x800  }
0x3ec: {  	[sflag:s15] =	ssyncset.done $0x0  }
0x3ed: {  	[sflag:s15] =	ssyncadd.s32 $0xFFFFF800  }
0x3ee: {  	_ =	swait.ge [sflag:s15], $0x800  }
0x3ef: {  	[sflag:s15] =	ssyncset.done $0x0  }
0x3f0: {  	[sflag:s15] =	ssyncadd.s32 $0xFFFFF800  }
0x3f1: {  	_ =	swait.ge [sflag:s15], $0x800  }
0x3f2: {  	[sflag:s15] =	ssyncset.done $0x0  }
0x3f3: {  	[sflag:s15] =	ssyncadd.s32 $0xFFFFF800  }
0x3f4: {  	_ =	swait.ge [sflag:s15], $0x800  }
0x3f5: {  	[sflag:s15] =	ssyncset.done $0x0  }
0x3f6: {  	[sflag:s15] =	ssyncadd.s32 $0xFFFFF800  }
0x3f7: {  	_ =	swait.ge [sflag:s15], $0x800  }
0x3f8: {  	[sflag:s15] =	ssyncset.done $0x0  }
0x3f9: {  	[sflag:s15] =	ssyncadd.s32 $0xFFFFF800  }
0x3fa: {  	_ =	swait.ge [sflag:s15], $0x800  }
0x3fb: {  	[sflag:s15] =	ssyncset.done $0x0  }
0x3fc: {  	[sflag:s15] =	ssyncadd.s32 $0xFFFFF800  }
0x3fd: {  	_ =	swait.ge [sflag:s15], $0x800  }
0x3fe: {  	[sflag:s15] =	ssyncset.done $0x0  }
0x3ff: {  	[sflag:s15] =	ssyncadd.s32 $0xFFFFF800  }
0x400: {  	_ =	swait.ge [sflag:s15], $0x800  }
0x401: {  	[sflag:s15] =	ssyncset.done $0x0  }
0x402: {  	[sflag:s15] =	ssyncadd.s32 $0xFFFFF800  }
0x403: {  	_ =	swait.ge [sflag:s15], $0x800  }
0x404: {  	[sflag:s15] =	ssyncset.done $0x0  }
0x405: {  	[sflag:s15] =	ssyncadd.s32 $0xFFFFF800  }
0x406: {  	_ =	swait.ge [sflag:s15], $0x800  }
0x407: {  	[sflag:s15] =	ssyncset.done $0x0  }
0x408: {  	[sflag:s15] =	ssyncadd.s32 $0xFFFFF800  }
0x409: {  	s28 =	simm.s32 $0x0;
	_ =	swait.ge [sflag:s15], $0x800  }
0x40a: {  	v3 =	vmov s28;
	[sflag:s15] =	ssyncset.done $0x0  }
0x40b: {  	v3 =	vshll.u32 v3, $0x4;
	[sflag:s15] =	ssyncadd.s32 $0xFFFFF800  }
0x40c: {  	v3 =	vor.u32 v2, v3;
	_ =	swait.ge [sflag:s15], $0x800  }
0x40d: {  	v4 =	vor.u32 $0x1, v3;
	[sflag:s15] =	ssyncset.done $0x0  }
0x40e: {  	[sflag:s15] =	ssyncadd.s32 $0xFFFFF800  }
0x40f: {  	_ =	swait.ge [sflag:s15], $0x800  }
0x410: {  	[sflag:s15] =	ssyncset.done $0x0  }
0x411: {  	v5 =	vor.u32 $0x2, v3;
	[sflag:s15] =	ssyncadd.s32 $0xFFFFF800  }
0x412: {  	v6 =	vld.idx.msk [tilespmem:v4+s26+$0x0], $0xffff  }
0x413: {  	v4 =	vld.idx.msk [tilespmem:v4+s22+$0x0], $0xffff  }
0x414: {  	v7 =	vld.idx.msk [tilespmem:v3+s26+$0x0], $0xffff  }
0x415: {  	v8 =	vld.idx.msk [tilespmem:v3+s22+$0x0], $0xffff  }
0x416: {  	v53 =	vld.idx.msk [tilespmem:v5+s26+$0x0], $0xffff  }
0x417: {  	v5 =	vld.idx.msk [tilespmem:v5+s22+$0x0], $0xffff;
	_ =	sdelay $0x2  }
0x418: {  	v7 =	vsub.f32 v8, v7;
	v4 =	vsub.f32 v4, v6;
	_ =	sdelay $0x1  }
0x419: {  	v5 =	vsub.f32 v5, v53;
	v6 =	vmul.f32 v7, v7;
	v4 =	vmul.f32 v4, v4;
	_ =	sdelay $0x1  }
0x41a: {  	v5 =	vmul.f32 v5, v5;
	v4 =	vadd.f32 v4, v6;
	_ =	sdelay $0x1  }
0x41b: {  	v4 =	vadd.f32 v5, v4;
	_ =	sdelay $0x1  }
0x41c: {  	v4 =	vadd.f32 $1.000000000e-15, v4;
	_ =	sdelay $0x1  }
0x41d: {  	v5 =	vshra.s32 v4, $0x1;
	v6 =	vmul.f32 $5.000000000e-01, v4  }
0x41e: {  	v5 =	vsub.s32 $0x5F3759DF, v5  }
0x41f: {  	v7 =	vmul.f32 v5, v6;
	_ =	sdelay $0x1  }
0x420: {  	v7 =	vmul.f32 v5, v7;
	_ =	sdelay $0x1  }
0x421: {  	v7 =	vsub.f32 $1.500000000e+00, v7;
	_ =	sdelay $0x1  }
0x422: {  	v5 =	vmul.f32 v5, v7;
	_ =	sdelay $0x1  }
0x423: {  	v7 =	vmul.f32 v5, v6;
	_ =	sdelay $0x1  }
0x424: {  	v7 =	vmul.f32 v7, v5;
	_ =	sdelay $0x1  }
0x425: {  	v7 =	vsub.f32 $1.500000000e+00, v7;
	_ =	sdelay $0x1  }
0x426: {  	v5 =	vmul.f32 v7, v5;
	_ =	sdelay $0x1  }
0x427: {  	v6 =	vmul.f32 v5, v6;
	_ =	sdelay $0x1  }
0x428: {  	v6 =	vmul.f32 v6, v5;
	_ =	sdelay $0x1  }
0x429: {  	v6 =	vsub.f32 $1.500000000e+00, v6;
	_ =	sdelay $0x1  }
0x42a: {  	v5 =	vmul.f32 v6, v5;
	_ =	sdelay $0x1  }
0x42b: {  	v6 =	vmul.f32 v5, v4;
	_ =	sdelay $0x1  }
0x42c: {  	v6 =	vadd.f32 $-1.250000000e+00, v6;
	_ =	sdelay $0x1  }
0x42d: {  	v6 =	vmul.f32 $4.000000060e-01, v6;
	_ =	sdelay $0x1  }
0x42e: {  	v7 =	vsub.f32 $1.000000000e+00, v6;
	_ =	sdelay $0x1  }
0x42f: {  	vm11 =	vgt.f32 v6, $0.0e+00;
	vm12 =	vgt.f32 v7, $0.0e+00;
	v8 =	vmul.f32 v7, v6  }
0x430: {  	vm0 =	vmand vm11, vm12  }
0x431: {  	v8 =	vnsel vm0, $0x3F800000, v8  }
0x432: {  	(erf) = vrcp.f32 v8;
	_ =	sdelay $0x7  }
0x433: {  	v7 =	vsub.f32 v6, v7  }
0x434: {  	v8 =	vpop (erf)  }
0x435: {  	v7 =	vmul.f32 v8, v7;
	_ =	sdelay $0x1  }
0x436: {  	vm13 =	vlt.f32 v7, $3.400000000e+01;
	v8 =	vmul.f32 $1.442695020e+00, v7  }
0x437: {  	v4 =	vadd.f32 $2.800282840e-01, v4;
	vm2 =	vmand vm0, vm13  }
0x438: {  	v54 =	vor.u32 $0x4, v3;
	v8 =	vnsel vm2, $0x0, v8  }
0x439: {  	v55 =	vshra.s32 v4, $0x1;
	v4 =	vmul.f32 $5.000000000e-01, v4;
	(erf) = vpow2.f32 v8  }
0x43a: {  	v8 =	vsub.s32 $0x5F3759DF, v55  }
0x43b: {  	v10 =	vmul.f32 v8, v4;
	_ =	sdelay $0x1  }
0x43c: {  	v56 =	vld.idx.msk [tilespmem:v54+s26+$0x0], $0xffff;
	v10 =	vmul.f32 v8, v10  }
0x43d: {  	v9 =	vld.idx.msk [tilespmem:v54+s22+$0x0], $0xffff  }
0x43e: {  	v10 =	vsub.f32 $1.500000000e+00, v10;
	_ =	sdelay $0x1  }
0x43f: {  	v8 =	vmul.f32 v8, v10  }
0x440: {  	v3 =	vor.u32 $0x3, v3;
	v57 =	vtrunc.f32 v56;
	v58 =	vpop (erf)  }
0x441: {  	v9 =	vtrunc.f32 v9;
	v59 =	vmul.f32 v8, v4;
	v11 =	vadd.f32 $1.000000000e+00, v58  }
0x442: {  	v9 =	vcvt.f32.s32 v9;
	v10 =	vcvt.f32.s32 v57  }
0x443: {  	v12 =	vmul.f32 v59, v8;
	(erf) = vrcp.f32 v11;
	_ =	sdelay $0x1  }
0x444: {  	v60 =	vsub.f32 $1.500000000e+00, v12  }
0x445: {  	v61 =	vld.idx.msk [tilespmem:v3+s22+$0x0], $0xffff  }
0x446: {  	v3 =	vld.idx.msk [tilespmem:v3+s26+$0x0], $0xffff;
	v8 =	vmul.f32 v60, v8  }
0x447: {  	v62 =	vld.idx.msk [tilespmem:v9+s19+$0x0], $0xffff  }
0x448: {  	v10 =	vld.idx.msk [tilespmem:v10+s19+$0x0], $0xffff;
	v4 =	vmul.f32 v8, v4;
	_ =	sdelay $0x1  }
0x449: {  	vm14 =	vle.f32 v6, $0.0e+00;
	v4 =	vmul.f32 v4, v8  }
0x44a: {  	vm1 =	vmand vm14, vm12;
	vm15 =	vge.f32 v7, $3.400000000e+01;
	v6 =	vpop (erf)  }
0x44b: {  	v7 =	vsel vm1, $0x3F800000, v1;
	v4 =	vsub.f32 $1.500000000e+00, v4;
	v6 =	vsel vm15, $0x0, v6  }
0x44c: {  	s30 =	simm.s32 $0x10;
	v11 =	vadd.f32 v62, v61;
	v3 =	vadd.f32 v10, v3;
	v6 =	vsel vm0, v6, v7  }
0x44d: {  	v7 =	vmov s30;
	v4 =	vmul.f32 v4, v8;
	v8 =	vsub.f32 $1.000000000e+00, v6  }
0x44e: {  	v10 =	vmul.f32 v3, v11;
	v7 =	vshll.u32 v7, $0x4  }
0x44f: {  	v63 =	vmul.f32 v6, v4;
	v4 =	vshll.u32 v9, $0x4;
	v8 =	vmul.f32 v8, v5  }
0x450: {  	v3 =	vor.u32 v2, v7;
	v5 =	vor.u32 v0, v4  }
0x451: {  	s1 =	simm.s32 $0x20;
	v6 =	vmul.f32 $3.320636900e+02, v10;
	v4 =	vor.u32 $0x1, v3;
	v7 =	vadd.f32 v8, v63  }
.LBB2_11:
0x452: {  	p0 =	sne.s32 s1, $0x3F0  }
0x453: {  	v6 =	vmul.f32 v7, v6;
	_ =	sdelay $0x1  }
0x454: {  	v7 =	vor.u32 $0x2, v3;
	[tilespmem:v5+s13+$0x0] =	vst.idx.add.f32.msk $0xffff, v6  }
0x455: {  	v5 =	vld.idx.msk [tilespmem:v4+s26+$0x0], $0xffff  }
0x456: {  	v4 =	vld.idx.msk [tilespmem:v4+s22+$0x0], $0xffff  }
0x457: {  	v6 =	vld.idx.msk [tilespmem:v3+s26+$0x0], $0xffff  }
0x458: {  	v8 =	vld.idx.msk [tilespmem:v3+s22+$0x0], $0xffff  }
0x459: {  	v9 =	vld.idx.msk [tilespmem:v7+s26+$0x0], $0xffff  }
0x45a: {  	v7 =	vld.idx.msk [tilespmem:v7+s22+$0x0], $0xffff;
	_ =	sdelay $0x3  }
0x45b: {  	v4 =	vsub.f32 v4, v5;
	v6 =	vsub.f32 v8, v6;
	_ =	sdelay $0x1  }
0x45c: {  	v4 =	vmul.f32 v4, v4;
	v5 =	vsub.f32 v7, v9;
	v6 =	vmul.f32 v6, v6;
	_ =	sdelay $0x1  }
0x45d: {  	v4 =	vadd.f32 v4, v6;
	v5 =	vmul.f32 v5, v5;
	_ =	sdelay $0x1  }
0x45e: {  	v4 =	vadd.f32 v5, v4;
	_ =	sdelay $0x1  }
0x45f: {  	v4 =	vadd.f32 $1.000000000e-15, v4;
	_ =	sdelay $0x1  }
0x460: {  	v5 =	vshra.s32 v4, $0x1;
	v6 =	vmul.f32 $5.000000000e-01, v4  }
0x461: {  	v5 =	vsub.s32 $0x5F3759DF, v5  }
0x462: {  	v7 =	vmul.f32 v5, v6;
	_ =	sdelay $0x1  }
0x463: {  	v7 =	vmul.f32 v5, v7;
	_ =	sdelay $0x1  }
0x464: {  	v7 =	vsub.f32 $1.500000000e+00, v7;
	_ =	sdelay $0x1  }
0x465: {  	v5 =	vmul.f32 v5, v7;
	_ =	sdelay $0x1  }
0x466: {  	v7 =	vmul.f32 v5, v6;
	_ =	sdelay $0x1  }
0x467: {  	v7 =	vmul.f32 v7, v5;
	_ =	sdelay $0x1  }
0x468: {  	v7 =	vsub.f32 $1.500000000e+00, v7;
	_ =	sdelay $0x1  }
0x469: {  	v5 =	vmul.f32 v7, v5;
	_ =	sdelay $0x1  }
0x46a: {  	v6 =	vmul.f32 v5, v6;
	_ =	sdelay $0x1  }
0x46b: {  	v6 =	vmul.f32 v6, v5;
	_ =	sdelay $0x1  }
0x46c: {  	v6 =	vsub.f32 $1.500000000e+00, v6;
	_ =	sdelay $0x1  }
0x46d: {  	v5 =	vmul.f32 v6, v5;
	_ =	sdelay $0x1  }
0x46e: {  	v6 =	vmul.f32 v5, v4;
	_ =	sdelay $0x1  }
0x46f: {  	v6 =	vadd.f32 $-1.250000000e+00, v6;
	_ =	sdelay $0x1  }
0x470: {  	v6 =	vmul.f32 $4.000000060e-01, v6;
	_ =	sdelay $0x1  }
0x471: {  	v7 =	vsub.f32 $1.000000000e+00, v6;
	_ =	sdelay $0x1  }
0x472: {  	vm0 =	vgt.f32 v6, $0.0e+00;
	vm1 =	vgt.f32 v7, $0.0e+00;
	v8 =	vmul.f32 v7, v6  }
0x473: {  	vm0 =	vmand vm0, vm1  }
0x474: {  	v8 =	vnsel vm0, $0x3F800000, v8  }
0x475: {  	(erf) = vrcp.f32 v8;
	_ =	sdelay $0x7  }
0x476: {  	v7 =	vsub.f32 v6, v7  }
0x477: {  	v8 =	vpop (erf)  }
0x478: {  	v7 =	vmul.f32 v8, v7;
	_ =	sdelay $0x1  }
0x479: {  	v8 =	vor.u32 $0x4, v3;
	vm2 =	vlt.f32 v7, $3.400000000e+01;
	v9 =	vmul.f32 $1.442695020e+00, v7  }
0x47a: {  	v4 =	vadd.f32 $2.800282840e-01, v4;
	vm2 =	vmand vm0, vm2  }
0x47b: {  	v9 =	vnsel vm2, $0x0, v9  }
0x47c: {  	v10 =	vshra.s32 v4, $0x1;
	v4 =	vmul.f32 $5.000000000e-01, v4;
	(erf) = vpow2.f32 v9  }
0x47d: {  	v9 =	vsub.s32 $0x5F3759DF, v10  }
0x47e: {  	v11 =	vmul.f32 v9, v4;
	v10 =	vld.idx.msk [tilespmem:v8+s26+$0x0], $0xffff;
	_ =	sdelay $0x1  }
0x47f: {  	v11 =	vmul.f32 v9, v11;
	v8 =	vld.idx.msk [tilespmem:v8+s22+$0x0], $0xffff;
	_ =	sdelay $0x1  }
0x480: {  	v12 =	vsub.f32 $1.500000000e+00, v11;
	_ =	sdelay $0x1  }
0x481: {  	v10 =	vtrunc.f32 v10;
	v9 =	vmul.f32 v9, v12  }
0x482: {  	v3 =	vor.u32 $0x3, v3;
	v10 =	vcvt.f32.s32 v10;
	v11 =	vpop (erf)  }
0x483: {  	v8 =	vtrunc.f32 v8;
	v12 =	vmul.f32 v9, v4;
	v11 =	vadd.f32 $1.000000000e+00, v11  }
0x484: {  	v8 =	vcvt.f32.s32 v8  }
0x485: {  	v12 =	vmul.f32 v12, v9;
	(erf) = vrcp.f32 v11;
	_ =	sdelay $0x1  }
0x486: {  	v12 =	vsub.f32 $1.500000000e+00, v12;
	v11 =	vld.idx.msk [tilespmem:v3+s22+$0x0], $0xffff  }
0x487: {  	v3 =	vld.idx.msk [tilespmem:v3+s26+$0x0], $0xffff  }
0x488: {  	v9 =	vmul.f32 v12, v9;
	v10 =	vld.idx.msk [tilespmem:v10+s19+$0x0], $0xffff  }
0x489: {  	v12 =	vld.idx.msk [tilespmem:v8+s19+$0x0], $0xffff  }
0x48a: {  	v4 =	vmul.f32 v9, v4;
	_ =	sdelay $0x1  }
0x48b: {  	vm2 =	vle.f32 v6, $0.0e+00;
	v4 =	vmul.f32 v4, v9  }
0x48c: {  	vm3 =	vge.f32 v7, $3.400000000e+01;
	vm1 =	vmand vm2, vm1;
	v6 =	vpop (erf)  }
0x48d: {  	v7 =	vsel vm1, $0x3F800000, v1;
	v4 =	vsub.f32 $1.500000000e+00, v4;
	v6 =	vsel vm3, $0x0, v6  }
0x48e: {  	v3 =	vadd.f32 v10, v3;
	v11 =	vadd.f32 v12, v11;
	v6 =	vsel vm0, v6, v7  }
.Ltmp4:
0x48f: {  	v7 =	vmov s1;
	v4 =	vmul.f32 v4, v9;
	v9 =	vsub.f32 $1.000000000e+00, v6;
	(pc) =	sbr.rel @p0 .LBB2_11-.Ltmp4, $4  }
0x490: {  	v7 =	vshll.u32 v7, $0x4;
	v10 =	vmul.f32 v3, v11  }
0x491: {  	v11 =	vmul.f32 v6, v4;
	v4 =	vshll.u32 v8, $0x4;
	v9 =	vmul.f32 v9, v5  }
0x492: {  	v3 =	vor.u32 v2, v7;
	v5 =	vor.u32 v0, v4  }
0x493: {  	s1 =	sadd.s32 $0x10, s1;
	v4 =	vor.u32 $0x1, v3;
	v6 =	vmul.f32 $3.320636900e+02, v10;
	v7 =	vadd.f32 v9, v11  }
0x494: {  	_ =	sdelay $0x1  }
0x495: {  	v6 =	vmul.f32 v7, v6;
	_ =	sdelay $0x1  }
0x496: {  	v46 =	vor.u32 $0x2, v3;
	[tilespmem:v5+s13+$0x0] =	vst.idx.add.f32.msk $0xffff, v6  }
0x497: {  	v5 =	vld.idx.msk [tilespmem:v4+s26+$0x0], $0xffff  }
0x498: {  	v47 =	vld.idx.msk [tilespmem:v4+s22+$0x0], $0xffff  }
0x499: {  	v6 =	vld.idx.msk [tilespmem:v3+s26+$0x0], $0xffff  }
0x49a: {  	v8 =	vld.idx.msk [tilespmem:v3+s22+$0x0], $0xffff  }
0x49b: {  	v9 =	vld.idx.msk [tilespmem:v46+s26+$0x0], $0xffff  }
0x49c: {  	v7 =	vld.idx.msk [tilespmem:v46+s22+$0x0], $0xffff;
	_ =	sdelay $0x2  }
0x49d: {  	v6 =	vsub.f32 v8, v6;
	v4 =	vsub.f32 v47, v5;
	_ =	sdelay $0x1  }
0x49e: {  	v48 =	vsub.f32 v7, v9;
	v6 =	vmul.f32 v6, v6;
	v4 =	vmul.f32 v4, v4;
	_ =	sdelay $0x1  }
0x49f: {  	v5 =	vmul.f32 v48, v48;
	v4 =	vadd.f32 v4, v6;
	_ =	sdelay $0x1  }
0x4a0: {  	v4 =	vadd.f32 v5, v4;
	_ =	sdelay $0x1  }
0x4a1: {  	v4 =	vadd.f32 $1.000000000e-15, v4;
	_ =	sdelay $0x1  }
0x4a2: {  	v49 =	vshra.s32 v4, $0x1;
	v50 =	vmul.f32 $5.000000000e-01, v4  }
0x4a3: {  	v5 =	vsub.s32 $0x5F3759DF, v49  }
0x4a4: {  	v51 =	vmul.f32 v5, v50;
	_ =	sdelay $0x1  }
0x4a5: {  	v7 =	vmul.f32 v5, v51;
	_ =	sdelay $0x1  }
0x4a6: {  	v7 =	vsub.f32 $1.500000000e+00, v7;
	_ =	sdelay $0x1  }
0x4a7: {  	v5 =	vmul.f32 v5, v7;
	_ =	sdelay $0x1  }
0x4a8: {  	v7 =	vmul.f32 v5, v50;
	_ =	sdelay $0x1  }
0x4a9: {  	v7 =	vmul.f32 v7, v5;
	_ =	sdelay $0x1  }
0x4aa: {  	v7 =	vsub.f32 $1.500000000e+00, v7;
	_ =	sdelay $0x1  }
0x4ab: {  	v5 =	vmul.f32 v7, v5;
	_ =	sdelay $0x1  }
0x4ac: {  	v6 =	vmul.f32 v5, v50;
	_ =	sdelay $0x1  }
0x4ad: {  	v6 =	vmul.f32 v6, v5;
	_ =	sdelay $0x1  }
0x4ae: {  	v6 =	vsub.f32 $1.500000000e+00, v6;
	_ =	sdelay $0x1  }
0x4af: {  	v5 =	vmul.f32 v6, v5;
	_ =	sdelay $0x1  }
0x4b0: {  	v6 =	vmul.f32 v5, v4;
	_ =	sdelay $0x1  }
0x4b1: {  	v6 =	vadd.f32 $-1.250000000e+00, v6;
	_ =	sdelay $0x1  }
0x4b2: {  	v6 =	vmul.f32 $4.000000060e-01, v6;
	_ =	sdelay $0x1  }
0x4b3: {  	v52 =	vsub.f32 $1.000000000e+00, v6;
	_ =	sdelay $0x1  }
0x4b4: {  	vm0 =	vgt.f32 v6, $0.0e+00;
	vm1 =	vgt.f32 v52, $0.0e+00;
	v53 =	vmul.f32 v52, v6  }
0x4b5: {  	vm0 =	vmand vm0, vm1  }
0x4b6: {  	v8 =	vnsel vm0, $0x3F800000, v53  }
0x4b7: {  	(erf) = vrcp.f32 v8;
	_ =	sdelay $0x7  }
0x4b8: {  	v7 =	vsub.f32 v6, v52  }
0x4b9: {  	v8 =	vpop (erf)  }
0x4ba: {  	v7 =	vmul.f32 v8, v7;
	_ =	sdelay $0x1  }
0x4bb: {  	vm2 =	vlt.f32 v7, $3.400000000e+01;
	v8 =	vmul.f32 $1.442695020e+00, v7  }
0x4bc: {  	v4 =	vadd.f32 $2.800282840e-01, v4;
	vm2 =	vmand vm0, vm2  }
0x4bd: {  	v54 =	vor.u32 $0x4, v3;
	v8 =	vnsel vm2, $0x0, v8  }
0x4be: {  	v10 =	vshra.s32 v4, $0x1;
	v4 =	vmul.f32 $5.000000000e-01, v4;
	(erf) = vpow2.f32 v8  }
0x4bf: {  	v55 =	vsub.s32 $0x5F3759DF, v10  }
0x4c0: {  	v10 =	vmul.f32 v55, v4;
	_ =	sdelay $0x1  }
0x4c1: {  	v11 =	vld.idx.msk [tilespmem:v54+s26+$0x0], $0xffff;
	v10 =	vmul.f32 v55, v10  }
0x4c2: {  	v9 =	vld.idx.msk [tilespmem:v54+s22+$0x0], $0xffff  }
0x4c3: {  	v10 =	vsub.f32 $1.500000000e+00, v10;
	_ =	sdelay $0x1  }
0x4c4: {  	v8 =	vmul.f32 v55, v10  }
0x4c5: {  	v3 =	vor.u32 $0x3, v3;
	v56 =	vtrunc.f32 v11;
	v57 =	vpop (erf)  }
0x4c6: {  	v9 =	vtrunc.f32 v9;
	v12 =	vmul.f32 v8, v4;
	v11 =	vadd.f32 $1.000000000e+00, v57  }
0x4c7: {  	v9 =	vcvt.f32.s32 v9;
	v10 =	vcvt.f32.s32 v56  }
0x4c8: {  	v12 =	vmul.f32 v12, v8;
	(erf) = vrcp.f32 v11;
	_ =	sdelay $0x1  }
0x4c9: {  	v58 =	vsub.f32 $1.500000000e+00, v12  }
0x4ca: {  	v59 =	vld.idx.msk [tilespmem:v3+s22+$0x0], $0xffff  }
0x4cb: {  	v3 =	vld.idx.msk [tilespmem:v3+s26+$0x0], $0xffff;
	v8 =	vmul.f32 v58, v8  }
0x4cc: {  	v60 =	vld.idx.msk [tilespmem:v9+s19+$0x0], $0xffff  }
0x4cd: {  	v10 =	vld.idx.msk [tilespmem:v10+s19+$0x0], $0xffff;
	v4 =	vmul.f32 v8, v4;
	_ =	sdelay $0x1  }
0x4ce: {  	vm15 =	vle.f32 v6, $0.0e+00;
	v4 =	vmul.f32 v4, v8  }
0x4cf: {  	vm1 =	vmand vm15, vm1;
	vm3 =	vge.f32 v7, $3.400000000e+01;
	v61 =	vpop (erf)  }
0x4d0: {  	v62 =	vsel vm1, $0x3F800000, v1;
	v4 =	vsub.f32 $1.500000000e+00, v4;
	v6 =	vsel vm3, $0x0, v61  }
0x4d1: {  	v3 =	vadd.f32 v10, v3;
	v11 =	vadd.f32 v60, v59;
	v6 =	vsel vm0, v6, v62  }
0x4d2: {  	v4 =	vmul.f32 v4, v8;
	v7 =	vsub.f32 $1.000000000e+00, v6  }
0x4d3: {  	v3 =	vmul.f32 v3, v11  }
0x4d4: {  	s31 =	sadd.s32 $0x1, s31;
	v63 =	vshll.u32 v9, $0x4;
	v4 =	vmul.f32 v6, v4;
	v5 =	vmul.f32 v7, v5  }
0x4d5: {  	p0 =	sne.s32 s31, $0x19;
	v6 =	vor.u32 v0, v63  }
.Ltmp5:
0x4d6: {  	v3 =	vmul.f32 $3.320636900e+02, v3;
	v4 =	vadd.f32 v5, v4;
	(pc) =	sbr.rel @p0 .LBB2_4-.Ltmp5, $3  }
0x4d7: {  	_ = 	snop  }
0x4d8: {  	v3 =	vmul.f32 v4, v3;
	_ =	sdelay $0x1  }
0x4d9: {  	s2 =	simm.s32 $0xA800;
	[tilespmem:v6+s13+$0x0] =	vst.idx.add.f32.msk $0xffff, v3  }
0x4da: {  	s28 =	simm.s32 $0x0;
	s0 =	rddreg [dreg:$0xd];
	s1 =	simm.s32 $0x7  }
0x4db: {  	[hbm4b:s0+s28] =	stream.linear.scatter [tilespmem:s13], [sflag:$0x7], $0x2000, $0x38;
	[tilespmem:$0x14200] =	vst v63  }
0x4dc: {  	_ =	swait.ge [sflag:s1], $0x2000  }
0x4dd: {  	s29 =	rddreg [dreg:$0xf]  }
0x4de: {  	s31 =	rddreg [dreg:$0xe];
	s29 =	sadd.s32 $0x1, s29  }
0x4df: {  	p0 =	sne.s32 s29, s31  }
.Ltmp6:
0x4e0: {  	_ = 	snop;
	(pc) =	sbr.rel @p0 .LBB2_1-.Ltmp6, $3  }
0x4e1: {  	_ =	sdelay $0x1  }
0x4e2: {  	[sflag:s1] =	ssyncset.done $0x0  }
0x4e3: {  	[sflag:s1] =	ssyncadd.s32 $0xFFFFE000  }
0x4e4: {  	_ =	sfence.sel $0x180000  }
0x4e5: {  	[bflag:$0x0] =	sbarrier.arrive $0xFFFF  }
0x4e6: {  	_ =	strace $0x90000047  }
0x4e7: {  	s0 =	stileid.u32;
	[bflag:$0x2] =	sbarrier.arrive $0xFFFF  }
0x4e8: {  	p0 =	sne.s32 s0, $0x0;
	s0 =	rddreg [dreg:$0x2]  }
0x4e9: {  	s0 =	sadd.s32 @!p0 $0x100000, s0  }
0x4ea: {  	[sflag:s0] =	ssyncadd.tile.s32 @!p0 $0x1;
	_ =	shalt  }
.Lfunc_end2:
_tile_overlayer_lowered:
.L_overlay_start_2:
0x4eb: {  	(tag) =	ssettag $0x2  }
0x4ec: {  	s0 =	rddreg [dreg:$0x0];
	s2 =	stileid.u32  }
0x4ed: {  	s1 =	rddreg [dreg:$0x1];
	p0 =	sne.s32 s2, $0x0  }
0x4ee: {  	s3 =	rddreg [dreg:$0x2];
	[bflag:$0x3] =	sbarrier.arrive $0xFFFF;
	s2 =	simm.s32 @!p0 $0x1C07  }
0x4ef: {  	[timem:s3], [sflag:s2] =	dma.local @!p0 [hbm:s0], s1  }
0x4f0: {  	s0 =	simm.s32 @!p0 $0x7  }
0x4f1: {  	_ =	swait.ge @!p0 [sflag:s0], s1  }
0x4f2: {  	s1 =	ssub.s32 @!p0 $0x0, s1;
	[sflag:s0] =	ssyncset.done @!p0 $0x0  }
0x4f3: {  	[sflag:s0] =	ssyncadd.s32 @!p0 s1  }
0x4f4: {  	[bflag:$0x3] =	sbarrier.arrive $0xFFFF  }
0x4f5: {  	_ =	shalt  }

</sc_bundles>
